<compile_context>
chip_gen: v7x
topology: tpu7x:2x2x1
jax: 0.10.2.dev20260603
libtpu: 0.0.44.dev20260713+nightly
codegen_flags: <defaults>
</compile_context>

<pallas_src>
import functools

import jax
import jax.numpy as jnp
from jax import lax
from jax.experimental import pallas as pl
from jax.experimental.pallas import tpu as pltpu
from jax.experimental.pallas import tpu_sc as plsc

N = 10000
NP = 10240
E = 160000
EP = 172032
HEADS = 8
HID = 16

NC = 2
NS = 16
NW = NC * NS
C_TILE = EP // NW
NSL = C_TILE // 128
SUB = 64
NSUB = C_TILE // SUB

ROWS16 = NP // NS


@functools.cache
def _get_mesh():
    return plsc.VectorSubcoreMesh(
        core_axis_name="c", subcore_axis_name="s",
        num_cores=NC, num_subcores=NS)



def _matmul_attn_body(x_ref, w_ref, amat_ref, h_ref, asd_ref, g_ref, gscr):
    pi = pl.program_id(0)

    @pl.when(pi == 0)
    def _():
        gscr[...] = jnp.full((1, 8), -1e30, jnp.float32)

    h = jax.lax.dot_general(
        x_ref[...], w_ref[...], (((1,), (0,)), ((), ())),
        preferred_element_type=jnp.float32)
    asd = jax.lax.dot_general(
        h, amat_ref[...], (((1,), (0,)), ((), ())),
        preferred_element_type=jnp.float32)
    h_ref[...] = h
    asd_ref[...] = asd
    gscr[...] = jnp.maximum(gscr[...],
                            jnp.max(asd[:, :8], axis=0, keepdims=True))
    g_ref[...] = gscr[...]


def _norm_matmul_attn_body(o0_ref, o1_ref, s0_ref, s1_ref, xmat_ref, b_ref,
                           w_ref, amat_ref, h_ref, asd_ref, g_ref, gscr):
    pi = pl.program_id(0)

    @pl.when(pi == 0)
    def _():
        gscr[...] = jnp.full((1, 8), -1e30, jnp.float32)

    s = s0_ref[...] + s1_ref[...]
    r8 = 1.0 / (s[:, :8] + 1e-16)
    rexp = jax.lax.dot_general(
        r8, xmat_ref[...], (((1,), (0,)), ((), ())),
        preferred_element_type=jnp.float32)
    x = (o0_ref[...] + o1_ref[...]) * rexp + b_ref[...]
    x = jnp.where(x > 0, x, jnp.exp(x) - 1.0)
    h = jax.lax.dot_general(
        x, w_ref[...], (((1,), (0,)), ((), ())),
        preferred_element_type=jnp.float32)
    asd = jax.lax.dot_general(
        h, amat_ref[...], (((1,), (0,)), ((), ())),
        preferred_element_type=jnp.float32)
    h_ref[...] = h
    asd_ref[...] = asd
    gscr[...] = jnp.maximum(gscr[...],
                            jnp.max(asd[:, :8], axis=0, keepdims=True))
    g_ref[...] = gscr[...]


def _tc_layer_pre(x, w, amat, fused_inputs=None):
    fout = w.shape[1]
    nblk = NP // 256
    out_shapes = (
        jax.ShapeDtypeStruct((NP, fout), jnp.float32),
        jax.ShapeDtypeStruct((NP, 16), jnp.float32),
        jax.ShapeDtypeStruct((1, 8), jnp.float32),
    )
    row_spec = lambda width: pl.BlockSpec((256, width), lambda i: (i, 0))
    full = lambda a: pl.BlockSpec(a.shape, lambda i: (0,) * a.ndim)
    out_specs = (row_spec(fout), row_spec(16),
                 pl.BlockSpec((1, 8), lambda i: (0, 0)))
    scratch = [pltpu.VMEM((1, 8), jnp.float32)]
    if fused_inputs is None:
        return pl.pallas_call(
            _matmul_attn_body, grid=(nblk,),
            in_specs=[row_spec(x.shape[1]), full(w), full(amat)],
            out_specs=out_specs, out_shape=out_shapes,
            scratch_shapes=scratch,
        )(x, w, amat)
    o2, s2, xmat, b = fused_inputs
    fin = o2.shape[2]
    return pl.pallas_call(
        _norm_matmul_attn_body, grid=(nblk,),
        in_specs=[row_spec(fin), row_spec(fin),
                  row_spec(16), row_spec(16),
                  full(xmat),
                  pl.BlockSpec((1, b.shape[1]), lambda i: (0, 0)),
                  full(w), full(amat)],
        out_specs=out_specs, out_shape=out_shapes,
        scratch_shapes=scratch,
    )(o2[0], o2[1], s2[0], s2[1], xmat, b, w, amat)


def _head_body(o0_ref, o1_ref, s0_ref, s1_ref, xmat_ref, b_ref,
               w1_ref, w2_ref, out_ref):
    s = s0_ref[...] + s1_ref[...]
    r8 = 1.0 / (s[:, :8] + 1e-16)
    rexp = jax.lax.dot_general(
        r8, xmat_ref[...], (((1,), (0,)), ((), ())),
        preferred_element_type=jnp.float32)
    x = (o0_ref[...] + o1_ref[...]) * rexp + b_ref[...]
    x = jax.lax.dot_general(
        x, w1_ref[...], (((1,), (0,)), ((), ())),
        preferred_element_type=jnp.float32)
    x = jnp.where(x > 0, x, jnp.exp(x) - 1.0)
    x = jax.lax.dot_general(
        x, w2_ref[...], (((1,), (0,)), ((), ())),
        preferred_element_type=jnp.float32)
    out_ref[...] = jax.nn.sigmoid(x)


def _tc_head(o2, s2, xmat, b2, lin1_w, lin2_w8):
    nblk = NP // 256
    return pl.pallas_call(
        _head_body, grid=(nblk,),
        in_specs=[pl.BlockSpec((256, 64), lambda i: (i, 0)),
                  pl.BlockSpec((256, 64), lambda i: (i, 0)),
                  pl.BlockSpec((256, 16), lambda i: (i, 0)),
                  pl.BlockSpec((256, 16), lambda i: (i, 0)),
                  pl.BlockSpec((8, 64), lambda i: (0, 0)),
                  pl.BlockSpec((1, 64), lambda i: (0, 0)),
                  pl.BlockSpec((64, 8), lambda i: (0, 0)),
                  pl.BlockSpec((8, 8), lambda i: (0, 0))],
        out_specs=pl.BlockSpec((256, 8), lambda i: (i, 0)),
        out_shape=jax.ShapeDtypeStruct((NP, 8), jnp.float32),
    )(o2[0], o2[1], s2[0], s2[1], xmat, b2, lin1_w, lin2_w8)



def _sc_layer(ngrp, src_h, dst_h, asd_h, g_h, hf_h, z16_h, zf_h,
              s_out, o_out, si, di, bs, bd, hb, gv, ssh, osh, semg, sems):
    fw = ngrp * 16
    oc = fw // HEADS
    cid = lax.axis_index("c")
    sid = lax.axis_index("s")
    wid = sid * NC + cid
    pltpu.sync_copy(z16_h.at[pl.ds(sid * ROWS16, ROWS16)],
                    ssh.at[pl.ds(sid * ROWS16, ROWS16)])
    pltpu.sync_copy(zf_h.at[pl.ds(sid * ROWS16, ROWS16)],
                    osh.at[pl.ds(sid * ROWS16, ROWS16)])
    pltpu.sync_copy(src_h.at[wid], si)
    pltpu.sync_copy(dst_h.at[wid], di)
    pltpu.sync_copy(g_h, gv)
    plsc.subcore_barrier()

    gvec = gv[...]
    iot = lax.iota(jnp.int32, 16)
    rot = (iot + 8) & 15
    half = iot < 8
    gidx = [g * (16 // oc) + iot // oc for g in range(ngrp)]

    def fire_gathers(t, par):
        pltpu.async_copy(asd_h.at[si.at[t]], bs.at[par], semg)
        pltpu.async_copy(asd_h.at[di.at[t]], bd.at[par], semg)
        pltpu.async_copy(hf_h.at[si.at[t]], hb.at[par], semg)

    def wait_gathers(t, par):
        pltpu.make_async_copy(asd_h.at[si.at[t]], bs.at[par], semg).wait()
        pltpu.make_async_copy(asd_h.at[di.at[t]], bd.at[par], semg).wait()
        pltpu.make_async_copy(hf_h.at[si.at[t]], hb.at[par], semg).wait()

    def fire_scatters(t, par):
        pltpu.async_copy(bs.at[par], ssh.at[di.at[t]], sems, add=True)
        pltpu.async_copy(hb.at[par], osh.at[di.at[t]], sems, add=True)

    def wait_scatters(t, par):
        pltpu.make_async_copy(bs.at[par], ssh.at[di.at[t]], sems).wait()
        pltpu.make_async_copy(hb.at[par], osh.at[di.at[t]], sems).wait()

    fire_gathers(0, 0)

    def sub(t, _):
        par = t & 1
        wait_gathers(t, par)

        @pl.when(t > 0)
        def _():
            wait_scatters(t - 1, 1 - par)

        @pl.when(t < NSUB - 1)
        def _():
            fire_gathers(t + 1, 1 - par)

        @plsc.parallel_loop(0, SUB, unroll=16)
        def edge(i):
            vs = bs[par, i, :]
            vd = bd[par, i, :]
            vsr = vs.at[rot].get(mode="promise_in_bounds")
            vdr = vd.at[rot].get(mode="promise_in_bounds")
            as16 = jnp.where(half, vs, vsr)
            ad16 = jnp.where(half, vdr, vd)
            x = as16 + ad16
            e = jnp.where(x >= 0, x, 0.2 * x)
            m = ad16 + gvec
            m = jnp.where(m >= 0, m, 0.2 * m)
            p = jnp.exp(e - m)
            bs[par, i, :] = p
            for g in range(ngrp):
                a = p.at[gidx[g]].get(mode="promise_in_bounds")
                hb[par, i, pl.ds(g * 16, 16)] = (
                    hb[par, i, pl.ds(g * 16, 16)] * a)

        fire_scatters(t, par)
        return 0

    lax.fori_loop(0, NSUB, sub, 0)
    wait_scatters(NSUB - 1, (NSUB - 1) & 1)
    plsc.subcore_barrier()
    pltpu.sync_copy(ssh.at[pl.ds(sid * ROWS16, ROWS16)],
                    s_out.at[cid, pl.ds(sid * ROWS16, ROWS16)])
    pltpu.sync_copy(osh.at[pl.ds(sid * ROWS16, ROWS16)],
                    o_out.at[cid, pl.ds(sid * ROWS16, ROWS16)])


def _sc_gat_layer(srcv, dstv, asd, g, hf, z16, zf):
    fw = hf.shape[1]
    ngrp = fw // 16
    g16 = jnp.tile(g.reshape(8), 2)
    f = functools.partial(
        pl.kernel, mesh=_get_mesh(),
        compiler_params=pltpu.CompilerParams(
            use_tc_tiling_on_sc=False, needs_layout_passes=False),
        out_type=(jax.ShapeDtypeStruct((NC, NP, 16), jnp.float32),
                  jax.ShapeDtypeStruct((NC, NP, fw), jnp.float32)),
        scratch_types=[
            pltpu.VMEM((NSUB, SUB), jnp.int32),
            pltpu.VMEM((NSUB, SUB), jnp.int32),
            pltpu.VMEM((2, SUB, 16), jnp.float32),
            pltpu.VMEM((2, SUB, 16), jnp.float32),
            pltpu.VMEM((2, SUB, fw), jnp.float32),
            pltpu.VMEM((16,), jnp.float32),
            pltpu.VMEM_SHARED((NP, 16), jnp.float32),
            pltpu.VMEM_SHARED((NP, fw), jnp.float32),
            pltpu.SemaphoreType.DMA,
            pltpu.SemaphoreType.DMA,
        ])(functools.partial(_sc_layer, ngrp))
    return f(srcv, dstv, asd, g16, hf, z16, zf)



def _head_mat(a):
    heads, oc = a.shape
    eye = jnp.eye(heads, dtype=a.dtype)
    return (a[:, :, None] * eye[:, None, :]).reshape(heads * oc, heads)


def kernel(x, edge_index, edge_attr, batch, W1, a_src1, a_dst1, b1,
           Wm, a_srcm, a_dstm, bm, W2, a_src2, a_dst2, b2, lin1_W, lin2_W):
    del edge_attr, batch
    f32 = jnp.float32

    loops = jnp.arange(N, dtype=jnp.int32)
    src = jnp.concatenate([edge_index[0], loops])
    dst = jnp.concatenate([edge_index[1], loops])
    pad_e = EP - (E + N)
    pad_idx = N + jnp.arange(pad_e, dtype=jnp.int32) % (NP - N)
    srcv = jnp.concatenate([src, pad_idx]).reshape(NW, NSUB, SUB)
    dstv = jnp.concatenate([dst, pad_idx]).reshape(NW, NSUB, SUB)

    xp = jnp.pad(x, ((0, NP - N), (0, 2))).astype(f32)
    W1p = jnp.pad(W1, ((0, 2), (0, 0)))
    amat1 = jnp.concatenate([_head_mat(a_src1), _head_mat(a_dst1)], axis=1)
    amatm = jnp.concatenate([_head_mat(a_srcm), _head_mat(a_dstm)], axis=1)
    amat2 = jnp.concatenate([_head_mat(a_src2), _head_mat(a_dst2)], axis=1)
    lin2_W8 = jnp.pad(lin2_W, ((0, 0), (0, 7)))
    xmat128 = jnp.kron(jnp.eye(8, dtype=f32), jnp.ones((1, 16), f32))
    xmat64 = jnp.kron(jnp.eye(8, dtype=f32), jnp.ones((1, 8), f32))

    z16 = jnp.zeros((NP, 16), f32)
    z128 = jnp.zeros((NP, 128), f32)
    z64 = jnp.zeros((NP, 64), f32)

    h1, asd1, g1 = _tc_layer_pre(xp, W1p, amat1)
    s1, o1 = _sc_gat_layer(srcv, dstv, asd1, g1, h1, z16, z128)
    h2, asd2, g2 = _tc_layer_pre(
        None, Wm, amatm,
        fused_inputs=(o1, s1, xmat128, b1.reshape(1, 128)))
    s2, o2 = _sc_gat_layer(srcv, dstv, asd2, g2, h2, z16, z128)
    h3, asd3, g3 = _tc_layer_pre(
        None, W2, amat2,
        fused_inputs=(o2, s2, xmat128, bm.reshape(1, 128)))
    s3, o3 = _sc_gat_layer(srcv, dstv, asd3, g3, h3, z16, z64)
    out = _tc_head(o3, s3, xmat64, b2.reshape(1, 64), lin1_W, lin2_W8)
    return out[:N, :1]

# --- scband reference (transcript-rebuilt; emitter-appended) ---
"""Pipeline reference for scband-gcn-scheduling-64957085384788 (READ-ONLY COPY).

The authoritative reference and input builder live on the scoring server;
editing this copy changes nothing except your own understanding.
"""

import jax, jax.numpy as jnp
import numpy as np

N = 10000
E = 160000
NFEAT = 262
HEADS = 8
HID = 16


def _glorot(key, shape):
    fan_in = shape[0] if len(shape) > 1 else shape[0]
    fan_out = shape[-1]
    limit = float(np.sqrt(6.0 / (fan_in + fan_out)))
    return jax.random.uniform(key, shape, minval=-limit, maxval=limit, dtype=jnp.float32)


def setup_inputs(seed: int = 0) -> dict:
    key = jax.random.key(seed)
    ks = jax.random.split(key, 24)
    x = jax.random.normal(ks[0], (N, NFEAT), dtype=jnp.float32)
    edge_index = jax.random.randint(ks[1], (2, E), 0, N, dtype=jnp.int32)
    edge_attr = jax.random.uniform(ks[2], (E, 1), dtype=jnp.float32)
    batch = jnp.zeros((N,), dtype=jnp.int32)
    # conv1: GATConv(262, 16, heads=8)
    W1 = _glorot(ks[3], (NFEAT, HEADS * HID))
    a_src1 = _glorot(ks[4], (HEADS, HID))
    a_dst1 = _glorot(ks[5], (HEADS, HID))
    b1 = jnp.zeros((HEADS * HID,), dtype=jnp.float32)
    # convs[0]: GATConv(128, 16, heads=8)
    Wm = _glorot(ks[6], (HEADS * HID, HEADS * HID))
    a_srcm = _glorot(ks[7], (HEADS, HID))
    a_dstm = _glorot(ks[8], (HEADS, HID))
    bm = jnp.zeros((HEADS * HID,), dtype=jnp.float32)
    # conv2: GATConv(128, 8, heads=8)
    W2 = _glorot(ks[9], (HEADS * HID, HEADS * (HID // 2)))
    a_src2 = _glorot(ks[10], (HEADS, HID // 2))
    a_dst2 = _glorot(ks[11], (HEADS, HID // 2))
    b2 = jnp.zeros((HEADS * (HID // 2),), dtype=jnp.float32)
    # lin1: 64 -> 8 (no bias), lin2: 8 -> 1 (no bias)
    lin1_W = _glorot(ks[12], (HEADS * (HID // 2), HEADS))
    lin2_W = _glorot(ks[13], (HEADS, 1))
    return {"x": x, "edge_index": edge_index, "edge_attr": edge_attr, "batch": batch,
            "W1": W1, "a_src1": a_src1, "a_dst1": a_dst1, "b1": b1,
            "Wm": Wm, "a_srcm": a_srcm, "a_dstm": a_dstm, "bm": bm,
            "W2": W2, "a_src2": a_src2, "a_dst2": a_dst2, "b2": b2,
            "lin1_W": lin1_W, "lin2_W": lin2_W}


def _gat_conv(x, src, dst, W, a_src, a_dst, b, heads, out_ch):
    n = x.shape[0]
    h = (x @ W).reshape(n, heads, out_ch)
    alpha_src = (h * a_src[None, :, :]).sum(-1)  # [N, heads]
    alpha_dst = (h * a_dst[None, :, :]).sum(-1)
    e = alpha_src[src] + alpha_dst[dst]          # [E', heads]
    e = jax.nn.leaky_relu(e, 0.2)
    emax = jax.ops.segment_max(e, dst, num_segments=n)
    emax = jnp.where(jnp.isfinite(emax), emax, 0.0)
    p = jnp.exp(e - emax[dst])
    s = jax.ops.segment_sum(p, dst, num_segments=n)
    alpha = p / (s[dst] + 1e-16)                 # softmax over incoming edges
    msg = h[src] * alpha[:, :, None]
    out = jax.ops.segment_sum(msg, dst, num_segments=n)
    return out.reshape(n, heads * out_ch) + b


def reference(x, edge_index, edge_attr, batch, W1, a_src1, a_dst1, b1,
              Wm, a_srcm, a_dstm, bm, W2, a_src2, a_dst2, b2, lin1_W, lin2_W):
    n = x.shape[0]
    loops = jnp.arange(n, dtype=edge_index.dtype)
    src = jnp.concatenate([edge_index[0], loops])  # add_self_loops=True (PyG default)
    dst = jnp.concatenate([edge_index[1], loops])
    x1 = _gat_conv(x, src, dst, W1, a_src1, a_dst1, b1, HEADS, HID)
    x2 = jax.nn.elu(x1)
    x2 = _gat_conv(x2, src, dst, Wm, a_srcm, a_dstm, bm, HEADS, HID)
    x2 = jax.nn.elu(x2)
    # dropout p=0.2 is identity in eval mode
    x4 = _gat_conv(x2, src, dst, W2, a_src2, a_dst2, b2, HEADS, HID // 2)
    x5 = x4 @ lin1_W
    x6 = jax.nn.elu(x5)
    x7 = x6 @ lin2_W
    return jax.nn.sigmoid(x7)

if __name__ == "__main__":
    import jax
    _d = setup_inputs()
    print(jax.jit(kernel)(*tuple(_d.values())))

</pallas_src>

<mosaic_0001>
#map = affine_map<(d0, d1) -> (0, 0, 0)>
#map1 = affine_map<(d0, d1) -> (0, 0)>
#map2 = affine_map<(d0, d1) -> (0)>
module attributes {stable_mosaic.version = 14 : i64} {
  func.func @_sc_layer(%arg0: i32, %arg1: i32, %arg2: memref<32x84x64xi32, #tpu.memory_space<hbm>>, %arg3: memref<32x84x64xi32, #tpu.memory_space<hbm>>, %arg4: memref<10240x16xf32, #tpu.memory_space<hbm>>, %arg5: memref<16xf32, #tpu.memory_space<hbm>>, %arg6: memref<10240x128xf32, #tpu.memory_space<hbm>>, %arg7: memref<10240x16xf32, #tpu.memory_space<hbm>>, %arg8: memref<10240x128xf32, #tpu.memory_space<hbm>>, %arg9: memref<2x10240x16xf32, #tpu.memory_space<hbm>>, %arg10: memref<2x10240x128xf32, #tpu.memory_space<hbm>>, %arg11: memref<84x64xi32, #tpu.memory_space<vmem>>, %arg12: memref<84x64xi32, #tpu.memory_space<vmem>>, %arg13: memref<2x64x16xf32, #tpu.memory_space<vmem>>, %arg14: memref<2x64x16xf32, #tpu.memory_space<vmem>>, %arg15: memref<2x64x128xf32, #tpu.memory_space<vmem>>, %arg16: memref<16xf32, #tpu.memory_space<vmem>>, %arg17: memref<10240x16xf32, #tpu.memory_space<vmem_shared>>, %arg18: memref<10240x128xf32, #tpu.memory_space<vmem_shared>>, %arg19: memref<!tpu.dma_semaphore, #tpu.memory_space<semaphore_mem>>, %arg20: memref<!tpu.dma_semaphore, #tpu.memory_space<semaphore_mem>>) attributes {dimension_semantics = [#tpu.dimension_semantics<core_parallel>, #tpu.dimension_semantics<subcore_parallel>], iteration_bounds = array<i64: 2, 16>, scalar_prefetch = 0 : i64, scratch_operands = 10 : i64, tpu.core_type = #tpu.core_type<sc_vector_subcore>, window_params = [{transform_indices = #map}, {transform_indices = #map}, {transform_indices = #map1}, {transform_indices = #map2}, {transform_indices = #map1}, {transform_indices = #map1}, {transform_indices = #map1}, {transform_indices = #map}, {transform_indices = #map}]} {
    %mul3A = arith.constant 2 : i32
    %mul3A_0 = arith.muli %arg1, %mul3A : i32
    %add3A = arith.addi %mul3A_0, %arg0 : i32
    %mul3A_1 = arith.constant 640 : i32
    %mul3A_2 = arith.muli %arg1, %mul3A_1 : i32
    %mul3A_3 = arith.constant 640 : i32
    %mul3A_4 = arith.muli %arg1, %mul3A_3 : i32
    "tpu.region"() ({
      %run_scoped3A = tpu.sem_alloc : memref<!tpu.dma_semaphore, #tpu.memory_space<semaphore_mem>>
      %dma_start3A_355 = arith.constant 0 : i32
      %dma_start3A_356 = tpu.memref_slice %arg17[%mul3A_4, %dma_start3A_355] : memref<10240x16xf32, #tpu.memory_space<vmem_shared>> -> memref<640x16xf32, #tpu.memory_space<vmem_shared>>
      %dma_start3A_357 = arith.constant 0 : i32
      %dma_start3A_358 = tpu.memref_slice %arg7[%mul3A_2, %dma_start3A_357] : memref<10240x16xf32, #tpu.memory_space<hbm>> -> memref<640x16xf32, #tpu.memory_space<hbm>>
      tpu.enqueue_dma source(%dma_start3A_358 : memref<640x16xf32, #tpu.memory_space<hbm>>) target(%dma_start3A_356 : memref<640x16xf32, #tpu.memory_space<vmem_shared>>) target_semaphore(%run_scoped3A : memref<!tpu.dma_semaphore, #tpu.memory_space<semaphore_mem>>)
      %dma_wait3A_359 = arith.constant 0 : i32
      %dma_wait3A_360 = tpu.memref_slice %arg17[%mul3A_4, %dma_wait3A_359] : memref<10240x16xf32, #tpu.memory_space<vmem_shared>> -> memref<640x16xf32, #tpu.memory_space<vmem_shared>>
      %dma_wait3A_361 = arith.constant 0 : i32
      %dma_wait3A_362 = tpu.memref_slice %arg7[%mul3A_2, %dma_wait3A_361] : memref<10240x16xf32, #tpu.memory_space<hbm>> -> memref<640x16xf32, #tpu.memory_space<hbm>>
      tpu.wait_dma2 semaphore(%run_scoped3A : memref<!tpu.dma_semaphore, #tpu.memory_space<semaphore_mem>>) src(%dma_wait3A_362 : memref<640x16xf32, #tpu.memory_space<hbm>>) dst(%dma_wait3A_360 : memref<640x16xf32, #tpu.memory_space<vmem_shared>>)
      tpu.yield
    }) : () -> ()
    %mul3A_5 = arith.constant 640 : i32
    %mul3A_6 = arith.muli %arg1, %mul3A_5 : i32
    %mul3A_7 = arith.constant 640 : i32
    %mul3A_8 = arith.muli %arg1, %mul3A_7 : i32
    "tpu.region"() ({
      %run_scoped3A = tpu.sem_alloc : memref<!tpu.dma_semaphore, #tpu.memory_space<semaphore_mem>>
      %dma_start3A_355 = arith.constant 0 : i32
      %dma_start3A_356 = tpu.memref_slice %arg18[%mul3A_8, %dma_start3A_355] : memref<10240x128xf32, #tpu.memory_space<vmem_shared>> -> memref<640x128xf32, #tpu.memory_space<vmem_shared>>
      %dma_start3A_357 = arith.constant 0 : i32
      %dma_start3A_358 = tpu.memref_slice %arg8[%mul3A_6, %dma_start3A_357] : memref<10240x128xf32, #tpu.memory_space<hbm>> -> memref<640x128xf32, #tpu.memory_space<hbm>>
      tpu.enqueue_dma source(%dma_start3A_358 : memref<640x128xf32, #tpu.memory_space<hbm>>) target(%dma_start3A_356 : memref<640x128xf32, #tpu.memory_space<vmem_shared>>) target_semaphore(%run_scoped3A : memref<!tpu.dma_semaphore, #tpu.memory_space<semaphore_mem>>)
      %dma_wait3A_359 = arith.constant 0 : i32
      %dma_wait3A_360 = tpu.memref_slice %arg18[%mul3A_8, %dma_wait3A_359] : memref<10240x128xf32, #tpu.memory_space<vmem_shared>> -> memref<640x128xf32, #tpu.memory_space<vmem_shared>>
      %dma_wait3A_361 = arith.constant 0 : i32
      %dma_wait3A_362 = tpu.memref_slice %arg8[%mul3A_6, %dma_wait3A_361] : memref<10240x128xf32, #tpu.memory_space<hbm>> -> memref<640x128xf32, #tpu.memory_space<hbm>>
      tpu.wait_dma2 semaphore(%run_scoped3A : memref<!tpu.dma_semaphore, #tpu.memory_space<semaphore_mem>>) src(%dma_wait3A_362 : memref<640x128xf32, #tpu.memory_space<hbm>>) dst(%dma_wait3A_360 : memref<640x128xf32, #tpu.memory_space<vmem_shared>>)
      tpu.yield
    }) : () -> ()
    "tpu.region"() ({
      %run_scoped3A = tpu.sem_alloc : memref<!tpu.dma_semaphore, #tpu.memory_space<semaphore_mem>>
      %dma_start3A_355 = arith.constant 0 : i32
      %dma_start3A_356 = arith.constant 0 : i32
      %dma_start3A_357 = tpu.memref_slice %arg2[%add3A, %dma_start3A_355, %dma_start3A_356] : memref<32x84x64xi32, #tpu.memory_space<hbm>> -> memref<1x84x64xi32, #tpu.memory_space<hbm>>
      %dma_start3A_358 = tpu.memref_squeeze %dma_start3A_357 : memref<1x84x64xi32, #tpu.memory_space<hbm>> -> memref<84x64xi32, #tpu.memory_space<hbm>>
      %dma_start3A_359 = arith.constant 0 : i32
      %dma_start3A_360 = arith.constant 0 : i32
      %dma_start3A_361 = tpu.memref_slice %arg2[%add3A, %dma_start3A_359, %dma_start3A_360] : memref<32x84x64xi32, #tpu.memory_space<hbm>> -> memref<1x84x64xi32, #tpu.memory_space<hbm>>
      %dma_start3A_362 = tpu.memref_squeeze %dma_start3A_361 : memref<1x84x64xi32, #tpu.memory_space<hbm>> -> memref<84x64xi32, #tpu.memory_space<hbm>>
      tpu.enqueue_dma source(%dma_start3A_362 : memref<84x64xi32, #tpu.memory_space<hbm>>) target(%arg11 : memref<84x64xi32, #tpu.memory_space<vmem>>) target_semaphore(%run_scoped3A : memref<!tpu.dma_semaphore, #tpu.memory_space<semaphore_mem>>)
      %dma_wait3A_363 = arith.constant 0 : i32
      %dma_wait3A_364 = arith.constant 0 : i32
      %dma_wait3A_365 = tpu.memref_slice %arg2[%add3A, %dma_wait3A_363, %dma_wait3A_364] : memref<32x84x64xi32, #tpu.memory_space<hbm>> -> memref<1x84x64xi32, #tpu.memory_space<hbm>>
      %dma_wait3A_366 = tpu.memref_squeeze %dma_wait3A_365 : memref<1x84x64xi32, #tpu.memory_space<hbm>> -> memref<84x64xi32, #tpu.memory_space<hbm>>
      %dma_wait3A_367 = arith.constant 0 : i32
      %dma_wait3A_368 = arith.constant 0 : i32
      %dma_wait3A_369 = tpu.memref_slice %arg2[%add3A, %dma_wait3A_367, %dma_wait3A_368] : memref<32x84x64xi32, #tpu.memory_space<hbm>> -> memref<1x84x64xi32, #tpu.memory_space<hbm>>
      %dma_wait3A_370 = tpu.memref_squeeze %dma_wait3A_369 : memref<1x84x64xi32, #tpu.memory_space<hbm>> -> memref<84x64xi32, #tpu.memory_space<hbm>>
      tpu.wait_dma2 semaphore(%run_scoped3A : memref<!tpu.dma_semaphore, #tpu.memory_space<semaphore_mem>>) src(%dma_wait3A_370 : memref<84x64xi32, #tpu.memory_space<hbm>>) dst(%arg11 : memref<84x64xi32, #tpu.memory_space<vmem>>)
      tpu.yield
    }) : () -> ()
    "tpu.region"() ({
      %run_scoped3A = tpu.sem_alloc : memref<!tpu.dma_semaphore, #tpu.memory_space<semaphore_mem>>
      %dma_start3A_355 = arith.constant 0 : i32
      %dma_start3A_356 = arith.constant 0 : i32
      %dma_start3A_357 = tpu.memref_slice %arg3[%add3A, %dma_start3A_355, %dma_start3A_356] : memref<32x84x64xi32, #tpu.memory_space<hbm>> -> memref<1x84x64xi32, #tpu.memory_space<hbm>>
      %dma_start3A_358 = tpu.memref_squeeze %dma_start3A_357 : memref<1x84x64xi32, #tpu.memory_space<hbm>> -> memref<84x64xi32, #tpu.memory_space<hbm>>
      %dma_start3A_359 = arith.constant 0 : i32
      %dma_start3A_360 = arith.constant 0 : i32
      %dma_start3A_361 = tpu.memref_slice %arg3[%add3A, %dma_start3A_359, %dma_start3A_360] : memref<32x84x64xi32, #tpu.memory_space<hbm>> -> memref<1x84x64xi32, #tpu.memory_space<hbm>>
      %dma_start3A_362 = tpu.memref_squeeze %dma_start3A_361 : memref<1x84x64xi32, #tpu.memory_space<hbm>> -> memref<84x64xi32, #tpu.memory_space<hbm>>
      tpu.enqueue_dma source(%dma_start3A_362 : memref<84x64xi32, #tpu.memory_space<hbm>>) target(%arg12 : memref<84x64xi32, #tpu.memory_space<vmem>>) target_semaphore(%run_scoped3A : memref<!tpu.dma_semaphore, #tpu.memory_space<semaphore_mem>>)
      %dma_wait3A_363 = arith.constant 0 : i32
      %dma_wait3A_364 = arith.constant 0 : i32
      %dma_wait3A_365 = tpu.memref_slice %arg3[%add3A, %dma_wait3A_363, %dma_wait3A_364] : memref<32x84x64xi32, #tpu.memory_space<hbm>> -> memref<1x84x64xi32, #tpu.memory_space<hbm>>
      %dma_wait3A_366 = tpu.memref_squeeze %dma_wait3A_365 : memref<1x84x64xi32, #tpu.memory_space<hbm>> -> memref<84x64xi32, #tpu.memory_space<hbm>>
      %dma_wait3A_367 = arith.constant 0 : i32
      %dma_wait3A_368 = arith.constant 0 : i32
      %dma_wait3A_369 = tpu.memref_slice %arg3[%add3A, %dma_wait3A_367, %dma_wait3A_368] : memref<32x84x64xi32, #tpu.memory_space<hbm>> -> memref<1x84x64xi32, #tpu.memory_space<hbm>>
      %dma_wait3A_370 = tpu.memref_squeeze %dma_wait3A_369 : memref<1x84x64xi32, #tpu.memory_space<hbm>> -> memref<84x64xi32, #tpu.memory_space<hbm>>
      tpu.wait_dma2 semaphore(%run_scoped3A : memref<!tpu.dma_semaphore, #tpu.memory_space<semaphore_mem>>) src(%dma_wait3A_370 : memref<84x64xi32, #tpu.memory_space<hbm>>) dst(%arg12 : memref<84x64xi32, #tpu.memory_space<vmem>>)
      tpu.yield
    }) : () -> ()
    "tpu.region"() ({
      %run_scoped3A = tpu.sem_alloc : memref<!tpu.dma_semaphore, #tpu.memory_space<semaphore_mem>>
      tpu.enqueue_dma source(%arg5 : memref<16xf32, #tpu.memory_space<hbm>>) target(%arg16 : memref<16xf32, #tpu.memory_space<vmem>>) target_semaphore(%run_scoped3A : memref<!tpu.dma_semaphore, #tpu.memory_space<semaphore_mem>>)
      tpu.wait_dma2 semaphore(%run_scoped3A : memref<!tpu.dma_semaphore, #tpu.memory_space<semaphore_mem>>) src(%arg5 : memref<16xf32, #tpu.memory_space<hbm>>) dst(%arg16 : memref<16xf32, #tpu.memory_space<vmem>>)
      tpu.yield
    }) : () -> ()
    %barrier3A = arith.constant 0 : index
    tpu.barrier barrier_id(%barrier3A)
    %get3A = arith.constant 0 : index
    %get3A_9 = tpu.vector_load %arg16[%get3A] {strides = array<i32>} : memref<16xf32, #tpu.memory_space<vmem>>, vector<16xf32>,
    %iota3A = tpu.iota {dimensions = array<i32: 0>} : vector<16xi32>
    %add3A_10 = arith.constant 8 : i32
    %add3A_11 = vector.broadcast %add3A_10 : i32 to vector<16xi32>
    %add3A_12 = arith.addi %iota3A, %add3A_11 : vector<16xi32>
    %and3A = arith.constant 15 : i32
    %and3A_13 = vector.broadcast %and3A : i32 to vector<16xi32>
    %and3A_14 = arith.andi %add3A_12, %and3A_13 : vector<16xi32>
    %lt3A = arith.constant 8 : i32
    %lt3A_15 = vector.broadcast %lt3A : i32 to vector<16xi32>
    %lt3A_16 = arith.cmpi slt, %iota3A, %lt3A_15 : vector<16xi32>
    %jit3A = arith.constant 16 : i32
    %div3A = vector.broadcast %jit3A : i32 to vector<16xi32>
    %div3A_17 = arith.divsi %iota3A, %div3A : vector<16xi32>
    %sign3A = arith.constant 0 : i32
    %sign3A_18 = vector.broadcast %sign3A : i32 to vector<16xi32>
    %sign3A_19 = arith.cmpi sgt, %iota3A, %sign3A_18 : vector<16xi32>
    %sign3A_20 = arith.extui %sign3A_19 : vector<16xi1> to vector<16xi32>
    %sign3A_21 = arith.constant 0 : i32
    %sign3A_22 = vector.broadcast %sign3A_21 : i32 to vector<16xi32>
    %sign3A_23 = arith.cmpi slt, %iota3A, %sign3A_22 : vector<16xi32>
    %sign3A_24 = arith.extui %sign3A_23 : vector<16xi1> to vector<16xi32>
    %sign3A_25 = arith.subi %sign3A_20, %sign3A_24 : vector<16xi32>
    %sign3A_26 = arith.constant 0 : i32
    %sign3A_27 = arith.cmpi sgt, %jit3A, %sign3A_26 : i32
    %sign3A_28 = arith.extui %sign3A_27 : i1 to i32
    %sign3A_29 = arith.constant 0 : i32
    %sign3A_30 = arith.cmpi slt, %jit3A, %sign3A_29 : i32
    %sign3A_31 = arith.extui %sign3A_30 : i1 to i32
    %sign3A_32 = arith.subi %sign3A_28, %sign3A_31 : i32
    %ne3A = vector.broadcast %sign3A_32 : i32 to vector<16xi32>
    %ne3A_33 = arith.cmpi ne, %sign3A_25, %ne3A : vector<16xi32>
    %rem3A = vector.broadcast %jit3A : i32 to vector<16xi32>
    %rem3A_34 = arith.remsi %iota3A, %rem3A : vector<16xi32>
    %ne3A_35 = arith.constant 0 : i32
    %ne3A_36 = vector.broadcast %ne3A_35 : i32 to vector<16xi32>
    %ne3A_37 = arith.cmpi ne, %rem3A_34, %ne3A_36 : vector<16xi32>
    %and3A_38 = arith.andi %ne3A_33, %ne3A_37 : vector<16xi1>
    %sub3A = arith.constant 1 : i32
    %sub3A_39 = vector.broadcast %sub3A : i32 to vector<16xi32>
    %sub3A_40 = arith.subi %div3A_17, %sub3A_39 : vector<16xi32>
    %select_n3A = arith.select %and3A_38, %sub3A_40, %div3A_17 : vector<16xi1>, vector<16xi32>
    %add3A_41 = arith.constant 0 : i32
    %add3A_42 = vector.broadcast %add3A_41 : i32 to vector<16xi32>
    %add3A_43 = arith.addi %add3A_42, %select_n3A : vector<16xi32>
    %jit3A_44 = arith.constant 16 : i32
    %div3A_45 = vector.broadcast %jit3A_44 : i32 to vector<16xi32>
    %div3A_46 = arith.divsi %iota3A, %div3A_45 : vector<16xi32>
    %sign3A_47 = arith.constant 0 : i32
    %sign3A_48 = vector.broadcast %sign3A_47 : i32 to vector<16xi32>
    %sign3A_49 = arith.cmpi sgt, %iota3A, %sign3A_48 : vector<16xi32>
    %sign3A_50 = arith.extui %sign3A_49 : vector<16xi1> to vector<16xi32>
    %sign3A_51 = arith.constant 0 : i32
    %sign3A_52 = vector.broadcast %sign3A_51 : i32 to vector<16xi32>
    %sign3A_53 = arith.cmpi slt, %iota3A, %sign3A_52 : vector<16xi32>
    %sign3A_54 = arith.extui %sign3A_53 : vector<16xi1> to vector<16xi32>
    %sign3A_55 = arith.subi %sign3A_50, %sign3A_54 : vector<16xi32>
    %sign3A_56 = arith.constant 0 : i32
    %sign3A_57 = arith.cmpi sgt, %jit3A_44, %sign3A_56 : i32
    %sign3A_58 = arith.extui %sign3A_57 : i1 to i32
    %sign3A_59 = arith.constant 0 : i32
    %sign3A_60 = arith.cmpi slt, %jit3A_44, %sign3A_59 : i32
    %sign3A_61 = arith.extui %sign3A_60 : i1 to i32
    %sign3A_62 = arith.subi %sign3A_58, %sign3A_61 : i32
    %ne3A_63 = vector.broadcast %sign3A_62 : i32 to vector<16xi32>
    %ne3A_64 = arith.cmpi ne, %sign3A_55, %ne3A_63 : vector<16xi32>
    %rem3A_65 = vector.broadcast %jit3A_44 : i32 to vector<16xi32>
    %rem3A_66 = arith.remsi %iota3A, %rem3A_65 : vector<16xi32>
    %ne3A_67 = arith.constant 0 : i32
    %ne3A_68 = vector.broadcast %ne3A_67 : i32 to vector<16xi32>
    %ne3A_69 = arith.cmpi ne, %rem3A_66, %ne3A_68 : vector<16xi32>
    %and3A_70 = arith.andi %ne3A_64, %ne3A_69 : vector<16xi1>
    %sub3A_71 = arith.constant 1 : i32
    %sub3A_72 = vector.broadcast %sub3A_71 : i32 to vector<16xi32>
    %sub3A_73 = arith.subi %div3A_46, %sub3A_72 : vector<16xi32>
    %select_n3A_74 = arith.select %and3A_70, %sub3A_73, %div3A_46 : vector<16xi1>, vector<16xi32>
    %add3A_75 = arith.constant 1 : i32
    %add3A_76 = vector.broadcast %add3A_75 : i32 to vector<16xi32>
    %add3A_77 = arith.addi %add3A_76, %select_n3A_74 : vector<16xi32>
    %jit3A_78 = arith.constant 16 : i32
    %div3A_79 = vector.broadcast %jit3A_78 : i32 to vector<16xi32>
    %div3A_80 = arith.divsi %iota3A, %div3A_79 : vector<16xi32>
    %sign3A_81 = arith.constant 0 : i32
    %sign3A_82 = vector.broadcast %sign3A_81 : i32 to vector<16xi32>
    %sign3A_83 = arith.cmpi sgt, %iota3A, %sign3A_82 : vector<16xi32>
    %sign3A_84 = arith.extui %sign3A_83 : vector<16xi1> to vector<16xi32>
    %sign3A_85 = arith.constant 0 : i32
    %sign3A_86 = vector.broadcast %sign3A_85 : i32 to vector<16xi32>
    %sign3A_87 = arith.cmpi slt, %iota3A, %sign3A_86 : vector<16xi32>
    %sign3A_88 = arith.extui %sign3A_87 : vector<16xi1> to vector<16xi32>
    %sign3A_89 = arith.subi %sign3A_84, %sign3A_88 : vector<16xi32>
    %sign3A_90 = arith.constant 0 : i32
    %sign3A_91 = arith.cmpi sgt, %jit3A_78, %sign3A_90 : i32
    %sign3A_92 = arith.extui %sign3A_91 : i1 to i32
    %sign3A_93 = arith.constant 0 : i32
    %sign3A_94 = arith.cmpi slt, %jit3A_78, %sign3A_93 : i32
    %sign3A_95 = arith.extui %sign3A_94 : i1 to i32
    %sign3A_96 = arith.subi %sign3A_92, %sign3A_95 : i32
    %ne3A_97 = vector.broadcast %sign3A_96 : i32 to vector<16xi32>
    %ne3A_98 = arith.cmpi ne, %sign3A_89, %ne3A_97 : vector<16xi32>
    %rem3A_99 = vector.broadcast %jit3A_78 : i32 to vector<16xi32>
    %rem3A_100 = arith.remsi %iota3A, %rem3A_99 : vector<16xi32>
    %ne3A_101 = arith.constant 0 : i32
    %ne3A_102 = vector.broadcast %ne3A_101 : i32 to vector<16xi32>
    %ne3A_103 = arith.cmpi ne, %rem3A_100, %ne3A_102 : vector<16xi32>
    %and3A_104 = arith.andi %ne3A_98, %ne3A_103 : vector<16xi1>
    %sub3A_105 = arith.constant 1 : i32
    %sub3A_106 = vector.broadcast %sub3A_105 : i32 to vector<16xi32>
    %sub3A_107 = arith.subi %div3A_80, %sub3A_106 : vector<16xi32>
    %select_n3A_108 = arith.select %and3A_104, %sub3A_107, %div3A_80 : vector<16xi1>, vector<16xi32>
    %add3A_109 = arith.constant 2 : i32
    %add3A_110 = vector.broadcast %add3A_109 : i32 to vector<16xi32>
    %add3A_111 = arith.addi %add3A_110, %select_n3A_108 : vector<16xi32>
    %jit3A_112 = arith.constant 16 : i32
    %div3A_113 = vector.broadcast %jit3A_112 : i32 to vector<16xi32>
    %div3A_114 = arith.divsi %iota3A, %div3A_113 : vector<16xi32>
    %sign3A_115 = arith.constant 0 : i32
    %sign3A_116 = vector.broadcast %sign3A_115 : i32 to vector<16xi32>
    %sign3A_117 = arith.cmpi sgt, %iota3A, %sign3A_116 : vector<16xi32>
    %sign3A_118 = arith.extui %sign3A_117 : vector<16xi1> to vector<16xi32>
    %sign3A_119 = arith.constant 0 : i32
    %sign3A_120 = vector.broadcast %sign3A_119 : i32 to vector<16xi32>
    %sign3A_121 = arith.cmpi slt, %iota3A, %sign3A_120 : vector<16xi32>
    %sign3A_122 = arith.extui %sign3A_121 : vector<16xi1> to vector<16xi32>
    %sign3A_123 = arith.subi %sign3A_118, %sign3A_122 : vector<16xi32>
    %sign3A_124 = arith.constant 0 : i32
    %sign3A_125 = arith.cmpi sgt, %jit3A_112, %sign3A_124 : i32
    %sign3A_126 = arith.extui %sign3A_125 : i1 to i32
    %sign3A_127 = arith.constant 0 : i32
    %sign3A_128 = arith.cmpi slt, %jit3A_112, %sign3A_127 : i32
    %sign3A_129 = arith.extui %sign3A_128 : i1 to i32
    %sign3A_130 = arith.subi %sign3A_126, %sign3A_129 : i32
    %ne3A_131 = vector.broadcast %sign3A_130 : i32 to vector<16xi32>
    %ne3A_132 = arith.cmpi ne, %sign3A_123, %ne3A_131 : vector<16xi32>
    %rem3A_133 = vector.broadcast %jit3A_112 : i32 to vector<16xi32>
    %rem3A_134 = arith.remsi %iota3A, %rem3A_133 : vector<16xi32>
    %ne3A_135 = arith.constant 0 : i32
    %ne3A_136 = vector.broadcast %ne3A_135 : i32 to vector<16xi32>
    %ne3A_137 = arith.cmpi ne, %rem3A_134, %ne3A_136 : vector<16xi32>
    %and3A_138 = arith.andi %ne3A_132, %ne3A_137 : vector<16xi1>
    %sub3A_139 = arith.constant 1 : i32
    %sub3A_140 = vector.broadcast %sub3A_139 : i32 to vector<16xi32>
    %sub3A_141 = arith.subi %div3A_114, %sub3A_140 : vector<16xi32>
    %select_n3A_142 = arith.select %and3A_138, %sub3A_141, %div3A_114 : vector<16xi1>, vector<16xi32>
    %add3A_143 = arith.constant 3 : i32
    %add3A_144 = vector.broadcast %add3A_143 : i32 to vector<16xi32>
    %add3A_145 = arith.addi %add3A_144, %select_n3A_142 : vector<16xi32>
    %jit3A_146 = arith.constant 16 : i32
    %div3A_147 = vector.broadcast %jit3A_146 : i32 to vector<16xi32>
    %div3A_148 = arith.divsi %iota3A, %div3A_147 : vector<16xi32>
    %sign3A_149 = arith.constant 0 : i32
    %sign3A_150 = vector.broadcast %sign3A_149 : i32 to vector<16xi32>
    %sign3A_151 = arith.cmpi sgt, %iota3A, %sign3A_150 : vector<16xi32>
    %sign3A_152 = arith.extui %sign3A_151 : vector<16xi1> to vector<16xi32>
    %sign3A_153 = arith.constant 0 : i32
    %sign3A_154 = vector.broadcast %sign3A_153 : i32 to vector<16xi32>
    %sign3A_155 = arith.cmpi slt, %iota3A, %sign3A_154 : vector<16xi32>
    %sign3A_156 = arith.extui %sign3A_155 : vector<16xi1> to vector<16xi32>
    %sign3A_157 = arith.subi %sign3A_152, %sign3A_156 : vector<16xi32>
    %sign3A_158 = arith.constant 0 : i32
    %sign3A_159 = arith.cmpi sgt, %jit3A_146, %sign3A_158 : i32
    %sign3A_160 = arith.extui %sign3A_159 : i1 to i32
    %sign3A_161 = arith.constant 0 : i32
    %sign3A_162 = arith.cmpi slt, %jit3A_146, %sign3A_161 : i32
    %sign3A_163 = arith.extui %sign3A_162 : i1 to i32
    %sign3A_164 = arith.subi %sign3A_160, %sign3A_163 : i32
    %ne3A_165 = vector.broadcast %sign3A_164 : i32 to vector<16xi32>
    %ne3A_166 = arith.cmpi ne, %sign3A_157, %ne3A_165 : vector<16xi32>
    %rem3A_167 = vector.broadcast %jit3A_146 : i32 to vector<16xi32>
    %rem3A_168 = arith.remsi %iota3A, %rem3A_167 : vector<16xi32>
    %ne3A_169 = arith.constant 0 : i32
    %ne3A_170 = vector.broadcast %ne3A_169 : i32 to vector<16xi32>
    %ne3A_171 = arith.cmpi ne, %rem3A_168, %ne3A_170 : vector<16xi32>
    %and3A_172 = arith.andi %ne3A_166, %ne3A_171 : vector<16xi1>
    %sub3A_173 = arith.constant 1 : i32
    %sub3A_174 = vector.broadcast %sub3A_173 : i32 to vector<16xi32>
    %sub3A_175 = arith.subi %div3A_148, %sub3A_174 : vector<16xi32>
    %select_n3A_176 = arith.select %and3A_172, %sub3A_175, %div3A_148 : vector<16xi1>, vector<16xi32>
    %add3A_177 = arith.constant 4 : i32
    %add3A_178 = vector.broadcast %add3A_177 : i32 to vector<16xi32>
    %add3A_179 = arith.addi %add3A_178, %select_n3A_176 : vector<16xi32>
    %jit3A_180 = arith.constant 16 : i32
    %div3A_181 = vector.broadcast %jit3A_180 : i32 to vector<16xi32>
    %div3A_182 = arith.divsi %iota3A, %div3A_181 : vector<16xi32>
    %sign3A_183 = arith.constant 0 : i32
    %sign3A_184 = vector.broadcast %sign3A_183 : i32 to vector<16xi32>
    %sign3A_185 = arith.cmpi sgt, %iota3A, %sign3A_184 : vector<16xi32>
    %sign3A_186 = arith.extui %sign3A_185 : vector<16xi1> to vector<16xi32>
    %sign3A_187 = arith.constant 0 : i32
    %sign3A_188 = vector.broadcast %sign3A_187 : i32 to vector<16xi32>
    %sign3A_189 = arith.cmpi slt, %iota3A, %sign3A_188 : vector<16xi32>
    %sign3A_190 = arith.extui %sign3A_189 : vector<16xi1> to vector<16xi32>
    %sign3A_191 = arith.subi %sign3A_186, %sign3A_190 : vector<16xi32>
    %sign3A_192 = arith.constant 0 : i32
    %sign3A_193 = arith.cmpi sgt, %jit3A_180, %sign3A_192 : i32
    %sign3A_194 = arith.extui %sign3A_193 : i1 to i32
    %sign3A_195 = arith.constant 0 : i32
    %sign3A_196 = arith.cmpi slt, %jit3A_180, %sign3A_195 : i32
    %sign3A_197 = arith.extui %sign3A_196 : i1 to i32
    %sign3A_198 = arith.subi %sign3A_194, %sign3A_197 : i32
    %ne3A_199 = vector.broadcast %sign3A_198 : i32 to vector<16xi32>
    %ne3A_200 = arith.cmpi ne, %sign3A_191, %ne3A_199 : vector<16xi32>
    %rem3A_201 = vector.broadcast %jit3A_180 : i32 to vector<16xi32>
    %rem3A_202 = arith.remsi %iota3A, %rem3A_201 : vector<16xi32>
    %ne3A_203 = arith.constant 0 : i32
    %ne3A_204 = vector.broadcast %ne3A_203 : i32 to vector<16xi32>
    %ne3A_205 = arith.cmpi ne, %rem3A_202, %ne3A_204 : vector<16xi32>
    %and3A_206 = arith.andi %ne3A_200, %ne3A_205 : vector<16xi1>
    %sub3A_207 = arith.constant 1 : i32
    %sub3A_208 = vector.broadcast %sub3A_207 : i32 to vector<16xi32>
    %sub3A_209 = arith.subi %div3A_182, %sub3A_208 : vector<16xi32>
    %select_n3A_210 = arith.select %and3A_206, %sub3A_209, %div3A_182 : vector<16xi1>, vector<16xi32>
    %add3A_211 = arith.constant 5 : i32
    %add3A_212 = vector.broadcast %add3A_211 : i32 to vector<16xi32>
    %add3A_213 = arith.addi %add3A_212, %select_n3A_210 : vector<16xi32>
    %jit3A_214 = arith.constant 16 : i32
    %div3A_215 = vector.broadcast %jit3A_214 : i32 to vector<16xi32>
    %div3A_216 = arith.divsi %iota3A, %div3A_215 : vector<16xi32>
    %sign3A_217 = arith.constant 0 : i32
    %sign3A_218 = vector.broadcast %sign3A_217 : i32 to vector<16xi32>
    %sign3A_219 = arith.cmpi sgt, %iota3A, %sign3A_218 : vector<16xi32>
    %sign3A_220 = arith.extui %sign3A_219 : vector<16xi1> to vector<16xi32>
    %sign3A_221 = arith.constant 0 : i32
    %sign3A_222 = vector.broadcast %sign3A_221 : i32 to vector<16xi32>
    %sign3A_223 = arith.cmpi slt, %iota3A, %sign3A_222 : vector<16xi32>
    %sign3A_224 = arith.extui %sign3A_223 : vector<16xi1> to vector<16xi32>
    %sign3A_225 = arith.subi %sign3A_220, %sign3A_224 : vector<16xi32>
    %sign3A_226 = arith.constant 0 : i32
    %sign3A_227 = arith.cmpi sgt, %jit3A_214, %sign3A_226 : i32
    %sign3A_228 = arith.extui %sign3A_227 : i1 to i32
    %sign3A_229 = arith.constant 0 : i32
    %sign3A_230 = arith.cmpi slt, %jit3A_214, %sign3A_229 : i32
    %sign3A_231 = arith.extui %sign3A_230 : i1 to i32
    %sign3A_232 = arith.subi %sign3A_228, %sign3A_231 : i32
    %ne3A_233 = vector.broadcast %sign3A_232 : i32 to vector<16xi32>
    %ne3A_234 = arith.cmpi ne, %sign3A_225, %ne3A_233 : vector<16xi32>
    %rem3A_235 = vector.broadcast %jit3A_214 : i32 to vector<16xi32>
    %rem3A_236 = arith.remsi %iota3A, %rem3A_235 : vector<16xi32>
    %ne3A_237 = arith.constant 0 : i32
    %ne3A_238 = vector.broadcast %ne3A_237 : i32 to vector<16xi32>
    %ne3A_239 = arith.cmpi ne, %rem3A_236, %ne3A_238 : vector<16xi32>
    %and3A_240 = arith.andi %ne3A_234, %ne3A_239 : vector<16xi1>
    %sub3A_241 = arith.constant 1 : i32
    %sub3A_242 = vector.broadcast %sub3A_241 : i32 to vector<16xi32>
    %sub3A_243 = arith.subi %div3A_216, %sub3A_242 : vector<16xi32>
    %select_n3A_244 = arith.select %and3A_240, %sub3A_243, %div3A_216 : vector<16xi1>, vector<16xi32>
    %add3A_245 = arith.constant 6 : i32
    %add3A_246 = vector.broadcast %add3A_245 : i32 to vector<16xi32>
    %add3A_247 = arith.addi %add3A_246, %select_n3A_244 : vector<16xi32>
    %jit3A_248 = arith.constant 16 : i32
    %div3A_249 = vector.broadcast %jit3A_248 : i32 to vector<16xi32>
    %div3A_250 = arith.divsi %iota3A, %div3A_249 : vector<16xi32>
    %sign3A_251 = arith.constant 0 : i32
    %sign3A_252 = vector.broadcast %sign3A_251 : i32 to vector<16xi32>
    %sign3A_253 = arith.cmpi sgt, %iota3A, %sign3A_252 : vector<16xi32>
    %sign3A_254 = arith.extui %sign3A_253 : vector<16xi1> to vector<16xi32>
    %sign3A_255 = arith.constant 0 : i32
    %sign3A_256 = vector.broadcast %sign3A_255 : i32 to vector<16xi32>
    %sign3A_257 = arith.cmpi slt, %iota3A, %sign3A_256 : vector<16xi32>
    %sign3A_258 = arith.extui %sign3A_257 : vector<16xi1> to vector<16xi32>
    %sign3A_259 = arith.subi %sign3A_254, %sign3A_258 : vector<16xi32>
    %sign3A_260 = arith.constant 0 : i32
    %sign3A_261 = arith.cmpi sgt, %jit3A_248, %sign3A_260 : i32
    %sign3A_262 = arith.extui %sign3A_261 : i1 to i32
    %sign3A_263 = arith.constant 0 : i32
    %sign3A_264 = arith.cmpi slt, %jit3A_248, %sign3A_263 : i32
    %sign3A_265 = arith.extui %sign3A_264 : i1 to i32
    %sign3A_266 = arith.subi %sign3A_262, %sign3A_265 : i32
    %ne3A_267 = vector.broadcast %sign3A_266 : i32 to vector<16xi32>
    %ne3A_268 = arith.cmpi ne, %sign3A_259, %ne3A_267 : vector<16xi32>
    %rem3A_269 = vector.broadcast %jit3A_248 : i32 to vector<16xi32>
    %rem3A_270 = arith.remsi %iota3A, %rem3A_269 : vector<16xi32>
    %ne3A_271 = arith.constant 0 : i32
    %ne3A_272 = vector.broadcast %ne3A_271 : i32 to vector<16xi32>
    %ne3A_273 = arith.cmpi ne, %rem3A_270, %ne3A_272 : vector<16xi32>
    %and3A_274 = arith.andi %ne3A_268, %ne3A_273 : vector<16xi1>
    %sub3A_275 = arith.constant 1 : i32
    %sub3A_276 = vector.broadcast %sub3A_275 : i32 to vector<16xi32>
    %sub3A_277 = arith.subi %div3A_250, %sub3A_276 : vector<16xi32>
    %select_n3A_278 = arith.select %and3A_274, %sub3A_277, %div3A_250 : vector<16xi1>, vector<16xi32>
    %add3A_279 = arith.constant 7 : i32
    %add3A_280 = vector.broadcast %add3A_279 : i32 to vector<16xi32>
    %add3A_281 = arith.addi %add3A_280, %select_n3A_278 : vector<16xi32>
    %dma_start3A = arith.constant 0 : i32
    %dma_start3A_282 = arith.constant 0 : i32
    %dma_start3A_283 = arith.constant 0 : i32
    %dma_start3A_284 = arith.constant 0 : i32
    %dma_start3A_285 = tpu.memref_slice %arg13[%dma_start3A_282, %dma_start3A_283, %dma_start3A_284] : memref<2x64x16xf32, #tpu.memory_space<vmem>> -> memref<1x64x16xf32, #tpu.memory_space<vmem>>
    %dma_start3A_286 = tpu.memref_squeeze %dma_start3A_285 : memref<1x64x16xf32, #tpu.memory_space<vmem>> -> memref<64x16xf32, #tpu.memory_space<vmem>>
    %dma_start3A_287 = arith.constant 0 : i32
    %dma_start3A_288 = tpu.memref_slice %arg11[%dma_start3A, %dma_start3A_287] : memref<84x64xi32, #tpu.memory_space<vmem>> -> memref<1x64xi32, #tpu.memory_space<vmem>>
    %dma_start3A_289 = tpu.memref_squeeze %dma_start3A_288 : memref<1x64xi32, #tpu.memory_space<vmem>> -> memref<64xi32, #tpu.memory_space<vmem>>
    %dma_start3A_290 = arith.constant 0 : i32
    %dma_start3A_291 = arith.constant 0 : i32
    %dma_start3A_292 = tpu.memref_slice %arg4[%dma_start3A_290, %dma_start3A_291] : memref<10240x16xf32, #tpu.memory_space<hbm>> -> memref<10240x16xf32, #tpu.memory_space<hbm>>
    tpu.enqueue_indirect_dma source(%dma_start3A_292 : memref<10240x16xf32, #tpu.memory_space<hbm>>) target(%dma_start3A_286 : memref<64x16xf32, #tpu.memory_space<vmem>>) offsets(%dma_start3A_289 : memref<64xi32, #tpu.memory_space<vmem>>) semaphore(%arg19 : memref<!tpu.dma_semaphore, #tpu.memory_space<semaphore_mem>>)
    %dma_start3A_293 = arith.constant 0 : i32
    %dma_start3A_294 = arith.constant 0 : i32
    %dma_start3A_295 = arith.constant 0 : i32
    %dma_start3A_296 = arith.constant 0 : i32
    %dma_start3A_297 = tpu.memref_slice %arg14[%dma_start3A_294, %dma_start3A_295, %dma_start3A_296] : memref<2x64x16xf32, #tpu.memory_space<vmem>> -> memref<1x64x16xf32, #tpu.memory_space<vmem>>
    %dma_start3A_298 = tpu.memref_squeeze %dma_start3A_297 : memref<1x64x16xf32, #tpu.memory_space<vmem>> -> memref<64x16xf32, #tpu.memory_space<vmem>>
    %dma_start3A_299 = arith.constant 0 : i32
    %dma_start3A_300 = tpu.memref_slice %arg12[%dma_start3A_293, %dma_start3A_299] : memref<84x64xi32, #tpu.memory_space<vmem>> -> memref<1x64xi32, #tpu.memory_space<vmem>>
    %dma_start3A_301 = tpu.memref_squeeze %dma_start3A_300 : memref<1x64xi32, #tpu.memory_space<vmem>> -> memref<64xi32, #tpu.memory_space<vmem>>
    %dma_start3A_302 = arith.constant 0 : i32
    %dma_start3A_303 = arith.constant 0 : i32
    %dma_start3A_304 = tpu.memref_slice %arg4[%dma_start3A_302, %dma_start3A_303] : memref<10240x16xf32, #tpu.memory_space<hbm>> -> memref<10240x16xf32, #tpu.memory_space<hbm>>
    tpu.enqueue_indirect_dma source(%dma_start3A_304 : memref<10240x16xf32, #tpu.memory_space<hbm>>) target(%dma_start3A_298 : memref<64x16xf32, #tpu.memory_space<vmem>>) offsets(%dma_start3A_301 : memref<64xi32, #tpu.memory_space<vmem>>) semaphore(%arg19 : memref<!tpu.dma_semaphore, #tpu.memory_space<semaphore_mem>>)
    %dma_start3A_305 = arith.constant 0 : i32
    %dma_start3A_306 = arith.constant 0 : i32
    %dma_start3A_307 = arith.constant 0 : i32
    %dma_start3A_308 = arith.constant 0 : i32
    %dma_start3A_309 = tpu.memref_slice %arg15[%dma_start3A_306, %dma_start3A_307, %dma_start3A_308] : memref<2x64x128xf32, #tpu.memory_space<vmem>> -> memref<1x64x128xf32, #tpu.memory_space<vmem>>
    %dma_start3A_310 = tpu.memref_squeeze %dma_start3A_309 : memref<1x64x128xf32, #tpu.memory_space<vmem>> -> memref<64x128xf32, #tpu.memory_space<vmem>>
    %dma_start3A_311 = arith.constant 0 : i32
    %dma_start3A_312 = tpu.memref_slice %arg11[%dma_start3A_305, %dma_start3A_311] : memref<84x64xi32, #tpu.memory_space<vmem>> -> memref<1x64xi32, #tpu.memory_space<vmem>>
    %dma_start3A_313 = tpu.memref_squeeze %dma_start3A_312 : memref<1x64xi32, #tpu.memory_space<vmem>> -> memref<64xi32, #tpu.memory_space<vmem>>
    %dma_start3A_314 = arith.constant 0 : i32
    %dma_start3A_315 = arith.constant 0 : i32
    %dma_start3A_316 = tpu.memref_slice %arg6[%dma_start3A_314, %dma_start3A_315] : memref<10240x128xf32, #tpu.memory_space<hbm>> -> memref<10240x128xf32, #tpu.memory_space<hbm>>
    tpu.enqueue_indirect_dma source(%dma_start3A_316 : memref<10240x128xf32, #tpu.memory_space<hbm>>) target(%dma_start3A_310 : memref<64x128xf32, #tpu.memory_space<vmem>>) offsets(%dma_start3A_313 : memref<64xi32, #tpu.memory_space<vmem>>) semaphore(%arg19 : memref<!tpu.dma_semaphore, #tpu.memory_space<semaphore_mem>>)
    %scan3A = arith.constant 0 : i32
    %scan3A_317 = arith.constant 0 : i32
    %scan3A_318 = arith.constant 84 : i32
    %scan3A_319 = arith.addi %scan3A_317, %scan3A_318 : i32
    %scan3A_320 = arith.constant 1 : i32
    %scan3A_321 = scf.for %scan3A_355 = %scan3A_317 to %scan3A_319 step %scan3A_320 iter_args(%scan3A_356 = %scan3A) -> (i32)  : i32 {
      %and3A_357 = arith.constant 1 : i32
      %and3A_358 = arith.andi %scan3A_355, %and3A_357 : i32
      %dma_wait3A_359 = arith.constant 0 : i32
      %dma_wait3A_360 = arith.constant 0 : i32
      %dma_wait3A_361 = tpu.memref_slice %arg13[%and3A_358, %dma_wait3A_359, %dma_wait3A_360] : memref<2x64x16xf32, #tpu.memory_space<vmem>> -> memref<1x64x16xf32, #tpu.memory_space<vmem>>
      %dma_wait3A_362 = tpu.memref_squeeze %dma_wait3A_361 : memref<1x64x16xf32, #tpu.memory_space<vmem>> -> memref<64x16xf32, #tpu.memory_space<vmem>>
      %dma_wait3A_363 = arith.constant 0 : i32
      %dma_wait3A_364 = tpu.memref_slice %arg11[%scan3A_355, %dma_wait3A_363] : memref<84x64xi32, #tpu.memory_space<vmem>> -> memref<1x64xi32, #tpu.memory_space<vmem>>
      %dma_wait3A_365 = tpu.memref_squeeze %dma_wait3A_364 : memref<1x64xi32, #tpu.memory_space<vmem>> -> memref<64xi32, #tpu.memory_space<vmem>>
      %dma_wait3A_366 = arith.constant 0 : i32
      %dma_wait3A_367 = arith.constant 0 : i32
      %dma_wait3A_368 = tpu.memref_slice %arg4[%dma_wait3A_366, %dma_wait3A_367] : memref<10240x16xf32, #tpu.memory_space<hbm>> -> memref<10240x16xf32, #tpu.memory_space<hbm>>
      tpu.wait_indirect_dma semaphore(%arg19 : memref<!tpu.dma_semaphore, #tpu.memory_space<semaphore_mem>>) src(%dma_wait3A_368 : memref<10240x16xf32, #tpu.memory_space<hbm>>) dst(%dma_wait3A_362 : memref<64x16xf32, #tpu.memory_space<vmem>>)
      %dma_wait3A_369 = arith.constant 0 : i32
      %dma_wait3A_370 = arith.constant 0 : i32
      %dma_wait3A_371 = tpu.memref_slice %arg14[%and3A_358, %dma_wait3A_369, %dma_wait3A_370] : memref<2x64x16xf32, #tpu.memory_space<vmem>> -> memref<1x64x16xf32, #tpu.memory_space<vmem>>
      %dma_wait3A_372 = tpu.memref_squeeze %dma_wait3A_371 : memref<1x64x16xf32, #tpu.memory_space<vmem>> -> memref<64x16xf32, #tpu.memory_space<vmem>>
      %dma_wait3A_373 = arith.constant 0 : i32
      %dma_wait3A_374 = tpu.memref_slice %arg12[%scan3A_355, %dma_wait3A_373] : memref<84x64xi32, #tpu.memory_space<vmem>> -> memref<1x64xi32, #tpu.memory_space<vmem>>
      %dma_wait3A_375 = tpu.memref_squeeze %dma_wait3A_374 : memref<1x64xi32, #tpu.memory_space<vmem>> -> memref<64xi32, #tpu.memory_space<vmem>>
      %dma_wait3A_376 = arith.constant 0 : i32
      %dma_wait3A_377 = arith.constant 0 : i32
      %dma_wait3A_378 = tpu.memref_slice %arg4[%dma_wait3A_376, %dma_wait3A_377] : memref<10240x16xf32, #tpu.memory_space<hbm>> -> memref<10240x16xf32, #tpu.memory_space<hbm>>
      tpu.wait_indirect_dma semaphore(%arg19 : memref<!tpu.dma_semaphore, #tpu.memory_space<semaphore_mem>>) src(%dma_wait3A_378 : memref<10240x16xf32, #tpu.memory_space<hbm>>) dst(%dma_wait3A_372 : memref<64x16xf32, #tpu.memory_space<vmem>>)
      %dma_wait3A_379 = arith.constant 0 : i32
      %dma_wait3A_380 = arith.constant 0 : i32
      %dma_wait3A_381 = tpu.memref_slice %arg15[%and3A_358, %dma_wait3A_379, %dma_wait3A_380] : memref<2x64x128xf32, #tpu.memory_space<vmem>> -> memref<1x64x128xf32, #tpu.memory_space<vmem>>
      %dma_wait3A_382 = tpu.memref_squeeze %dma_wait3A_381 : memref<1x64x128xf32, #tpu.memory_space<vmem>> -> memref<64x128xf32, #tpu.memory_space<vmem>>
      %dma_wait3A_383 = arith.constant 0 : i32
      %dma_wait3A_384 = tpu.memref_slice %arg11[%scan3A_355, %dma_wait3A_383] : memref<84x64xi32, #tpu.memory_space<vmem>> -> memref<1x64xi32, #tpu.memory_space<vmem>>
      %dma_wait3A_385 = tpu.memref_squeeze %dma_wait3A_384 : memref<1x64xi32, #tpu.memory_space<vmem>> -> memref<64xi32, #tpu.memory_space<vmem>>
      %dma_wait3A_386 = arith.constant 0 : i32
      %dma_wait3A_387 = arith.constant 0 : i32
      %dma_wait3A_388 = tpu.memref_slice %arg6[%dma_wait3A_386, %dma_wait3A_387] : memref<10240x128xf32, #tpu.memory_space<hbm>> -> memref<10240x128xf32, #tpu.memory_space<hbm>>
      tpu.wait_indirect_dma semaphore(%arg19 : memref<!tpu.dma_semaphore, #tpu.memory_space<semaphore_mem>>) src(%dma_wait3A_388 : memref<10240x128xf32, #tpu.memory_space<hbm>>) dst(%dma_wait3A_382 : memref<64x128xf32, #tpu.memory_space<vmem>>)
      %gt3A = arith.constant 0 : i32
      %gt3A_389 = arith.cmpi sgt, %scan3A_355, %gt3A : i32
      %convert_element_type3A = arith.extui %gt3A_389 : i1 to i32
      %cond3A = arith.constant 0 : i32
      %cond3A_390 = arith.cmpi ne, %convert_element_type3A, %cond3A : i32
      scf.if %cond3A_390 {
        %sub3A_419 = arith.constant 1 : i32
        %sub3A_420 = arith.subi %scan3A_355, %sub3A_419 : i32
        %sub3A_421 = arith.constant 1 : i32
        %sub3A_422 = arith.subi %sub3A_421, %and3A_358 : i32
        %dma_wait3A_423 = arith.constant 0 : i32
        %dma_wait3A_424 = arith.constant 0 : i32
        %dma_wait3A_425 = tpu.memref_slice %arg13[%sub3A_422, %dma_wait3A_423, %dma_wait3A_424] : memref<2x64x16xf32, #tpu.memory_space<vmem>> -> memref<1x64x16xf32, #tpu.memory_space<vmem>>
        %dma_wait3A_426 = tpu.memref_squeeze %dma_wait3A_425 : memref<1x64x16xf32, #tpu.memory_space<vmem>> -> memref<64x16xf32, #tpu.memory_space<vmem>>
        %dma_wait3A_427 = arith.constant 0 : i32
        %dma_wait3A_428 = tpu.memref_slice %arg12[%sub3A_420, %dma_wait3A_427] : memref<84x64xi32, #tpu.memory_space<vmem>> -> memref<1x64xi32, #tpu.memory_space<vmem>>
        %dma_wait3A_429 = tpu.memref_squeeze %dma_wait3A_428 : memref<1x64xi32, #tpu.memory_space<vmem>> -> memref<64xi32, #tpu.memory_space<vmem>>
        %dma_wait3A_430 = arith.constant 0 : i32
        %dma_wait3A_431 = arith.constant 0 : i32
        %dma_wait3A_432 = tpu.memref_slice %arg17[%dma_wait3A_430, %dma_wait3A_431] : memref<10240x16xf32, #tpu.memory_space<vmem_shared>> -> memref<10240x16xf32, #tpu.memory_space<vmem_shared>>
        tpu.wait_indirect_dma semaphore(%arg20 : memref<!tpu.dma_semaphore, #tpu.memory_space<semaphore_mem>>) src(%dma_wait3A_426 : memref<64x16xf32, #tpu.memory_space<vmem>>) dst(%dma_wait3A_432 : memref<10240x16xf32, #tpu.memory_space<vmem_shared>>)
        %dma_wait3A_433 = arith.constant 0 : i32
        %dma_wait3A_434 = arith.constant 0 : i32
        %dma_wait3A_435 = tpu.memref_slice %arg15[%sub3A_422, %dma_wait3A_433, %dma_wait3A_434] : memref<2x64x128xf32, #tpu.memory_space<vmem>> -> memref<1x64x128xf32, #tpu.memory_space<vmem>>
        %dma_wait3A_436 = tpu.memref_squeeze %dma_wait3A_435 : memref<1x64x128xf32, #tpu.memory_space<vmem>> -> memref<64x128xf32, #tpu.memory_space<vmem>>
        %dma_wait3A_437 = arith.constant 0 : i32
        %dma_wait3A_438 = tpu.memref_slice %arg12[%sub3A_420, %dma_wait3A_437] : memref<84x64xi32, #tpu.memory_space<vmem>> -> memref<1x64xi32, #tpu.memory_space<vmem>>
        %dma_wait3A_439 = tpu.memref_squeeze %dma_wait3A_438 : memref<1x64xi32, #tpu.memory_space<vmem>> -> memref<64xi32, #tpu.memory_space<vmem>>
        %dma_wait3A_440 = arith.constant 0 : i32
        %dma_wait3A_441 = arith.constant 0 : i32
        %dma_wait3A_442 = tpu.memref_slice %arg18[%dma_wait3A_440, %dma_wait3A_441] : memref<10240x128xf32, #tpu.memory_space<vmem_shared>> -> memref<10240x128xf32, #tpu.memory_space<vmem_shared>>
        tpu.wait_indirect_dma semaphore(%arg20 : memref<!tpu.dma_semaphore, #tpu.memory_space<semaphore_mem>>) src(%dma_wait3A_436 : memref<64x128xf32, #tpu.memory_space<vmem>>) dst(%dma_wait3A_442 : memref<10240x128xf32, #tpu.memory_space<vmem_shared>>)
      } else {
      }
      %lt3A_391 = arith.constant 83 : i32
      %lt3A_392 = arith.cmpi slt, %scan3A_355, %lt3A_391 : i32
      %convert_element_type3A_393 = arith.extui %lt3A_392 : i1 to i32
      %cond3A_394 = arith.constant 0 : i32
      %cond3A_395 = arith.cmpi ne, %convert_element_type3A_393, %cond3A_394 : i32
      scf.if %cond3A_395 {
        %add3A_419 = arith.constant 1 : i32
        %add3A_420 = arith.addi %scan3A_355, %add3A_419 : i32
        %sub3A_421 = arith.constant 1 : i32
        %sub3A_422 = arith.subi %sub3A_421, %and3A_358 : i32
        %dma_start3A_423 = arith.constant 0 : i32
        %dma_start3A_424 = arith.constant 0 : i32
        %dma_start3A_425 = tpu.memref_slice %arg13[%sub3A_422, %dma_start3A_423, %dma_start3A_424] : memref<2x64x16xf32, #tpu.memory_space<vmem>> -> memref<1x64x16xf32, #tpu.memory_space<vmem>>
        %dma_start3A_426 = tpu.memref_squeeze %dma_start3A_425 : memref<1x64x16xf32, #tpu.memory_space<vmem>> -> memref<64x16xf32, #tpu.memory_space<vmem>>
        %dma_start3A_427 = arith.constant 0 : i32
        %dma_start3A_428 = tpu.memref_slice %arg11[%add3A_420, %dma_start3A_427] : memref<84x64xi32, #tpu.memory_space<vmem>> -> memref<1x64xi32, #tpu.memory_space<vmem>>
        %dma_start3A_429 = tpu.memref_squeeze %dma_start3A_428 : memref<1x64xi32, #tpu.memory_space<vmem>> -> memref<64xi32, #tpu.memory_space<vmem>>
        %dma_start3A_430 = arith.constant 0 : i32
        %dma_start3A_431 = arith.constant 0 : i32
        %dma_start3A_432 = tpu.memref_slice %arg4[%dma_start3A_430, %dma_start3A_431] : memref<10240x16xf32, #tpu.memory_space<hbm>> -> memref<10240x16xf32, #tpu.memory_space<hbm>>
        tpu.enqueue_indirect_dma source(%dma_start3A_432 : memref<10240x16xf32, #tpu.memory_space<hbm>>) target(%dma_start3A_426 : memref<64x16xf32, #tpu.memory_space<vmem>>) offsets(%dma_start3A_429 : memref<64xi32, #tpu.memory_space<vmem>>) semaphore(%arg19 : memref<!tpu.dma_semaphore, #tpu.memory_space<semaphore_mem>>)
        %dma_start3A_433 = arith.constant 0 : i32
        %dma_start3A_434 = arith.constant 0 : i32
        %dma_start3A_435 = tpu.memref_slice %arg14[%sub3A_422, %dma_start3A_433, %dma_start3A_434] : memref<2x64x16xf32, #tpu.memory_space<vmem>> -> memref<1x64x16xf32, #tpu.memory_space<vmem>>
        %dma_start3A_436 = tpu.memref_squeeze %dma_start3A_435 : memref<1x64x16xf32, #tpu.memory_space<vmem>> -> memref<64x16xf32, #tpu.memory_space<vmem>>
        %dma_start3A_437 = arith.constant 0 : i32
        %dma_start3A_438 = tpu.memref_slice %arg12[%add3A_420, %dma_start3A_437] : memref<84x64xi32, #tpu.memory_space<vmem>> -> memref<1x64xi32, #tpu.memory_space<vmem>>
        %dma_start3A_439 = tpu.memref_squeeze %dma_start3A_438 : memref<1x64xi32, #tpu.memory_space<vmem>> -> memref<64xi32, #tpu.memory_space<vmem>>
        %dma_start3A_440 = arith.constant 0 : i32
        %dma_start3A_441 = arith.constant 0 : i32
        %dma_start3A_442 = tpu.memref_slice %arg4[%dma_start3A_440, %dma_start3A_441] : memref<10240x16xf32, #tpu.memory_space<hbm>> -> memref<10240x16xf32, #tpu.memory_space<hbm>>
        tpu.enqueue_indirect_dma source(%dma_start3A_442 : memref<10240x16xf32, #tpu.memory_space<hbm>>) target(%dma_start3A_436 : memref<64x16xf32, #tpu.memory_space<vmem>>) offsets(%dma_start3A_439 : memref<64xi32, #tpu.memory_space<vmem>>) semaphore(%arg19 : memref<!tpu.dma_semaphore, #tpu.memory_space<semaphore_mem>>)
        %dma_start3A_443 = arith.constant 0 : i32
        %dma_start3A_444 = arith.constant 0 : i32
        %dma_start3A_445 = tpu.memref_slice %arg15[%sub3A_422, %dma_start3A_443, %dma_start3A_444] : memref<2x64x128xf32, #tpu.memory_space<vmem>> -> memref<1x64x128xf32, #tpu.memory_space<vmem>>
        %dma_start3A_446 = tpu.memref_squeeze %dma_start3A_445 : memref<1x64x128xf32, #tpu.memory_space<vmem>> -> memref<64x128xf32, #tpu.memory_space<vmem>>
        %dma_start3A_447 = arith.constant 0 : i32
        %dma_start3A_448 = tpu.memref_slice %arg11[%add3A_420, %dma_start3A_447] : memref<84x64xi32, #tpu.memory_space<vmem>> -> memref<1x64xi32, #tpu.memory_space<vmem>>
        %dma_start3A_449 = tpu.memref_squeeze %dma_start3A_448 : memref<1x64xi32, #tpu.memory_space<vmem>> -> memref<64xi32, #tpu.memory_space<vmem>>
        %dma_start3A_450 = arith.constant 0 : i32
        %dma_start3A_451 = arith.constant 0 : i32
        %dma_start3A_452 = tpu.memref_slice %arg6[%dma_start3A_450, %dma_start3A_451] : memref<10240x128xf32, #tpu.memory_space<hbm>> -> memref<10240x128xf32, #tpu.memory_space<hbm>>
        tpu.enqueue_indirect_dma source(%dma_start3A_452 : memref<10240x128xf32, #tpu.memory_space<hbm>>) target(%dma_start3A_446 : memref<64x128xf32, #tpu.memory_space<vmem>>) offsets(%dma_start3A_449 : memref<64xi32, #tpu.memory_space<vmem>>) semaphore(%arg19 : memref<!tpu.dma_semaphore, #tpu.memory_space<semaphore_mem>>)
      } else {
      }
      %parallel_loop3A = arith.constant 0 : i32
      %parallel_loop3A_396 = arith.constant 64 : i32
      %parallel_loop3A_397 = arith.constant 1 : i32
      scf.for %parallel_loop3A_419 = %parallel_loop3A to %parallel_loop3A_396 step %parallel_loop3A_397  : i32 {
        %parallel_loop3A_420 = arith.index_cast %and3A_358 : i32 to index
        %parallel_loop3A_421 = arith.index_cast %parallel_loop3A_419 : i32 to index
        %parallel_loop3A_422 = arith.constant 0 : index
        %parallel_loop3A_423 = tpu.vector_load %arg13[%parallel_loop3A_420, %parallel_loop3A_421, %parallel_loop3A_422] {strides = array<i32>} : memref<2x64x16xf32, #tpu.memory_space<vmem>>, vector<16xf32>,
        %parallel_loop3A_424 = arith.index_cast %and3A_358 : i32 to index
        %parallel_loop3A_425 = arith.index_cast %parallel_loop3A_419 : i32 to index
        %parallel_loop3A_426 = arith.constant 0 : index
        %parallel_loop3A_427 = tpu.vector_load %arg14[%parallel_loop3A_424, %parallel_loop3A_425, %parallel_loop3A_426] {strides = array<i32>} : memref<2x64x16xf32, #tpu.memory_space<vmem>>, vector<16xf32>,
        %parallel_loop3A_428 = arith.constant 0 : i32
        %parallel_loop3A_429 = vector.broadcast %parallel_loop3A_428 : i32 to vector<16xi32>
        %parallel_loop3A_430 = arith.cmpi slt, %and3A_14, %parallel_loop3A_429 : vector<16xi32>
        %parallel_loop3A_431 = arith.constant 16 : i32
        %parallel_loop3A_432 = vector.broadcast %parallel_loop3A_431 : i32 to vector<16xi32>
        %parallel_loop3A_433 = arith.addi %and3A_14, %parallel_loop3A_432 : vector<16xi32>
        %parallel_loop3A_434 = arith.select %parallel_loop3A_430, %parallel_loop3A_433, %and3A_14 : vector<16xi1>, vector<16xi32>
        %parallel_loop3A_435 = vector.shape_cast %parallel_loop3A_434 : vector<16xi32> to vector<16x1xi32>
        %parallel_loop3A_436 = vector.shape_cast %parallel_loop3A_435 : vector<16x1xi32> to vector<16xi32>
        %parallel_loop3A_437 = tpu.dynamic_gather %parallel_loop3A_423[%parallel_loop3A_436] in [0] : vector<16xf32>, vector<16xi32> -> vector<16xf32>
        %parallel_loop3A_438 = arith.constant 0 : i32
        %parallel_loop3A_439 = vector.broadcast %parallel_loop3A_438 : i32 to vector<16xi32>
        %parallel_loop3A_440 = arith.cmpi slt, %and3A_14, %parallel_loop3A_439 : vector<16xi32>
        %parallel_loop3A_441 = arith.constant 16 : i32
        %parallel_loop3A_442 = vector.broadcast %parallel_loop3A_441 : i32 to vector<16xi32>
        %parallel_loop3A_443 = arith.addi %and3A_14, %parallel_loop3A_442 : vector<16xi32>
        %parallel_loop3A_444 = arith.select %parallel_loop3A_440, %parallel_loop3A_443, %and3A_14 : vector<16xi1>, vector<16xi32>
        %parallel_loop3A_445 = vector.shape_cast %parallel_loop3A_444 : vector<16xi32> to vector<16x1xi32>
        %parallel_loop3A_446 = vector.shape_cast %parallel_loop3A_445 : vector<16x1xi32> to vector<16xi32>
        %parallel_loop3A_447 = tpu.dynamic_gather %parallel_loop3A_427[%parallel_loop3A_446] in [0] : vector<16xf32>, vector<16xi32> -> vector<16xf32>
        %parallel_loop3A_448 = arith.select %lt3A_16, %parallel_loop3A_423, %parallel_loop3A_437 : vector<16xi1>, vector<16xf32>
        %parallel_loop3A_449 = arith.select %lt3A_16, %parallel_loop3A_447, %parallel_loop3A_427 : vector<16xi1>, vector<16xf32>
        %parallel_loop3A_450 = arith.addf %parallel_loop3A_448, %parallel_loop3A_449 : vector<16xf32>
        %parallel_loop3A_451 = arith.constant 0.000000e+00 : f32
        %parallel_loop3A_452 = vector.broadcast %parallel_loop3A_451 : f32 to vector<16xf32>
        %parallel_loop3A_453 = arith.cmpf oge, %parallel_loop3A_450, %parallel_loop3A_452 : vector<16xf32>
        %parallel_loop3A_454 = arith.constant 2.000000e-01 : f32
        %parallel_loop3A_455 = vector.broadcast %parallel_loop3A_454 : f32 to vector<16xf32>
        %parallel_loop3A_456 = arith.mulf %parallel_loop3A_455, %parallel_loop3A_450 : vector<16xf32>
        %parallel_loop3A_457 = arith.select %parallel_loop3A_453, %parallel_loop3A_450, %parallel_loop3A_456 : vector<16xi1>, vector<16xf32>
        %parallel_loop3A_458 = arith.addf %parallel_loop3A_449, %get3A_9 : vector<16xf32>
        %parallel_loop3A_459 = arith.constant 0.000000e+00 : f32
        %parallel_loop3A_460 = vector.broadcast %parallel_loop3A_459 : f32 to vector<16xf32>
        %parallel_loop3A_461 = arith.cmpf oge, %parallel_loop3A_458, %parallel_loop3A_460 : vector<16xf32>
        %parallel_loop3A_462 = arith.constant 2.000000e-01 : f32
        %parallel_loop3A_463 = vector.broadcast %parallel_loop3A_462 : f32 to vector<16xf32>
        %parallel_loop3A_464 = arith.mulf %parallel_loop3A_463, %parallel_loop3A_458 : vector<16xf32>
        %parallel_loop3A_465 = arith.select %parallel_loop3A_461, %parallel_loop3A_458, %parallel_loop3A_464 : vector<16xi1>, vector<16xf32>
        %parallel_loop3A_466 = arith.subf %parallel_loop3A_457, %parallel_loop3A_465 : vector<16xf32>
        %parallel_loop3A_467 = math.exp %parallel_loop3A_466 : vector<16xf32>
        %parallel_loop3A_468 = arith.index_cast %and3A_358 : i32 to index
        %parallel_loop3A_469 = arith.index_cast %parallel_loop3A_419 : i32 to index
        %parallel_loop3A_470 = arith.constant 0 : index
        %parallel_loop3A_471 = tpu.vector_load %arg13[%parallel_loop3A_468, %parallel_loop3A_469, %parallel_loop3A_470] {strides = array<i32>} : memref<2x64x16xf32, #tpu.memory_space<vmem>>, vector<16xf32>,
        tpu.vector_store %arg13[%parallel_loop3A_468, %parallel_loop3A_469, %parallel_loop3A_470], %parallel_loop3A_467 {strides = array<i32>} : memref<2x64x16xf32, #tpu.memory_space<vmem>>, vector<16xf32>,
        %parallel_loop3A_472 = arith.constant 0 : i32
        %parallel_loop3A_473 = vector.broadcast %parallel_loop3A_472 : i32 to vector<16xi32>
        %parallel_loop3A_474 = arith.cmpi slt, %add3A_43, %parallel_loop3A_473 : vector<16xi32>
        %parallel_loop3A_475 = arith.constant 16 : i32
        %parallel_loop3A_476 = vector.broadcast %parallel_loop3A_475 : i32 to vector<16xi32>
        %parallel_loop3A_477 = arith.addi %add3A_43, %parallel_loop3A_476 : vector<16xi32>
        %parallel_loop3A_478 = arith.select %parallel_loop3A_474, %parallel_loop3A_477, %add3A_43 : vector<16xi1>, vector<16xi32>
        %parallel_loop3A_479 = vector.shape_cast %parallel_loop3A_478 : vector<16xi32> to vector<16x1xi32>
        %parallel_loop3A_480 = vector.shape_cast %parallel_loop3A_479 : vector<16x1xi32> to vector<16xi32>
        %parallel_loop3A_481 = tpu.dynamic_gather %parallel_loop3A_467[%parallel_loop3A_480] in [0] : vector<16xf32>, vector<16xi32> -> vector<16xf32>
        %parallel_loop3A_482 = arith.index_cast %and3A_358 : i32 to index
        %parallel_loop3A_483 = arith.index_cast %parallel_loop3A_419 : i32 to index
        %parallel_loop3A_484 = arith.constant 0 : index
        %parallel_loop3A_485 = tpu.vector_load %arg15[%parallel_loop3A_482, %parallel_loop3A_483, %parallel_loop3A_484] {strides = array<i32>} : memref<2x64x128xf32, #tpu.memory_space<vmem>>, vector<16xf32>,
        %parallel_loop3A_486 = arith.mulf %parallel_loop3A_485, %parallel_loop3A_481 : vector<16xf32>
        %parallel_loop3A_487 = arith.index_cast %and3A_358 : i32 to index
        %parallel_loop3A_488 = arith.index_cast %parallel_loop3A_419 : i32 to index
        %parallel_loop3A_489 = arith.constant 0 : index
        %parallel_loop3A_490 = tpu.vector_load %arg15[%parallel_loop3A_487, %parallel_loop3A_488, %parallel_loop3A_489] {strides = array<i32>} : memref<2x64x128xf32, #tpu.memory_space<vmem>>, vector<16xf32>,
        tpu.vector_store %arg15[%parallel_loop3A_487, %parallel_loop3A_488, %parallel_loop3A_489], %parallel_loop3A_486 {strides = array<i32>} : memref<2x64x128xf32, #tpu.memory_space<vmem>>, vector<16xf32>,
        %parallel_loop3A_491 = arith.constant 0 : i32
        %parallel_loop3A_492 = vector.broadcast %parallel_loop3A_491 : i32 to vector<16xi32>
        %parallel_loop3A_493 = arith.cmpi slt, %add3A_77, %parallel_loop3A_492 : vector<16xi32>
        %parallel_loop3A_494 = arith.constant 16 : i32
        %parallel_loop3A_495 = vector.broadcast %parallel_loop3A_494 : i32 to vector<16xi32>
        %parallel_loop3A_496 = arith.addi %add3A_77, %parallel_loop3A_495 : vector<16xi32>
        %parallel_loop3A_497 = arith.select %parallel_loop3A_493, %parallel_loop3A_496, %add3A_77 : vector<16xi1>, vector<16xi32>
        %parallel_loop3A_498 = vector.shape_cast %parallel_loop3A_497 : vector<16xi32> to vector<16x1xi32>
        %parallel_loop3A_499 = vector.shape_cast %parallel_loop3A_498 : vector<16x1xi32> to vector<16xi32>
        %parallel_loop3A_500 = tpu.dynamic_gather %parallel_loop3A_467[%parallel_loop3A_499] in [0] : vector<16xf32>, vector<16xi32> -> vector<16xf32>
        %parallel_loop3A_501 = arith.index_cast %and3A_358 : i32 to index
        %parallel_loop3A_502 = arith.index_cast %parallel_loop3A_419 : i32 to index
        %parallel_loop3A_503 = arith.constant 16 : index
        %parallel_loop3A_504 = tpu.vector_load %arg15[%parallel_loop3A_501, %parallel_loop3A_502, %parallel_loop3A_503] {strides = array<i32>} : memref<2x64x128xf32, #tpu.memory_space<vmem>>, vector<16xf32>,
        %parallel_loop3A_505 = arith.mulf %parallel_loop3A_504, %parallel_loop3A_500 : vector<16xf32>
        %parallel_loop3A_506 = arith.index_cast %and3A_358 : i32 to index
        %parallel_loop3A_507 = arith.index_cast %parallel_loop3A_419 : i32 to index
        %parallel_loop3A_508 = arith.constant 16 : index
        %parallel_loop3A_509 = tpu.vector_load %arg15[%parallel_loop3A_506, %parallel_loop3A_507, %parallel_loop3A_508] {strides = array<i32>} : memref<2x64x128xf32, #tpu.memory_space<vmem>>, vector<16xf32>,
        tpu.vector_store %arg15[%parallel_loop3A_506, %parallel_loop3A_507, %parallel_loop3A_508], %parallel_loop3A_505 {strides = array<i32>} : memref<2x64x128xf32, #tpu.memory_space<vmem>>, vector<16xf32>,
        %parallel_loop3A_510 = arith.constant 0 : i32
        %parallel_loop3A_511 = vector.broadcast %parallel_loop3A_510 : i32 to vector<16xi32>
        %parallel_loop3A_512 = arith.cmpi slt, %add3A_111, %parallel_loop3A_511 : vector<16xi32>
        %parallel_loop3A_513 = arith.constant 16 : i32
        %parallel_loop3A_514 = vector.broadcast %parallel_loop3A_513 : i32 to vector<16xi32>
        %parallel_loop3A_515 = arith.addi %add3A_111, %parallel_loop3A_514 : vector<16xi32>
        %parallel_loop3A_516 = arith.select %parallel_loop3A_512, %parallel_loop3A_515, %add3A_111 : vector<16xi1>, vector<16xi32>
        %parallel_loop3A_517 = vector.shape_cast %parallel_loop3A_516 : vector<16xi32> to vector<16x1xi32>
        %parallel_loop3A_518 = vector.shape_cast %parallel_loop3A_517 : vector<16x1xi32> to vector<16xi32>
        %parallel_loop3A_519 = tpu.dynamic_gather %parallel_loop3A_467[%parallel_loop3A_518] in [0] : vector<16xf32>, vector<16xi32> -> vector<16xf32>
        %parallel_loop3A_520 = arith.index_cast %and3A_358 : i32 to index
        %parallel_loop3A_521 = arith.index_cast %parallel_loop3A_419 : i32 to index
        %parallel_loop3A_522 = arith.constant 32 : index
        %parallel_loop3A_523 = tpu.vector_load %arg15[%parallel_loop3A_520, %parallel_loop3A_521, %parallel_loop3A_522] {strides = array<i32>} : memref<2x64x128xf32, #tpu.memory_space<vmem>>, vector<16xf32>,
        %parallel_loop3A_524 = arith.mulf %parallel_loop3A_523, %parallel_loop3A_519 : vector<16xf32>
        %parallel_loop3A_525 = arith.index_cast %and3A_358 : i32 to index
        %parallel_loop3A_526 = arith.index_cast %parallel_loop3A_419 : i32 to index
        %parallel_loop3A_527 = arith.constant 32 : index
        %parallel_loop3A_528 = tpu.vector_load %arg15[%parallel_loop3A_525, %parallel_loop3A_526, %parallel_loop3A_527] {strides = array<i32>} : memref<2x64x128xf32, #tpu.memory_space<vmem>>, vector<16xf32>,
        tpu.vector_store %arg15[%parallel_loop3A_525, %parallel_loop3A_526, %parallel_loop3A_527], %parallel_loop3A_524 {strides = array<i32>} : memref<2x64x128xf32, #tpu.memory_space<vmem>>, vector<16xf32>,
        %parallel_loop3A_529 = arith.constant 0 : i32
        %parallel_loop3A_530 = vector.broadcast %parallel_loop3A_529 : i32 to vector<16xi32>
        %parallel_loop3A_531 = arith.cmpi slt, %add3A_145, %parallel_loop3A_530 : vector<16xi32>
        %parallel_loop3A_532 = arith.constant 16 : i32
        %parallel_loop3A_533 = vector.broadcast %parallel_loop3A_532 : i32 to vector<16xi32>
        %parallel_loop3A_534 = arith.addi %add3A_145, %parallel_loop3A_533 : vector<16xi32>
        %parallel_loop3A_535 = arith.select %parallel_loop3A_531, %parallel_loop3A_534, %add3A_145 : vector<16xi1>, vector<16xi32>
        %parallel_loop3A_536 = vector.shape_cast %parallel_loop3A_535 : vector<16xi32> to vector<16x1xi32>
        %parallel_loop3A_537 = vector.shape_cast %parallel_loop3A_536 : vector<16x1xi32> to vector<16xi32>
        %parallel_loop3A_538 = tpu.dynamic_gather %parallel_loop3A_467[%parallel_loop3A_537] in [0] : vector<16xf32>, vector<16xi32> -> vector<16xf32>
        %parallel_loop3A_539 = arith.index_cast %and3A_358 : i32 to index
        %parallel_loop3A_540 = arith.index_cast %parallel_loop3A_419 : i32 to index
        %parallel_loop3A_541 = arith.constant 48 : index
        %parallel_loop3A_542 = tpu.vector_load %arg15[%parallel_loop3A_539, %parallel_loop3A_540, %parallel_loop3A_541] {strides = array<i32>} : memref<2x64x128xf32, #tpu.memory_space<vmem>>, vector<16xf32>,
        %parallel_loop3A_543 = arith.mulf %parallel_loop3A_542, %parallel_loop3A_538 : vector<16xf32>
        %parallel_loop3A_544 = arith.index_cast %and3A_358 : i32 to index
        %parallel_loop3A_545 = arith.index_cast %parallel_loop3A_419 : i32 to index
        %parallel_loop3A_546 = arith.constant 48 : index
        %parallel_loop3A_547 = tpu.vector_load %arg15[%parallel_loop3A_544, %parallel_loop3A_545, %parallel_loop3A_546] {strides = array<i32>} : memref<2x64x128xf32, #tpu.memory_space<vmem>>, vector<16xf32>,
        tpu.vector_store %arg15[%parallel_loop3A_544, %parallel_loop3A_545, %parallel_loop3A_546], %parallel_loop3A_543 {strides = array<i32>} : memref<2x64x128xf32, #tpu.memory_space<vmem>>, vector<16xf32>,
        %parallel_loop3A_548 = arith.constant 0 : i32
        %parallel_loop3A_549 = vector.broadcast %parallel_loop3A_548 : i32 to vector<16xi32>
        %parallel_loop3A_550 = arith.cmpi slt, %add3A_179, %parallel_loop3A_549 : vector<16xi32>
        %parallel_loop3A_551 = arith.constant 16 : i32
        %parallel_loop3A_552 = vector.broadcast %parallel_loop3A_551 : i32 to vector<16xi32>
        %parallel_loop3A_553 = arith.addi %add3A_179, %parallel_loop3A_552 : vector<16xi32>
        %parallel_loop3A_554 = arith.select %parallel_loop3A_550, %parallel_loop3A_553, %add3A_179 : vector<16xi1>, vector<16xi32>
        %parallel_loop3A_555 = vector.shape_cast %parallel_loop3A_554 : vector<16xi32> to vector<16x1xi32>
        %parallel_loop3A_556 = vector.shape_cast %parallel_loop3A_555 : vector<16x1xi32> to vector<16xi32>
        %parallel_loop3A_557 = tpu.dynamic_gather %parallel_loop3A_467[%parallel_loop3A_556] in [0] : vector<16xf32>, vector<16xi32> -> vector<16xf32>
        %parallel_loop3A_558 = arith.index_cast %and3A_358 : i32 to index
        %parallel_loop3A_559 = arith.index_cast %parallel_loop3A_419 : i32 to index
        %parallel_loop3A_560 = arith.constant 64 : index
        %parallel_loop3A_561 = tpu.vector_load %arg15[%parallel_loop3A_558, %parallel_loop3A_559, %parallel_loop3A_560] {strides = array<i32>} : memref<2x64x128xf32, #tpu.memory_space<vmem>>, vector<16xf32>,
        %parallel_loop3A_562 = arith.mulf %parallel_loop3A_561, %parallel_loop3A_557 : vector<16xf32>
        %parallel_loop3A_563 = arith.index_cast %and3A_358 : i32 to index
        %parallel_loop3A_564 = arith.index_cast %parallel_loop3A_419 : i32 to index
        %parallel_loop3A_565 = arith.constant 64 : index
        %parallel_loop3A_566 = tpu.vector_load %arg15[%parallel_loop3A_563, %parallel_loop3A_564, %parallel_loop3A_565] {strides = array<i32>} : memref<2x64x128xf32, #tpu.memory_space<vmem>>, vector<16xf32>,
        tpu.vector_store %arg15[%parallel_loop3A_563, %parallel_loop3A_564, %parallel_loop3A_565], %parallel_loop3A_562 {strides = array<i32>} : memref<2x64x128xf32, #tpu.memory_space<vmem>>, vector<16xf32>,
        %parallel_loop3A_567 = arith.constant 0 : i32
        %parallel_loop3A_568 = vector.broadcast %parallel_loop3A_567 : i32 to vector<16xi32>
        %parallel_loop3A_569 = arith.cmpi slt, %add3A_213, %parallel_loop3A_568 : vector<16xi32>
        %parallel_loop3A_570 = arith.constant 16 : i32
        %parallel_loop3A_571 = vector.broadcast %parallel_loop3A_570 : i32 to vector<16xi32>
        %parallel_loop3A_572 = arith.addi %add3A_213, %parallel_loop3A_571 : vector<16xi32>
        %parallel_loop3A_573 = arith.select %parallel_loop3A_569, %parallel_loop3A_572, %add3A_213 : vector<16xi1>, vector<16xi32>
        %parallel_loop3A_574 = vector.shape_cast %parallel_loop3A_573 : vector<16xi32> to vector<16x1xi32>
        %parallel_loop3A_575 = vector.shape_cast %parallel_loop3A_574 : vector<16x1xi32> to vector<16xi32>
        %parallel_loop3A_576 = tpu.dynamic_gather %parallel_loop3A_467[%parallel_loop3A_575] in [0] : vector<16xf32>, vector<16xi32> -> vector<16xf32>
        %parallel_loop3A_577 = arith.index_cast %and3A_358 : i32 to index
        %parallel_loop3A_578 = arith.index_cast %parallel_loop3A_419 : i32 to index
        %parallel_loop3A_579 = arith.constant 80 : index
        %parallel_loop3A_580 = tpu.vector_load %arg15[%parallel_loop3A_577, %parallel_loop3A_578, %parallel_loop3A_579] {strides = array<i32>} : memref<2x64x128xf32, #tpu.memory_space<vmem>>, vector<16xf32>,
        %parallel_loop3A_581 = arith.mulf %parallel_loop3A_580, %parallel_loop3A_576 : vector<16xf32>
        %parallel_loop3A_582 = arith.index_cast %and3A_358 : i32 to index
        %parallel_loop3A_583 = arith.index_cast %parallel_loop3A_419 : i32 to index
        %parallel_loop3A_584 = arith.constant 80 : index
        %parallel_loop3A_585 = tpu.vector_load %arg15[%parallel_loop3A_582, %parallel_loop3A_583, %parallel_loop3A_584] {strides = array<i32>} : memref<2x64x128xf32, #tpu.memory_space<vmem>>, vector<16xf32>,
        tpu.vector_store %arg15[%parallel_loop3A_582, %parallel_loop3A_583, %parallel_loop3A_584], %parallel_loop3A_581 {strides = array<i32>} : memref<2x64x128xf32, #tpu.memory_space<vmem>>, vector<16xf32>,
        %parallel_loop3A_586 = arith.constant 0 : i32
        %parallel_loop3A_587 = vector.broadcast %parallel_loop3A_586 : i32 to vector<16xi32>
        %parallel_loop3A_588 = arith.cmpi slt, %add3A_247, %parallel_loop3A_587 : vector<16xi32>
        %parallel_loop3A_589 = arith.constant 16 : i32
        %parallel_loop3A_590 = vector.broadcast %parallel_loop3A_589 : i32 to vector<16xi32>
        %parallel_loop3A_591 = arith.addi %add3A_247, %parallel_loop3A_590 : vector<16xi32>
        %parallel_loop3A_592 = arith.select %parallel_loop3A_588, %parallel_loop3A_591, %add3A_247 : vector<16xi1>, vector<16xi32>
        %parallel_loop3A_593 = vector.shape_cast %parallel_loop3A_592 : vector<16xi32> to vector<16x1xi32>
        %parallel_loop3A_594 = vector.shape_cast %parallel_loop3A_593 : vector<16x1xi32> to vector<16xi32>
        %parallel_loop3A_595 = tpu.dynamic_gather %parallel_loop3A_467[%parallel_loop3A_594] in [0] : vector<16xf32>, vector<16xi32> -> vector<16xf32>
        %parallel_loop3A_596 = arith.index_cast %and3A_358 : i32 to index
        %parallel_loop3A_597 = arith.index_cast %parallel_loop3A_419 : i32 to index
        %parallel_loop3A_598 = arith.constant 96 : index
        %parallel_loop3A_599 = tpu.vector_load %arg15[%parallel_loop3A_596, %parallel_loop3A_597, %parallel_loop3A_598] {strides = array<i32>} : memref<2x64x128xf32, #tpu.memory_space<vmem>>, vector<16xf32>,
        %parallel_loop3A_600 = arith.mulf %parallel_loop3A_599, %parallel_loop3A_595 : vector<16xf32>
        %parallel_loop3A_601 = arith.index_cast %and3A_358 : i32 to index
        %parallel_loop3A_602 = arith.index_cast %parallel_loop3A_419 : i32 to index
        %parallel_loop3A_603 = arith.constant 96 : index
        %parallel_loop3A_604 = tpu.vector_load %arg15[%parallel_loop3A_601, %parallel_loop3A_602, %parallel_loop3A_603] {strides = array<i32>} : memref<2x64x128xf32, #tpu.memory_space<vmem>>, vector<16xf32>,
        tpu.vector_store %arg15[%parallel_loop3A_601, %parallel_loop3A_602, %parallel_loop3A_603], %parallel_loop3A_600 {strides = array<i32>} : memref<2x64x128xf32, #tpu.memory_space<vmem>>, vector<16xf32>,
        %parallel_loop3A_605 = arith.constant 0 : i32
        %parallel_loop3A_606 = vector.broadcast %parallel_loop3A_605 : i32 to vector<16xi32>
        %parallel_loop3A_607 = arith.cmpi slt, %add3A_281, %parallel_loop3A_606 : vector<16xi32>
        %parallel_loop3A_608 = arith.constant 16 : i32
        %parallel_loop3A_609 = vector.broadcast %parallel_loop3A_608 : i32 to vector<16xi32>
        %parallel_loop3A_610 = arith.addi %add3A_281, %parallel_loop3A_609 : vector<16xi32>
        %parallel_loop3A_611 = arith.select %parallel_loop3A_607, %parallel_loop3A_610, %add3A_281 : vector<16xi1>, vector<16xi32>
        %parallel_loop3A_612 = vector.shape_cast %parallel_loop3A_611 : vector<16xi32> to vector<16x1xi32>
        %parallel_loop3A_613 = vector.shape_cast %parallel_loop3A_612 : vector<16x1xi32> to vector<16xi32>
        %parallel_loop3A_614 = tpu.dynamic_gather %parallel_loop3A_467[%parallel_loop3A_613] in [0] : vector<16xf32>, vector<16xi32> -> vector<16xf32>
        %parallel_loop3A_615 = arith.index_cast %and3A_358 : i32 to index
        %parallel_loop3A_616 = arith.index_cast %parallel_loop3A_419 : i32 to index
        %parallel_loop3A_617 = arith.constant 112 : index
        %parallel_loop3A_618 = tpu.vector_load %arg15[%parallel_loop3A_615, %parallel_loop3A_616, %parallel_loop3A_617] {strides = array<i32>} : memref<2x64x128xf32, #tpu.memory_space<vmem>>, vector<16xf32>,
        %parallel_loop3A_619 = arith.mulf %parallel_loop3A_618, %parallel_loop3A_614 : vector<16xf32>
        %parallel_loop3A_620 = arith.index_cast %and3A_358 : i32 to index
        %parallel_loop3A_621 = arith.index_cast %parallel_loop3A_419 : i32 to index
        %parallel_loop3A_622 = arith.constant 112 : index
        %parallel_loop3A_623 = tpu.vector_load %arg15[%parallel_loop3A_620, %parallel_loop3A_621, %parallel_loop3A_622] {strides = array<i32>} : memref<2x64x128xf32, #tpu.memory_space<vmem>>, vector<16xf32>,
        tpu.vector_store %arg15[%parallel_loop3A_620, %parallel_loop3A_621, %parallel_loop3A_622], %parallel_loop3A_619 {strides = array<i32>} : memref<2x64x128xf32, #tpu.memory_space<vmem>>, vector<16xf32>,
      } {sc.loop_unroll_factor = 16 : i64, sc.parallel_access}
      %dma_start3A_398 = arith.constant 0 : i32
      %dma_start3A_399 = arith.constant 0 : i32
      %dma_start3A_400 = tpu.memref_slice %arg13[%and3A_358, %dma_start3A_398, %dma_start3A_399] : memref<2x64x16xf32, #tpu.memory_space<vmem>> -> memref<1x64x16xf32, #tpu.memory_space<vmem>>
      %dma_start3A_401 = tpu.memref_squeeze %dma_start3A_400 : memref<1x64x16xf32, #tpu.memory_space<vmem>> -> memref<64x16xf32, #tpu.memory_space<vmem>>
      %dma_start3A_402 = arith.constant 0 : i32
      %dma_start3A_403 = tpu.memref_slice %arg12[%scan3A_355, %dma_start3A_402] : memref<84x64xi32, #tpu.memory_space<vmem>> -> memref<1x64xi32, #tpu.memory_space<vmem>>
      %dma_start3A_404 = tpu.memref_squeeze %dma_start3A_403 : memref<1x64xi32, #tpu.memory_space<vmem>> -> memref<64xi32, #tpu.memory_space<vmem>>
      %dma_start3A_405 = arith.constant 0 : i32
      %dma_start3A_406 = arith.constant 0 : i32
      %dma_start3A_407 = tpu.memref_slice %arg17[%dma_start3A_405, %dma_start3A_406] : memref<10240x16xf32, #tpu.memory_space<vmem_shared>> -> memref<10240x16xf32, #tpu.memory_space<vmem_shared>>
      tpu.enqueue_indirect_dma source(%dma_start3A_401 : memref<64x16xf32, #tpu.memory_space<vmem>>) target(%dma_start3A_407 : memref<10240x16xf32, #tpu.memory_space<vmem_shared>>) offsets(%dma_start3A_404 : memref<64xi32, #tpu.memory_space<vmem>>) semaphore(%arg20 : memref<!tpu.dma_semaphore, #tpu.memory_space<semaphore_mem>>) {add = true}
      %dma_start3A_408 = arith.constant 0 : i32
      %dma_start3A_409 = arith.constant 0 : i32
      %dma_start3A_410 = tpu.memref_slice %arg15[%and3A_358, %dma_start3A_408, %dma_start3A_409] : memref<2x64x128xf32, #tpu.memory_space<vmem>> -> memref<1x64x128xf32, #tpu.memory_space<vmem>>
      %dma_start3A_411 = tpu.memref_squeeze %dma_start3A_410 : memref<1x64x128xf32, #tpu.memory_space<vmem>> -> memref<64x128xf32, #tpu.memory_space<vmem>>
      %dma_start3A_412 = arith.constant 0 : i32
      %dma_start3A_413 = tpu.memref_slice %arg12[%scan3A_355, %dma_start3A_412] : memref<84x64xi32, #tpu.memory_space<vmem>> -> memref<1x64xi32, #tpu.memory_space<vmem>>
      %dma_start3A_414 = tpu.memref_squeeze %dma_start3A_413 : memref<1x64xi32, #tpu.memory_space<vmem>> -> memref<64xi32, #tpu.memory_space<vmem>>
      %dma_start3A_415 = arith.constant 0 : i32
      %dma_start3A_416 = arith.constant 0 : i32
      %dma_start3A_417 = tpu.memref_slice %arg18[%dma_start3A_415, %dma_start3A_416] : memref<10240x128xf32, #tpu.memory_space<vmem_shared>> -> memref<10240x128xf32, #tpu.memory_space<vmem_shared>>
      tpu.enqueue_indirect_dma source(%dma_start3A_411 : memref<64x128xf32, #tpu.memory_space<vmem>>) target(%dma_start3A_417 : memref<10240x128xf32, #tpu.memory_space<vmem_shared>>) offsets(%dma_start3A_414 : memref<64xi32, #tpu.memory_space<vmem>>) semaphore(%arg20 : memref<!tpu.dma_semaphore, #tpu.memory_space<semaphore_mem>>) {add = true}
      %scan3A_418 = arith.constant 0 : i32
      scf.yield %scan3A_418 : i32
    }
    %scan3A_322 = arith.constant 84 : i32
    %dma_wait3A = arith.constant 1 : i32
    %dma_wait3A_323 = arith.constant 83 : i32
    %dma_wait3A_324 = arith.constant 0 : i32
    %dma_wait3A_325 = arith.constant 0 : i32
    %dma_wait3A_326 = tpu.memref_slice %arg13[%dma_wait3A, %dma_wait3A_324, %dma_wait3A_325] : memref<2x64x16xf32, #tpu.memory_space<vmem>> -> memref<1x64x16xf32, #tpu.memory_space<vmem>>
    %dma_wait3A_327 = tpu.memref_squeeze %dma_wait3A_326 : memref<1x64x16xf32, #tpu.memory_space<vmem>> -> memref<64x16xf32, #tpu.memory_space<vmem>>
    %dma_wait3A_328 = arith.constant 0 : i32
    %dma_wait3A_329 = tpu.memref_slice %arg12[%dma_wait3A_323, %dma_wait3A_328] : memref<84x64xi32, #tpu.memory_space<vmem>> -> memref<1x64xi32, #tpu.memory_space<vmem>>
    %dma_wait3A_330 = tpu.memref_squeeze %dma_wait3A_329 : memref<1x64xi32, #tpu.memory_space<vmem>> -> memref<64xi32, #tpu.memory_space<vmem>>
    %dma_wait3A_331 = arith.constant 0 : i32
    %dma_wait3A_332 = arith.constant 0 : i32
    %dma_wait3A_333 = tpu.memref_slice %arg17[%dma_wait3A_331, %dma_wait3A_332] : memref<10240x16xf32, #tpu.memory_space<vmem_shared>> -> memref<10240x16xf32, #tpu.memory_space<vmem_shared>>
    tpu.wait_indirect_dma semaphore(%arg20 : memref<!tpu.dma_semaphore, #tpu.memory_space<semaphore_mem>>) src(%dma_wait3A_327 : memref<64x16xf32, #tpu.memory_space<vmem>>) dst(%dma_wait3A_333 : memref<10240x16xf32, #tpu.memory_space<vmem_shared>>)
    %dma_wait3A_334 = arith.constant 1 : i32
    %dma_wait3A_335 = arith.constant 83 : i32
    %dma_wait3A_336 = arith.constant 0 : i32
    %dma_wait3A_337 = arith.constant 0 : i32
    %dma_wait3A_338 = tpu.memref_slice %arg15[%dma_wait3A_334, %dma_wait3A_336, %dma_wait3A_337] : memref<2x64x128xf32, #tpu.memory_space<vmem>> -> memref<1x64x128xf32, #tpu.memory_space<vmem>>
    %dma_wait3A_339 = tpu.memref_squeeze %dma_wait3A_338 : memref<1x64x128xf32, #tpu.memory_space<vmem>> -> memref<64x128xf32, #tpu.memory_space<vmem>>
    %dma_wait3A_340 = arith.constant 0 : i32
    %dma_wait3A_341 = tpu.memref_slice %arg12[%dma_wait3A_335, %dma_wait3A_340] : memref<84x64xi32, #tpu.memory_space<vmem>> -> memref<1x64xi32, #tpu.memory_space<vmem>>
    %dma_wait3A_342 = tpu.memref_squeeze %dma_wait3A_341 : memref<1x64xi32, #tpu.memory_space<vmem>> -> memref<64xi32, #tpu.memory_space<vmem>>
    %dma_wait3A_343 = arith.constant 0 : i32
    %dma_wait3A_344 = arith.constant 0 : i32
    %dma_wait3A_345 = tpu.memref_slice %arg18[%dma_wait3A_343, %dma_wait3A_344] : memref<10240x128xf32, #tpu.memory_space<vmem_shared>> -> memref<10240x128xf32, #tpu.memory_space<vmem_shared>>
    tpu.wait_indirect_dma semaphore(%arg20 : memref<!tpu.dma_semaphore, #tpu.memory_space<semaphore_mem>>) src(%dma_wait3A_339 : memref<64x128xf32, #tpu.memory_space<vmem>>) dst(%dma_wait3A_345 : memref<10240x128xf32, #tpu.memory_space<vmem_shared>>)
    %barrier3A_346 = arith.constant 0 : index
    tpu.barrier barrier_id(%barrier3A_346)
    %mul3A_347 = arith.constant 640 : i32
    %mul3A_348 = arith.muli %arg1, %mul3A_347 : i32
    %mul3A_349 = arith.constant 640 : i32
    %mul3A_350 = arith.muli %arg1, %mul3A_349 : i32
    "tpu.region"() ({
      %run_scoped3A = tpu.sem_alloc : memref<!tpu.dma_semaphore, #tpu.memory_space<semaphore_mem>>
      %dma_start3A_355 = arith.constant 0 : i32
      %dma_start3A_356 = tpu.memref_slice %arg9[%arg0, %mul3A_350, %dma_start3A_355] : memref<2x10240x16xf32, #tpu.memory_space<hbm>> -> memref<1x640x16xf32, #tpu.memory_space<hbm>>
      %dma_start3A_357 = tpu.memref_squeeze %dma_start3A_356 : memref<1x640x16xf32, #tpu.memory_space<hbm>> -> memref<640x16xf32, #tpu.memory_space<hbm>>
      %dma_start3A_358 = arith.constant 0 : i32
      %dma_start3A_359 = tpu.memref_slice %arg17[%mul3A_348, %dma_start3A_358] : memref<10240x16xf32, #tpu.memory_space<vmem_shared>> -> memref<640x16xf32, #tpu.memory_space<vmem_shared>>
      tpu.enqueue_dma source(%dma_start3A_359 : memref<640x16xf32, #tpu.memory_space<vmem_shared>>) target(%dma_start3A_357 : memref<640x16xf32, #tpu.memory_space<hbm>>) target_semaphore(%run_scoped3A : memref<!tpu.dma_semaphore, #tpu.memory_space<semaphore_mem>>)
      %dma_wait3A_360 = arith.constant 0 : i32
      %dma_wait3A_361 = tpu.memref_slice %arg9[%arg0, %mul3A_350, %dma_wait3A_360] : memref<2x10240x16xf32, #tpu.memory_space<hbm>> -> memref<1x640x16xf32, #tpu.memory_space<hbm>>
      %dma_wait3A_362 = tpu.memref_squeeze %dma_wait3A_361 : memref<1x640x16xf32, #tpu.memory_space<hbm>> -> memref<640x16xf32, #tpu.memory_space<hbm>>
      %dma_wait3A_363 = arith.constant 0 : i32
      %dma_wait3A_364 = tpu.memref_slice %arg17[%mul3A_348, %dma_wait3A_363] : memref<10240x16xf32, #tpu.memory_space<vmem_shared>> -> memref<640x16xf32, #tpu.memory_space<vmem_shared>>
      tpu.wait_dma2 semaphore(%run_scoped3A : memref<!tpu.dma_semaphore, #tpu.memory_space<semaphore_mem>>) src(%dma_wait3A_364 : memref<640x16xf32, #tpu.memory_space<vmem_shared>>) dst(%dma_wait3A_362 : memref<640x16xf32, #tpu.memory_space<hbm>>)
      tpu.yield
    }) : () -> ()
    %mul3A_351 = arith.constant 640 : i32
    %mul3A_352 = arith.muli %arg1, %mul3A_351 : i32
    %mul3A_353 = arith.constant 640 : i32
    %mul3A_354 = arith.muli %arg1, %mul3A_353 : i32
    "tpu.region"() ({
      %run_scoped3A = tpu.sem_alloc : memref<!tpu.dma_semaphore, #tpu.memory_space<semaphore_mem>>
      %dma_start3A_355 = arith.constant 0 : i32
      %dma_start3A_356 = tpu.memref_slice %arg10[%arg0, %mul3A_354, %dma_start3A_355] : memref<2x10240x128xf32, #tpu.memory_space<hbm>> -> memref<1x640x128xf32, #tpu.memory_space<hbm>>
      %dma_start3A_357 = tpu.memref_squeeze %dma_start3A_356 : memref<1x640x128xf32, #tpu.memory_space<hbm>> -> memref<640x128xf32, #tpu.memory_space<hbm>>
      %dma_start3A_358 = arith.constant 0 : i32
      %dma_start3A_359 = tpu.memref_slice %arg18[%mul3A_352, %dma_start3A_358] : memref<10240x128xf32, #tpu.memory_space<vmem_shared>> -> memref<640x128xf32, #tpu.memory_space<vmem_shared>>
      tpu.enqueue_dma source(%dma_start3A_359 : memref<640x128xf32, #tpu.memory_space<vmem_shared>>) target(%dma_start3A_357 : memref<640x128xf32, #tpu.memory_space<hbm>>) target_semaphore(%run_scoped3A : memref<!tpu.dma_semaphore, #tpu.memory_space<semaphore_mem>>)
      %dma_wait3A_360 = arith.constant 0 : i32
      %dma_wait3A_361 = tpu.memref_slice %arg10[%arg0, %mul3A_354, %dma_wait3A_360] : memref<2x10240x128xf32, #tpu.memory_space<hbm>> -> memref<1x640x128xf32, #tpu.memory_space<hbm>>
      %dma_wait3A_362 = tpu.memref_squeeze %dma_wait3A_361 : memref<1x640x128xf32, #tpu.memory_space<hbm>> -> memref<640x128xf32, #tpu.memory_space<hbm>>
      %dma_wait3A_363 = arith.constant 0 : i32
      %dma_wait3A_364 = tpu.memref_slice %arg18[%mul3A_352, %dma_wait3A_363] : memref<10240x128xf32, #tpu.memory_space<vmem_shared>> -> memref<640x128xf32, #tpu.memory_space<vmem_shared>>
      tpu.wait_dma2 semaphore(%run_scoped3A : memref<!tpu.dma_semaphore, #tpu.memory_space<semaphore_mem>>) src(%dma_wait3A_364 : memref<640x128xf32, #tpu.memory_space<vmem_shared>>) dst(%dma_wait3A_362 : memref<640x128xf32, #tpu.memory_space<hbm>>)
      tpu.yield
    }) : () -> ()
    return
  }
}

#map = affine_map<(d0, d1) -> (0, 0, 0)>
#map1 = affine_map<(d0, d1) -> (0, 0)>
#map2 = affine_map<(d0, d1) -> (0)>
module attributes {stable_mosaic.version = 14 : i64} {
  func.func @_sc_layer(%arg0: i32, %arg1: i32, %arg2: memref<32x84x64xi32, #tpu.memory_space<hbm>>, %arg3: memref<32x84x64xi32, #tpu.memory_space<hbm>>, %arg4: memref<10240x16xf32, #tpu.memory_space<hbm>>, %arg5: memref<16xf32, #tpu.memory_space<hbm>>, %arg6: memref<10240x64xf32, #tpu.memory_space<hbm>>, %arg7: memref<10240x16xf32, #tpu.memory_space<hbm>>, %arg8: memref<10240x64xf32, #tpu.memory_space<hbm>>, %arg9: memref<2x10240x16xf32, #tpu.memory_space<hbm>>, %arg10: memref<2x10240x64xf32, #tpu.memory_space<hbm>>, %arg11: memref<84x64xi32, #tpu.memory_space<vmem>>, %arg12: memref<84x64xi32, #tpu.memory_space<vmem>>, %arg13: memref<2x64x16xf32, #tpu.memory_space<vmem>>, %arg14: memref<2x64x16xf32, #tpu.memory_space<vmem>>, %arg15: memref<2x64x64xf32, #tpu.memory_space<vmem>>, %arg16: memref<16xf32, #tpu.memory_space<vmem>>, %arg17: memref<10240x16xf32, #tpu.memory_space<vmem_shared>>, %arg18: memref<10240x64xf32, #tpu.memory_space<vmem_shared>>, %arg19: memref<!tpu.dma_semaphore, #tpu.memory_space<semaphore_mem>>, %arg20: memref<!tpu.dma_semaphore, #tpu.memory_space<semaphore_mem>>) attributes {dimension_semantics = [#tpu.dimension_semantics<core_parallel>, #tpu.dimension_semantics<subcore_parallel>], iteration_bounds = array<i64: 2, 16>, scalar_prefetch = 0 : i64, scratch_operands = 10 : i64, tpu.core_type = #tpu.core_type<sc_vector_subcore>, window_params = [{transform_indices = #map}, {transform_indices = #map}, {transform_indices = #map1}, {transform_indices = #map2}, {transform_indices = #map1}, {transform_indices = #map1}, {transform_indices = #map1}, {transform_indices = #map}, {transform_indices = #map}]} {
    %mul3A = arith.constant 2 : i32
    %mul3A_0 = arith.muli %arg1, %mul3A : i32
    %add3A = arith.addi %mul3A_0, %arg0 : i32
    %mul3A_1 = arith.constant 640 : i32
    %mul3A_2 = arith.muli %arg1, %mul3A_1 : i32
    %mul3A_3 = arith.constant 640 : i32
    %mul3A_4 = arith.muli %arg1, %mul3A_3 : i32
    "tpu.region"() ({
      %run_scoped3A = tpu.sem_alloc : memref<!tpu.dma_semaphore, #tpu.memory_space<semaphore_mem>>
      %dma_start3A_219 = arith.constant 0 : i32
      %dma_start3A_220 = tpu.memref_slice %arg17[%mul3A_4, %dma_start3A_219] : memref<10240x16xf32, #tpu.memory_space<vmem_shared>> -> memref<640x16xf32, #tpu.memory_space<vmem_shared>>
      %dma_start3A_221 = arith.constant 0 : i32
      %dma_start3A_222 = tpu.memref_slice %arg7[%mul3A_2, %dma_start3A_221] : memref<10240x16xf32, #tpu.memory_space<hbm>> -> memref<640x16xf32, #tpu.memory_space<hbm>>
      tpu.enqueue_dma source(%dma_start3A_222 : memref<640x16xf32, #tpu.memory_space<hbm>>) target(%dma_start3A_220 : memref<640x16xf32, #tpu.memory_space<vmem_shared>>) target_semaphore(%run_scoped3A : memref<!tpu.dma_semaphore, #tpu.memory_space<semaphore_mem>>)
      %dma_wait3A_223 = arith.constant 0 : i32
      %dma_wait3A_224 = tpu.memref_slice %arg17[%mul3A_4, %dma_wait3A_223] : memref<10240x16xf32, #tpu.memory_space<vmem_shared>> -> memref<640x16xf32, #tpu.memory_space<vmem_shared>>
      %dma_wait3A_225 = arith.constant 0 : i32
      %dma_wait3A_226 = tpu.memref_slice %arg7[%mul3A_2, %dma_wait3A_225] : memref<10240x16xf32, #tpu.memory_space<hbm>> -> memref<640x16xf32, #tpu.memory_space<hbm>>
      tpu.wait_dma2 semaphore(%run_scoped3A : memref<!tpu.dma_semaphore, #tpu.memory_space<semaphore_mem>>) src(%dma_wait3A_226 : memref<640x16xf32, #tpu.memory_space<hbm>>) dst(%dma_wait3A_224 : memref<640x16xf32, #tpu.memory_space<vmem_shared>>)
      tpu.yield
    }) : () -> ()
    %mul3A_5 = arith.constant 640 : i32
    %mul3A_6 = arith.muli %arg1, %mul3A_5 : i32
    %mul3A_7 = arith.constant 640 : i32
    %mul3A_8 = arith.muli %arg1, %mul3A_7 : i32
    "tpu.region"() ({
      %run_scoped3A = tpu.sem_alloc : memref<!tpu.dma_semaphore, #tpu.memory_space<semaphore_mem>>
      %dma_start3A_219 = arith.constant 0 : i32
      %dma_start3A_220 = tpu.memref_slice %arg18[%mul3A_8, %dma_start3A_219] : memref<10240x64xf32, #tpu.memory_space<vmem_shared>> -> memref<640x64xf32, #tpu.memory_space<vmem_shared>>
      %dma_start3A_221 = arith.constant 0 : i32
      %dma_start3A_222 = tpu.memref_slice %arg8[%mul3A_6, %dma_start3A_221] : memref<10240x64xf32, #tpu.memory_space<hbm>> -> memref<640x64xf32, #tpu.memory_space<hbm>>
      tpu.enqueue_dma source(%dma_start3A_222 : memref<640x64xf32, #tpu.memory_space<hbm>>) target(%dma_start3A_220 : memref<640x64xf32, #tpu.memory_space<vmem_shared>>) target_semaphore(%run_scoped3A : memref<!tpu.dma_semaphore, #tpu.memory_space<semaphore_mem>>)
      %dma_wait3A_223 = arith.constant 0 : i32
      %dma_wait3A_224 = tpu.memref_slice %arg18[%mul3A_8, %dma_wait3A_223] : memref<10240x64xf32, #tpu.memory_space<vmem_shared>> -> memref<640x64xf32, #tpu.memory_space<vmem_shared>>
      %dma_wait3A_225 = arith.constant 0 : i32
      %dma_wait3A_226 = tpu.memref_slice %arg8[%mul3A_6, %dma_wait3A_225] : memref<10240x64xf32, #tpu.memory_space<hbm>> -> memref<640x64xf32, #tpu.memory_space<hbm>>
      tpu.wait_dma2 semaphore(%run_scoped3A : memref<!tpu.dma_semaphore, #tpu.memory_space<semaphore_mem>>) src(%dma_wait3A_226 : memref<640x64xf32, #tpu.memory_space<hbm>>) dst(%dma_wait3A_224 : memref<640x64xf32, #tpu.memory_space<vmem_shared>>)
      tpu.yield
    }) : () -> ()
    "tpu.region"() ({
      %run_scoped3A = tpu.sem_alloc : memref<!tpu.dma_semaphore, #tpu.memory_space<semaphore_mem>>
      %dma_start3A_219 = arith.constant 0 : i32
      %dma_start3A_220 = arith.constant 0 : i32
      %dma_start3A_221 = tpu.memref_slice %arg2[%add3A, %dma_start3A_219, %dma_start3A_220] : memref<32x84x64xi32, #tpu.memory_space<hbm>> -> memref<1x84x64xi32, #tpu.memory_space<hbm>>
      %dma_start3A_222 = tpu.memref_squeeze %dma_start3A_221 : memref<1x84x64xi32, #tpu.memory_space<hbm>> -> memref<84x64xi32, #tpu.memory_space<hbm>>
      %dma_start3A_223 = arith.constant 0 : i32
      %dma_start3A_224 = arith.constant 0 : i32
      %dma_start3A_225 = tpu.memref_slice %arg2[%add3A, %dma_start3A_223, %dma_start3A_224] : memref<32x84x64xi32, #tpu.memory_space<hbm>> -> memref<1x84x64xi32, #tpu.memory_space<hbm>>
      %dma_start3A_226 = tpu.memref_squeeze %dma_start3A_225 : memref<1x84x64xi32, #tpu.memory_space<hbm>> -> memref<84x64xi32, #tpu.memory_space<hbm>>
      tpu.enqueue_dma source(%dma_start3A_226 : memref<84x64xi32, #tpu.memory_space<hbm>>) target(%arg11 : memref<84x64xi32, #tpu.memory_space<vmem>>) target_semaphore(%run_scoped3A : memref<!tpu.dma_semaphore, #tpu.memory_space<semaphore_mem>>)
      %dma_wait3A_227 = arith.constant 0 : i32
      %dma_wait3A_228 = arith.constant 0 : i32
      %dma_wait3A_229 = tpu.memref_slice %arg2[%add3A, %dma_wait3A_227, %dma_wait3A_228] : memref<32x84x64xi32, #tpu.memory_space<hbm>> -> memref<1x84x64xi32, #tpu.memory_space<hbm>>
      %dma_wait3A_230 = tpu.memref_squeeze %dma_wait3A_229 : memref<1x84x64xi32, #tpu.memory_space<hbm>> -> memref<84x64xi32, #tpu.memory_space<hbm>>
      %dma_wait3A_231 = arith.constant 0 : i32
      %dma_wait3A_232 = arith.constant 0 : i32
      %dma_wait3A_233 = tpu.memref_slice %arg2[%add3A, %dma_wait3A_231, %dma_wait3A_232] : memref<32x84x64xi32, #tpu.memory_space<hbm>> -> memref<1x84x64xi32, #tpu.memory_space<hbm>>
      %dma_wait3A_234 = tpu.memref_squeeze %dma_wait3A_233 : memref<1x84x64xi32, #tpu.memory_space<hbm>> -> memref<84x64xi32, #tpu.memory_space<hbm>>
      tpu.wait_dma2 semaphore(%run_scoped3A : memref<!tpu.dma_semaphore, #tpu.memory_space<semaphore_mem>>) src(%dma_wait3A_234 : memref<84x64xi32, #tpu.memory_space<hbm>>) dst(%arg11 : memref<84x64xi32, #tpu.memory_space<vmem>>)
      tpu.yield
    }) : () -> ()
    "tpu.region"() ({
      %run_scoped3A = tpu.sem_alloc : memref<!tpu.dma_semaphore, #tpu.memory_space<semaphore_mem>>
      %dma_start3A_219 = arith.constant 0 : i32
      %dma_start3A_220 = arith.constant 0 : i32
      %dma_start3A_221 = tpu.memref_slice %arg3[%add3A, %dma_start3A_219, %dma_start3A_220] : memref<32x84x64xi32, #tpu.memory_space<hbm>> -> memref<1x84x64xi32, #tpu.memory_space<hbm>>
      %dma_start3A_222 = tpu.memref_squeeze %dma_start3A_221 : memref<1x84x64xi32, #tpu.memory_space<hbm>> -> memref<84x64xi32, #tpu.memory_space<hbm>>
      %dma_start3A_223 = arith.constant 0 : i32
      %dma_start3A_224 = arith.constant 0 : i32
      %dma_start3A_225 = tpu.memref_slice %arg3[%add3A, %dma_start3A_223, %dma_start3A_224] : memref<32x84x64xi32, #tpu.memory_space<hbm>> -> memref<1x84x64xi32, #tpu.memory_space<hbm>>
      %dma_start3A_226 = tpu.memref_squeeze %dma_start3A_225 : memref<1x84x64xi32, #tpu.memory_space<hbm>> -> memref<84x64xi32, #tpu.memory_space<hbm>>
      tpu.enqueue_dma source(%dma_start3A_226 : memref<84x64xi32, #tpu.memory_space<hbm>>) target(%arg12 : memref<84x64xi32, #tpu.memory_space<vmem>>) target_semaphore(%run_scoped3A : memref<!tpu.dma_semaphore, #tpu.memory_space<semaphore_mem>>)
      %dma_wait3A_227 = arith.constant 0 : i32
      %dma_wait3A_228 = arith.constant 0 : i32
      %dma_wait3A_229 = tpu.memref_slice %arg3[%add3A, %dma_wait3A_227, %dma_wait3A_228] : memref<32x84x64xi32, #tpu.memory_space<hbm>> -> memref<1x84x64xi32, #tpu.memory_space<hbm>>
      %dma_wait3A_230 = tpu.memref_squeeze %dma_wait3A_229 : memref<1x84x64xi32, #tpu.memory_space<hbm>> -> memref<84x64xi32, #tpu.memory_space<hbm>>
      %dma_wait3A_231 = arith.constant 0 : i32
      %dma_wait3A_232 = arith.constant 0 : i32
      %dma_wait3A_233 = tpu.memref_slice %arg3[%add3A, %dma_wait3A_231, %dma_wait3A_232] : memref<32x84x64xi32, #tpu.memory_space<hbm>> -> memref<1x84x64xi32, #tpu.memory_space<hbm>>
      %dma_wait3A_234 = tpu.memref_squeeze %dma_wait3A_233 : memref<1x84x64xi32, #tpu.memory_space<hbm>> -> memref<84x64xi32, #tpu.memory_space<hbm>>
      tpu.wait_dma2 semaphore(%run_scoped3A : memref<!tpu.dma_semaphore, #tpu.memory_space<semaphore_mem>>) src(%dma_wait3A_234 : memref<84x64xi32, #tpu.memory_space<hbm>>) dst(%arg12 : memref<84x64xi32, #tpu.memory_space<vmem>>)
      tpu.yield
    }) : () -> ()
    "tpu.region"() ({
      %run_scoped3A = tpu.sem_alloc : memref<!tpu.dma_semaphore, #tpu.memory_space<semaphore_mem>>
      tpu.enqueue_dma source(%arg5 : memref<16xf32, #tpu.memory_space<hbm>>) target(%arg16 : memref<16xf32, #tpu.memory_space<vmem>>) target_semaphore(%run_scoped3A : memref<!tpu.dma_semaphore, #tpu.memory_space<semaphore_mem>>)
      tpu.wait_dma2 semaphore(%run_scoped3A : memref<!tpu.dma_semaphore, #tpu.memory_space<semaphore_mem>>) src(%arg5 : memref<16xf32, #tpu.memory_space<hbm>>) dst(%arg16 : memref<16xf32, #tpu.memory_space<vmem>>)
      tpu.yield
    }) : () -> ()
    %barrier3A = arith.constant 0 : index
    tpu.barrier barrier_id(%barrier3A)
    %get3A = arith.constant 0 : index
    %get3A_9 = tpu.vector_load %arg16[%get3A] {strides = array<i32>} : memref<16xf32, #tpu.memory_space<vmem>>, vector<16xf32>,
    %iota3A = tpu.iota {dimensions = array<i32: 0>} : vector<16xi32>
    %add3A_10 = arith.constant 8 : i32
    %add3A_11 = vector.broadcast %add3A_10 : i32 to vector<16xi32>
    %add3A_12 = arith.addi %iota3A, %add3A_11 : vector<16xi32>
    %and3A = arith.constant 15 : i32
    %and3A_13 = vector.broadcast %and3A : i32 to vector<16xi32>
    %and3A_14 = arith.andi %add3A_12, %and3A_13 : vector<16xi32>
    %lt3A = arith.constant 8 : i32
    %lt3A_15 = vector.broadcast %lt3A : i32 to vector<16xi32>
    %lt3A_16 = arith.cmpi slt, %iota3A, %lt3A_15 : vector<16xi32>
    %jit3A = arith.constant 8 : i32
    %div3A = vector.broadcast %jit3A : i32 to vector<16xi32>
    %div3A_17 = arith.divsi %iota3A, %div3A : vector<16xi32>
    %sign3A = arith.constant 0 : i32
    %sign3A_18 = vector.broadcast %sign3A : i32 to vector<16xi32>
    %sign3A_19 = arith.cmpi sgt, %iota3A, %sign3A_18 : vector<16xi32>
    %sign3A_20 = arith.extui %sign3A_19 : vector<16xi1> to vector<16xi32>
    %sign3A_21 = arith.constant 0 : i32
    %sign3A_22 = vector.broadcast %sign3A_21 : i32 to vector<16xi32>
    %sign3A_23 = arith.cmpi slt, %iota3A, %sign3A_22 : vector<16xi32>
    %sign3A_24 = arith.extui %sign3A_23 : vector<16xi1> to vector<16xi32>
    %sign3A_25 = arith.subi %sign3A_20, %sign3A_24 : vector<16xi32>
    %sign3A_26 = arith.constant 0 : i32
    %sign3A_27 = arith.cmpi sgt, %jit3A, %sign3A_26 : i32
    %sign3A_28 = arith.extui %sign3A_27 : i1 to i32
    %sign3A_29 = arith.constant 0 : i32
    %sign3A_30 = arith.cmpi slt, %jit3A, %sign3A_29 : i32
    %sign3A_31 = arith.extui %sign3A_30 : i1 to i32
    %sign3A_32 = arith.subi %sign3A_28, %sign3A_31 : i32
    %ne3A = vector.broadcast %sign3A_32 : i32 to vector<16xi32>
    %ne3A_33 = arith.cmpi ne, %sign3A_25, %ne3A : vector<16xi32>
    %rem3A = vector.broadcast %jit3A : i32 to vector<16xi32>
    %rem3A_34 = arith.remsi %iota3A, %rem3A : vector<16xi32>
    %ne3A_35 = arith.constant 0 : i32
    %ne3A_36 = vector.broadcast %ne3A_35 : i32 to vector<16xi32>
    %ne3A_37 = arith.cmpi ne, %rem3A_34, %ne3A_36 : vector<16xi32>
    %and3A_38 = arith.andi %ne3A_33, %ne3A_37 : vector<16xi1>
    %sub3A = arith.constant 1 : i32
    %sub3A_39 = vector.broadcast %sub3A : i32 to vector<16xi32>
    %sub3A_40 = arith.subi %div3A_17, %sub3A_39 : vector<16xi32>
    %select_n3A = arith.select %and3A_38, %sub3A_40, %div3A_17 : vector<16xi1>, vector<16xi32>
    %add3A_41 = arith.constant 0 : i32
    %add3A_42 = vector.broadcast %add3A_41 : i32 to vector<16xi32>
    %add3A_43 = arith.addi %add3A_42, %select_n3A : vector<16xi32>
    %jit3A_44 = arith.constant 8 : i32
    %div3A_45 = vector.broadcast %jit3A_44 : i32 to vector<16xi32>
    %div3A_46 = arith.divsi %iota3A, %div3A_45 : vector<16xi32>
    %sign3A_47 = arith.constant 0 : i32
    %sign3A_48 = vector.broadcast %sign3A_47 : i32 to vector<16xi32>
    %sign3A_49 = arith.cmpi sgt, %iota3A, %sign3A_48 : vector<16xi32>
    %sign3A_50 = arith.extui %sign3A_49 : vector<16xi1> to vector<16xi32>
    %sign3A_51 = arith.constant 0 : i32
    %sign3A_52 = vector.broadcast %sign3A_51 : i32 to vector<16xi32>
    %sign3A_53 = arith.cmpi slt, %iota3A, %sign3A_52 : vector<16xi32>
    %sign3A_54 = arith.extui %sign3A_53 : vector<16xi1> to vector<16xi32>
    %sign3A_55 = arith.subi %sign3A_50, %sign3A_54 : vector<16xi32>
    %sign3A_56 = arith.constant 0 : i32
    %sign3A_57 = arith.cmpi sgt, %jit3A_44, %sign3A_56 : i32
    %sign3A_58 = arith.extui %sign3A_57 : i1 to i32
    %sign3A_59 = arith.constant 0 : i32
    %sign3A_60 = arith.cmpi slt, %jit3A_44, %sign3A_59 : i32
    %sign3A_61 = arith.extui %sign3A_60 : i1 to i32
    %sign3A_62 = arith.subi %sign3A_58, %sign3A_61 : i32
    %ne3A_63 = vector.broadcast %sign3A_62 : i32 to vector<16xi32>
    %ne3A_64 = arith.cmpi ne, %sign3A_55, %ne3A_63 : vector<16xi32>
    %rem3A_65 = vector.broadcast %jit3A_44 : i32 to vector<16xi32>
    %rem3A_66 = arith.remsi %iota3A, %rem3A_65 : vector<16xi32>
    %ne3A_67 = arith.constant 0 : i32
    %ne3A_68 = vector.broadcast %ne3A_67 : i32 to vector<16xi32>
    %ne3A_69 = arith.cmpi ne, %rem3A_66, %ne3A_68 : vector<16xi32>
    %and3A_70 = arith.andi %ne3A_64, %ne3A_69 : vector<16xi1>
    %sub3A_71 = arith.constant 1 : i32
    %sub3A_72 = vector.broadcast %sub3A_71 : i32 to vector<16xi32>
    %sub3A_73 = arith.subi %div3A_46, %sub3A_72 : vector<16xi32>
    %select_n3A_74 = arith.select %and3A_70, %sub3A_73, %div3A_46 : vector<16xi1>, vector<16xi32>
    %add3A_75 = arith.constant 2 : i32
    %add3A_76 = vector.broadcast %add3A_75 : i32 to vector<16xi32>
    %add3A_77 = arith.addi %add3A_76, %select_n3A_74 : vector<16xi32>
    %jit3A_78 = arith.constant 8 : i32
    %div3A_79 = vector.broadcast %jit3A_78 : i32 to vector<16xi32>
    %div3A_80 = arith.divsi %iota3A, %div3A_79 : vector<16xi32>
    %sign3A_81 = arith.constant 0 : i32
    %sign3A_82 = vector.broadcast %sign3A_81 : i32 to vector<16xi32>
    %sign3A_83 = arith.cmpi sgt, %iota3A, %sign3A_82 : vector<16xi32>
    %sign3A_84 = arith.extui %sign3A_83 : vector<16xi1> to vector<16xi32>
    %sign3A_85 = arith.constant 0 : i32
    %sign3A_86 = vector.broadcast %sign3A_85 : i32 to vector<16xi32>
    %sign3A_87 = arith.cmpi slt, %iota3A, %sign3A_86 : vector<16xi32>
    %sign3A_88 = arith.extui %sign3A_87 : vector<16xi1> to vector<16xi32>
    %sign3A_89 = arith.subi %sign3A_84, %sign3A_88 : vector<16xi32>
    %sign3A_90 = arith.constant 0 : i32
    %sign3A_91 = arith.cmpi sgt, %jit3A_78, %sign3A_90 : i32
    %sign3A_92 = arith.extui %sign3A_91 : i1 to i32
    %sign3A_93 = arith.constant 0 : i32
    %sign3A_94 = arith.cmpi slt, %jit3A_78, %sign3A_93 : i32
    %sign3A_95 = arith.extui %sign3A_94 : i1 to i32
    %sign3A_96 = arith.subi %sign3A_92, %sign3A_95 : i32
    %ne3A_97 = vector.broadcast %sign3A_96 : i32 to vector<16xi32>
    %ne3A_98 = arith.cmpi ne, %sign3A_89, %ne3A_97 : vector<16xi32>
    %rem3A_99 = vector.broadcast %jit3A_78 : i32 to vector<16xi32>
    %rem3A_100 = arith.remsi %iota3A, %rem3A_99 : vector<16xi32>
    %ne3A_101 = arith.constant 0 : i32
    %ne3A_102 = vector.broadcast %ne3A_101 : i32 to vector<16xi32>
    %ne3A_103 = arith.cmpi ne, %rem3A_100, %ne3A_102 : vector<16xi32>
    %and3A_104 = arith.andi %ne3A_98, %ne3A_103 : vector<16xi1>
    %sub3A_105 = arith.constant 1 : i32
    %sub3A_106 = vector.broadcast %sub3A_105 : i32 to vector<16xi32>
    %sub3A_107 = arith.subi %div3A_80, %sub3A_106 : vector<16xi32>
    %select_n3A_108 = arith.select %and3A_104, %sub3A_107, %div3A_80 : vector<16xi1>, vector<16xi32>
    %add3A_109 = arith.constant 4 : i32
    %add3A_110 = vector.broadcast %add3A_109 : i32 to vector<16xi32>
    %add3A_111 = arith.addi %add3A_110, %select_n3A_108 : vector<16xi32>
    %jit3A_112 = arith.constant 8 : i32
    %div3A_113 = vector.broadcast %jit3A_112 : i32 to vector<16xi32>
    %div3A_114 = arith.divsi %iota3A, %div3A_113 : vector<16xi32>
    %sign3A_115 = arith.constant 0 : i32
    %sign3A_116 = vector.broadcast %sign3A_115 : i32 to vector<16xi32>
    %sign3A_117 = arith.cmpi sgt, %iota3A, %sign3A_116 : vector<16xi32>
    %sign3A_118 = arith.extui %sign3A_117 : vector<16xi1> to vector<16xi32>
    %sign3A_119 = arith.constant 0 : i32
    %sign3A_120 = vector.broadcast %sign3A_119 : i32 to vector<16xi32>
    %sign3A_121 = arith.cmpi slt, %iota3A, %sign3A_120 : vector<16xi32>
    %sign3A_122 = arith.extui %sign3A_121 : vector<16xi1> to vector<16xi32>
    %sign3A_123 = arith.subi %sign3A_118, %sign3A_122 : vector<16xi32>
    %sign3A_124 = arith.constant 0 : i32
    %sign3A_125 = arith.cmpi sgt, %jit3A_112, %sign3A_124 : i32
    %sign3A_126 = arith.extui %sign3A_125 : i1 to i32
    %sign3A_127 = arith.constant 0 : i32
    %sign3A_128 = arith.cmpi slt, %jit3A_112, %sign3A_127 : i32
    %sign3A_129 = arith.extui %sign3A_128 : i1 to i32
    %sign3A_130 = arith.subi %sign3A_126, %sign3A_129 : i32
    %ne3A_131 = vector.broadcast %sign3A_130 : i32 to vector<16xi32>
    %ne3A_132 = arith.cmpi ne, %sign3A_123, %ne3A_131 : vector<16xi32>
    %rem3A_133 = vector.broadcast %jit3A_112 : i32 to vector<16xi32>
    %rem3A_134 = arith.remsi %iota3A, %rem3A_133 : vector<16xi32>
    %ne3A_135 = arith.constant 0 : i32
    %ne3A_136 = vector.broadcast %ne3A_135 : i32 to vector<16xi32>
    %ne3A_137 = arith.cmpi ne, %rem3A_134, %ne3A_136 : vector<16xi32>
    %and3A_138 = arith.andi %ne3A_132, %ne3A_137 : vector<16xi1>
    %sub3A_139 = arith.constant 1 : i32
    %sub3A_140 = vector.broadcast %sub3A_139 : i32 to vector<16xi32>
    %sub3A_141 = arith.subi %div3A_114, %sub3A_140 : vector<16xi32>
    %select_n3A_142 = arith.select %and3A_138, %sub3A_141, %div3A_114 : vector<16xi1>, vector<16xi32>
    %add3A_143 = arith.constant 6 : i32
    %add3A_144 = vector.broadcast %add3A_143 : i32 to vector<16xi32>
    %add3A_145 = arith.addi %add3A_144, %select_n3A_142 : vector<16xi32>
    %dma_start3A = arith.constant 0 : i32
    %dma_start3A_146 = arith.constant 0 : i32
    %dma_start3A_147 = arith.constant 0 : i32
    %dma_start3A_148 = arith.constant 0 : i32
    %dma_start3A_149 = tpu.memref_slice %arg13[%dma_start3A_146, %dma_start3A_147, %dma_start3A_148] : memref<2x64x16xf32, #tpu.memory_space<vmem>> -> memref<1x64x16xf32, #tpu.memory_space<vmem>>
    %dma_start3A_150 = tpu.memref_squeeze %dma_start3A_149 : memref<1x64x16xf32, #tpu.memory_space<vmem>> -> memref<64x16xf32, #tpu.memory_space<vmem>>
    %dma_start3A_151 = arith.constant 0 : i32
    %dma_start3A_152 = tpu.memref_slice %arg11[%dma_start3A, %dma_start3A_151] : memref<84x64xi32, #tpu.memory_space<vmem>> -> memref<1x64xi32, #tpu.memory_space<vmem>>
    %dma_start3A_153 = tpu.memref_squeeze %dma_start3A_152 : memref<1x64xi32, #tpu.memory_space<vmem>> -> memref<64xi32, #tpu.memory_space<vmem>>
    %dma_start3A_154 = arith.constant 0 : i32
    %dma_start3A_155 = arith.constant 0 : i32
    %dma_start3A_156 = tpu.memref_slice %arg4[%dma_start3A_154, %dma_start3A_155] : memref<10240x16xf32, #tpu.memory_space<hbm>> -> memref<10240x16xf32, #tpu.memory_space<hbm>>
    tpu.enqueue_indirect_dma source(%dma_start3A_156 : memref<10240x16xf32, #tpu.memory_space<hbm>>) target(%dma_start3A_150 : memref<64x16xf32, #tpu.memory_space<vmem>>) offsets(%dma_start3A_153 : memref<64xi32, #tpu.memory_space<vmem>>) semaphore(%arg19 : memref<!tpu.dma_semaphore, #tpu.memory_space<semaphore_mem>>)
    %dma_start3A_157 = arith.constant 0 : i32
    %dma_start3A_158 = arith.constant 0 : i32
    %dma_start3A_159 = arith.constant 0 : i32
    %dma_start3A_160 = arith.constant 0 : i32
    %dma_start3A_161 = tpu.memref_slice %arg14[%dma_start3A_158, %dma_start3A_159, %dma_start3A_160] : memref<2x64x16xf32, #tpu.memory_space<vmem>> -> memref<1x64x16xf32, #tpu.memory_space<vmem>>
    %dma_start3A_162 = tpu.memref_squeeze %dma_start3A_161 : memref<1x64x16xf32, #tpu.memory_space<vmem>> -> memref<64x16xf32, #tpu.memory_space<vmem>>
    %dma_start3A_163 = arith.constant 0 : i32
    %dma_start3A_164 = tpu.memref_slice %arg12[%dma_start3A_157, %dma_start3A_163] : memref<84x64xi32, #tpu.memory_space<vmem>> -> memref<1x64xi32, #tpu.memory_space<vmem>>
    %dma_start3A_165 = tpu.memref_squeeze %dma_start3A_164 : memref<1x64xi32, #tpu.memory_space<vmem>> -> memref<64xi32, #tpu.memory_space<vmem>>
    %dma_start3A_166 = arith.constant 0 : i32
    %dma_start3A_167 = arith.constant 0 : i32
    %dma_start3A_168 = tpu.memref_slice %arg4[%dma_start3A_166, %dma_start3A_167] : memref<10240x16xf32, #tpu.memory_space<hbm>> -> memref<10240x16xf32, #tpu.memory_space<hbm>>
    tpu.enqueue_indirect_dma source(%dma_start3A_168 : memref<10240x16xf32, #tpu.memory_space<hbm>>) target(%dma_start3A_162 : memref<64x16xf32, #tpu.memory_space<vmem>>) offsets(%dma_start3A_165 : memref<64xi32, #tpu.memory_space<vmem>>) semaphore(%arg19 : memref<!tpu.dma_semaphore, #tpu.memory_space<semaphore_mem>>)
    %dma_start3A_169 = arith.constant 0 : i32
    %dma_start3A_170 = arith.constant 0 : i32
    %dma_start3A_171 = arith.constant 0 : i32
    %dma_start3A_172 = arith.constant 0 : i32
    %dma_start3A_173 = tpu.memref_slice %arg15[%dma_start3A_170, %dma_start3A_171, %dma_start3A_172] : memref<2x64x64xf32, #tpu.memory_space<vmem>> -> memref<1x64x64xf32, #tpu.memory_space<vmem>>
    %dma_start3A_174 = tpu.memref_squeeze %dma_start3A_173 : memref<1x64x64xf32, #tpu.memory_space<vmem>> -> memref<64x64xf32, #tpu.memory_space<vmem>>
    %dma_start3A_175 = arith.constant 0 : i32
    %dma_start3A_176 = tpu.memref_slice %arg11[%dma_start3A_169, %dma_start3A_175] : memref<84x64xi32, #tpu.memory_space<vmem>> -> memref<1x64xi32, #tpu.memory_space<vmem>>
    %dma_start3A_177 = tpu.memref_squeeze %dma_start3A_176 : memref<1x64xi32, #tpu.memory_space<vmem>> -> memref<64xi32, #tpu.memory_space<vmem>>
    %dma_start3A_178 = arith.constant 0 : i32
    %dma_start3A_179 = arith.constant 0 : i32
    %dma_start3A_180 = tpu.memref_slice %arg6[%dma_start3A_178, %dma_start3A_179] : memref<10240x64xf32, #tpu.memory_space<hbm>> -> memref<10240x64xf32, #tpu.memory_space<hbm>>
    tpu.enqueue_indirect_dma source(%dma_start3A_180 : memref<10240x64xf32, #tpu.memory_space<hbm>>) target(%dma_start3A_174 : memref<64x64xf32, #tpu.memory_space<vmem>>) offsets(%dma_start3A_177 : memref<64xi32, #tpu.memory_space<vmem>>) semaphore(%arg19 : memref<!tpu.dma_semaphore, #tpu.memory_space<semaphore_mem>>)
    %scan3A = arith.constant 0 : i32
    %scan3A_181 = arith.constant 0 : i32
    %scan3A_182 = arith.constant 84 : i32
    %scan3A_183 = arith.addi %scan3A_181, %scan3A_182 : i32
    %scan3A_184 = arith.constant 1 : i32
    %scan3A_185 = scf.for %scan3A_219 = %scan3A_181 to %scan3A_183 step %scan3A_184 iter_args(%scan3A_220 = %scan3A) -> (i32)  : i32 {
      %and3A_221 = arith.constant 1 : i32
      %and3A_222 = arith.andi %scan3A_219, %and3A_221 : i32
      %dma_wait3A_223 = arith.constant 0 : i32
      %dma_wait3A_224 = arith.constant 0 : i32
      %dma_wait3A_225 = tpu.memref_slice %arg13[%and3A_222, %dma_wait3A_223, %dma_wait3A_224] : memref<2x64x16xf32, #tpu.memory_space<vmem>> -> memref<1x64x16xf32, #tpu.memory_space<vmem>>
      %dma_wait3A_226 = tpu.memref_squeeze %dma_wait3A_225 : memref<1x64x16xf32, #tpu.memory_space<vmem>> -> memref<64x16xf32, #tpu.memory_space<vmem>>
      %dma_wait3A_227 = arith.constant 0 : i32
      %dma_wait3A_228 = tpu.memref_slice %arg11[%scan3A_219, %dma_wait3A_227] : memref<84x64xi32, #tpu.memory_space<vmem>> -> memref<1x64xi32, #tpu.memory_space<vmem>>
      %dma_wait3A_229 = tpu.memref_squeeze %dma_wait3A_228 : memref<1x64xi32, #tpu.memory_space<vmem>> -> memref<64xi32, #tpu.memory_space<vmem>>
      %dma_wait3A_230 = arith.constant 0 : i32
      %dma_wait3A_231 = arith.constant 0 : i32
      %dma_wait3A_232 = tpu.memref_slice %arg4[%dma_wait3A_230, %dma_wait3A_231] : memref<10240x16xf32, #tpu.memory_space<hbm>> -> memref<10240x16xf32, #tpu.memory_space<hbm>>
      tpu.wait_indirect_dma semaphore(%arg19 : memref<!tpu.dma_semaphore, #tpu.memory_space<semaphore_mem>>) src(%dma_wait3A_232 : memref<10240x16xf32, #tpu.memory_space<hbm>>) dst(%dma_wait3A_226 : memref<64x16xf32, #tpu.memory_space<vmem>>)
      %dma_wait3A_233 = arith.constant 0 : i32
      %dma_wait3A_234 = arith.constant 0 : i32
      %dma_wait3A_235 = tpu.memref_slice %arg14[%and3A_222, %dma_wait3A_233, %dma_wait3A_234] : memref<2x64x16xf32, #tpu.memory_space<vmem>> -> memref<1x64x16xf32, #tpu.memory_space<vmem>>
      %dma_wait3A_236 = tpu.memref_squeeze %dma_wait3A_235 : memref<1x64x16xf32, #tpu.memory_space<vmem>> -> memref<64x16xf32, #tpu.memory_space<vmem>>
      %dma_wait3A_237 = arith.constant 0 : i32
      %dma_wait3A_238 = tpu.memref_slice %arg12[%scan3A_219, %dma_wait3A_237] : memref<84x64xi32, #tpu.memory_space<vmem>> -> memref<1x64xi32, #tpu.memory_space<vmem>>
      %dma_wait3A_239 = tpu.memref_squeeze %dma_wait3A_238 : memref<1x64xi32, #tpu.memory_space<vmem>> -> memref<64xi32, #tpu.memory_space<vmem>>
      %dma_wait3A_240 = arith.constant 0 : i32
      %dma_wait3A_241 = arith.constant 0 : i32
      %dma_wait3A_242 = tpu.memref_slice %arg4[%dma_wait3A_240, %dma_wait3A_241] : memref<10240x16xf32, #tpu.memory_space<hbm>> -> memref<10240x16xf32, #tpu.memory_space<hbm>>
      tpu.wait_indirect_dma semaphore(%arg19 : memref<!tpu.dma_semaphore, #tpu.memory_space<semaphore_mem>>) src(%dma_wait3A_242 : memref<10240x16xf32, #tpu.memory_space<hbm>>) dst(%dma_wait3A_236 : memref<64x16xf32, #tpu.memory_space<vmem>>)
      %dma_wait3A_243 = arith.constant 0 : i32
      %dma_wait3A_244 = arith.constant 0 : i32
      %dma_wait3A_245 = tpu.memref_slice %arg15[%and3A_222, %dma_wait3A_243, %dma_wait3A_244] : memref<2x64x64xf32, #tpu.memory_space<vmem>> -> memref<1x64x64xf32, #tpu.memory_space<vmem>>
      %dma_wait3A_246 = tpu.memref_squeeze %dma_wait3A_245 : memref<1x64x64xf32, #tpu.memory_space<vmem>> -> memref<64x64xf32, #tpu.memory_space<vmem>>
      %dma_wait3A_247 = arith.constant 0 : i32
      %dma_wait3A_248 = tpu.memref_slice %arg11[%scan3A_219, %dma_wait3A_247] : memref<84x64xi32, #tpu.memory_space<vmem>> -> memref<1x64xi32, #tpu.memory_space<vmem>>
      %dma_wait3A_249 = tpu.memref_squeeze %dma_wait3A_248 : memref<1x64xi32, #tpu.memory_space<vmem>> -> memref<64xi32, #tpu.memory_space<vmem>>
      %dma_wait3A_250 = arith.constant 0 : i32
      %dma_wait3A_251 = arith.constant 0 : i32
      %dma_wait3A_252 = tpu.memref_slice %arg6[%dma_wait3A_250, %dma_wait3A_251] : memref<10240x64xf32, #tpu.memory_space<hbm>> -> memref<10240x64xf32, #tpu.memory_space<hbm>>
      tpu.wait_indirect_dma semaphore(%arg19 : memref<!tpu.dma_semaphore, #tpu.memory_space<semaphore_mem>>) src(%dma_wait3A_252 : memref<10240x64xf32, #tpu.memory_space<hbm>>) dst(%dma_wait3A_246 : memref<64x64xf32, #tpu.memory_space<vmem>>)
      %gt3A = arith.constant 0 : i32
      %gt3A_253 = arith.cmpi sgt, %scan3A_219, %gt3A : i32
      %convert_element_type3A = arith.extui %gt3A_253 : i1 to i32
      %cond3A = arith.constant 0 : i32
      %cond3A_254 = arith.cmpi ne, %convert_element_type3A, %cond3A : i32
      scf.if %cond3A_254 {
        %sub3A_283 = arith.constant 1 : i32
        %sub3A_284 = arith.subi %scan3A_219, %sub3A_283 : i32
        %sub3A_285 = arith.constant 1 : i32
        %sub3A_286 = arith.subi %sub3A_285, %and3A_222 : i32
        %dma_wait3A_287 = arith.constant 0 : i32
        %dma_wait3A_288 = arith.constant 0 : i32
        %dma_wait3A_289 = tpu.memref_slice %arg13[%sub3A_286, %dma_wait3A_287, %dma_wait3A_288] : memref<2x64x16xf32, #tpu.memory_space<vmem>> -> memref<1x64x16xf32, #tpu.memory_space<vmem>>
        %dma_wait3A_290 = tpu.memref_squeeze %dma_wait3A_289 : memref<1x64x16xf32, #tpu.memory_space<vmem>> -> memref<64x16xf32, #tpu.memory_space<vmem>>
        %dma_wait3A_291 = arith.constant 0 : i32
        %dma_wait3A_292 = tpu.memref_slice %arg12[%sub3A_284, %dma_wait3A_291] : memref<84x64xi32, #tpu.memory_space<vmem>> -> memref<1x64xi32, #tpu.memory_space<vmem>>
        %dma_wait3A_293 = tpu.memref_squeeze %dma_wait3A_292 : memref<1x64xi32, #tpu.memory_space<vmem>> -> memref<64xi32, #tpu.memory_space<vmem>>
        %dma_wait3A_294 = arith.constant 0 : i32
        %dma_wait3A_295 = arith.constant 0 : i32
        %dma_wait3A_296 = tpu.memref_slice %arg17[%dma_wait3A_294, %dma_wait3A_295] : memref<10240x16xf32, #tpu.memory_space<vmem_shared>> -> memref<10240x16xf32, #tpu.memory_space<vmem_shared>>
        tpu.wait_indirect_dma semaphore(%arg20 : memref<!tpu.dma_semaphore, #tpu.memory_space<semaphore_mem>>) src(%dma_wait3A_290 : memref<64x16xf32, #tpu.memory_space<vmem>>) dst(%dma_wait3A_296 : memref<10240x16xf32, #tpu.memory_space<vmem_shared>>)
        %dma_wait3A_297 = arith.constant 0 : i32
        %dma_wait3A_298 = arith.constant 0 : i32
        %dma_wait3A_299 = tpu.memref_slice %arg15[%sub3A_286, %dma_wait3A_297, %dma_wait3A_298] : memref<2x64x64xf32, #tpu.memory_space<vmem>> -> memref<1x64x64xf32, #tpu.memory_space<vmem>>
        %dma_wait3A_300 = tpu.memref_squeeze %dma_wait3A_299 : memref<1x64x64xf32, #tpu.memory_space<vmem>> -> memref<64x64xf32, #tpu.memory_space<vmem>>
        %dma_wait3A_301 = arith.constant 0 : i32
        %dma_wait3A_302 = tpu.memref_slice %arg12[%sub3A_284, %dma_wait3A_301] : memref<84x64xi32, #tpu.memory_space<vmem>> -> memref<1x64xi32, #tpu.memory_space<vmem>>
        %dma_wait3A_303 = tpu.memref_squeeze %dma_wait3A_302 : memref<1x64xi32, #tpu.memory_space<vmem>> -> memref<64xi32, #tpu.memory_space<vmem>>
        %dma_wait3A_304 = arith.constant 0 : i32
        %dma_wait3A_305 = arith.constant 0 : i32
        %dma_wait3A_306 = tpu.memref_slice %arg18[%dma_wait3A_304, %dma_wait3A_305] : memref<10240x64xf32, #tpu.memory_space<vmem_shared>> -> memref<10240x64xf32, #tpu.memory_space<vmem_shared>>
        tpu.wait_indirect_dma semaphore(%arg20 : memref<!tpu.dma_semaphore, #tpu.memory_space<semaphore_mem>>) src(%dma_wait3A_300 : memref<64x64xf32, #tpu.memory_space<vmem>>) dst(%dma_wait3A_306 : memref<10240x64xf32, #tpu.memory_space<vmem_shared>>)
      } else {
      }
      %lt3A_255 = arith.constant 83 : i32
      %lt3A_256 = arith.cmpi slt, %scan3A_219, %lt3A_255 : i32
      %convert_element_type3A_257 = arith.extui %lt3A_256 : i1 to i32
      %cond3A_258 = arith.constant 0 : i32
      %cond3A_259 = arith.cmpi ne, %convert_element_type3A_257, %cond3A_258 : i32
      scf.if %cond3A_259 {
        %add3A_283 = arith.constant 1 : i32
        %add3A_284 = arith.addi %scan3A_219, %add3A_283 : i32
        %sub3A_285 = arith.constant 1 : i32
        %sub3A_286 = arith.subi %sub3A_285, %and3A_222 : i32
        %dma_start3A_287 = arith.constant 0 : i32
        %dma_start3A_288 = arith.constant 0 : i32
        %dma_start3A_289 = tpu.memref_slice %arg13[%sub3A_286, %dma_start3A_287, %dma_start3A_288] : memref<2x64x16xf32, #tpu.memory_space<vmem>> -> memref<1x64x16xf32, #tpu.memory_space<vmem>>
        %dma_start3A_290 = tpu.memref_squeeze %dma_start3A_289 : memref<1x64x16xf32, #tpu.memory_space<vmem>> -> memref<64x16xf32, #tpu.memory_space<vmem>>
        %dma_start3A_291 = arith.constant 0 : i32
        %dma_start3A_292 = tpu.memref_slice %arg11[%add3A_284, %dma_start3A_291] : memref<84x64xi32, #tpu.memory_space<vmem>> -> memref<1x64xi32, #tpu.memory_space<vmem>>
        %dma_start3A_293 = tpu.memref_squeeze %dma_start3A_292 : memref<1x64xi32, #tpu.memory_space<vmem>> -> memref<64xi32, #tpu.memory_space<vmem>>
        %dma_start3A_294 = arith.constant 0 : i32
        %dma_start3A_295 = arith.constant 0 : i32
        %dma_start3A_296 = tpu.memref_slice %arg4[%dma_start3A_294, %dma_start3A_295] : memref<10240x16xf32, #tpu.memory_space<hbm>> -> memref<10240x16xf32, #tpu.memory_space<hbm>>
        tpu.enqueue_indirect_dma source(%dma_start3A_296 : memref<10240x16xf32, #tpu.memory_space<hbm>>) target(%dma_start3A_290 : memref<64x16xf32, #tpu.memory_space<vmem>>) offsets(%dma_start3A_293 : memref<64xi32, #tpu.memory_space<vmem>>) semaphore(%arg19 : memref<!tpu.dma_semaphore, #tpu.memory_space<semaphore_mem>>)
        %dma_start3A_297 = arith.constant 0 : i32
        %dma_start3A_298 = arith.constant 0 : i32
        %dma_start3A_299 = tpu.memref_slice %arg14[%sub3A_286, %dma_start3A_297, %dma_start3A_298] : memref<2x64x16xf32, #tpu.memory_space<vmem>> -> memref<1x64x16xf32, #tpu.memory_space<vmem>>
        %dma_start3A_300 = tpu.memref_squeeze %dma_start3A_299 : memref<1x64x16xf32, #tpu.memory_space<vmem>> -> memref<64x16xf32, #tpu.memory_space<vmem>>
        %dma_start3A_301 = arith.constant 0 : i32
        %dma_start3A_302 = tpu.memref_slice %arg12[%add3A_284, %dma_start3A_301] : memref<84x64xi32, #tpu.memory_space<vmem>> -> memref<1x64xi32, #tpu.memory_space<vmem>>
        %dma_start3A_303 = tpu.memref_squeeze %dma_start3A_302 : memref<1x64xi32, #tpu.memory_space<vmem>> -> memref<64xi32, #tpu.memory_space<vmem>>
        %dma_start3A_304 = arith.constant 0 : i32
        %dma_start3A_305 = arith.constant 0 : i32
        %dma_start3A_306 = tpu.memref_slice %arg4[%dma_start3A_304, %dma_start3A_305] : memref<10240x16xf32, #tpu.memory_space<hbm>> -> memref<10240x16xf32, #tpu.memory_space<hbm>>
        tpu.enqueue_indirect_dma source(%dma_start3A_306 : memref<10240x16xf32, #tpu.memory_space<hbm>>) target(%dma_start3A_300 : memref<64x16xf32, #tpu.memory_space<vmem>>) offsets(%dma_start3A_303 : memref<64xi32, #tpu.memory_space<vmem>>) semaphore(%arg19 : memref<!tpu.dma_semaphore, #tpu.memory_space<semaphore_mem>>)
        %dma_start3A_307 = arith.constant 0 : i32
        %dma_start3A_308 = arith.constant 0 : i32
        %dma_start3A_309 = tpu.memref_slice %arg15[%sub3A_286, %dma_start3A_307, %dma_start3A_308] : memref<2x64x64xf32, #tpu.memory_space<vmem>> -> memref<1x64x64xf32, #tpu.memory_space<vmem>>
        %dma_start3A_310 = tpu.memref_squeeze %dma_start3A_309 : memref<1x64x64xf32, #tpu.memory_space<vmem>> -> memref<64x64xf32, #tpu.memory_space<vmem>>
        %dma_start3A_311 = arith.constant 0 : i32
        %dma_start3A_312 = tpu.memref_slice %arg11[%add3A_284, %dma_start3A_311] : memref<84x64xi32, #tpu.memory_space<vmem>> -> memref<1x64xi32, #tpu.memory_space<vmem>>
        %dma_start3A_313 = tpu.memref_squeeze %dma_start3A_312 : memref<1x64xi32, #tpu.memory_space<vmem>> -> memref<64xi32, #tpu.memory_space<vmem>>
        %dma_start3A_314 = arith.constant 0 : i32
        %dma_start3A_315 = arith.constant 0 : i32
        %dma_start3A_316 = tpu.memref_slice %arg6[%dma_start3A_314, %dma_start3A_315] : memref<10240x64xf32, #tpu.memory_space<hbm>> -> memref<10240x64xf32, #tpu.memory_space<hbm>>
        tpu.enqueue_indirect_dma source(%dma_start3A_316 : memref<10240x64xf32, #tpu.memory_space<hbm>>) target(%dma_start3A_310 : memref<64x64xf32, #tpu.memory_space<vmem>>) offsets(%dma_start3A_313 : memref<64xi32, #tpu.memory_space<vmem>>) semaphore(%arg19 : memref<!tpu.dma_semaphore, #tpu.memory_space<semaphore_mem>>)
      } else {
      }
      %parallel_loop3A = arith.constant 0 : i32
      %parallel_loop3A_260 = arith.constant 64 : i32
      %parallel_loop3A_261 = arith.constant 1 : i32
      scf.for %parallel_loop3A_283 = %parallel_loop3A to %parallel_loop3A_260 step %parallel_loop3A_261  : i32 {
        %parallel_loop3A_284 = arith.index_cast %and3A_222 : i32 to index
        %parallel_loop3A_285 = arith.index_cast %parallel_loop3A_283 : i32 to index
        %parallel_loop3A_286 = arith.constant 0 : index
        %parallel_loop3A_287 = tpu.vector_load %arg13[%parallel_loop3A_284, %parallel_loop3A_285, %parallel_loop3A_286] {strides = array<i32>} : memref<2x64x16xf32, #tpu.memory_space<vmem>>, vector<16xf32>,
        %parallel_loop3A_288 = arith.index_cast %and3A_222 : i32 to index
        %parallel_loop3A_289 = arith.index_cast %parallel_loop3A_283 : i32 to index
        %parallel_loop3A_290 = arith.constant 0 : index
        %parallel_loop3A_291 = tpu.vector_load %arg14[%parallel_loop3A_288, %parallel_loop3A_289, %parallel_loop3A_290] {strides = array<i32>} : memref<2x64x16xf32, #tpu.memory_space<vmem>>, vector<16xf32>,
        %parallel_loop3A_292 = arith.constant 0 : i32
        %parallel_loop3A_293 = vector.broadcast %parallel_loop3A_292 : i32 to vector<16xi32>
        %parallel_loop3A_294 = arith.cmpi slt, %and3A_14, %parallel_loop3A_293 : vector<16xi32>
        %parallel_loop3A_295 = arith.constant 16 : i32
        %parallel_loop3A_296 = vector.broadcast %parallel_loop3A_295 : i32 to vector<16xi32>
        %parallel_loop3A_297 = arith.addi %and3A_14, %parallel_loop3A_296 : vector<16xi32>
        %parallel_loop3A_298 = arith.select %parallel_loop3A_294, %parallel_loop3A_297, %and3A_14 : vector<16xi1>, vector<16xi32>
        %parallel_loop3A_299 = vector.shape_cast %parallel_loop3A_298 : vector<16xi32> to vector<16x1xi32>
        %parallel_loop3A_300 = vector.shape_cast %parallel_loop3A_299 : vector<16x1xi32> to vector<16xi32>
        %parallel_loop3A_301 = tpu.dynamic_gather %parallel_loop3A_287[%parallel_loop3A_300] in [0] : vector<16xf32>, vector<16xi32> -> vector<16xf32>
        %parallel_loop3A_302 = arith.constant 0 : i32
        %parallel_loop3A_303 = vector.broadcast %parallel_loop3A_302 : i32 to vector<16xi32>
        %parallel_loop3A_304 = arith.cmpi slt, %and3A_14, %parallel_loop3A_303 : vector<16xi32>
        %parallel_loop3A_305 = arith.constant 16 : i32
        %parallel_loop3A_306 = vector.broadcast %parallel_loop3A_305 : i32 to vector<16xi32>
        %parallel_loop3A_307 = arith.addi %and3A_14, %parallel_loop3A_306 : vector<16xi32>
        %parallel_loop3A_308 = arith.select %parallel_loop3A_304, %parallel_loop3A_307, %and3A_14 : vector<16xi1>, vector<16xi32>
        %parallel_loop3A_309 = vector.shape_cast %parallel_loop3A_308 : vector<16xi32> to vector<16x1xi32>
        %parallel_loop3A_310 = vector.shape_cast %parallel_loop3A_309 : vector<16x1xi32> to vector<16xi32>
        %parallel_loop3A_311 = tpu.dynamic_gather %parallel_loop3A_291[%parallel_loop3A_310] in [0] : vector<16xf32>, vector<16xi32> -> vector<16xf32>
        %parallel_loop3A_312 = arith.select %lt3A_16, %parallel_loop3A_287, %parallel_loop3A_301 : vector<16xi1>, vector<16xf32>
        %parallel_loop3A_313 = arith.select %lt3A_16, %parallel_loop3A_311, %parallel_loop3A_291 : vector<16xi1>, vector<16xf32>
        %parallel_loop3A_314 = arith.addf %parallel_loop3A_312, %parallel_loop3A_313 : vector<16xf32>
        %parallel_loop3A_315 = arith.constant 0.000000e+00 : f32
        %parallel_loop3A_316 = vector.broadcast %parallel_loop3A_315 : f32 to vector<16xf32>
        %parallel_loop3A_317 = arith.cmpf oge, %parallel_loop3A_314, %parallel_loop3A_316 : vector<16xf32>
        %parallel_loop3A_318 = arith.constant 2.000000e-01 : f32
        %parallel_loop3A_319 = vector.broadcast %parallel_loop3A_318 : f32 to vector<16xf32>
        %parallel_loop3A_320 = arith.mulf %parallel_loop3A_319, %parallel_loop3A_314 : vector<16xf32>
        %parallel_loop3A_321 = arith.select %parallel_loop3A_317, %parallel_loop3A_314, %parallel_loop3A_320 : vector<16xi1>, vector<16xf32>
        %parallel_loop3A_322 = arith.addf %parallel_loop3A_313, %get3A_9 : vector<16xf32>
        %parallel_loop3A_323 = arith.constant 0.000000e+00 : f32
        %parallel_loop3A_324 = vector.broadcast %parallel_loop3A_323 : f32 to vector<16xf32>
        %parallel_loop3A_325 = arith.cmpf oge, %parallel_loop3A_322, %parallel_loop3A_324 : vector<16xf32>
        %parallel_loop3A_326 = arith.constant 2.000000e-01 : f32
        %parallel_loop3A_327 = vector.broadcast %parallel_loop3A_326 : f32 to vector<16xf32>
        %parallel_loop3A_328 = arith.mulf %parallel_loop3A_327, %parallel_loop3A_322 : vector<16xf32>
        %parallel_loop3A_329 = arith.select %parallel_loop3A_325, %parallel_loop3A_322, %parallel_loop3A_328 : vector<16xi1>, vector<16xf32>
        %parallel_loop3A_330 = arith.subf %parallel_loop3A_321, %parallel_loop3A_329 : vector<16xf32>
        %parallel_loop3A_331 = math.exp %parallel_loop3A_330 : vector<16xf32>
        %parallel_loop3A_332 = arith.index_cast %and3A_222 : i32 to index
        %parallel_loop3A_333 = arith.index_cast %parallel_loop3A_283 : i32 to index
        %parallel_loop3A_334 = arith.constant 0 : index
        %parallel_loop3A_335 = tpu.vector_load %arg13[%parallel_loop3A_332, %parallel_loop3A_333, %parallel_loop3A_334] {strides = array<i32>} : memref<2x64x16xf32, #tpu.memory_space<vmem>>, vector<16xf32>,
        tpu.vector_store %arg13[%parallel_loop3A_332, %parallel_loop3A_333, %parallel_loop3A_334], %parallel_loop3A_331 {strides = array<i32>} : memref<2x64x16xf32, #tpu.memory_space<vmem>>, vector<16xf32>,
        %parallel_loop3A_336 = arith.constant 0 : i32
        %parallel_loop3A_337 = vector.broadcast %parallel_loop3A_336 : i32 to vector<16xi32>
        %parallel_loop3A_338 = arith.cmpi slt, %add3A_43, %parallel_loop3A_337 : vector<16xi32>
        %parallel_loop3A_339 = arith.constant 16 : i32
        %parallel_loop3A_340 = vector.broadcast %parallel_loop3A_339 : i32 to vector<16xi32>
        %parallel_loop3A_341 = arith.addi %add3A_43, %parallel_loop3A_340 : vector<16xi32>
        %parallel_loop3A_342 = arith.select %parallel_loop3A_338, %parallel_loop3A_341, %add3A_43 : vector<16xi1>, vector<16xi32>
        %parallel_loop3A_343 = vector.shape_cast %parallel_loop3A_342 : vector<16xi32> to vector<16x1xi32>
        %parallel_loop3A_344 = vector.shape_cast %parallel_loop3A_343 : vector<16x1xi32> to vector<16xi32>
        %parallel_loop3A_345 = tpu.dynamic_gather %parallel_loop3A_331[%parallel_loop3A_344] in [0] : vector<16xf32>, vector<16xi32> -> vector<16xf32>
        %parallel_loop3A_346 = arith.index_cast %and3A_222 : i32 to index
        %parallel_loop3A_347 = arith.index_cast %parallel_loop3A_283 : i32 to index
        %parallel_loop3A_348 = arith.constant 0 : index
        %parallel_loop3A_349 = tpu.vector_load %arg15[%parallel_loop3A_346, %parallel_loop3A_347, %parallel_loop3A_348] {strides = array<i32>} : memref<2x64x64xf32, #tpu.memory_space<vmem>>, vector<16xf32>,
        %parallel_loop3A_350 = arith.mulf %parallel_loop3A_349, %parallel_loop3A_345 : vector<16xf32>
        %parallel_loop3A_351 = arith.index_cast %and3A_222 : i32 to index
        %parallel_loop3A_352 = arith.index_cast %parallel_loop3A_283 : i32 to index
        %parallel_loop3A_353 = arith.constant 0 : index
        %parallel_loop3A_354 = tpu.vector_load %arg15[%parallel_loop3A_351, %parallel_loop3A_352, %parallel_loop3A_353] {strides = array<i32>} : memref<2x64x64xf32, #tpu.memory_space<vmem>>, vector<16xf32>,
        tpu.vector_store %arg15[%parallel_loop3A_351, %parallel_loop3A_352, %parallel_loop3A_353], %parallel_loop3A_350 {strides = array<i32>} : memref<2x64x64xf32, #tpu.memory_space<vmem>>, vector<16xf32>,
        %parallel_loop3A_355 = arith.constant 0 : i32
        %parallel_loop3A_356 = vector.broadcast %parallel_loop3A_355 : i32 to vector<16xi32>
        %parallel_loop3A_357 = arith.cmpi slt, %add3A_77, %parallel_loop3A_356 : vector<16xi32>
        %parallel_loop3A_358 = arith.constant 16 : i32
        %parallel_loop3A_359 = vector.broadcast %parallel_loop3A_358 : i32 to vector<16xi32>
        %parallel_loop3A_360 = arith.addi %add3A_77, %parallel_loop3A_359 : vector<16xi32>
        %parallel_loop3A_361 = arith.select %parallel_loop3A_357, %parallel_loop3A_360, %add3A_77 : vector<16xi1>, vector<16xi32>
        %parallel_loop3A_362 = vector.shape_cast %parallel_loop3A_361 : vector<16xi32> to vector<16x1xi32>
        %parallel_loop3A_363 = vector.shape_cast %parallel_loop3A_362 : vector<16x1xi32> to vector<16xi32>
        %parallel_loop3A_364 = tpu.dynamic_gather %parallel_loop3A_331[%parallel_loop3A_363] in [0] : vector<16xf32>, vector<16xi32> -> vector<16xf32>
        %parallel_loop3A_365 = arith.index_cast %and3A_222 : i32 to index
        %parallel_loop3A_366 = arith.index_cast %parallel_loop3A_283 : i32 to index
        %parallel_loop3A_367 = arith.constant 16 : index
        %parallel_loop3A_368 = tpu.vector_load %arg15[%parallel_loop3A_365, %parallel_loop3A_366, %parallel_loop3A_367] {strides = array<i32>} : memref<2x64x64xf32, #tpu.memory_space<vmem>>, vector<16xf32>,
        %parallel_loop3A_369 = arith.mulf %parallel_loop3A_368, %parallel_loop3A_364 : vector<16xf32>
        %parallel_loop3A_370 = arith.index_cast %and3A_222 : i32 to index
        %parallel_loop3A_371 = arith.index_cast %parallel_loop3A_283 : i32 to index
        %parallel_loop3A_372 = arith.constant 16 : index
        %parallel_loop3A_373 = tpu.vector_load %arg15[%parallel_loop3A_370, %parallel_loop3A_371, %parallel_loop3A_372] {strides = array<i32>} : memref<2x64x64xf32, #tpu.memory_space<vmem>>, vector<16xf32>,
        tpu.vector_store %arg15[%parallel_loop3A_370, %parallel_loop3A_371, %parallel_loop3A_372], %parallel_loop3A_369 {strides = array<i32>} : memref<2x64x64xf32, #tpu.memory_space<vmem>>, vector<16xf32>,
        %parallel_loop3A_374 = arith.constant 0 : i32
        %parallel_loop3A_375 = vector.broadcast %parallel_loop3A_374 : i32 to vector<16xi32>
        %parallel_loop3A_376 = arith.cmpi slt, %add3A_111, %parallel_loop3A_375 : vector<16xi32>
        %parallel_loop3A_377 = arith.constant 16 : i32
        %parallel_loop3A_378 = vector.broadcast %parallel_loop3A_377 : i32 to vector<16xi32>
        %parallel_loop3A_379 = arith.addi %add3A_111, %parallel_loop3A_378 : vector<16xi32>
        %parallel_loop3A_380 = arith.select %parallel_loop3A_376, %parallel_loop3A_379, %add3A_111 : vector<16xi1>, vector<16xi32>
        %parallel_loop3A_381 = vector.shape_cast %parallel_loop3A_380 : vector<16xi32> to vector<16x1xi32>
        %parallel_loop3A_382 = vector.shape_cast %parallel_loop3A_381 : vector<16x1xi32> to vector<16xi32>
        %parallel_loop3A_383 = tpu.dynamic_gather %parallel_loop3A_331[%parallel_loop3A_382] in [0] : vector<16xf32>, vector<16xi32> -> vector<16xf32>
        %parallel_loop3A_384 = arith.index_cast %and3A_222 : i32 to index
        %parallel_loop3A_385 = arith.index_cast %parallel_loop3A_283 : i32 to index
        %parallel_loop3A_386 = arith.constant 32 : index
        %parallel_loop3A_387 = tpu.vector_load %arg15[%parallel_loop3A_384, %parallel_loop3A_385, %parallel_loop3A_386] {strides = array<i32>} : memref<2x64x64xf32, #tpu.memory_space<vmem>>, vector<16xf32>,
        %parallel_loop3A_388 = arith.mulf %parallel_loop3A_387, %parallel_loop3A_383 : vector<16xf32>
        %parallel_loop3A_389 = arith.index_cast %and3A_222 : i32 to index
        %parallel_loop3A_390 = arith.index_cast %parallel_loop3A_283 : i32 to index
        %parallel_loop3A_391 = arith.constant 32 : index
        %parallel_loop3A_392 = tpu.vector_load %arg15[%parallel_loop3A_389, %parallel_loop3A_390, %parallel_loop3A_391] {strides = array<i32>} : memref<2x64x64xf32, #tpu.memory_space<vmem>>, vector<16xf32>,
        tpu.vector_store %arg15[%parallel_loop3A_389, %parallel_loop3A_390, %parallel_loop3A_391], %parallel_loop3A_388 {strides = array<i32>} : memref<2x64x64xf32, #tpu.memory_space<vmem>>, vector<16xf32>,
        %parallel_loop3A_393 = arith.constant 0 : i32
        %parallel_loop3A_394 = vector.broadcast %parallel_loop3A_393 : i32 to vector<16xi32>
        %parallel_loop3A_395 = arith.cmpi slt, %add3A_145, %parallel_loop3A_394 : vector<16xi32>
        %parallel_loop3A_396 = arith.constant 16 : i32
        %parallel_loop3A_397 = vector.broadcast %parallel_loop3A_396 : i32 to vector<16xi32>
        %parallel_loop3A_398 = arith.addi %add3A_145, %parallel_loop3A_397 : vector<16xi32>
        %parallel_loop3A_399 = arith.select %parallel_loop3A_395, %parallel_loop3A_398, %add3A_145 : vector<16xi1>, vector<16xi32>
        %parallel_loop3A_400 = vector.shape_cast %parallel_loop3A_399 : vector<16xi32> to vector<16x1xi32>
        %parallel_loop3A_401 = vector.shape_cast %parallel_loop3A_400 : vector<16x1xi32> to vector<16xi32>
        %parallel_loop3A_402 = tpu.dynamic_gather %parallel_loop3A_331[%parallel_loop3A_401] in [0] : vector<16xf32>, vector<16xi32> -> vector<16xf32>
        %parallel_loop3A_403 = arith.index_cast %and3A_222 : i32 to index
        %parallel_loop3A_404 = arith.index_cast %parallel_loop3A_283 : i32 to index
        %parallel_loop3A_405 = arith.constant 48 : index
        %parallel_loop3A_406 = tpu.vector_load %arg15[%parallel_loop3A_403, %parallel_loop3A_404, %parallel_loop3A_405] {strides = array<i32>} : memref<2x64x64xf32, #tpu.memory_space<vmem>>, vector<16xf32>,
        %parallel_loop3A_407 = arith.mulf %parallel_loop3A_406, %parallel_loop3A_402 : vector<16xf32>
        %parallel_loop3A_408 = arith.index_cast %and3A_222 : i32 to index
        %parallel_loop3A_409 = arith.index_cast %parallel_loop3A_283 : i32 to index
        %parallel_loop3A_410 = arith.constant 48 : index
        %parallel_loop3A_411 = tpu.vector_load %arg15[%parallel_loop3A_408, %parallel_loop3A_409, %parallel_loop3A_410] {strides = array<i32>} : memref<2x64x64xf32, #tpu.memory_space<vmem>>, vector<16xf32>,
        tpu.vector_store %arg15[%parallel_loop3A_408, %parallel_loop3A_409, %parallel_loop3A_410], %parallel_loop3A_407 {strides = array<i32>} : memref<2x64x64xf32, #tpu.memory_space<vmem>>, vector<16xf32>,
      } {sc.loop_unroll_factor = 16 : i64, sc.parallel_access}
      %dma_start3A_262 = arith.constant 0 : i32
      %dma_start3A_263 = arith.constant 0 : i32
      %dma_start3A_264 = tpu.memref_slice %arg13[%and3A_222, %dma_start3A_262, %dma_start3A_263] : memref<2x64x16xf32, #tpu.memory_space<vmem>> -> memref<1x64x16xf32, #tpu.memory_space<vmem>>
      %dma_start3A_265 = tpu.memref_squeeze %dma_start3A_264 : memref<1x64x16xf32, #tpu.memory_space<vmem>> -> memref<64x16xf32, #tpu.memory_space<vmem>>
      %dma_start3A_266 = arith.constant 0 : i32
      %dma_start3A_267 = tpu.memref_slice %arg12[%scan3A_219, %dma_start3A_266] : memref<84x64xi32, #tpu.memory_space<vmem>> -> memref<1x64xi32, #tpu.memory_space<vmem>>
      %dma_start3A_268 = tpu.memref_squeeze %dma_start3A_267 : memref<1x64xi32, #tpu.memory_space<vmem>> -> memref<64xi32, #tpu.memory_space<vmem>>
      %dma_start3A_269 = arith.constant 0 : i32
      %dma_start3A_270 = arith.constant 0 : i32
      %dma_start3A_271 = tpu.memref_slice %arg17[%dma_start3A_269, %dma_start3A_270] : memref<10240x16xf32, #tpu.memory_space<vmem_shared>> -> memref<10240x16xf32, #tpu.memory_space<vmem_shared>>
      tpu.enqueue_indirect_dma source(%dma_start3A_265 : memref<64x16xf32, #tpu.memory_space<vmem>>) target(%dma_start3A_271 : memref<10240x16xf32, #tpu.memory_space<vmem_shared>>) offsets(%dma_start3A_268 : memref<64xi32, #tpu.memory_space<vmem>>) semaphore(%arg20 : memref<!tpu.dma_semaphore, #tpu.memory_space<semaphore_mem>>) {add = true}
      %dma_start3A_272 = arith.constant 0 : i32
      %dma_start3A_273 = arith.constant 0 : i32
      %dma_start3A_274 = tpu.memref_slice %arg15[%and3A_222, %dma_start3A_272, %dma_start3A_273] : memref<2x64x64xf32, #tpu.memory_space<vmem>> -> memref<1x64x64xf32, #tpu.memory_space<vmem>>
      %dma_start3A_275 = tpu.memref_squeeze %dma_start3A_274 : memref<1x64x64xf32, #tpu.memory_space<vmem>> -> memref<64x64xf32, #tpu.memory_space<vmem>>
      %dma_start3A_276 = arith.constant 0 : i32
      %dma_start3A_277 = tpu.memref_slice %arg12[%scan3A_219, %dma_start3A_276] : memref<84x64xi32, #tpu.memory_space<vmem>> -> memref<1x64xi32, #tpu.memory_space<vmem>>
      %dma_start3A_278 = tpu.memref_squeeze %dma_start3A_277 : memref<1x64xi32, #tpu.memory_space<vmem>> -> memref<64xi32, #tpu.memory_space<vmem>>
      %dma_start3A_279 = arith.constant 0 : i32
      %dma_start3A_280 = arith.constant 0 : i32
      %dma_start3A_281 = tpu.memref_slice %arg18[%dma_start3A_279, %dma_start3A_280] : memref<10240x64xf32, #tpu.memory_space<vmem_shared>> -> memref<10240x64xf32, #tpu.memory_space<vmem_shared>>
      tpu.enqueue_indirect_dma source(%dma_start3A_275 : memref<64x64xf32, #tpu.memory_space<vmem>>) target(%dma_start3A_281 : memref<10240x64xf32, #tpu.memory_space<vmem_shared>>) offsets(%dma_start3A_278 : memref<64xi32, #tpu.memory_space<vmem>>) semaphore(%arg20 : memref<!tpu.dma_semaphore, #tpu.memory_space<semaphore_mem>>) {add = true}
      %scan3A_282 = arith.constant 0 : i32
      scf.yield %scan3A_282 : i32
    }
    %scan3A_186 = arith.constant 84 : i32
    %dma_wait3A = arith.constant 1 : i32
    %dma_wait3A_187 = arith.constant 83 : i32
    %dma_wait3A_188 = arith.constant 0 : i32
    %dma_wait3A_189 = arith.constant 0 : i32
    %dma_wait3A_190 = tpu.memref_slice %arg13[%dma_wait3A, %dma_wait3A_188, %dma_wait3A_189] : memref<2x64x16xf32, #tpu.memory_space<vmem>> -> memref<1x64x16xf32, #tpu.memory_space<vmem>>
    %dma_wait3A_191 = tpu.memref_squeeze %dma_wait3A_190 : memref<1x64x16xf32, #tpu.memory_space<vmem>> -> memref<64x16xf32, #tpu.memory_space<vmem>>
    %dma_wait3A_192 = arith.constant 0 : i32
    %dma_wait3A_193 = tpu.memref_slice %arg12[%dma_wait3A_187, %dma_wait3A_192] : memref<84x64xi32, #tpu.memory_space<vmem>> -> memref<1x64xi32, #tpu.memory_space<vmem>>
    %dma_wait3A_194 = tpu.memref_squeeze %dma_wait3A_193 : memref<1x64xi32, #tpu.memory_space<vmem>> -> memref<64xi32, #tpu.memory_space<vmem>>
    %dma_wait3A_195 = arith.constant 0 : i32
    %dma_wait3A_196 = arith.constant 0 : i32
    %dma_wait3A_197 = tpu.memref_slice %arg17[%dma_wait3A_195, %dma_wait3A_196] : memref<10240x16xf32, #tpu.memory_space<vmem_shared>> -> memref<10240x16xf32, #tpu.memory_space<vmem_shared>>
    tpu.wait_indirect_dma semaphore(%arg20 : memref<!tpu.dma_semaphore, #tpu.memory_space<semaphore_mem>>) src(%dma_wait3A_191 : memref<64x16xf32, #tpu.memory_space<vmem>>) dst(%dma_wait3A_197 : memref<10240x16xf32, #tpu.memory_space<vmem_shared>>)
    %dma_wait3A_198 = arith.constant 1 : i32
    %dma_wait3A_199 = arith.constant 83 : i32
    %dma_wait3A_200 = arith.constant 0 : i32
    %dma_wait3A_201 = arith.constant 0 : i32
    %dma_wait3A_202 = tpu.memref_slice %arg15[%dma_wait3A_198, %dma_wait3A_200, %dma_wait3A_201] : memref<2x64x64xf32, #tpu.memory_space<vmem>> -> memref<1x64x64xf32, #tpu.memory_space<vmem>>
    %dma_wait3A_203 = tpu.memref_squeeze %dma_wait3A_202 : memref<1x64x64xf32, #tpu.memory_space<vmem>> -> memref<64x64xf32, #tpu.memory_space<vmem>>
    %dma_wait3A_204 = arith.constant 0 : i32
    %dma_wait3A_205 = tpu.memref_slice %arg12[%dma_wait3A_199, %dma_wait3A_204] : memref<84x64xi32, #tpu.memory_space<vmem>> -> memref<1x64xi32, #tpu.memory_space<vmem>>
    %dma_wait3A_206 = tpu.memref_squeeze %dma_wait3A_205 : memref<1x64xi32, #tpu.memory_space<vmem>> -> memref<64xi32, #tpu.memory_space<vmem>>
    %dma_wait3A_207 = arith.constant 0 : i32
    %dma_wait3A_208 = arith.constant 0 : i32
    %dma_wait3A_209 = tpu.memref_slice %arg18[%dma_wait3A_207, %dma_wait3A_208] : memref<10240x64xf32, #tpu.memory_space<vmem_shared>> -> memref<10240x64xf32, #tpu.memory_space<vmem_shared>>
    tpu.wait_indirect_dma semaphore(%arg20 : memref<!tpu.dma_semaphore, #tpu.memory_space<semaphore_mem>>) src(%dma_wait3A_203 : memref<64x64xf32, #tpu.memory_space<vmem>>) dst(%dma_wait3A_209 : memref<10240x64xf32, #tpu.memory_space<vmem_shared>>)
    %barrier3A_210 = arith.constant 0 : index
    tpu.barrier barrier_id(%barrier3A_210)
    %mul3A_211 = arith.constant 640 : i32
    %mul3A_212 = arith.muli %arg1, %mul3A_211 : i32
    %mul3A_213 = arith.constant 640 : i32
    %mul3A_214 = arith.muli %arg1, %mul3A_213 : i32
    "tpu.region"() ({
      %run_scoped3A = tpu.sem_alloc : memref<!tpu.dma_semaphore, #tpu.memory_space<semaphore_mem>>
      %dma_start3A_219 = arith.constant 0 : i32
      %dma_start3A_220 = tpu.memref_slice %arg9[%arg0, %mul3A_214, %dma_start3A_219] : memref<2x10240x16xf32, #tpu.memory_space<hbm>> -> memref<1x640x16xf32, #tpu.memory_space<hbm>>
      %dma_start3A_221 = tpu.memref_squeeze %dma_start3A_220 : memref<1x640x16xf32, #tpu.memory_space<hbm>> -> memref<640x16xf32, #tpu.memory_space<hbm>>
      %dma_start3A_222 = arith.constant 0 : i32
      %dma_start3A_223 = tpu.memref_slice %arg17[%mul3A_212, %dma_start3A_222] : memref<10240x16xf32, #tpu.memory_space<vmem_shared>> -> memref<640x16xf32, #tpu.memory_space<vmem_shared>>
      tpu.enqueue_dma source(%dma_start3A_223 : memref<640x16xf32, #tpu.memory_space<vmem_shared>>) target(%dma_start3A_221 : memref<640x16xf32, #tpu.memory_space<hbm>>) target_semaphore(%run_scoped3A : memref<!tpu.dma_semaphore, #tpu.memory_space<semaphore_mem>>)
      %dma_wait3A_224 = arith.constant 0 : i32
      %dma_wait3A_225 = tpu.memref_slice %arg9[%arg0, %mul3A_214, %dma_wait3A_224] : memref<2x10240x16xf32, #tpu.memory_space<hbm>> -> memref<1x640x16xf32, #tpu.memory_space<hbm>>
      %dma_wait3A_226 = tpu.memref_squeeze %dma_wait3A_225 : memref<1x640x16xf32, #tpu.memory_space<hbm>> -> memref<640x16xf32, #tpu.memory_space<hbm>>
      %dma_wait3A_227 = arith.constant 0 : i32
      %dma_wait3A_228 = tpu.memref_slice %arg17[%mul3A_212, %dma_wait3A_227] : memref<10240x16xf32, #tpu.memory_space<vmem_shared>> -> memref<640x16xf32, #tpu.memory_space<vmem_shared>>
      tpu.wait_dma2 semaphore(%run_scoped3A : memref<!tpu.dma_semaphore, #tpu.memory_space<semaphore_mem>>) src(%dma_wait3A_228 : memref<640x16xf32, #tpu.memory_space<vmem_shared>>) dst(%dma_wait3A_226 : memref<640x16xf32, #tpu.memory_space<hbm>>)
      tpu.yield
    }) : () -> ()
    %mul3A_215 = arith.constant 640 : i32
    %mul3A_216 = arith.muli %arg1, %mul3A_215 : i32
    %mul3A_217 = arith.constant 640 : i32
    %mul3A_218 = arith.muli %arg1, %mul3A_217 : i32
    "tpu.region"() ({
      %run_scoped3A = tpu.sem_alloc : memref<!tpu.dma_semaphore, #tpu.memory_space<semaphore_mem>>
      %dma_start3A_219 = arith.constant 0 : i32
      %dma_start3A_220 = tpu.memref_slice %arg10[%arg0, %mul3A_218, %dma_start3A_219] : memref<2x10240x64xf32, #tpu.memory_space<hbm>> -> memref<1x640x64xf32, #tpu.memory_space<hbm>>
      %dma_start3A_221 = tpu.memref_squeeze %dma_start3A_220 : memref<1x640x64xf32, #tpu.memory_space<hbm>> -> memref<640x64xf32, #tpu.memory_space<hbm>>
      %dma_start3A_222 = arith.constant 0 : i32
      %dma_start3A_223 = tpu.memref_slice %arg18[%mul3A_216, %dma_start3A_222] : memref<10240x64xf32, #tpu.memory_space<vmem_shared>> -> memref<640x64xf32, #tpu.memory_space<vmem_shared>>
      tpu.enqueue_dma source(%dma_start3A_223 : memref<640x64xf32, #tpu.memory_space<vmem_shared>>) target(%dma_start3A_221 : memref<640x64xf32, #tpu.memory_space<hbm>>) target_semaphore(%run_scoped3A : memref<!tpu.dma_semaphore, #tpu.memory_space<semaphore_mem>>)
      %dma_wait3A_224 = arith.constant 0 : i32
      %dma_wait3A_225 = tpu.memref_slice %arg10[%arg0, %mul3A_218, %dma_wait3A_224] : memref<2x10240x64xf32, #tpu.memory_space<hbm>> -> memref<1x640x64xf32, #tpu.memory_space<hbm>>
      %dma_wait3A_226 = tpu.memref_squeeze %dma_wait3A_225 : memref<1x640x64xf32, #tpu.memory_space<hbm>> -> memref<640x64xf32, #tpu.memory_space<hbm>>
      %dma_wait3A_227 = arith.constant 0 : i32
      %dma_wait3A_228 = tpu.memref_slice %arg18[%mul3A_216, %dma_wait3A_227] : memref<10240x64xf32, #tpu.memory_space<vmem_shared>> -> memref<640x64xf32, #tpu.memory_space<vmem_shared>>
      tpu.wait_dma2 semaphore(%run_scoped3A : memref<!tpu.dma_semaphore, #tpu.memory_space<semaphore_mem>>) src(%dma_wait3A_228 : memref<640x64xf32, #tpu.memory_space<vmem_shared>>) dst(%dma_wait3A_226 : memref<640x64xf32, #tpu.memory_space<hbm>>)
      tpu.yield
    }) : () -> ()
    return
  }
}

#map = affine_map<(d0, d1) -> (0, 0, 0)>
#map1 = affine_map<(d0, d1) -> (0, 0)>
#map2 = affine_map<(d0, d1) -> (0)>
module attributes {stable_mosaic.version = 14 : i64} {
  func.func @_sc_layer(%arg0: i32, %arg1: i32, %arg2: memref<32x84x64xi32, #tpu.memory_space<hbm>>, %arg3: memref<32x84x64xi32, #tpu.memory_space<hbm>>, %arg4: memref<10240x16xf32, #tpu.memory_space<hbm>>, %arg5: memref<16xf32, #tpu.memory_space<hbm>>, %arg6: memref<10240x128xf32, #tpu.memory_space<hbm>>, %arg7: memref<10240x16xf32, #tpu.memory_space<hbm>>, %arg8: memref<10240x128xf32, #tpu.memory_space<hbm>>, %arg9: memref<2x10240x16xf32, #tpu.memory_space<hbm>>, %arg10: memref<2x10240x128xf32, #tpu.memory_space<hbm>>, %arg11: memref<84x64xi32, #tpu.memory_space<vmem>>, %arg12: memref<84x64xi32, #tpu.memory_space<vmem>>, %arg13: memref<2x64x16xf32, #tpu.memory_space<vmem>>, %arg14: memref<2x64x16xf32, #tpu.memory_space<vmem>>, %arg15: memref<2x64x128xf32, #tpu.memory_space<vmem>>, %arg16: memref<16xf32, #tpu.memory_space<vmem>>, %arg17: memref<10240x16xf32, #tpu.memory_space<vmem_shared>>, %arg18: memref<10240x128xf32, #tpu.memory_space<vmem_shared>>, %arg19: memref<!tpu.dma_semaphore, #tpu.memory_space<semaphore_mem>>, %arg20: memref<!tpu.dma_semaphore, #tpu.memory_space<semaphore_mem>>) attributes {dimension_semantics = [#tpu.dimension_semantics<core_parallel>, #tpu.dimension_semantics<subcore_parallel>], iteration_bounds = array<i64: 2, 16>, scalar_prefetch = 0 : i64, scratch_operands = 10 : i64, tpu.core_type = #tpu.core_type<sc_vector_subcore>, window_params = [{transform_indices = #map}, {transform_indices = #map}, {transform_indices = #map1}, {transform_indices = #map2}, {transform_indices = #map1}, {transform_indices = #map1}, {transform_indices = #map1}, {transform_indices = #map}, {transform_indices = #map}]} {
    %mul3A = arith.constant 2 : i32
    %mul3A_0 = arith.muli %arg1, %mul3A : i32
    %add3A = arith.addi %mul3A_0, %arg0 : i32
    %mul3A_1 = arith.constant 640 : i32
    %mul3A_2 = arith.muli %arg1, %mul3A_1 : i32
    %mul3A_3 = arith.constant 640 : i32
    %mul3A_4 = arith.muli %arg1, %mul3A_3 : i32
    "tpu.region"() ({
      %run_scoped3A = tpu.sem_alloc : memref<!tpu.dma_semaphore, #tpu.memory_space<semaphore_mem>>
      %dma_start3A_355 = arith.constant 0 : i32
      %dma_start3A_356 = tpu.memref_slice %arg17[%mul3A_4, %dma_start3A_355] : memref<10240x16xf32, #tpu.memory_space<vmem_shared>> -> memref<640x16xf32, #tpu.memory_space<vmem_shared>>
      %dma_start3A_357 = arith.constant 0 : i32
      %dma_start3A_358 = tpu.memref_slice %arg7[%mul3A_2, %dma_start3A_357] : memref<10240x16xf32, #tpu.memory_space<hbm>> -> memref<640x16xf32, #tpu.memory_space<hbm>>
      tpu.enqueue_dma source(%dma_start3A_358 : memref<640x16xf32, #tpu.memory_space<hbm>>) target(%dma_start3A_356 : memref<640x16xf32, #tpu.memory_space<vmem_shared>>) target_semaphore(%run_scoped3A : memref<!tpu.dma_semaphore, #tpu.memory_space<semaphore_mem>>)
      %dma_wait3A_359 = arith.constant 0 : i32
      %dma_wait3A_360 = tpu.memref_slice %arg17[%mul3A_4, %dma_wait3A_359] : memref<10240x16xf32, #tpu.memory_space<vmem_shared>> -> memref<640x16xf32, #tpu.memory_space<vmem_shared>>
      %dma_wait3A_361 = arith.constant 0 : i32
      %dma_wait3A_362 = tpu.memref_slice %arg7[%mul3A_2, %dma_wait3A_361] : memref<10240x16xf32, #tpu.memory_space<hbm>> -> memref<640x16xf32, #tpu.memory_space<hbm>>
      tpu.wait_dma2 semaphore(%run_scoped3A : memref<!tpu.dma_semaphore, #tpu.memory_space<semaphore_mem>>) src(%dma_wait3A_362 : memref<640x16xf32, #tpu.memory_space<hbm>>) dst(%dma_wait3A_360 : memref<640x16xf32, #tpu.memory_space<vmem_shared>>)
      tpu.yield
    }) : () -> ()
    %mul3A_5 = arith.constant 640 : i32
    %mul3A_6 = arith.muli %arg1, %mul3A_5 : i32
    %mul3A_7 = arith.constant 640 : i32
    %mul3A_8 = arith.muli %arg1, %mul3A_7 : i32
    "tpu.region"() ({
      %run_scoped3A = tpu.sem_alloc : memref<!tpu.dma_semaphore, #tpu.memory_space<semaphore_mem>>
      %dma_start3A_355 = arith.constant 0 : i32
      %dma_start3A_356 = tpu.memref_slice %arg18[%mul3A_8, %dma_start3A_355] : memref<10240x128xf32, #tpu.memory_space<vmem_shared>> -> memref<640x128xf32, #tpu.memory_space<vmem_shared>>
      %dma_start3A_357 = arith.constant 0 : i32
      %dma_start3A_358 = tpu.memref_slice %arg8[%mul3A_6, %dma_start3A_357] : memref<10240x128xf32, #tpu.memory_space<hbm>> -> memref<640x128xf32, #tpu.memory_space<hbm>>
      tpu.enqueue_dma source(%dma_start3A_358 : memref<640x128xf32, #tpu.memory_space<hbm>>) target(%dma_start3A_356 : memref<640x128xf32, #tpu.memory_space<vmem_shared>>) target_semaphore(%run_scoped3A : memref<!tpu.dma_semaphore, #tpu.memory_space<semaphore_mem>>)
      %dma_wait3A_359 = arith.constant 0 : i32
      %dma_wait3A_360 = tpu.memref_slice %arg18[%mul3A_8, %dma_wait3A_359] : memref<10240x128xf32, #tpu.memory_space<vmem_shared>> -> memref<640x128xf32, #tpu.memory_space<vmem_shared>>
      %dma_wait3A_361 = arith.constant 0 : i32
      %dma_wait3A_362 = tpu.memref_slice %arg8[%mul3A_6, %dma_wait3A_361] : memref<10240x128xf32, #tpu.memory_space<hbm>> -> memref<640x128xf32, #tpu.memory_space<hbm>>
      tpu.wait_dma2 semaphore(%run_scoped3A : memref<!tpu.dma_semaphore, #tpu.memory_space<semaphore_mem>>) src(%dma_wait3A_362 : memref<640x128xf32, #tpu.memory_space<hbm>>) dst(%dma_wait3A_360 : memref<640x128xf32, #tpu.memory_space<vmem_shared>>)
      tpu.yield
    }) : () -> ()
    "tpu.region"() ({
      %run_scoped3A = tpu.sem_alloc : memref<!tpu.dma_semaphore, #tpu.memory_space<semaphore_mem>>
      %dma_start3A_355 = arith.constant 0 : i32
      %dma_start3A_356 = arith.constant 0 : i32
      %dma_start3A_357 = tpu.memref_slice %arg2[%add3A, %dma_start3A_355, %dma_start3A_356] : memref<32x84x64xi32, #tpu.memory_space<hbm>> -> memref<1x84x64xi32, #tpu.memory_space<hbm>>
      %dma_start3A_358 = tpu.memref_squeeze %dma_start3A_357 : memref<1x84x64xi32, #tpu.memory_space<hbm>> -> memref<84x64xi32, #tpu.memory_space<hbm>>
      %dma_start3A_359 = arith.constant 0 : i32
      %dma_start3A_360 = arith.constant 0 : i32
      %dma_start3A_361 = tpu.memref_slice %arg2[%add3A, %dma_start3A_359, %dma_start3A_360] : memref<32x84x64xi32, #tpu.memory_space<hbm>> -> memref<1x84x64xi32, #tpu.memory_space<hbm>>
      %dma_start3A_362 = tpu.memref_squeeze %dma_start3A_361 : memref<1x84x64xi32, #tpu.memory_space<hbm>> -> memref<84x64xi32, #tpu.memory_space<hbm>>
      tpu.enqueue_dma source(%dma_start3A_362 : memref<84x64xi32, #tpu.memory_space<hbm>>) target(%arg11 : memref<84x64xi32, #tpu.memory_space<vmem>>) target_semaphore(%run_scoped3A : memref<!tpu.dma_semaphore, #tpu.memory_space<semaphore_mem>>)
      %dma_wait3A_363 = arith.constant 0 : i32
      %dma_wait3A_364 = arith.constant 0 : i32
      %dma_wait3A_365 = tpu.memref_slice %arg2[%add3A, %dma_wait3A_363, %dma_wait3A_364] : memref<32x84x64xi32, #tpu.memory_space<hbm>> -> memref<1x84x64xi32, #tpu.memory_space<hbm>>
      %dma_wait3A_366 = tpu.memref_squeeze %dma_wait3A_365 : memref<1x84x64xi32, #tpu.memory_space<hbm>> -> memref<84x64xi32, #tpu.memory_space<hbm>>
      %dma_wait3A_367 = arith.constant 0 : i32
      %dma_wait3A_368 = arith.constant 0 : i32
      %dma_wait3A_369 = tpu.memref_slice %arg2[%add3A, %dma_wait3A_367, %dma_wait3A_368] : memref<32x84x64xi32, #tpu.memory_space<hbm>> -> memref<1x84x64xi32, #tpu.memory_space<hbm>>
      %dma_wait3A_370 = tpu.memref_squeeze %dma_wait3A_369 : memref<1x84x64xi32, #tpu.memory_space<hbm>> -> memref<84x64xi32, #tpu.memory_space<hbm>>
      tpu.wait_dma2 semaphore(%run_scoped3A : memref<!tpu.dma_semaphore, #tpu.memory_space<semaphore_mem>>) src(%dma_wait3A_370 : memref<84x64xi32, #tpu.memory_space<hbm>>) dst(%arg11 : memref<84x64xi32, #tpu.memory_space<vmem>>)
      tpu.yield
    }) : () -> ()
    "tpu.region"() ({
      %run_scoped3A = tpu.sem_alloc : memref<!tpu.dma_semaphore, #tpu.memory_space<semaphore_mem>>
      %dma_start3A_355 = arith.constant 0 : i32
      %dma_start3A_356 = arith.constant 0 : i32
      %dma_start3A_357 = tpu.memref_slice %arg3[%add3A, %dma_start3A_355, %dma_start3A_356] : memref<32x84x64xi32, #tpu.memory_space<hbm>> -> memref<1x84x64xi32, #tpu.memory_space<hbm>>
      %dma_start3A_358 = tpu.memref_squeeze %dma_start3A_357 : memref<1x84x64xi32, #tpu.memory_space<hbm>> -> memref<84x64xi32, #tpu.memory_space<hbm>>
      %dma_start3A_359 = arith.constant 0 : i32
      %dma_start3A_360 = arith.constant 0 : i32
      %dma_start3A_361 = tpu.memref_slice %arg3[%add3A, %dma_start3A_359, %dma_start3A_360] : memref<32x84x64xi32, #tpu.memory_space<hbm>> -> memref<1x84x64xi32, #tpu.memory_space<hbm>>
      %dma_start3A_362 = tpu.memref_squeeze %dma_start3A_361 : memref<1x84x64xi32, #tpu.memory_space<hbm>> -> memref<84x64xi32, #tpu.memory_space<hbm>>
      tpu.enqueue_dma source(%dma_start3A_362 : memref<84x64xi32, #tpu.memory_space<hbm>>) target(%arg12 : memref<84x64xi32, #tpu.memory_space<vmem>>) target_semaphore(%run_scoped3A : memref<!tpu.dma_semaphore, #tpu.memory_space<semaphore_mem>>)
      %dma_wait3A_363 = arith.constant 0 : i32
      %dma_wait3A_364 = arith.constant 0 : i32
      %dma_wait3A_365 = tpu.memref_slice %arg3[%add3A, %dma_wait3A_363, %dma_wait3A_364] : memref<32x84x64xi32, #tpu.memory_space<hbm>> -> memref<1x84x64xi32, #tpu.memory_space<hbm>>
      %dma_wait3A_366 = tpu.memref_squeeze %dma_wait3A_365 : memref<1x84x64xi32, #tpu.memory_space<hbm>> -> memref<84x64xi32, #tpu.memory_space<hbm>>
      %dma_wait3A_367 = arith.constant 0 : i32
      %dma_wait3A_368 = arith.constant 0 : i32
      %dma_wait3A_369 = tpu.memref_slice %arg3[%add3A, %dma_wait3A_367, %dma_wait3A_368] : memref<32x84x64xi32, #tpu.memory_space<hbm>> -> memref<1x84x64xi32, #tpu.memory_space<hbm>>
      %dma_wait3A_370 = tpu.memref_squeeze %dma_wait3A_369 : memref<1x84x64xi32, #tpu.memory_space<hbm>> -> memref<84x64xi32, #tpu.memory_space<hbm>>
      tpu.wait_dma2 semaphore(%run_scoped3A : memref<!tpu.dma_semaphore, #tpu.memory_space<semaphore_mem>>) src(%dma_wait3A_370 : memref<84x64xi32, #tpu.memory_space<hbm>>) dst(%arg12 : memref<84x64xi32, #tpu.memory_space<vmem>>)
      tpu.yield
    }) : () -> ()
    "tpu.region"() ({
      %run_scoped3A = tpu.sem_alloc : memref<!tpu.dma_semaphore, #tpu.memory_space<semaphore_mem>>
      tpu.enqueue_dma source(%arg5 : memref<16xf32, #tpu.memory_space<hbm>>) target(%arg16 : memref<16xf32, #tpu.memory_space<vmem>>) target_semaphore(%run_scoped3A : memref<!tpu.dma_semaphore, #tpu.memory_space<semaphore_mem>>)
      tpu.wait_dma2 semaphore(%run_scoped3A : memref<!tpu.dma_semaphore, #tpu.memory_space<semaphore_mem>>) src(%arg5 : memref<16xf32, #tpu.memory_space<hbm>>) dst(%arg16 : memref<16xf32, #tpu.memory_space<vmem>>)
      tpu.yield
    }) : () -> ()
    %barrier3A = arith.constant 0 : index
    tpu.barrier barrier_id(%barrier3A)
    %get3A = arith.constant 0 : index
    %get3A_9 = tpu.vector_load %arg16[%get3A] {strides = array<i32>} : memref<16xf32, #tpu.memory_space<vmem>>, vector<16xf32>,
    %iota3A = tpu.iota {dimensions = array<i32: 0>} : vector<16xi32>
    %add3A_10 = arith.constant 8 : i32
    %add3A_11 = vector.broadcast %add3A_10 : i32 to vector<16xi32>
    %add3A_12 = arith.addi %iota3A, %add3A_11 : vector<16xi32>
    %and3A = arith.constant 15 : i32
    %and3A_13 = vector.broadcast %and3A : i32 to vector<16xi32>
    %and3A_14 = arith.andi %add3A_12, %and3A_13 : vector<16xi32>
    %lt3A = arith.constant 8 : i32
    %lt3A_15 = vector.broadcast %lt3A : i32 to vector<16xi32>
    %lt3A_16 = arith.cmpi slt, %iota3A, %lt3A_15 : vector<16xi32>
    %jit3A = arith.constant 16 : i32
    %div3A = vector.broadcast %jit3A : i32 to vector<16xi32>
    %div3A_17 = arith.divsi %iota3A, %div3A : vector<16xi32>
    %sign3A = arith.constant 0 : i32
    %sign3A_18 = vector.broadcast %sign3A : i32 to vector<16xi32>
    %sign3A_19 = arith.cmpi sgt, %iota3A, %sign3A_18 : vector<16xi32>
    %sign3A_20 = arith.extui %sign3A_19 : vector<16xi1> to vector<16xi32>
    %sign3A_21 = arith.constant 0 : i32
    %sign3A_22 = vector.broadcast %sign3A_21 : i32 to vector<16xi32>
    %sign3A_23 = arith.cmpi slt, %iota3A, %sign3A_22 : vector<16xi32>
    %sign3A_24 = arith.extui %sign3A_23 : vector<16xi1> to vector<16xi32>
    %sign3A_25 = arith.subi %sign3A_20, %sign3A_24 : vector<16xi32>
    %sign3A_26 = arith.constant 0 : i32
    %sign3A_27 = arith.cmpi sgt, %jit3A, %sign3A_26 : i32
    %sign3A_28 = arith.extui %sign3A_27 : i1 to i32
    %sign3A_29 = arith.constant 0 : i32
    %sign3A_30 = arith.cmpi slt, %jit3A, %sign3A_29 : i32
    %sign3A_31 = arith.extui %sign3A_30 : i1 to i32
    %sign3A_32 = arith.subi %sign3A_28, %sign3A_31 : i32
    %ne3A = vector.broadcast %sign3A_32 : i32 to vector<16xi32>
    %ne3A_33 = arith.cmpi ne, %sign3A_25, %ne3A : vector<16xi32>
    %rem3A = vector.broadcast %jit3A : i32 to vector<16xi32>
    %rem3A_34 = arith.remsi %iota3A, %rem3A : vector<16xi32>
    %ne3A_35 = arith.constant 0 : i32
    %ne3A_36 = vector.broadcast %ne3A_35 : i32 to vector<16xi32>
    %ne3A_37 = arith.cmpi ne, %rem3A_34, %ne3A_36 : vector<16xi32>
    %and3A_38 = arith.andi %ne3A_33, %ne3A_37 : vector<16xi1>
    %sub3A = arith.constant 1 : i32
    %sub3A_39 = vector.broadcast %sub3A : i32 to vector<16xi32>
    %sub3A_40 = arith.subi %div3A_17, %sub3A_39 : vector<16xi32>
    %select_n3A = arith.select %and3A_38, %sub3A_40, %div3A_17 : vector<16xi1>, vector<16xi32>
    %add3A_41 = arith.constant 0 : i32
    %add3A_42 = vector.broadcast %add3A_41 : i32 to vector<16xi32>
    %add3A_43 = arith.addi %add3A_42, %select_n3A : vector<16xi32>
    %jit3A_44 = arith.constant 16 : i32
    %div3A_45 = vector.broadcast %jit3A_44 : i32 to vector<16xi32>
    %div3A_46 = arith.divsi %iota3A, %div3A_45 : vector<16xi32>
    %sign3A_47 = arith.constant 0 : i32
    %sign3A_48 = vector.broadcast %sign3A_47 : i32 to vector<16xi32>
    %sign3A_49 = arith.cmpi sgt, %iota3A, %sign3A_48 : vector<16xi32>
    %sign3A_50 = arith.extui %sign3A_49 : vector<16xi1> to vector<16xi32>
    %sign3A_51 = arith.constant 0 : i32
    %sign3A_52 = vector.broadcast %sign3A_51 : i32 to vector<16xi32>
    %sign3A_53 = arith.cmpi slt, %iota3A, %sign3A_52 : vector<16xi32>
    %sign3A_54 = arith.extui %sign3A_53 : vector<16xi1> to vector<16xi32>
    %sign3A_55 = arith.subi %sign3A_50, %sign3A_54 : vector<16xi32>
    %sign3A_56 = arith.constant 0 : i32
    %sign3A_57 = arith.cmpi sgt, %jit3A_44, %sign3A_56 : i32
    %sign3A_58 = arith.extui %sign3A_57 : i1 to i32
    %sign3A_59 = arith.constant 0 : i32
    %sign3A_60 = arith.cmpi slt, %jit3A_44, %sign3A_59 : i32
    %sign3A_61 = arith.extui %sign3A_60 : i1 to i32
    %sign3A_62 = arith.subi %sign3A_58, %sign3A_61 : i32
    %ne3A_63 = vector.broadcast %sign3A_62 : i32 to vector<16xi32>
    %ne3A_64 = arith.cmpi ne, %sign3A_55, %ne3A_63 : vector<16xi32>
    %rem3A_65 = vector.broadcast %jit3A_44 : i32 to vector<16xi32>
    %rem3A_66 = arith.remsi %iota3A, %rem3A_65 : vector<16xi32>
    %ne3A_67 = arith.constant 0 : i32
    %ne3A_68 = vector.broadcast %ne3A_67 : i32 to vector<16xi32>
    %ne3A_69 = arith.cmpi ne, %rem3A_66, %ne3A_68 : vector<16xi32>
    %and3A_70 = arith.andi %ne3A_64, %ne3A_69 : vector<16xi1>
    %sub3A_71 = arith.constant 1 : i32
    %sub3A_72 = vector.broadcast %sub3A_71 : i32 to vector<16xi32>
    %sub3A_73 = arith.subi %div3A_46, %sub3A_72 : vector<16xi32>
    %select_n3A_74 = arith.select %and3A_70, %sub3A_73, %div3A_46 : vector<16xi1>, vector<16xi32>
    %add3A_75 = arith.constant 1 : i32
    %add3A_76 = vector.broadcast %add3A_75 : i32 to vector<16xi32>
    %add3A_77 = arith.addi %add3A_76, %select_n3A_74 : vector<16xi32>
    %jit3A_78 = arith.constant 16 : i32
    %div3A_79 = vector.broadcast %jit3A_78 : i32 to vector<16xi32>
    %div3A_80 = arith.divsi %iota3A, %div3A_79 : vector<16xi32>
    %sign3A_81 = arith.constant 0 : i32
    %sign3A_82 = vector.broadcast %sign3A_81 : i32 to vector<16xi32>
    %sign3A_83 = arith.cmpi sgt, %iota3A, %sign3A_82 : vector<16xi32>
    %sign3A_84 = arith.extui %sign3A_83 : vector<16xi1> to vector<16xi32>
    %sign3A_85 = arith.constant 0 : i32
    %sign3A_86 = vector.broadcast %sign3A_85 : i32 to vector<16xi32>
    %sign3A_87 = arith.cmpi slt, %iota3A, %sign3A_86 : vector<16xi32>
    %sign3A_88 = arith.extui %sign3A_87 : vector<16xi1> to vector<16xi32>
    %sign3A_89 = arith.subi %sign3A_84, %sign3A_88 : vector<16xi32>
    %sign3A_90 = arith.constant 0 : i32
    %sign3A_91 = arith.cmpi sgt, %jit3A_78, %sign3A_90 : i32
    %sign3A_92 = arith.extui %sign3A_91 : i1 to i32
    %sign3A_93 = arith.constant 0 : i32
    %sign3A_94 = arith.cmpi slt, %jit3A_78, %sign3A_93 : i32
    %sign3A_95 = arith.extui %sign3A_94 : i1 to i32
    %sign3A_96 = arith.subi %sign3A_92, %sign3A_95 : i32
    %ne3A_97 = vector.broadcast %sign3A_96 : i32 to vector<16xi32>
    %ne3A_98 = arith.cmpi ne, %sign3A_89, %ne3A_97 : vector<16xi32>
    %rem3A_99 = vector.broadcast %jit3A_78 : i32 to vector<16xi32>
    %rem3A_100 = arith.remsi %iota3A, %rem3A_99 : vector<16xi32>
    %ne3A_101 = arith.constant 0 : i32
    %ne3A_102 = vector.broadcast %ne3A_101 : i32 to vector<16xi32>
    %ne3A_103 = arith.cmpi ne, %rem3A_100, %ne3A_102 : vector<16xi32>
    %and3A_104 = arith.andi %ne3A_98, %ne3A_103 : vector<16xi1>
    %sub3A_105 = arith.constant 1 : i32
    %sub3A_106 = vector.broadcast %sub3A_105 : i32 to vector<16xi32>
    %sub3A_107 = arith.subi %div3A_80, %sub3A_106 : vector<16xi32>
    %select_n3A_108 = arith.select %and3A_104, %sub3A_107, %div3A_80 : vector<16xi1>, vector<16xi32>
    %add3A_109 = arith.constant 2 : i32
    %add3A_110 = vector.broadcast %add3A_109 : i32 to vector<16xi32>
    %add3A_111 = arith.addi %add3A_110, %select_n3A_108 : vector<16xi32>
    %jit3A_112 = arith.constant 16 : i32
    %div3A_113 = vector.broadcast %jit3A_112 : i32 to vector<16xi32>
    %div3A_114 = arith.divsi %iota3A, %div3A_113 : vector<16xi32>
    %sign3A_115 = arith.constant 0 : i32
    %sign3A_116 = vector.broadcast %sign3A_115 : i32 to vector<16xi32>
    %sign3A_117 = arith.cmpi sgt, %iota3A, %sign3A_116 : vector<16xi32>
    %sign3A_118 = arith.extui %sign3A_117 : vector<16xi1> to vector<16xi32>
    %sign3A_119 = arith.constant 0 : i32
    %sign3A_120 = vector.broadcast %sign3A_119 : i32 to vector<16xi32>
    %sign3A_121 = arith.cmpi slt, %iota3A, %sign3A_120 : vector<16xi32>
    %sign3A_122 = arith.extui %sign3A_121 : vector<16xi1> to vector<16xi32>
    %sign3A_123 = arith.subi %sign3A_118, %sign3A_122 : vector<16xi32>
    %sign3A_124 = arith.constant 0 : i32
    %sign3A_125 = arith.cmpi sgt, %jit3A_112, %sign3A_124 : i32
    %sign3A_126 = arith.extui %sign3A_125 : i1 to i32
    %sign3A_127 = arith.constant 0 : i32
    %sign3A_128 = arith.cmpi slt, %jit3A_112, %sign3A_127 : i32
    %sign3A_129 = arith.extui %sign3A_128 : i1 to i32
    %sign3A_130 = arith.subi %sign3A_126, %sign3A_129 : i32
    %ne3A_131 = vector.broadcast %sign3A_130 : i32 to vector<16xi32>
    %ne3A_132 = arith.cmpi ne, %sign3A_123, %ne3A_131 : vector<16xi32>
    %rem3A_133 = vector.broadcast %jit3A_112 : i32 to vector<16xi32>
    %rem3A_134 = arith.remsi %iota3A, %rem3A_133 : vector<16xi32>
    %ne3A_135 = arith.constant 0 : i32
    %ne3A_136 = vector.broadcast %ne3A_135 : i32 to vector<16xi32>
    %ne3A_137 = arith.cmpi ne, %rem3A_134, %ne3A_136 : vector<16xi32>
    %and3A_138 = arith.andi %ne3A_132, %ne3A_137 : vector<16xi1>
    %sub3A_139 = arith.constant 1 : i32
    %sub3A_140 = vector.broadcast %sub3A_139 : i32 to vector<16xi32>
    %sub3A_141 = arith.subi %div3A_114, %sub3A_140 : vector<16xi32>
    %select_n3A_142 = arith.select %and3A_138, %sub3A_141, %div3A_114 : vector<16xi1>, vector<16xi32>
    %add3A_143 = arith.constant 3 : i32
    %add3A_144 = vector.broadcast %add3A_143 : i32 to vector<16xi32>
    %add3A_145 = arith.addi %add3A_144, %select_n3A_142 : vector<16xi32>
    %jit3A_146 = arith.constant 16 : i32
    %div3A_147 = vector.broadcast %jit3A_146 : i32 to vector<16xi32>
    %div3A_148 = arith.divsi %iota3A, %div3A_147 : vector<16xi32>
    %sign3A_149 = arith.constant 0 : i32
    %sign3A_150 = vector.broadcast %sign3A_149 : i32 to vector<16xi32>
    %sign3A_151 = arith.cmpi sgt, %iota3A, %sign3A_150 : vector<16xi32>
    %sign3A_152 = arith.extui %sign3A_151 : vector<16xi1> to vector<16xi32>
    %sign3A_153 = arith.constant 0 : i32
    %sign3A_154 = vector.broadcast %sign3A_153 : i32 to vector<16xi32>
    %sign3A_155 = arith.cmpi slt, %iota3A, %sign3A_154 : vector<16xi32>
    %sign3A_156 = arith.extui %sign3A_155 : vector<16xi1> to vector<16xi32>
    %sign3A_157 = arith.subi %sign3A_152, %sign3A_156 : vector<16xi32>
    %sign3A_158 = arith.constant 0 : i32
    %sign3A_159 = arith.cmpi sgt, %jit3A_146, %sign3A_158 : i32
    %sign3A_160 = arith.extui %sign3A_159 : i1 to i32
    %sign3A_161 = arith.constant 0 : i32
    %sign3A_162 = arith.cmpi slt, %jit3A_146, %sign3A_161 : i32
    %sign3A_163 = arith.extui %sign3A_162 : i1 to i32
    %sign3A_164 = arith.subi %sign3A_160, %sign3A_163 : i32
    %ne3A_165 = vector.broadcast %sign3A_164 : i32 to vector<16xi32>
    %ne3A_166 = arith.cmpi ne, %sign3A_157, %ne3A_165 : vector<16xi32>
    %rem3A_167 = vector.broadcast %jit3A_146 : i32 to vector<16xi32>
    %rem3A_168 = arith.remsi %iota3A, %rem3A_167 : vector<16xi32>
    %ne3A_169 = arith.constant 0 : i32
    %ne3A_170 = vector.broadcast %ne3A_169 : i32 to vector<16xi32>
    %ne3A_171 = arith.cmpi ne, %rem3A_168, %ne3A_170 : vector<16xi32>
    %and3A_172 = arith.andi %ne3A_166, %ne3A_171 : vector<16xi1>
    %sub3A_173 = arith.constant 1 : i32
    %sub3A_174 = vector.broadcast %sub3A_173 : i32 to vector<16xi32>
    %sub3A_175 = arith.subi %div3A_148, %sub3A_174 : vector<16xi32>
    %select_n3A_176 = arith.select %and3A_172, %sub3A_175, %div3A_148 : vector<16xi1>, vector<16xi32>
    %add3A_177 = arith.constant 4 : i32
    %add3A_178 = vector.broadcast %add3A_177 : i32 to vector<16xi32>
    %add3A_179 = arith.addi %add3A_178, %select_n3A_176 : vector<16xi32>
    %jit3A_180 = arith.constant 16 : i32
    %div3A_181 = vector.broadcast %jit3A_180 : i32 to vector<16xi32>
    %div3A_182 = arith.divsi %iota3A, %div3A_181 : vector<16xi32>
    %sign3A_183 = arith.constant 0 : i32
    %sign3A_184 = vector.broadcast %sign3A_183 : i32 to vector<16xi32>
    %sign3A_185 = arith.cmpi sgt, %iota3A, %sign3A_184 : vector<16xi32>
    %sign3A_186 = arith.extui %sign3A_185 : vector<16xi1> to vector<16xi32>
    %sign3A_187 = arith.constant 0 : i32
    %sign3A_188 = vector.broadcast %sign3A_187 : i32 to vector<16xi32>
    %sign3A_189 = arith.cmpi slt, %iota3A, %sign3A_188 : vector<16xi32>
    %sign3A_190 = arith.extui %sign3A_189 : vector<16xi1> to vector<16xi32>
    %sign3A_191 = arith.subi %sign3A_186, %sign3A_190 : vector<16xi32>
    %sign3A_192 = arith.constant 0 : i32
    %sign3A_193 = arith.cmpi sgt, %jit3A_180, %sign3A_192 : i32
    %sign3A_194 = arith.extui %sign3A_193 : i1 to i32
    %sign3A_195 = arith.constant 0 : i32
    %sign3A_196 = arith.cmpi slt, %jit3A_180, %sign3A_195 : i32
    %sign3A_197 = arith.extui %sign3A_196 : i1 to i32
    %sign3A_198 = arith.subi %sign3A_194, %sign3A_197 : i32
    %ne3A_199 = vector.broadcast %sign3A_198 : i32 to vector<16xi32>
    %ne3A_200 = arith.cmpi ne, %sign3A_191, %ne3A_199 : vector<16xi32>
    %rem3A_201 = vector.broadcast %jit3A_180 : i32 to vector<16xi32>
    %rem3A_202 = arith.remsi %iota3A, %rem3A_201 : vector<16xi32>
    %ne3A_203 = arith.constant 0 : i32
    %ne3A_204 = vector.broadcast %ne3A_203 : i32 to vector<16xi32>
    %ne3A_205 = arith.cmpi ne, %rem3A_202, %ne3A_204 : vector<16xi32>
    %and3A_206 = arith.andi %ne3A_200, %ne3A_205 : vector<16xi1>
    %sub3A_207 = arith.constant 1 : i32
    %sub3A_208 = vector.broadcast %sub3A_207 : i32 to vector<16xi32>
    %sub3A_209 = arith.subi %div3A_182, %sub3A_208 : vector<16xi32>
    %select_n3A_210 = arith.select %and3A_206, %sub3A_209, %div3A_182 : vector<16xi1>, vector<16xi32>
    %add3A_211 = arith.constant 5 : i32
    %add3A_212 = vector.broadcast %add3A_211 : i32 to vector<16xi32>
    %add3A_213 = arith.addi %add3A_212, %select_n3A_210 : vector<16xi32>
    %jit3A_214 = arith.constant 16 : i32
    %div3A_215 = vector.broadcast %jit3A_214 : i32 to vector<16xi32>
    %div3A_216 = arith.divsi %iota3A, %div3A_215 : vector<16xi32>
    %sign3A_217 = arith.constant 0 : i32
    %sign3A_218 = vector.broadcast %sign3A_217 : i32 to vector<16xi32>
    %sign3A_219 = arith.cmpi sgt, %iota3A, %sign3A_218 : vector<16xi32>
    %sign3A_220 = arith.extui %sign3A_219 : vector<16xi1> to vector<16xi32>
    %sign3A_221 = arith.constant 0 : i32
    %sign3A_222 = vector.broadcast %sign3A_221 : i32 to vector<16xi32>
    %sign3A_223 = arith.cmpi slt, %iota3A, %sign3A_222 : vector<16xi32>
    %sign3A_224 = arith.extui %sign3A_223 : vector<16xi1> to vector<16xi32>
    %sign3A_225 = arith.subi %sign3A_220, %sign3A_224 : vector<16xi32>
    %sign3A_226 = arith.constant 0 : i32
    %sign3A_227 = arith.cmpi sgt, %jit3A_214, %sign3A_226 : i32
    %sign3A_228 = arith.extui %sign3A_227 : i1 to i32
    %sign3A_229 = arith.constant 0 : i32
    %sign3A_230 = arith.cmpi slt, %jit3A_214, %sign3A_229 : i32
    %sign3A_231 = arith.extui %sign3A_230 : i1 to i32
    %sign3A_232 = arith.subi %sign3A_228, %sign3A_231 : i32
    %ne3A_233 = vector.broadcast %sign3A_232 : i32 to vector<16xi32>
    %ne3A_234 = arith.cmpi ne, %sign3A_225, %ne3A_233 : vector<16xi32>
    %rem3A_235 = vector.broadcast %jit3A_214 : i32 to vector<16xi32>
    %rem3A_236 = arith.remsi %iota3A, %rem3A_235 : vector<16xi32>
    %ne3A_237 = arith.constant 0 : i32
    %ne3A_238 = vector.broadcast %ne3A_237 : i32 to vector<16xi32>
    %ne3A_239 = arith.cmpi ne, %rem3A_236, %ne3A_238 : vector<16xi32>
    %and3A_240 = arith.andi %ne3A_234, %ne3A_239 : vector<16xi1>
    %sub3A_241 = arith.constant 1 : i32
    %sub3A_242 = vector.broadcast %sub3A_241 : i32 to vector<16xi32>
    %sub3A_243 = arith.subi %div3A_216, %sub3A_242 : vector<16xi32>
    %select_n3A_244 = arith.select %and3A_240, %sub3A_243, %div3A_216 : vector<16xi1>, vector<16xi32>
    %add3A_245 = arith.constant 6 : i32
    %add3A_246 = vector.broadcast %add3A_245 : i32 to vector<16xi32>
    %add3A_247 = arith.addi %add3A_246, %select_n3A_244 : vector<16xi32>
    %jit3A_248 = arith.constant 16 : i32
    %div3A_249 = vector.broadcast %jit3A_248 : i32 to vector<16xi32>
    %div3A_250 = arith.divsi %iota3A, %div3A_249 : vector<16xi32>
    %sign3A_251 = arith.constant 0 : i32
    %sign3A_252 = vector.broadcast %sign3A_251 : i32 to vector<16xi32>
    %sign3A_253 = arith.cmpi sgt, %iota3A, %sign3A_252 : vector<16xi32>
    %sign3A_254 = arith.extui %sign3A_253 : vector<16xi1> to vector<16xi32>
    %sign3A_255 = arith.constant 0 : i32
    %sign3A_256 = vector.broadcast %sign3A_255 : i32 to vector<16xi32>
    %sign3A_257 = arith.cmpi slt, %iota3A, %sign3A_256 : vector<16xi32>
    %sign3A_258 = arith.extui %sign3A_257 : vector<16xi1> to vector<16xi32>
    %sign3A_259 = arith.subi %sign3A_254, %sign3A_258 : vector<16xi32>
    %sign3A_260 = arith.constant 0 : i32
    %sign3A_261 = arith.cmpi sgt, %jit3A_248, %sign3A_260 : i32
    %sign3A_262 = arith.extui %sign3A_261 : i1 to i32
    %sign3A_263 = arith.constant 0 : i32
    %sign3A_264 = arith.cmpi slt, %jit3A_248, %sign3A_263 : i32
    %sign3A_265 = arith.extui %sign3A_264 : i1 to i32
    %sign3A_266 = arith.subi %sign3A_262, %sign3A_265 : i32
    %ne3A_267 = vector.broadcast %sign3A_266 : i32 to vector<16xi32>
    %ne3A_268 = arith.cmpi ne, %sign3A_259, %ne3A_267 : vector<16xi32>
    %rem3A_269 = vector.broadcast %jit3A_248 : i32 to vector<16xi32>
    %rem3A_270 = arith.remsi %iota3A, %rem3A_269 : vector<16xi32>
    %ne3A_271 = arith.constant 0 : i32
    %ne3A_272 = vector.broadcast %ne3A_271 : i32 to vector<16xi32>
    %ne3A_273 = arith.cmpi ne, %rem3A_270, %ne3A_272 : vector<16xi32>
    %and3A_274 = arith.andi %ne3A_268, %ne3A_273 : vector<16xi1>
    %sub3A_275 = arith.constant 1 : i32
    %sub3A_276 = vector.broadcast %sub3A_275 : i32 to vector<16xi32>
    %sub3A_277 = arith.subi %div3A_250, %sub3A_276 : vector<16xi32>
    %select_n3A_278 = arith.select %and3A_274, %sub3A_277, %div3A_250 : vector<16xi1>, vector<16xi32>
    %add3A_279 = arith.constant 7 : i32
    %add3A_280 = vector.broadcast %add3A_279 : i32 to vector<16xi32>
    %add3A_281 = arith.addi %add3A_280, %select_n3A_278 : vector<16xi32>
    %dma_start3A = arith.constant 0 : i32
    %dma_start3A_282 = arith.constant 0 : i32
    %dma_start3A_283 = arith.constant 0 : i32
    %dma_start3A_284 = arith.constant 0 : i32
    %dma_start3A_285 = tpu.memref_slice %arg13[%dma_start3A_282, %dma_start3A_283, %dma_start3A_284] : memref<2x64x16xf32, #tpu.memory_space<vmem>> -> memref<1x64x16xf32, #tpu.memory_space<vmem>>
    %dma_start3A_286 = tpu.memref_squeeze %dma_start3A_285 : memref<1x64x16xf32, #tpu.memory_space<vmem>> -> memref<64x16xf32, #tpu.memory_space<vmem>>
    %dma_start3A_287 = arith.constant 0 : i32
    %dma_start3A_288 = tpu.memref_slice %arg11[%dma_start3A, %dma_start3A_287] : memref<84x64xi32, #tpu.memory_space<vmem>> -> memref<1x64xi32, #tpu.memory_space<vmem>>
    %dma_start3A_289 = tpu.memref_squeeze %dma_start3A_288 : memref<1x64xi32, #tpu.memory_space<vmem>> -> memref<64xi32, #tpu.memory_space<vmem>>
    %dma_start3A_290 = arith.constant 0 : i32
    %dma_start3A_291 = arith.constant 0 : i32
    %dma_start3A_292 = tpu.memref_slice %arg4[%dma_start3A_290, %dma_start3A_291] : memref<10240x16xf32, #tpu.memory_space<hbm>> -> memref<10240x16xf32, #tpu.memory_space<hbm>>
    tpu.enqueue_indirect_dma source(%dma_start3A_292 : memref<10240x16xf32, #tpu.memory_space<hbm>>) target(%dma_start3A_286 : memref<64x16xf32, #tpu.memory_space<vmem>>) offsets(%dma_start3A_289 : memref<64xi32, #tpu.memory_space<vmem>>) semaphore(%arg19 : memref<!tpu.dma_semaphore, #tpu.memory_space<semaphore_mem>>)
    %dma_start3A_293 = arith.constant 0 : i32
    %dma_start3A_294 = arith.constant 0 : i32
    %dma_start3A_295 = arith.constant 0 : i32
    %dma_start3A_296 = arith.constant 0 : i32
    %dma_start3A_297 = tpu.memref_slice %arg14[%dma_start3A_294, %dma_start3A_295, %dma_start3A_296] : memref<2x64x16xf32, #tpu.memory_space<vmem>> -> memref<1x64x16xf32, #tpu.memory_space<vmem>>
    %dma_start3A_298 = tpu.memref_squeeze %dma_start3A_297 : memref<1x64x16xf32, #tpu.memory_space<vmem>> -> memref<64x16xf32, #tpu.memory_space<vmem>>
    %dma_start3A_299 = arith.constant 0 : i32
    %dma_start3A_300 = tpu.memref_slice %arg12[%dma_start3A_293, %dma_start3A_299] : memref<84x64xi32, #tpu.memory_space<vmem>> -> memref<1x64xi32, #tpu.memory_space<vmem>>
    %dma_start3A_301 = tpu.memref_squeeze %dma_start3A_300 : memref<1x64xi32, #tpu.memory_space<vmem>> -> memref<64xi32, #tpu.memory_space<vmem>>
    %dma_start3A_302 = arith.constant 0 : i32
    %dma_start3A_303 = arith.constant 0 : i32
    %dma_start3A_304 = tpu.memref_slice %arg4[%dma_start3A_302, %dma_start3A_303] : memref<10240x16xf32, #tpu.memory_space<hbm>> -> memref<10240x16xf32, #tpu.memory_space<hbm>>
    tpu.enqueue_indirect_dma source(%dma_start3A_304 : memref<10240x16xf32, #tpu.memory_space<hbm>>) target(%dma_start3A_298 : memref<64x16xf32, #tpu.memory_space<vmem>>) offsets(%dma_start3A_301 : memref<64xi32, #tpu.memory_space<vmem>>) semaphore(%arg19 : memref<!tpu.dma_semaphore, #tpu.memory_space<semaphore_mem>>)
    %dma_start3A_305 = arith.constant 0 : i32
    %dma_start3A_306 = arith.constant 0 : i32
    %dma_start3A_307 = arith.constant 0 : i32
    %dma_start3A_308 = arith.constant 0 : i32
    %dma_start3A_309 = tpu.memref_slice %arg15[%dma_start3A_306, %dma_start3A_307, %dma_start3A_308] : memref<2x64x128xf32, #tpu.memory_space<vmem>> -> memref<1x64x128xf32, #tpu.memory_space<vmem>>
    %dma_start3A_310 = tpu.memref_squeeze %dma_start3A_309 : memref<1x64x128xf32, #tpu.memory_space<vmem>> -> memref<64x128xf32, #tpu.memory_space<vmem>>
    %dma_start3A_311 = arith.constant 0 : i32
    %dma_start3A_312 = tpu.memref_slice %arg11[%dma_start3A_305, %dma_start3A_311] : memref<84x64xi32, #tpu.memory_space<vmem>> -> memref<1x64xi32, #tpu.memory_space<vmem>>
    %dma_start3A_313 = tpu.memref_squeeze %dma_start3A_312 : memref<1x64xi32, #tpu.memory_space<vmem>> -> memref<64xi32, #tpu.memory_space<vmem>>
    %dma_start3A_314 = arith.constant 0 : i32
    %dma_start3A_315 = arith.constant 0 : i32
    %dma_start3A_316 = tpu.memref_slice %arg6[%dma_start3A_314, %dma_start3A_315] : memref<10240x128xf32, #tpu.memory_space<hbm>> -> memref<10240x128xf32, #tpu.memory_space<hbm>>
    tpu.enqueue_indirect_dma source(%dma_start3A_316 : memref<10240x128xf32, #tpu.memory_space<hbm>>) target(%dma_start3A_310 : memref<64x128xf32, #tpu.memory_space<vmem>>) offsets(%dma_start3A_313 : memref<64xi32, #tpu.memory_space<vmem>>) semaphore(%arg19 : memref<!tpu.dma_semaphore, #tpu.memory_space<semaphore_mem>>)
    %scan3A = arith.constant 0 : i32
    %scan3A_317 = arith.constant 0 : i32
    %scan3A_318 = arith.constant 84 : i32
    %scan3A_319 = arith.addi %scan3A_317, %scan3A_318 : i32
    %scan3A_320 = arith.constant 1 : i32
    %scan3A_321 = scf.for %scan3A_355 = %scan3A_317 to %scan3A_319 step %scan3A_320 iter_args(%scan3A_356 = %scan3A) -> (i32)  : i32 {
      %and3A_357 = arith.constant 1 : i32
      %and3A_358 = arith.andi %scan3A_355, %and3A_357 : i32
      %dma_wait3A_359 = arith.constant 0 : i32
      %dma_wait3A_360 = arith.constant 0 : i32
      %dma_wait3A_361 = tpu.memref_slice %arg13[%and3A_358, %dma_wait3A_359, %dma_wait3A_360] : memref<2x64x16xf32, #tpu.memory_space<vmem>> -> memref<1x64x16xf32, #tpu.memory_space<vmem>>
      %dma_wait3A_362 = tpu.memref_squeeze %dma_wait3A_361 : memref<1x64x16xf32, #tpu.memory_space<vmem>> -> memref<64x16xf32, #tpu.memory_space<vmem>>
      %dma_wait3A_363 = arith.constant 0 : i32
      %dma_wait3A_364 = tpu.memref_slice %arg11[%scan3A_355, %dma_wait3A_363] : memref<84x64xi32, #tpu.memory_space<vmem>> -> memref<1x64xi32, #tpu.memory_space<vmem>>
      %dma_wait3A_365 = tpu.memref_squeeze %dma_wait3A_364 : memref<1x64xi32, #tpu.memory_space<vmem>> -> memref<64xi32, #tpu.memory_space<vmem>>
      %dma_wait3A_366 = arith.constant 0 : i32
      %dma_wait3A_367 = arith.constant 0 : i32
      %dma_wait3A_368 = tpu.memref_slice %arg4[%dma_wait3A_366, %dma_wait3A_367] : memref<10240x16xf32, #tpu.memory_space<hbm>> -> memref<10240x16xf32, #tpu.memory_space<hbm>>
      tpu.wait_indirect_dma semaphore(%arg19 : memref<!tpu.dma_semaphore, #tpu.memory_space<semaphore_mem>>) src(%dma_wait3A_368 : memref<10240x16xf32, #tpu.memory_space<hbm>>) dst(%dma_wait3A_362 : memref<64x16xf32, #tpu.memory_space<vmem>>)
      %dma_wait3A_369 = arith.constant 0 : i32
      %dma_wait3A_370 = arith.constant 0 : i32
      %dma_wait3A_371 = tpu.memref_slice %arg14[%and3A_358, %dma_wait3A_369, %dma_wait3A_370] : memref<2x64x16xf32, #tpu.memory_space<vmem>> -> memref<1x64x16xf32, #tpu.memory_space<vmem>>
      %dma_wait3A_372 = tpu.memref_squeeze %dma_wait3A_371 : memref<1x64x16xf32, #tpu.memory_space<vmem>> -> memref<64x16xf32, #tpu.memory_space<vmem>>
      %dma_wait3A_373 = arith.constant 0 : i32
      %dma_wait3A_374 = tpu.memref_slice %arg12[%scan3A_355, %dma_wait3A_373] : memref<84x64xi32, #tpu.memory_space<vmem>> -> memref<1x64xi32, #tpu.memory_space<vmem>>
      %dma_wait3A_375 = tpu.memref_squeeze %dma_wait3A_374 : memref<1x64xi32, #tpu.memory_space<vmem>> -> memref<64xi32, #tpu.memory_space<vmem>>
      %dma_wait3A_376 = arith.constant 0 : i32
      %dma_wait3A_377 = arith.constant 0 : i32
      %dma_wait3A_378 = tpu.memref_slice %arg4[%dma_wait3A_376, %dma_wait3A_377] : memref<10240x16xf32, #tpu.memory_space<hbm>> -> memref<10240x16xf32, #tpu.memory_space<hbm>>
      tpu.wait_indirect_dma semaphore(%arg19 : memref<!tpu.dma_semaphore, #tpu.memory_space<semaphore_mem>>) src(%dma_wait3A_378 : memref<10240x16xf32, #tpu.memory_space<hbm>>) dst(%dma_wait3A_372 : memref<64x16xf32, #tpu.memory_space<vmem>>)
      %dma_wait3A_379 = arith.constant 0 : i32
      %dma_wait3A_380 = arith.constant 0 : i32
      %dma_wait3A_381 = tpu.memref_slice %arg15[%and3A_358, %dma_wait3A_379, %dma_wait3A_380] : memref<2x64x128xf32, #tpu.memory_space<vmem>> -> memref<1x64x128xf32, #tpu.memory_space<vmem>>
      %dma_wait3A_382 = tpu.memref_squeeze %dma_wait3A_381 : memref<1x64x128xf32, #tpu.memory_space<vmem>> -> memref<64x128xf32, #tpu.memory_space<vmem>>
      %dma_wait3A_383 = arith.constant 0 : i32
      %dma_wait3A_384 = tpu.memref_slice %arg11[%scan3A_355, %dma_wait3A_383] : memref<84x64xi32, #tpu.memory_space<vmem>> -> memref<1x64xi32, #tpu.memory_space<vmem>>
      %dma_wait3A_385 = tpu.memref_squeeze %dma_wait3A_384 : memref<1x64xi32, #tpu.memory_space<vmem>> -> memref<64xi32, #tpu.memory_space<vmem>>
      %dma_wait3A_386 = arith.constant 0 : i32
      %dma_wait3A_387 = arith.constant 0 : i32
      %dma_wait3A_388 = tpu.memref_slice %arg6[%dma_wait3A_386, %dma_wait3A_387] : memref<10240x128xf32, #tpu.memory_space<hbm>> -> memref<10240x128xf32, #tpu.memory_space<hbm>>
      tpu.wait_indirect_dma semaphore(%arg19 : memref<!tpu.dma_semaphore, #tpu.memory_space<semaphore_mem>>) src(%dma_wait3A_388 : memref<10240x128xf32, #tpu.memory_space<hbm>>) dst(%dma_wait3A_382 : memref<64x128xf32, #tpu.memory_space<vmem>>)
      %gt3A = arith.constant 0 : i32
      %gt3A_389 = arith.cmpi sgt, %scan3A_355, %gt3A : i32
      %convert_element_type3A = arith.extui %gt3A_389 : i1 to i32
      %cond3A = arith.constant 0 : i32
      %cond3A_390 = arith.cmpi ne, %convert_element_type3A, %cond3A : i32
      scf.if %cond3A_390 {
        %sub3A_419 = arith.constant 1 : i32
        %sub3A_420 = arith.subi %scan3A_355, %sub3A_419 : i32
        %sub3A_421 = arith.constant 1 : i32
        %sub3A_422 = arith.subi %sub3A_421, %and3A_358 : i32
        %dma_wait3A_423 = arith.constant 0 : i32
        %dma_wait3A_424 = arith.constant 0 : i32
        %dma_wait3A_425 = tpu.memref_slice %arg13[%sub3A_422, %dma_wait3A_423, %dma_wait3A_424] : memref<2x64x16xf32, #tpu.memory_space<vmem>> -> memref<1x64x16xf32, #tpu.memory_space<vmem>>
        %dma_wait3A_426 = tpu.memref_squeeze %dma_wait3A_425 : memref<1x64x16xf32, #tpu.memory_space<vmem>> -> memref<64x16xf32, #tpu.memory_space<vmem>>
        %dma_wait3A_427 = arith.constant 0 : i32
        %dma_wait3A_428 = tpu.memref_slice %arg12[%sub3A_420, %dma_wait3A_427] : memref<84x64xi32, #tpu.memory_space<vmem>> -> memref<1x64xi32, #tpu.memory_space<vmem>>
        %dma_wait3A_429 = tpu.memref_squeeze %dma_wait3A_428 : memref<1x64xi32, #tpu.memory_space<vmem>> -> memref<64xi32, #tpu.memory_space<vmem>>
        %dma_wait3A_430 = arith.constant 0 : i32
        %dma_wait3A_431 = arith.constant 0 : i32
        %dma_wait3A_432 = tpu.memref_slice %arg17[%dma_wait3A_430, %dma_wait3A_431] : memref<10240x16xf32, #tpu.memory_space<vmem_shared>> -> memref<10240x16xf32, #tpu.memory_space<vmem_shared>>
        tpu.wait_indirect_dma semaphore(%arg20 : memref<!tpu.dma_semaphore, #tpu.memory_space<semaphore_mem>>) src(%dma_wait3A_426 : memref<64x16xf32, #tpu.memory_space<vmem>>) dst(%dma_wait3A_432 : memref<10240x16xf32, #tpu.memory_space<vmem_shared>>)
        %dma_wait3A_433 = arith.constant 0 : i32
        %dma_wait3A_434 = arith.constant 0 : i32
        %dma_wait3A_435 = tpu.memref_slice %arg15[%sub3A_422, %dma_wait3A_433, %dma_wait3A_434] : memref<2x64x128xf32, #tpu.memory_space<vmem>> -> memref<1x64x128xf32, #tpu.memory_space<vmem>>
        %dma_wait3A_436 = tpu.memref_squeeze %dma_wait3A_435 : memref<1x64x128xf32, #tpu.memory_space<vmem>> -> memref<64x128xf32, #tpu.memory_space<vmem>>
        %dma_wait3A_437 = arith.constant 0 : i32
        %dma_wait3A_438 = tpu.memref_slice %arg12[%sub3A_420, %dma_wait3A_437] : memref<84x64xi32, #tpu.memory_space<vmem>> -> memref<1x64xi32, #tpu.memory_space<vmem>>
        %dma_wait3A_439 = tpu.memref_squeeze %dma_wait3A_438 : memref<1x64xi32, #tpu.memory_space<vmem>> -> memref<64xi32, #tpu.memory_space<vmem>>
        %dma_wait3A_440 = arith.constant 0 : i32
        %dma_wait3A_441 = arith.constant 0 : i32
        %dma_wait3A_442 = tpu.memref_slice %arg18[%dma_wait3A_440, %dma_wait3A_441] : memref<10240x128xf32, #tpu.memory_space<vmem_shared>> -> memref<10240x128xf32, #tpu.memory_space<vmem_shared>>
        tpu.wait_indirect_dma semaphore(%arg20 : memref<!tpu.dma_semaphore, #tpu.memory_space<semaphore_mem>>) src(%dma_wait3A_436 : memref<64x128xf32, #tpu.memory_space<vmem>>) dst(%dma_wait3A_442 : memref<10240x128xf32, #tpu.memory_space<vmem_shared>>)
      } else {
      }
      %lt3A_391 = arith.constant 83 : i32
      %lt3A_392 = arith.cmpi slt, %scan3A_355, %lt3A_391 : i32
      %convert_element_type3A_393 = arith.extui %lt3A_392 : i1 to i32
      %cond3A_394 = arith.constant 0 : i32
      %cond3A_395 = arith.cmpi ne, %convert_element_type3A_393, %cond3A_394 : i32
      scf.if %cond3A_395 {
        %add3A_419 = arith.constant 1 : i32
        %add3A_420 = arith.addi %scan3A_355, %add3A_419 : i32
        %sub3A_421 = arith.constant 1 : i32
        %sub3A_422 = arith.subi %sub3A_421, %and3A_358 : i32
        %dma_start3A_423 = arith.constant 0 : i32
        %dma_start3A_424 = arith.constant 0 : i32
        %dma_start3A_425 = tpu.memref_slice %arg13[%sub3A_422, %dma_start3A_423, %dma_start3A_424] : memref<2x64x16xf32, #tpu.memory_space<vmem>> -> memref<1x64x16xf32, #tpu.memory_space<vmem>>
        %dma_start3A_426 = tpu.memref_squeeze %dma_start3A_425 : memref<1x64x16xf32, #tpu.memory_space<vmem>> -> memref<64x16xf32, #tpu.memory_space<vmem>>
        %dma_start3A_427 = arith.constant 0 : i32
        %dma_start3A_428 = tpu.memref_slice %arg11[%add3A_420, %dma_start3A_427] : memref<84x64xi32, #tpu.memory_space<vmem>> -> memref<1x64xi32, #tpu.memory_space<vmem>>
        %dma_start3A_429 = tpu.memref_squeeze %dma_start3A_428 : memref<1x64xi32, #tpu.memory_space<vmem>> -> memref<64xi32, #tpu.memory_space<vmem>>
        %dma_start3A_430 = arith.constant 0 : i32
        %dma_start3A_431 = arith.constant 0 : i32
        %dma_start3A_432 = tpu.memref_slice %arg4[%dma_start3A_430, %dma_start3A_431] : memref<10240x16xf32, #tpu.memory_space<hbm>> -> memref<10240x16xf32, #tpu.memory_space<hbm>>
        tpu.enqueue_indirect_dma source(%dma_start3A_432 : memref<10240x16xf32, #tpu.memory_space<hbm>>) target(%dma_start3A_426 : memref<64x16xf32, #tpu.memory_space<vmem>>) offsets(%dma_start3A_429 : memref<64xi32, #tpu.memory_space<vmem>>) semaphore(%arg19 : memref<!tpu.dma_semaphore, #tpu.memory_space<semaphore_mem>>)
        %dma_start3A_433 = arith.constant 0 : i32
        %dma_start3A_434 = arith.constant 0 : i32
        %dma_start3A_435 = tpu.memref_slice %arg14[%sub3A_422, %dma_start3A_433, %dma_start3A_434] : memref<2x64x16xf32, #tpu.memory_space<vmem>> -> memref<1x64x16xf32, #tpu.memory_space<vmem>>
        %dma_start3A_436 = tpu.memref_squeeze %dma_start3A_435 : memref<1x64x16xf32, #tpu.memory_space<vmem>> -> memref<64x16xf32, #tpu.memory_space<vmem>>
        %dma_start3A_437 = arith.constant 0 : i32
        %dma_start3A_438 = tpu.memref_slice %arg12[%add3A_420, %dma_start3A_437] : memref<84x64xi32, #tpu.memory_space<vmem>> -> memref<1x64xi32, #tpu.memory_space<vmem>>
        %dma_start3A_439 = tpu.memref_squeeze %dma_start3A_438 : memref<1x64xi32, #tpu.memory_space<vmem>> -> memref<64xi32, #tpu.memory_space<vmem>>
        %dma_start3A_440 = arith.constant 0 : i32
        %dma_start3A_441 = arith.constant 0 : i32
        %dma_start3A_442 = tpu.memref_slice %arg4[%dma_start3A_440, %dma_start3A_441] : memref<10240x16xf32, #tpu.memory_space<hbm>> -> memref<10240x16xf32, #tpu.memory_space<hbm>>
        tpu.enqueue_indirect_dma source(%dma_start3A_442 : memref<10240x16xf32, #tpu.memory_space<hbm>>) target(%dma_start3A_436 : memref<64x16xf32, #tpu.memory_space<vmem>>) offsets(%dma_start3A_439 : memref<64xi32, #tpu.memory_space<vmem>>) semaphore(%arg19 : memref<!tpu.dma_semaphore, #tpu.memory_space<semaphore_mem>>)
        %dma_start3A_443 = arith.constant 0 : i32
        %dma_start3A_444 = arith.constant 0 : i32
        %dma_start3A_445 = tpu.memref_slice %arg15[%sub3A_422, %dma_start3A_443, %dma_start3A_444] : memref<2x64x128xf32, #tpu.memory_space<vmem>> -> memref<1x64x128xf32, #tpu.memory_space<vmem>>
        %dma_start3A_446 = tpu.memref_squeeze %dma_start3A_445 : memref<1x64x128xf32, #tpu.memory_space<vmem>> -> memref<64x128xf32, #tpu.memory_space<vmem>>
        %dma_start3A_447 = arith.constant 0 : i32
        %dma_start3A_448 = tpu.memref_slice %arg11[%add3A_420, %dma_start3A_447] : memref<84x64xi32, #tpu.memory_space<vmem>> -> memref<1x64xi32, #tpu.memory_space<vmem>>
        %dma_start3A_449 = tpu.memref_squeeze %dma_start3A_448 : memref<1x64xi32, #tpu.memory_space<vmem>> -> memref<64xi32, #tpu.memory_space<vmem>>
        %dma_start3A_450 = arith.constant 0 : i32
        %dma_start3A_451 = arith.constant 0 : i32
        %dma_start3A_452 = tpu.memref_slice %arg6[%dma_start3A_450, %dma_start3A_451] : memref<10240x128xf32, #tpu.memory_space<hbm>> -> memref<10240x128xf32, #tpu.memory_space<hbm>>
        tpu.enqueue_indirect_dma source(%dma_start3A_452 : memref<10240x128xf32, #tpu.memory_space<hbm>>) target(%dma_start3A_446 : memref<64x128xf32, #tpu.memory_space<vmem>>) offsets(%dma_start3A_449 : memref<64xi32, #tpu.memory_space<vmem>>) semaphore(%arg19 : memref<!tpu.dma_semaphore, #tpu.memory_space<semaphore_mem>>)
      } else {
      }
      %parallel_loop3A = arith.constant 0 : i32
      %parallel_loop3A_396 = arith.constant 64 : i32
      %parallel_loop3A_397 = arith.constant 1 : i32
      scf.for %parallel_loop3A_419 = %parallel_loop3A to %parallel_loop3A_396 step %parallel_loop3A_397  : i32 {
        %parallel_loop3A_420 = arith.index_cast %and3A_358 : i32 to index
        %parallel_loop3A_421 = arith.index_cast %parallel_loop3A_419 : i32 to index
        %parallel_loop3A_422 = arith.constant 0 : index
        %parallel_loop3A_423 = tpu.vector_load %arg13[%parallel_loop3A_420, %parallel_loop3A_421, %parallel_loop3A_422] {strides = array<i32>} : memref<2x64x16xf32, #tpu.memory_space<vmem>>, vector<16xf32>,
        %parallel_loop3A_424 = arith.index_cast %and3A_358 : i32 to index
        %parallel_loop3A_425 = arith.index_cast %parallel_loop3A_419 : i32 to index
        %parallel_loop3A_426 = arith.constant 0 : index
        %parallel_loop3A_427 = tpu.vector_load %arg14[%parallel_loop3A_424, %parallel_loop3A_425, %parallel_loop3A_426] {strides = array<i32>} : memref<2x64x16xf32, #tpu.memory_space<vmem>>, vector<16xf32>,
        %parallel_loop3A_428 = arith.constant 0 : i32
        %parallel_loop3A_429 = vector.broadcast %parallel_loop3A_428 : i32 to vector<16xi32>
        %parallel_loop3A_430 = arith.cmpi slt, %and3A_14, %parallel_loop3A_429 : vector<16xi32>
        %parallel_loop3A_431 = arith.constant 16 : i32
        %parallel_loop3A_432 = vector.broadcast %parallel_loop3A_431 : i32 to vector<16xi32>
        %parallel_loop3A_433 = arith.addi %and3A_14, %parallel_loop3A_432 : vector<16xi32>
        %parallel_loop3A_434 = arith.select %parallel_loop3A_430, %parallel_loop3A_433, %and3A_14 : vector<16xi1>, vector<16xi32>
        %parallel_loop3A_435 = vector.shape_cast %parallel_loop3A_434 : vector<16xi32> to vector<16x1xi32>
        %parallel_loop3A_436 = vector.shape_cast %parallel_loop3A_435 : vector<16x1xi32> to vector<16xi32>
        %parallel_loop3A_437 = tpu.dynamic_gather %parallel_loop3A_423[%parallel_loop3A_436] in [0] : vector<16xf32>, vector<16xi32> -> vector<16xf32>
        %parallel_loop3A_438 = arith.constant 0 : i32
        %parallel_loop3A_439 = vector.broadcast %parallel_loop3A_438 : i32 to vector<16xi32>
        %parallel_loop3A_440 = arith.cmpi slt, %and3A_14, %parallel_loop3A_439 : vector<16xi32>
        %parallel_loop3A_441 = arith.constant 16 : i32
        %parallel_loop3A_442 = vector.broadcast %parallel_loop3A_441 : i32 to vector<16xi32>
        %parallel_loop3A_443 = arith.addi %and3A_14, %parallel_loop3A_442 : vector<16xi32>
        %parallel_loop3A_444 = arith.select %parallel_loop3A_440, %parallel_loop3A_443, %and3A_14 : vector<16xi1>, vector<16xi32>
        %parallel_loop3A_445 = vector.shape_cast %parallel_loop3A_444 : vector<16xi32> to vector<16x1xi32>
        %parallel_loop3A_446 = vector.shape_cast %parallel_loop3A_445 : vector<16x1xi32> to vector<16xi32>
        %parallel_loop3A_447 = tpu.dynamic_gather %parallel_loop3A_427[%parallel_loop3A_446] in [0] : vector<16xf32>, vector<16xi32> -> vector<16xf32>
        %parallel_loop3A_448 = arith.select %lt3A_16, %parallel_loop3A_423, %parallel_loop3A_437 : vector<16xi1>, vector<16xf32>
        %parallel_loop3A_449 = arith.select %lt3A_16, %parallel_loop3A_447, %parallel_loop3A_427 : vector<16xi1>, vector<16xf32>
        %parallel_loop3A_450 = arith.addf %parallel_loop3A_448, %parallel_loop3A_449 : vector<16xf32>
        %parallel_loop3A_451 = arith.constant 0.000000e+00 : f32
        %parallel_loop3A_452 = vector.broadcast %parallel_loop3A_451 : f32 to vector<16xf32>
        %parallel_loop3A_453 = arith.cmpf oge, %parallel_loop3A_450, %parallel_loop3A_452 : vector<16xf32>
        %parallel_loop3A_454 = arith.constant 2.000000e-01 : f32
        %parallel_loop3A_455 = vector.broadcast %parallel_loop3A_454 : f32 to vector<16xf32>
        %parallel_loop3A_456 = arith.mulf %parallel_loop3A_455, %parallel_loop3A_450 : vector<16xf32>
        %parallel_loop3A_457 = arith.select %parallel_loop3A_453, %parallel_loop3A_450, %parallel_loop3A_456 : vector<16xi1>, vector<16xf32>
        %parallel_loop3A_458 = arith.addf %parallel_loop3A_449, %get3A_9 : vector<16xf32>
        %parallel_loop3A_459 = arith.constant 0.000000e+00 : f32
        %parallel_loop3A_460 = vector.broadcast %parallel_loop3A_459 : f32 to vector<16xf32>
        %parallel_loop3A_461 = arith.cmpf oge, %parallel_loop3A_458, %parallel_loop3A_460 : vector<16xf32>
        %parallel_loop3A_462 = arith.constant 2.000000e-01 : f32
        %parallel_loop3A_463 = vector.broadcast %parallel_loop3A_462 : f32 to vector<16xf32>
        %parallel_loop3A_464 = arith.mulf %parallel_loop3A_463, %parallel_loop3A_458 : vector<16xf32>
        %parallel_loop3A_465 = arith.select %parallel_loop3A_461, %parallel_loop3A_458, %parallel_loop3A_464 : vector<16xi1>, vector<16xf32>
        %parallel_loop3A_466 = arith.subf %parallel_loop3A_457, %parallel_loop3A_465 : vector<16xf32>
        %parallel_loop3A_467 = math.exp %parallel_loop3A_466 : vector<16xf32>
        %parallel_loop3A_468 = arith.index_cast %and3A_358 : i32 to index
        %parallel_loop3A_469 = arith.index_cast %parallel_loop3A_419 : i32 to index
        %parallel_loop3A_470 = arith.constant 0 : index
        %parallel_loop3A_471 = tpu.vector_load %arg13[%parallel_loop3A_468, %parallel_loop3A_469, %parallel_loop3A_470] {strides = array<i32>} : memref<2x64x16xf32, #tpu.memory_space<vmem>>, vector<16xf32>,
        tpu.vector_store %arg13[%parallel_loop3A_468, %parallel_loop3A_469, %parallel_loop3A_470], %parallel_loop3A_467 {strides = array<i32>} : memref<2x64x16xf32, #tpu.memory_space<vmem>>, vector<16xf32>,
        %parallel_loop3A_472 = arith.constant 0 : i32
        %parallel_loop3A_473 = vector.broadcast %parallel_loop3A_472 : i32 to vector<16xi32>
        %parallel_loop3A_474 = arith.cmpi slt, %add3A_43, %parallel_loop3A_473 : vector<16xi32>
        %parallel_loop3A_475 = arith.constant 16 : i32
        %parallel_loop3A_476 = vector.broadcast %parallel_loop3A_475 : i32 to vector<16xi32>
        %parallel_loop3A_477 = arith.addi %add3A_43, %parallel_loop3A_476 : vector<16xi32>
        %parallel_loop3A_478 = arith.select %parallel_loop3A_474, %parallel_loop3A_477, %add3A_43 : vector<16xi1>, vector<16xi32>
        %parallel_loop3A_479 = vector.shape_cast %parallel_loop3A_478 : vector<16xi32> to vector<16x1xi32>
        %parallel_loop3A_480 = vector.shape_cast %parallel_loop3A_479 : vector<16x1xi32> to vector<16xi32>
        %parallel_loop3A_481 = tpu.dynamic_gather %parallel_loop3A_467[%parallel_loop3A_480] in [0] : vector<16xf32>, vector<16xi32> -> vector<16xf32>
        %parallel_loop3A_482 = arith.index_cast %and3A_358 : i32 to index
        %parallel_loop3A_483 = arith.index_cast %parallel_loop3A_419 : i32 to index
        %parallel_loop3A_484 = arith.constant 0 : index
        %parallel_loop3A_485 = tpu.vector_load %arg15[%parallel_loop3A_482, %parallel_loop3A_483, %parallel_loop3A_484] {strides = array<i32>} : memref<2x64x128xf32, #tpu.memory_space<vmem>>, vector<16xf32>,
        %parallel_loop3A_486 = arith.mulf %parallel_loop3A_485, %parallel_loop3A_481 : vector<16xf32>
        %parallel_loop3A_487 = arith.index_cast %and3A_358 : i32 to index
        %parallel_loop3A_488 = arith.index_cast %parallel_loop3A_419 : i32 to index
        %parallel_loop3A_489 = arith.constant 0 : index
        %parallel_loop3A_490 = tpu.vector_load %arg15[%parallel_loop3A_487, %parallel_loop3A_488, %parallel_loop3A_489] {strides = array<i32>} : memref<2x64x128xf32, #tpu.memory_space<vmem>>, vector<16xf32>,
        tpu.vector_store %arg15[%parallel_loop3A_487, %parallel_loop3A_488, %parallel_loop3A_489], %parallel_loop3A_486 {strides = array<i32>} : memref<2x64x128xf32, #tpu.memory_space<vmem>>, vector<16xf32>,
        %parallel_loop3A_491 = arith.constant 0 : i32
        %parallel_loop3A_492 = vector.broadcast %parallel_loop3A_491 : i32 to vector<16xi32>
        %parallel_loop3A_493 = arith.cmpi slt, %add3A_77, %parallel_loop3A_492 : vector<16xi32>
        %parallel_loop3A_494 = arith.constant 16 : i32
        %parallel_loop3A_495 = vector.broadcast %parallel_loop3A_494 : i32 to vector<16xi32>
        %parallel_loop3A_496 = arith.addi %add3A_77, %parallel_loop3A_495 : vector<16xi32>
        %parallel_loop3A_497 = arith.select %parallel_loop3A_493, %parallel_loop3A_496, %add3A_77 : vector<16xi1>, vector<16xi32>
        %parallel_loop3A_498 = vector.shape_cast %parallel_loop3A_497 : vector<16xi32> to vector<16x1xi32>
        %parallel_loop3A_499 = vector.shape_cast %parallel_loop3A_498 : vector<16x1xi32> to vector<16xi32>
        %parallel_loop3A_500 = tpu.dynamic_gather %parallel_loop3A_467[%parallel_loop3A_499] in [0] : vector<16xf32>, vector<16xi32> -> vector<16xf32>
        %parallel_loop3A_501 = arith.index_cast %and3A_358 : i32 to index
        %parallel_loop3A_502 = arith.index_cast %parallel_loop3A_419 : i32 to index
        %parallel_loop3A_503 = arith.constant 16 : index
        %parallel_loop3A_504 = tpu.vector_load %arg15[%parallel_loop3A_501, %parallel_loop3A_502, %parallel_loop3A_503] {strides = array<i32>} : memref<2x64x128xf32, #tpu.memory_space<vmem>>, vector<16xf32>,
        %parallel_loop3A_505 = arith.mulf %parallel_loop3A_504, %parallel_loop3A_500 : vector<16xf32>
        %parallel_loop3A_506 = arith.index_cast %and3A_358 : i32 to index
        %parallel_loop3A_507 = arith.index_cast %parallel_loop3A_419 : i32 to index
        %parallel_loop3A_508 = arith.constant 16 : index
        %parallel_loop3A_509 = tpu.vector_load %arg15[%parallel_loop3A_506, %parallel_loop3A_507, %parallel_loop3A_508] {strides = array<i32>} : memref<2x64x128xf32, #tpu.memory_space<vmem>>, vector<16xf32>,
        tpu.vector_store %arg15[%parallel_loop3A_506, %parallel_loop3A_507, %parallel_loop3A_508], %parallel_loop3A_505 {strides = array<i32>} : memref<2x64x128xf32, #tpu.memory_space<vmem>>, vector<16xf32>,
        %parallel_loop3A_510 = arith.constant 0 : i32
        %parallel_loop3A_511 = vector.broadcast %parallel_loop3A_510 : i32 to vector<16xi32>
        %parallel_loop3A_512 = arith.cmpi slt, %add3A_111, %parallel_loop3A_511 : vector<16xi32>
        %parallel_loop3A_513 = arith.constant 16 : i32
        %parallel_loop3A_514 = vector.broadcast %parallel_loop3A_513 : i32 to vector<16xi32>
        %parallel_loop3A_515 = arith.addi %add3A_111, %parallel_loop3A_514 : vector<16xi32>
        %parallel_loop3A_516 = arith.select %parallel_loop3A_512, %parallel_loop3A_515, %add3A_111 : vector<16xi1>, vector<16xi32>
        %parallel_loop3A_517 = vector.shape_cast %parallel_loop3A_516 : vector<16xi32> to vector<16x1xi32>
        %parallel_loop3A_518 = vector.shape_cast %parallel_loop3A_517 : vector<16x1xi32> to vector<16xi32>
        %parallel_loop3A_519 = tpu.dynamic_gather %parallel_loop3A_467[%parallel_loop3A_518] in [0] : vector<16xf32>, vector<16xi32> -> vector<16xf32>
        %parallel_loop3A_520 = arith.index_cast %and3A_358 : i32 to index
        %parallel_loop3A_521 = arith.index_cast %parallel_loop3A_419 : i32 to index
        %parallel_loop3A_522 = arith.constant 32 : index
        %parallel_loop3A_523 = tpu.vector_load %arg15[%parallel_loop3A_520, %parallel_loop3A_521, %parallel_loop3A_522] {strides = array<i32>} : memref<2x64x128xf32, #tpu.memory_space<vmem>>, vector<16xf32>,
        %parallel_loop3A_524 = arith.mulf %parallel_loop3A_523, %parallel_loop3A_519 : vector<16xf32>
        %parallel_loop3A_525 = arith.index_cast %and3A_358 : i32 to index
        %parallel_loop3A_526 = arith.index_cast %parallel_loop3A_419 : i32 to index
        %parallel_loop3A_527 = arith.constant 32 : index
        %parallel_loop3A_528 = tpu.vector_load %arg15[%parallel_loop3A_525, %parallel_loop3A_526, %parallel_loop3A_527] {strides = array<i32>} : memref<2x64x128xf32, #tpu.memory_space<vmem>>, vector<16xf32>,
        tpu.vector_store %arg15[%parallel_loop3A_525, %parallel_loop3A_526, %parallel_loop3A_527], %parallel_loop3A_524 {strides = array<i32>} : memref<2x64x128xf32, #tpu.memory_space<vmem>>, vector<16xf32>,
        %parallel_loop3A_529 = arith.constant 0 : i32
        %parallel_loop3A_530 = vector.broadcast %parallel_loop3A_529 : i32 to vector<16xi32>
        %parallel_loop3A_531 = arith.cmpi slt, %add3A_145, %parallel_loop3A_530 : vector<16xi32>
        %parallel_loop3A_532 = arith.constant 16 : i32
        %parallel_loop3A_533 = vector.broadcast %parallel_loop3A_532 : i32 to vector<16xi32>
        %parallel_loop3A_534 = arith.addi %add3A_145, %parallel_loop3A_533 : vector<16xi32>
        %parallel_loop3A_535 = arith.select %parallel_loop3A_531, %parallel_loop3A_534, %add3A_145 : vector<16xi1>, vector<16xi32>
        %parallel_loop3A_536 = vector.shape_cast %parallel_loop3A_535 : vector<16xi32> to vector<16x1xi32>
        %parallel_loop3A_537 = vector.shape_cast %parallel_loop3A_536 : vector<16x1xi32> to vector<16xi32>
        %parallel_loop3A_538 = tpu.dynamic_gather %parallel_loop3A_467[%parallel_loop3A_537] in [0] : vector<16xf32>, vector<16xi32> -> vector<16xf32>
        %parallel_loop3A_539 = arith.index_cast %and3A_358 : i32 to index
        %parallel_loop3A_540 = arith.index_cast %parallel_loop3A_419 : i32 to index
        %parallel_loop3A_541 = arith.constant 48 : index
        %parallel_loop3A_542 = tpu.vector_load %arg15[%parallel_loop3A_539, %parallel_loop3A_540, %parallel_loop3A_541] {strides = array<i32>} : memref<2x64x128xf32, #tpu.memory_space<vmem>>, vector<16xf32>,
        %parallel_loop3A_543 = arith.mulf %parallel_loop3A_542, %parallel_loop3A_538 : vector<16xf32>
        %parallel_loop3A_544 = arith.index_cast %and3A_358 : i32 to index
        %parallel_loop3A_545 = arith.index_cast %parallel_loop3A_419 : i32 to index
        %parallel_loop3A_546 = arith.constant 48 : index
        %parallel_loop3A_547 = tpu.vector_load %arg15[%parallel_loop3A_544, %parallel_loop3A_545, %parallel_loop3A_546] {strides = array<i32>} : memref<2x64x128xf32, #tpu.memory_space<vmem>>, vector<16xf32>,
        tpu.vector_store %arg15[%parallel_loop3A_544, %parallel_loop3A_545, %parallel_loop3A_546], %parallel_loop3A_543 {strides = array<i32>} : memref<2x64x128xf32, #tpu.memory_space<vmem>>, vector<16xf32>,
        %parallel_loop3A_548 = arith.constant 0 : i32
        %parallel_loop3A_549 = vector.broadcast %parallel_loop3A_548 : i32 to vector<16xi32>
        %parallel_loop3A_550 = arith.cmpi slt, %add3A_179, %parallel_loop3A_549 : vector<16xi32>
        %parallel_loop3A_551 = arith.constant 16 : i32
        %parallel_loop3A_552 = vector.broadcast %parallel_loop3A_551 : i32 to vector<16xi32>
        %parallel_loop3A_553 = arith.addi %add3A_179, %parallel_loop3A_552 : vector<16xi32>
        %parallel_loop3A_554 = arith.select %parallel_loop3A_550, %parallel_loop3A_553, %add3A_179 : vector<16xi1>, vector<16xi32>
        %parallel_loop3A_555 = vector.shape_cast %parallel_loop3A_554 : vector<16xi32> to vector<16x1xi32>
        %parallel_loop3A_556 = vector.shape_cast %parallel_loop3A_555 : vector<16x1xi32> to vector<16xi32>
        %parallel_loop3A_557 = tpu.dynamic_gather %parallel_loop3A_467[%parallel_loop3A_556] in [0] : vector<16xf32>, vector<16xi32> -> vector<16xf32>
        %parallel_loop3A_558 = arith.index_cast %and3A_358 : i32 to index
        %parallel_loop3A_559 = arith.index_cast %parallel_loop3A_419 : i32 to index
        %parallel_loop3A_560 = arith.constant 64 : index
        %parallel_loop3A_561 = tpu.vector_load %arg15[%parallel_loop3A_558, %parallel_loop3A_559, %parallel_loop3A_560] {strides = array<i32>} : memref<2x64x128xf32, #tpu.memory_space<vmem>>, vector<16xf32>,
        %parallel_loop3A_562 = arith.mulf %parallel_loop3A_561, %parallel_loop3A_557 : vector<16xf32>
        %parallel_loop3A_563 = arith.index_cast %and3A_358 : i32 to index
        %parallel_loop3A_564 = arith.index_cast %parallel_loop3A_419 : i32 to index
        %parallel_loop3A_565 = arith.constant 64 : index
        %parallel_loop3A_566 = tpu.vector_load %arg15[%parallel_loop3A_563, %parallel_loop3A_564, %parallel_loop3A_565] {strides = array<i32>} : memref<2x64x128xf32, #tpu.memory_space<vmem>>, vector<16xf32>,
        tpu.vector_store %arg15[%parallel_loop3A_563, %parallel_loop3A_564, %parallel_loop3A_565], %parallel_loop3A_562 {strides = array<i32>} : memref<2x64x128xf32, #tpu.memory_space<vmem>>, vector<16xf32>,
        %parallel_loop3A_567 = arith.constant 0 : i32
        %parallel_loop3A_568 = vector.broadcast %parallel_loop3A_567 : i32 to vector<16xi32>
        %parallel_loop3A_569 = arith.cmpi slt, %add3A_213, %parallel_loop3A_568 : vector<16xi32>
        %parallel_loop3A_570 = arith.constant 16 : i32
        %parallel_loop3A_571 = vector.broadcast %parallel_loop3A_570 : i32 to vector<16xi32>
        %parallel_loop3A_572 = arith.addi %add3A_213, %parallel_loop3A_571 : vector<16xi32>
        %parallel_loop3A_573 = arith.select %parallel_loop3A_569, %parallel_loop3A_572, %add3A_213 : vector<16xi1>, vector<16xi32>
        %parallel_loop3A_574 = vector.shape_cast %parallel_loop3A_573 : vector<16xi32> to vector<16x1xi32>
        %parallel_loop3A_575 = vector.shape_cast %parallel_loop3A_574 : vector<16x1xi32> to vector<16xi32>
        %parallel_loop3A_576 = tpu.dynamic_gather %parallel_loop3A_467[%parallel_loop3A_575] in [0] : vector<16xf32>, vector<16xi32> -> vector<16xf32>
        %parallel_loop3A_577 = arith.index_cast %and3A_358 : i32 to index
        %parallel_loop3A_578 = arith.index_cast %parallel_loop3A_419 : i32 to index
        %parallel_loop3A_579 = arith.constant 80 : index
        %parallel_loop3A_580 = tpu.vector_load %arg15[%parallel_loop3A_577, %parallel_loop3A_578, %parallel_loop3A_579] {strides = array<i32>} : memref<2x64x128xf32, #tpu.memory_space<vmem>>, vector<16xf32>,
        %parallel_loop3A_581 = arith.mulf %parallel_loop3A_580, %parallel_loop3A_576 : vector<16xf32>
        %parallel_loop3A_582 = arith.index_cast %and3A_358 : i32 to index
        %parallel_loop3A_583 = arith.index_cast %parallel_loop3A_419 : i32 to index
        %parallel_loop3A_584 = arith.constant 80 : index
        %parallel_loop3A_585 = tpu.vector_load %arg15[%parallel_loop3A_582, %parallel_loop3A_583, %parallel_loop3A_584] {strides = array<i32>} : memref<2x64x128xf32, #tpu.memory_space<vmem>>, vector<16xf32>,
        tpu.vector_store %arg15[%parallel_loop3A_582, %parallel_loop3A_583, %parallel_loop3A_584], %parallel_loop3A_581 {strides = array<i32>} : memref<2x64x128xf32, #tpu.memory_space<vmem>>, vector<16xf32>,
        %parallel_loop3A_586 = arith.constant 0 : i32
        %parallel_loop3A_587 = vector.broadcast %parallel_loop3A_586 : i32 to vector<16xi32>
        %parallel_loop3A_588 = arith.cmpi slt, %add3A_247, %parallel_loop3A_587 : vector<16xi32>
        %parallel_loop3A_589 = arith.constant 16 : i32
        %parallel_loop3A_590 = vector.broadcast %parallel_loop3A_589 : i32 to vector<16xi32>
        %parallel_loop3A_591 = arith.addi %add3A_247, %parallel_loop3A_590 : vector<16xi32>
        %parallel_loop3A_592 = arith.select %parallel_loop3A_588, %parallel_loop3A_591, %add3A_247 : vector<16xi1>, vector<16xi32>
        %parallel_loop3A_593 = vector.shape_cast %parallel_loop3A_592 : vector<16xi32> to vector<16x1xi32>
        %parallel_loop3A_594 = vector.shape_cast %parallel_loop3A_593 : vector<16x1xi32> to vector<16xi32>
        %parallel_loop3A_595 = tpu.dynamic_gather %parallel_loop3A_467[%parallel_loop3A_594] in [0] : vector<16xf32>, vector<16xi32> -> vector<16xf32>
        %parallel_loop3A_596 = arith.index_cast %and3A_358 : i32 to index
        %parallel_loop3A_597 = arith.index_cast %parallel_loop3A_419 : i32 to index
        %parallel_loop3A_598 = arith.constant 96 : index
        %parallel_loop3A_599 = tpu.vector_load %arg15[%parallel_loop3A_596, %parallel_loop3A_597, %parallel_loop3A_598] {strides = array<i32>} : memref<2x64x128xf32, #tpu.memory_space<vmem>>, vector<16xf32>,
        %parallel_loop3A_600 = arith.mulf %parallel_loop3A_599, %parallel_loop3A_595 : vector<16xf32>
        %parallel_loop3A_601 = arith.index_cast %and3A_358 : i32 to index
        %parallel_loop3A_602 = arith.index_cast %parallel_loop3A_419 : i32 to index
        %parallel_loop3A_603 = arith.constant 96 : index
        %parallel_loop3A_604 = tpu.vector_load %arg15[%parallel_loop3A_601, %parallel_loop3A_602, %parallel_loop3A_603] {strides = array<i32>} : memref<2x64x128xf32, #tpu.memory_space<vmem>>, vector<16xf32>,
        tpu.vector_store %arg15[%parallel_loop3A_601, %parallel_loop3A_602, %parallel_loop3A_603], %parallel_loop3A_600 {strides = array<i32>} : memref<2x64x128xf32, #tpu.memory_space<vmem>>, vector<16xf32>,
        %parallel_loop3A_605 = arith.constant 0 : i32
        %parallel_loop3A_606 = vector.broadcast %parallel_loop3A_605 : i32 to vector<16xi32>
        %parallel_loop3A_607 = arith.cmpi slt, %add3A_281, %parallel_loop3A_606 : vector<16xi32>
        %parallel_loop3A_608 = arith.constant 16 : i32
        %parallel_loop3A_609 = vector.broadcast %parallel_loop3A_608 : i32 to vector<16xi32>
        %parallel_loop3A_610 = arith.addi %add3A_281, %parallel_loop3A_609 : vector<16xi32>
        %parallel_loop3A_611 = arith.select %parallel_loop3A_607, %parallel_loop3A_610, %add3A_281 : vector<16xi1>, vector<16xi32>
        %parallel_loop3A_612 = vector.shape_cast %parallel_loop3A_611 : vector<16xi32> to vector<16x1xi32>
        %parallel_loop3A_613 = vector.shape_cast %parallel_loop3A_612 : vector<16x1xi32> to vector<16xi32>
        %parallel_loop3A_614 = tpu.dynamic_gather %parallel_loop3A_467[%parallel_loop3A_613] in [0] : vector<16xf32>, vector<16xi32> -> vector<16xf32>
        %parallel_loop3A_615 = arith.index_cast %and3A_358 : i32 to index
        %parallel_loop3A_616 = arith.index_cast %parallel_loop3A_419 : i32 to index
        %parallel_loop3A_617 = arith.constant 112 : index
        %parallel_loop3A_618 = tpu.vector_load %arg15[%parallel_loop3A_615, %parallel_loop3A_616, %parallel_loop3A_617] {strides = array<i32>} : memref<2x64x128xf32, #tpu.memory_space<vmem>>, vector<16xf32>,
        %parallel_loop3A_619 = arith.mulf %parallel_loop3A_618, %parallel_loop3A_614 : vector<16xf32>
        %parallel_loop3A_620 = arith.index_cast %and3A_358 : i32 to index
        %parallel_loop3A_621 = arith.index_cast %parallel_loop3A_419 : i32 to index
        %parallel_loop3A_622 = arith.constant 112 : index
        %parallel_loop3A_623 = tpu.vector_load %arg15[%parallel_loop3A_620, %parallel_loop3A_621, %parallel_loop3A_622] {strides = array<i32>} : memref<2x64x128xf32, #tpu.memory_space<vmem>>, vector<16xf32>,
        tpu.vector_store %arg15[%parallel_loop3A_620, %parallel_loop3A_621, %parallel_loop3A_622], %parallel_loop3A_619 {strides = array<i32>} : memref<2x64x128xf32, #tpu.memory_space<vmem>>, vector<16xf32>,
      } {sc.loop_unroll_factor = 16 : i64, sc.parallel_access}
      %dma_start3A_398 = arith.constant 0 : i32
      %dma_start3A_399 = arith.constant 0 : i32
      %dma_start3A_400 = tpu.memref_slice %arg13[%and3A_358, %dma_start3A_398, %dma_start3A_399] : memref<2x64x16xf32, #tpu.memory_space<vmem>> -> memref<1x64x16xf32, #tpu.memory_space<vmem>>
      %dma_start3A_401 = tpu.memref_squeeze %dma_start3A_400 : memref<1x64x16xf32, #tpu.memory_space<vmem>> -> memref<64x16xf32, #tpu.memory_space<vmem>>
      %dma_start3A_402 = arith.constant 0 : i32
      %dma_start3A_403 = tpu.memref_slice %arg12[%scan3A_355, %dma_start3A_402] : memref<84x64xi32, #tpu.memory_space<vmem>> -> memref<1x64xi32, #tpu.memory_space<vmem>>
      %dma_start3A_404 = tpu.memref_squeeze %dma_start3A_403 : memref<1x64xi32, #tpu.memory_space<vmem>> -> memref<64xi32, #tpu.memory_space<vmem>>
      %dma_start3A_405 = arith.constant 0 : i32
      %dma_start3A_406 = arith.constant 0 : i32
      %dma_start3A_407 = tpu.memref_slice %arg17[%dma_start3A_405, %dma_start3A_406] : memref<10240x16xf32, #tpu.memory_space<vmem_shared>> -> memref<10240x16xf32, #tpu.memory_space<vmem_shared>>
      tpu.enqueue_indirect_dma source(%dma_start3A_401 : memref<64x16xf32, #tpu.memory_space<vmem>>) target(%dma_start3A_407 : memref<10240x16xf32, #tpu.memory_space<vmem_shared>>) offsets(%dma_start3A_404 : memref<64xi32, #tpu.memory_space<vmem>>) semaphore(%arg20 : memref<!tpu.dma_semaphore, #tpu.memory_space<semaphore_mem>>) {add = true}
      %dma_start3A_408 = arith.constant 0 : i32
      %dma_start3A_409 = arith.constant 0 : i32
      %dma_start3A_410 = tpu.memref_slice %arg15[%and3A_358, %dma_start3A_408, %dma_start3A_409] : memref<2x64x128xf32, #tpu.memory_space<vmem>> -> memref<1x64x128xf32, #tpu.memory_space<vmem>>
      %dma_start3A_411 = tpu.memref_squeeze %dma_start3A_410 : memref<1x64x128xf32, #tpu.memory_space<vmem>> -> memref<64x128xf32, #tpu.memory_space<vmem>>
      %dma_start3A_412 = arith.constant 0 : i32
      %dma_start3A_413 = tpu.memref_slice %arg12[%scan3A_355, %dma_start3A_412] : memref<84x64xi32, #tpu.memory_space<vmem>> -> memref<1x64xi32, #tpu.memory_space<vmem>>
      %dma_start3A_414 = tpu.memref_squeeze %dma_start3A_413 : memref<1x64xi32, #tpu.memory_space<vmem>> -> memref<64xi32, #tpu.memory_space<vmem>>
      %dma_start3A_415 = arith.constant 0 : i32
      %dma_start3A_416 = arith.constant 0 : i32
      %dma_start3A_417 = tpu.memref_slice %arg18[%dma_start3A_415, %dma_start3A_416] : memref<10240x128xf32, #tpu.memory_space<vmem_shared>> -> memref<10240x128xf32, #tpu.memory_space<vmem_shared>>
      tpu.enqueue_indirect_dma source(%dma_start3A_411 : memref<64x128xf32, #tpu.memory_space<vmem>>) target(%dma_start3A_417 : memref<10240x128xf32, #tpu.memory_space<vmem_shared>>) offsets(%dma_start3A_414 : memref<64xi32, #tpu.memory_space<vmem>>) semaphore(%arg20 : memref<!tpu.dma_semaphore, #tpu.memory_space<semaphore_mem>>) {add = true}
      %scan3A_418 = arith.constant 0 : i32
      scf.yield %scan3A_418 : i32
    }
    %scan3A_322 = arith.constant 84 : i32
    %dma_wait3A = arith.constant 1 : i32
    %dma_wait3A_323 = arith.constant 83 : i32
    %dma_wait3A_324 = arith.constant 0 : i32
    %dma_wait3A_325 = arith.constant 0 : i32
    %dma_wait3A_326 = tpu.memref_slice %arg13[%dma_wait3A, %dma_wait3A_324, %dma_wait3A_325] : memref<2x64x16xf32, #tpu.memory_space<vmem>> -> memref<1x64x16xf32, #tpu.memory_space<vmem>>
    %dma_wait3A_327 = tpu.memref_squeeze %dma_wait3A_326 : memref<1x64x16xf32, #tpu.memory_space<vmem>> -> memref<64x16xf32, #tpu.memory_space<vmem>>
    %dma_wait3A_328 = arith.constant 0 : i32
    %dma_wait3A_329 = tpu.memref_slice %arg12[%dma_wait3A_323, %dma_wait3A_328] : memref<84x64xi32, #tpu.memory_space<vmem>> -> memref<1x64xi32, #tpu.memory_space<vmem>>
    %dma_wait3A_330 = tpu.memref_squeeze %dma_wait3A_329 : memref<1x64xi32, #tpu.memory_space<vmem>> -> memref<64xi32, #tpu.memory_space<vmem>>
    %dma_wait3A_331 = arith.constant 0 : i32
    %dma_wait3A_332 = arith.constant 0 : i32
    %dma_wait3A_333 = tpu.memref_slice %arg17[%dma_wait3A_331, %dma_wait3A_332] : memref<10240x16xf32, #tpu.memory_space<vmem_shared>> -> memref<10240x16xf32, #tpu.memory_space<vmem_shared>>
    tpu.wait_indirect_dma semaphore(%arg20 : memref<!tpu.dma_semaphore, #tpu.memory_space<semaphore_mem>>) src(%dma_wait3A_327 : memref<64x16xf32, #tpu.memory_space<vmem>>) dst(%dma_wait3A_333 : memref<10240x16xf32, #tpu.memory_space<vmem_shared>>)
    %dma_wait3A_334 = arith.constant 1 : i32
    %dma_wait3A_335 = arith.constant 83 : i32
    %dma_wait3A_336 = arith.constant 0 : i32
    %dma_wait3A_337 = arith.constant 0 : i32
    %dma_wait3A_338 = tpu.memref_slice %arg15[%dma_wait3A_334, %dma_wait3A_336, %dma_wait3A_337] : memref<2x64x128xf32, #tpu.memory_space<vmem>> -> memref<1x64x128xf32, #tpu.memory_space<vmem>>
    %dma_wait3A_339 = tpu.memref_squeeze %dma_wait3A_338 : memref<1x64x128xf32, #tpu.memory_space<vmem>> -> memref<64x128xf32, #tpu.memory_space<vmem>>
    %dma_wait3A_340 = arith.constant 0 : i32
    %dma_wait3A_341 = tpu.memref_slice %arg12[%dma_wait3A_335, %dma_wait3A_340] : memref<84x64xi32, #tpu.memory_space<vmem>> -> memref<1x64xi32, #tpu.memory_space<vmem>>
    %dma_wait3A_342 = tpu.memref_squeeze %dma_wait3A_341 : memref<1x64xi32, #tpu.memory_space<vmem>> -> memref<64xi32, #tpu.memory_space<vmem>>
    %dma_wait3A_343 = arith.constant 0 : i32
    %dma_wait3A_344 = arith.constant 0 : i32
    %dma_wait3A_345 = tpu.memref_slice %arg18[%dma_wait3A_343, %dma_wait3A_344] : memref<10240x128xf32, #tpu.memory_space<vmem_shared>> -> memref<10240x128xf32, #tpu.memory_space<vmem_shared>>
    tpu.wait_indirect_dma semaphore(%arg20 : memref<!tpu.dma_semaphore, #tpu.memory_space<semaphore_mem>>) src(%dma_wait3A_339 : memref<64x128xf32, #tpu.memory_space<vmem>>) dst(%dma_wait3A_345 : memref<10240x128xf32, #tpu.memory_space<vmem_shared>>)
    %barrier3A_346 = arith.constant 0 : index
    tpu.barrier barrier_id(%barrier3A_346)
    %mul3A_347 = arith.constant 640 : i32
    %mul3A_348 = arith.muli %arg1, %mul3A_347 : i32
    %mul3A_349 = arith.constant 640 : i32
    %mul3A_350 = arith.muli %arg1, %mul3A_349 : i32
    "tpu.region"() ({
      %run_scoped3A = tpu.sem_alloc : memref<!tpu.dma_semaphore, #tpu.memory_space<semaphore_mem>>
      %dma_start3A_355 = arith.constant 0 : i32
      %dma_start3A_356 = tpu.memref_slice %arg9[%arg0, %mul3A_350, %dma_start3A_355] : memref<2x10240x16xf32, #tpu.memory_space<hbm>> -> memref<1x640x16xf32, #tpu.memory_space<hbm>>
      %dma_start3A_357 = tpu.memref_squeeze %dma_start3A_356 : memref<1x640x16xf32, #tpu.memory_space<hbm>> -> memref<640x16xf32, #tpu.memory_space<hbm>>
      %dma_start3A_358 = arith.constant 0 : i32
      %dma_start3A_359 = tpu.memref_slice %arg17[%mul3A_348, %dma_start3A_358] : memref<10240x16xf32, #tpu.memory_space<vmem_shared>> -> memref<640x16xf32, #tpu.memory_space<vmem_shared>>
      tpu.enqueue_dma source(%dma_start3A_359 : memref<640x16xf32, #tpu.memory_space<vmem_shared>>) target(%dma_start3A_357 : memref<640x16xf32, #tpu.memory_space<hbm>>) target_semaphore(%run_scoped3A : memref<!tpu.dma_semaphore, #tpu.memory_space<semaphore_mem>>)
      %dma_wait3A_360 = arith.constant 0 : i32
      %dma_wait3A_361 = tpu.memref_slice %arg9[%arg0, %mul3A_350, %dma_wait3A_360] : memref<2x10240x16xf32, #tpu.memory_space<hbm>> -> memref<1x640x16xf32, #tpu.memory_space<hbm>>
      %dma_wait3A_362 = tpu.memref_squeeze %dma_wait3A_361 : memref<1x640x16xf32, #tpu.memory_space<hbm>> -> memref<640x16xf32, #tpu.memory_space<hbm>>
      %dma_wait3A_363 = arith.constant 0 : i32
      %dma_wait3A_364 = tpu.memref_slice %arg17[%mul3A_348, %dma_wait3A_363] : memref<10240x16xf32, #tpu.memory_space<vmem_shared>> -> memref<640x16xf32, #tpu.memory_space<vmem_shared>>
      tpu.wait_dma2 semaphore(%run_scoped3A : memref<!tpu.dma_semaphore, #tpu.memory_space<semaphore_mem>>) src(%dma_wait3A_364 : memref<640x16xf32, #tpu.memory_space<vmem_shared>>) dst(%dma_wait3A_362 : memref<640x16xf32, #tpu.memory_space<hbm>>)
      tpu.yield
    }) : () -> ()
    %mul3A_351 = arith.constant 640 : i32
    %mul3A_352 = arith.muli %arg1, %mul3A_351 : i32
    %mul3A_353 = arith.constant 640 : i32
    %mul3A_354 = arith.muli %arg1, %mul3A_353 : i32
    "tpu.region"() ({
      %run_scoped3A = tpu.sem_alloc : memref<!tpu.dma_semaphore, #tpu.memory_space<semaphore_mem>>
      %dma_start3A_355 = arith.constant 0 : i32
      %dma_start3A_356 = tpu.memref_slice %arg10[%arg0, %mul3A_354, %dma_start3A_355] : memref<2x10240x128xf32, #tpu.memory_space<hbm>> -> memref<1x640x128xf32, #tpu.memory_space<hbm>>
      %dma_start3A_357 = tpu.memref_squeeze %dma_start3A_356 : memref<1x640x128xf32, #tpu.memory_space<hbm>> -> memref<640x128xf32, #tpu.memory_space<hbm>>
      %dma_start3A_358 = arith.constant 0 : i32
      %dma_start3A_359 = tpu.memref_slice %arg18[%mul3A_352, %dma_start3A_358] : memref<10240x128xf32, #tpu.memory_space<vmem_shared>> -> memref<640x128xf32, #tpu.memory_space<vmem_shared>>
      tpu.enqueue_dma source(%dma_start3A_359 : memref<640x128xf32, #tpu.memory_space<vmem_shared>>) target(%dma_start3A_357 : memref<640x128xf32, #tpu.memory_space<hbm>>) target_semaphore(%run_scoped3A : memref<!tpu.dma_semaphore, #tpu.memory_space<semaphore_mem>>)
      %dma_wait3A_360 = arith.constant 0 : i32
      %dma_wait3A_361 = tpu.memref_slice %arg10[%arg0, %mul3A_354, %dma_wait3A_360] : memref<2x10240x128xf32, #tpu.memory_space<hbm>> -> memref<1x640x128xf32, #tpu.memory_space<hbm>>
      %dma_wait3A_362 = tpu.memref_squeeze %dma_wait3A_361 : memref<1x640x128xf32, #tpu.memory_space<hbm>> -> memref<640x128xf32, #tpu.memory_space<hbm>>
      %dma_wait3A_363 = arith.constant 0 : i32
      %dma_wait3A_364 = tpu.memref_slice %arg18[%mul3A_352, %dma_wait3A_363] : memref<10240x128xf32, #tpu.memory_space<vmem_shared>> -> memref<640x128xf32, #tpu.memory_space<vmem_shared>>
      tpu.wait_dma2 semaphore(%run_scoped3A : memref<!tpu.dma_semaphore, #tpu.memory_space<semaphore_mem>>) src(%dma_wait3A_364 : memref<640x128xf32, #tpu.memory_space<vmem_shared>>) dst(%dma_wait3A_362 : memref<640x128xf32, #tpu.memory_space<hbm>>)
      tpu.yield
    }) : () -> ()
    return
  }
}

module attributes {stable_mosaic.version = 14 : i64} {
  func.func @_matmul_attn_body(%arg0: i32, %arg1: memref<256x264xf32, #tpu.memory_space<vmem>>, %arg2: memref<264x128xf32, #tpu.memory_space<vmem>>, %arg3: memref<128x16xf32, #tpu.memory_space<vmem>>, %arg4: memref<256x128xf32, #tpu.memory_space<vmem>>, %arg5: memref<256x16xf32, #tpu.memory_space<vmem>>, %arg6: memref<1x8xf32, #tpu.memory_space<vmem>>, %arg7: memref<1x8xf32, #tpu.memory_space<vmem>>) attributes {dimension_semantics = [#tpu.dimension_semantics<arbitrary>], iteration_bounds = array<i64: 40>, scalar_prefetch = 0 : i64, scratch_operands = 1 : i64, tpu.core_type = #tpu.core_type<tc>, window_params = [{transform_indices = @transform_0, window_bounds = array<i64: 256, 264>}, {pipeline_mode = #tpu.pipeline_mode<synchronous>, transform_indices = @transform_1, window_bounds = array<i64: 264, 128>}, {pipeline_mode = #tpu.pipeline_mode<synchronous>, transform_indices = @transform_2, window_bounds = array<i64: 128, 16>}, {transform_indices = @transform_3, window_bounds = array<i64: 256, 128>}, {transform_indices = @transform_4, window_bounds = array<i64: 256, 16>}, {pipeline_mode = #tpu.pipeline_mode<synchronous>, transform_indices = @transform_5, window_bounds = array<i64: 1, 8>}]} {
    %eq3A = arith.constant 0 : i32
    %eq3A_0 = arith.cmpi eq, %arg0, %eq3A : i32
    %convert_element_type3A = arith.extui %eq3A_0 : i1 to i32
    %cond3A = arith.constant 0 : i32
    %cond3A_1 = arith.cmpi ne, %convert_element_type3A, %cond3A : i32
    scf.if %cond3A_1 {
      %broadcast_in_dim3A_31 = arith.constant -1.000000e+30 : f32
      %broadcast_in_dim3A_32 = vector.broadcast %broadcast_in_dim3A_31 : f32 to vector<1x8xf32>
      %swap3A_33 = arith.constant 0 : index
      %swap3A_34 = arith.constant 0 : index
      %swap3A_35 = vector.load %arg7[%swap3A_33, %swap3A_34] : memref<1x8xf32, #tpu.memory_space<vmem>>, vector<1x8xf32>
      tpu.vector_store %arg7[%swap3A_33, %swap3A_34], %broadcast_in_dim3A_32 {strides = array<i32>} : memref<1x8xf32, #tpu.memory_space<vmem>>, vector<1x8xf32>,
    } else {
    }
    %get3A = arith.constant 0 : index
    %get3A_2 = arith.constant 0 : index
    %get3A_3 = vector.load %arg1[%get3A, %get3A_2] : memref<256x264xf32, #tpu.memory_space<vmem>>, vector<256x264xf32>
    %get3A_4 = arith.constant 0 : index
    %get3A_5 = arith.constant 0 : index
    %get3A_6 = vector.load %arg2[%get3A_4, %get3A_5] : memref<264x128xf32, #tpu.memory_space<vmem>>, vector<264x128xf32>
    %dot_general3A = arith.constant dense<0.000000e+00> : vector<256x128xf32>
    %dot_general3A_7 = tpu.matmul %get3A_3, %get3A_6, %dot_general3A {dimension_numbers = #tpu.dot_dimension_numbers<[1], [0], [0], [1], [0, 0, 1, 1], [], []>, transpose_lhs_hint = false} : vector<256x264xf32>, vector<264x128xf32>, vector<256x128xf32> -> vector<256x128xf32>
    %get3A_8 = arith.constant 0 : index
    %get3A_9 = arith.constant 0 : index
    %get3A_10 = vector.load %arg3[%get3A_8, %get3A_9] : memref<128x16xf32, #tpu.memory_space<vmem>>, vector<128x16xf32>
    %dot_general3A_11 = arith.constant dense<0.000000e+00> : vector<256x16xf32>
    %dot_general3A_12 = tpu.matmul %dot_general3A_7, %get3A_10, %dot_general3A_11 {dimension_numbers = #tpu.dot_dimension_numbers<[1], [0], [0], [1], [0, 0, 1, 1], [], []>, transpose_lhs_hint = false} : vector<256x128xf32>, vector<128x16xf32>, vector<256x16xf32> -> vector<256x16xf32>
    %swap3A = arith.constant 0 : index
    %swap3A_13 = arith.constant 0 : index
    %swap3A_14 = vector.load %arg4[%swap3A, %swap3A_13] : memref<256x128xf32, #tpu.memory_space<vmem>>, vector<256x128xf32>
    tpu.vector_store %arg4[%swap3A, %swap3A_13], %dot_general3A_7 {strides = array<i32>} : memref<256x128xf32, #tpu.memory_space<vmem>>, vector<256x128xf32>,
    %swap3A_15 = arith.constant 0 : index
    %swap3A_16 = arith.constant 0 : index
    %swap3A_17 = vector.load %arg5[%swap3A_15, %swap3A_16] : memref<256x16xf32, #tpu.memory_space<vmem>>, vector<256x16xf32>
    tpu.vector_store %arg5[%swap3A_15, %swap3A_16], %dot_general3A_12 {strides = array<i32>} : memref<256x16xf32, #tpu.memory_space<vmem>>, vector<256x16xf32>,
    %get3A_18 = arith.constant 0 : index
    %get3A_19 = arith.constant 0 : index
    %get3A_20 = vector.load %arg7[%get3A_18, %get3A_19] : memref<1x8xf32, #tpu.memory_space<vmem>>, vector<1x8xf32>
    %slice3A = vector.extract_strided_slice %dot_general3A_12 {offsets = [0, 0], sizes = [256, 8], strides = [1, 1]} : vector<256x16xf32> to vector<256x8xf32>
    %reduce_max3A = arith.constant dense<0xFF800000> : vector<8xf32>
    %reduce_max3A_21 = vector.multi_reduction <maximumf>, %slice3A, %reduce_max3A [0] : vector<256x8xf32> to vector<8xf32>
    %broadcast_in_dim3A = vector.shape_cast %reduce_max3A_21 : vector<8xf32> to vector<1x8xf32>
    %max3A = arith.maximumf %get3A_20, %broadcast_in_dim3A : vector<1x8xf32>
    %swap3A_22 = arith.constant 0 : index
    %swap3A_23 = arith.constant 0 : index
    %swap3A_24 = vector.load %arg7[%swap3A_22, %swap3A_23] : memref<1x8xf32, #tpu.memory_space<vmem>>, vector<1x8xf32>
    tpu.vector_store %arg7[%swap3A_22, %swap3A_23], %max3A {strides = array<i32>} : memref<1x8xf32, #tpu.memory_space<vmem>>, vector<1x8xf32>,
    %get3A_25 = arith.constant 0 : index
    %get3A_26 = arith.constant 0 : index
    %get3A_27 = vector.load %arg7[%get3A_25, %get3A_26] : memref<1x8xf32, #tpu.memory_space<vmem>>, vector<1x8xf32>
    %swap3A_28 = arith.constant 0 : index
    %swap3A_29 = arith.constant 0 : index
    %swap3A_30 = vector.load %arg6[%swap3A_28, %swap3A_29] : memref<1x8xf32, #tpu.memory_space<vmem>>, vector<1x8xf32>
    tpu.vector_store %arg6[%swap3A_28, %swap3A_29], %get3A_27 {strides = array<i32>} : memref<1x8xf32, #tpu.memory_space<vmem>>, vector<1x8xf32>,
    return
  }
  func.func @transform_0(%arg0: i32) -> (i32, i32) {
    %c0_i32 = arith.constant 0 : i32
    %c0_i32_0 = arith.constant 0 : i32
    return %arg0, %c0_i32 : i32, i32
  }
  func.func @transform_1(%arg0: i32) -> (i32, i32) {
    %c0_i32 = arith.constant 0 : i32
    %c0_i32_0 = arith.constant 0 : i32
    %c0_i32_1 = arith.constant 0 : i32
    return %c0_i32, %c0_i32_0 : i32, i32
  }
  func.func @transform_2(%arg0: i32) -> (i32, i32) {
    %c0_i32 = arith.constant 0 : i32
    %c0_i32_0 = arith.constant 0 : i32
    %c0_i32_1 = arith.constant 0 : i32
    return %c0_i32, %c0_i32_0 : i32, i32
  }
  func.func @transform_3(%arg0: i32) -> (i32, i32) {
    %c0_i32 = arith.constant 0 : i32
    %c0_i32_0 = arith.constant 0 : i32
    return %arg0, %c0_i32 : i32, i32
  }
  func.func @transform_4(%arg0: i32) -> (i32, i32) {
    %c0_i32 = arith.constant 0 : i32
    %c0_i32_0 = arith.constant 0 : i32
    return %arg0, %c0_i32 : i32, i32
  }
  func.func @transform_5(%arg0: i32) -> (i32, i32) {
    %c0_i32 = arith.constant 0 : i32
    %c0_i32_0 = arith.constant 0 : i32
    %c0_i32_1 = arith.constant 0 : i32
    return %c0_i32, %c0_i32_0 : i32, i32
  }
}

module attributes {stable_mosaic.version = 14 : i64} {
  func.func @_norm_matmul_attn_body(%arg0: i32, %arg1: memref<256x128xf32, #tpu.memory_space<vmem>>, %arg2: memref<256x128xf32, #tpu.memory_space<vmem>>, %arg3: memref<256x16xf32, #tpu.memory_space<vmem>>, %arg4: memref<256x16xf32, #tpu.memory_space<vmem>>, %arg5: memref<8x128xf32, #tpu.memory_space<vmem>>, %arg6: memref<1x128xf32, #tpu.memory_space<vmem>>, %arg7: memref<128x128xf32, #tpu.memory_space<vmem>>, %arg8: memref<128x16xf32, #tpu.memory_space<vmem>>, %arg9: memref<256x128xf32, #tpu.memory_space<vmem>>, %arg10: memref<256x16xf32, #tpu.memory_space<vmem>>, %arg11: memref<1x8xf32, #tpu.memory_space<vmem>>, %arg12: memref<1x8xf32, #tpu.memory_space<vmem>>) attributes {dimension_semantics = [#tpu.dimension_semantics<arbitrary>], iteration_bounds = array<i64: 40>, scalar_prefetch = 0 : i64, scratch_operands = 1 : i64, tpu.core_type = #tpu.core_type<tc>, window_params = [{transform_indices = @transform_0, window_bounds = array<i64: 256, 128>}, {transform_indices = @transform_1, window_bounds = array<i64: 256, 128>}, {transform_indices = @transform_2, window_bounds = array<i64: 256, 16>}, {transform_indices = @transform_3, window_bounds = array<i64: 256, 16>}, {pipeline_mode = #tpu.pipeline_mode<synchronous>, transform_indices = @transform_4, window_bounds = array<i64: 8, 128>}, {pipeline_mode = #tpu.pipeline_mode<synchronous>, transform_indices = @transform_5, window_bounds = array<i64: 1, 128>}, {pipeline_mode = #tpu.pipeline_mode<synchronous>, transform_indices = @transform_6, window_bounds = array<i64: 128, 128>}, {pipeline_mode = #tpu.pipeline_mode<synchronous>, transform_indices = @transform_7, window_bounds = array<i64: 128, 16>}, {transform_indices = @transform_8, window_bounds = array<i64: 256, 128>}, {transform_indices = @transform_9, window_bounds = array<i64: 256, 16>}, {pipeline_mode = #tpu.pipeline_mode<synchronous>, transform_indices = @transform_10, window_bounds = array<i64: 1, 8>}]} {
    %eq3A = arith.constant 0 : i32
    %eq3A_0 = arith.cmpi eq, %arg0, %eq3A : i32
    %convert_element_type3A = arith.extui %eq3A_0 : i1 to i32
    %cond3A = arith.constant 0 : i32
    %cond3A_1 = arith.cmpi ne, %convert_element_type3A, %cond3A : i32
    scf.if %cond3A_1 {
      %broadcast_in_dim3A_61 = arith.constant -1.000000e+30 : f32
      %broadcast_in_dim3A_62 = vector.broadcast %broadcast_in_dim3A_61 : f32 to vector<1x8xf32>
      %swap3A_63 = arith.constant 0 : index
      %swap3A_64 = arith.constant 0 : index
      %swap3A_65 = vector.load %arg12[%swap3A_63, %swap3A_64] : memref<1x8xf32, #tpu.memory_space<vmem>>, vector<1x8xf32>
      tpu.vector_store %arg12[%swap3A_63, %swap3A_64], %broadcast_in_dim3A_62 {strides = array<i32>} : memref<1x8xf32, #tpu.memory_space<vmem>>, vector<1x8xf32>,
    } else {
    }
    %get3A = arith.constant 0 : index
    %get3A_2 = arith.constant 0 : index
    %get3A_3 = vector.load %arg3[%get3A, %get3A_2] : memref<256x16xf32, #tpu.memory_space<vmem>>, vector<256x16xf32>
    %get3A_4 = arith.constant 0 : index
    %get3A_5 = arith.constant 0 : index
    %get3A_6 = vector.load %arg4[%get3A_4, %get3A_5] : memref<256x16xf32, #tpu.memory_space<vmem>>, vector<256x16xf32>
    %add3A = arith.addf %get3A_3, %get3A_6 : vector<256x16xf32>
    %slice3A = vector.extract_strided_slice %add3A {offsets = [0, 0], sizes = [256, 8], strides = [1, 1]} : vector<256x16xf32> to vector<256x8xf32>
    %add3A_7 = arith.constant 1.000000e-16 : f32
    %add3A_8 = vector.broadcast %add3A_7 : f32 to vector<256x8xf32>
    %add3A_9 = arith.addf %slice3A, %add3A_8 : vector<256x8xf32>
    %div3A = arith.constant 1.000000e+00 : f32
    %div3A_10 = vector.broadcast %div3A : f32 to vector<256x8xf32>
    %div3A_11 = arith.divf %div3A_10, %add3A_9 : vector<256x8xf32>
    %get3A_12 = arith.constant 0 : index
    %get3A_13 = arith.constant 0 : index
    %get3A_14 = vector.load %arg5[%get3A_12, %get3A_13] : memref<8x128xf32, #tpu.memory_space<vmem>>, vector<8x128xf32>
    %dot_general3A = arith.constant dense<0.000000e+00> : vector<256x128xf32>
    %dot_general3A_15 = tpu.matmul %div3A_11, %get3A_14, %dot_general3A {dimension_numbers = #tpu.dot_dimension_numbers<[1], [0], [0], [1], [0, 0, 1, 1], [], []>, transpose_lhs_hint = false} : vector<256x8xf32>, vector<8x128xf32>, vector<256x128xf32> -> vector<256x128xf32>
    %get3A_16 = arith.constant 0 : index
    %get3A_17 = arith.constant 0 : index
    %get3A_18 = vector.load %arg1[%get3A_16, %get3A_17] : memref<256x128xf32, #tpu.memory_space<vmem>>, vector<256x128xf32>
    %get3A_19 = arith.constant 0 : index
    %get3A_20 = arith.constant 0 : index
    %get3A_21 = vector.load %arg2[%get3A_19, %get3A_20] : memref<256x128xf32, #tpu.memory_space<vmem>>, vector<256x128xf32>
    %add3A_22 = arith.addf %get3A_18, %get3A_21 : vector<256x128xf32>
    %mul3A = arith.mulf %add3A_22, %dot_general3A_15 : vector<256x128xf32>
    %get3A_23 = arith.constant 0 : index
    %get3A_24 = arith.constant 0 : index
    %get3A_25 = vector.load %arg6[%get3A_23, %get3A_24] : memref<1x128xf32, #tpu.memory_space<vmem>>, vector<1x128xf32>
    %add3A_26 = vector.broadcast %get3A_25 : vector<1x128xf32> to vector<256x128xf32>
    %add3A_27 = arith.addf %mul3A, %add3A_26 : vector<256x128xf32>
    %gt3A = arith.constant 0.000000e+00 : f32
    %gt3A_28 = vector.broadcast %gt3A : f32 to vector<256x128xf32>
    %gt3A_29 = arith.cmpf ogt, %add3A_27, %gt3A_28 : vector<256x128xf32>
    %exp3A = math.exp %add3A_27 : vector<256x128xf32>
    %sub3A = arith.constant 1.000000e+00 : f32
    %sub3A_30 = vector.broadcast %sub3A : f32 to vector<256x128xf32>
    %sub3A_31 = arith.subf %exp3A, %sub3A_30 : vector<256x128xf32>
    %select_n3A = arith.select %gt3A_29, %add3A_27, %sub3A_31 : vector<256x128xi1>, vector<256x128xf32>
    %get3A_32 = arith.constant 0 : index
    %get3A_33 = arith.constant 0 : index
    %get3A_34 = vector.load %arg7[%get3A_32, %get3A_33] : memref<128x128xf32, #tpu.memory_space<vmem>>, vector<128x128xf32>
    %dot_general3A_35 = arith.constant dense<0.000000e+00> : vector<256x128xf32>
    %dot_general3A_36 = tpu.matmul %select_n3A, %get3A_34, %dot_general3A_35 {dimension_numbers = #tpu.dot_dimension_numbers<[1], [0], [0], [1], [0, 0, 1, 1], [], []>, transpose_lhs_hint = false} : vector<256x128xf32>, vector<128x128xf32>, vector<256x128xf32> -> vector<256x128xf32>
    %get3A_37 = arith.constant 0 : index
    %get3A_38 = arith.constant 0 : index
    %get3A_39 = vector.load %arg8[%get3A_37, %get3A_38] : memref<128x16xf32, #tpu.memory_space<vmem>>, vector<128x16xf32>
    %dot_general3A_40 = arith.constant dense<0.000000e+00> : vector<256x16xf32>
    %dot_general3A_41 = tpu.matmul %dot_general3A_36, %get3A_39, %dot_general3A_40 {dimension_numbers = #tpu.dot_dimension_numbers<[1], [0], [0], [1], [0, 0, 1, 1], [], []>, transpose_lhs_hint = false} : vector<256x128xf32>, vector<128x16xf32>, vector<256x16xf32> -> vector<256x16xf32>
    %swap3A = arith.constant 0 : index
    %swap3A_42 = arith.constant 0 : index
    %swap3A_43 = vector.load %arg9[%swap3A, %swap3A_42] : memref<256x128xf32, #tpu.memory_space<vmem>>, vector<256x128xf32>
    tpu.vector_store %arg9[%swap3A, %swap3A_42], %dot_general3A_36 {strides = array<i32>} : memref<256x128xf32, #tpu.memory_space<vmem>>, vector<256x128xf32>,
    %swap3A_44 = arith.constant 0 : index
    %swap3A_45 = arith.constant 0 : index
    %swap3A_46 = vector.load %arg10[%swap3A_44, %swap3A_45] : memref<256x16xf32, #tpu.memory_space<vmem>>, vector<256x16xf32>
    tpu.vector_store %arg10[%swap3A_44, %swap3A_45], %dot_general3A_41 {strides = array<i32>} : memref<256x16xf32, #tpu.memory_space<vmem>>, vector<256x16xf32>,
    %get3A_47 = arith.constant 0 : index
    %get3A_48 = arith.constant 0 : index
    %get3A_49 = vector.load %arg12[%get3A_47, %get3A_48] : memref<1x8xf32, #tpu.memory_space<vmem>>, vector<1x8xf32>
    %slice3A_50 = vector.extract_strided_slice %dot_general3A_41 {offsets = [0, 0], sizes = [256, 8], strides = [1, 1]} : vector<256x16xf32> to vector<256x8xf32>
    %reduce_max3A = arith.constant dense<0xFF800000> : vector<8xf32>
    %reduce_max3A_51 = vector.multi_reduction <maximumf>, %slice3A_50, %reduce_max3A [0] : vector<256x8xf32> to vector<8xf32>
    %broadcast_in_dim3A = vector.shape_cast %reduce_max3A_51 : vector<8xf32> to vector<1x8xf32>
    %max3A = arith.maximumf %get3A_49, %broadcast_in_dim3A : vector<1x8xf32>
    %swap3A_52 = arith.constant 0 : index
    %swap3A_53 = arith.constant 0 : index
    %swap3A_54 = vector.load %arg12[%swap3A_52, %swap3A_53] : memref<1x8xf32, #tpu.memory_space<vmem>>, vector<1x8xf32>
    tpu.vector_store %arg12[%swap3A_52, %swap3A_53], %max3A {strides = array<i32>} : memref<1x8xf32, #tpu.memory_space<vmem>>, vector<1x8xf32>,
    %get3A_55 = arith.constant 0 : index
    %get3A_56 = arith.constant 0 : index
    %get3A_57 = vector.load %arg12[%get3A_55, %get3A_56] : memref<1x8xf32, #tpu.memory_space<vmem>>, vector<1x8xf32>
    %swap3A_58 = arith.constant 0 : index
    %swap3A_59 = arith.constant 0 : index
    %swap3A_60 = vector.load %arg11[%swap3A_58, %swap3A_59] : memref<1x8xf32, #tpu.memory_space<vmem>>, vector<1x8xf32>
    tpu.vector_store %arg11[%swap3A_58, %swap3A_59], %get3A_57 {strides = array<i32>} : memref<1x8xf32, #tpu.memory_space<vmem>>, vector<1x8xf32>,
    return
  }
  func.func @transform_0(%arg0: i32) -> (i32, i32) {
    %c0_i32 = arith.constant 0 : i32
    %c0_i32_0 = arith.constant 0 : i32
    return %arg0, %c0_i32 : i32, i32
  }
  func.func @transform_1(%arg0: i32) -> (i32, i32) {
    %c0_i32 = arith.constant 0 : i32
    %c0_i32_0 = arith.constant 0 : i32
    return %arg0, %c0_i32 : i32, i32
  }
  func.func @transform_2(%arg0: i32) -> (i32, i32) {
    %c0_i32 = arith.constant 0 : i32
    %c0_i32_0 = arith.constant 0 : i32
    return %arg0, %c0_i32 : i32, i32
  }
  func.func @transform_3(%arg0: i32) -> (i32, i32) {
    %c0_i32 = arith.constant 0 : i32
    %c0_i32_0 = arith.constant 0 : i32
    return %arg0, %c0_i32 : i32, i32
  }
  func.func @transform_4(%arg0: i32) -> (i32, i32) {
    %c0_i32 = arith.constant 0 : i32
    %c0_i32_0 = arith.constant 0 : i32
    %c0_i32_1 = arith.constant 0 : i32
    return %c0_i32, %c0_i32_0 : i32, i32
  }
  func.func @transform_5(%arg0: i32) -> (i32, i32) {
    %c0_i32 = arith.constant 0 : i32
    %c0_i32_0 = arith.constant 0 : i32
    %c0_i32_1 = arith.constant 0 : i32
    return %c0_i32, %c0_i32_0 : i32, i32
  }
  func.func @transform_6(%arg0: i32) -> (i32, i32) {
    %c0_i32 = arith.constant 0 : i32
    %c0_i32_0 = arith.constant 0 : i32
    %c0_i32_1 = arith.constant 0 : i32
    return %c0_i32, %c0_i32_0 : i32, i32
  }
  func.func @transform_7(%arg0: i32) -> (i32, i32) {
    %c0_i32 = arith.constant 0 : i32
    %c0_i32_0 = arith.constant 0 : i32
    %c0_i32_1 = arith.constant 0 : i32
    return %c0_i32, %c0_i32_0 : i32, i32
  }
  func.func @transform_8(%arg0: i32) -> (i32, i32) {
    %c0_i32 = arith.constant 0 : i32
    %c0_i32_0 = arith.constant 0 : i32
    return %arg0, %c0_i32 : i32, i32
  }
  func.func @transform_9(%arg0: i32) -> (i32, i32) {
    %c0_i32 = arith.constant 0 : i32
    %c0_i32_0 = arith.constant 0 : i32
    return %arg0, %c0_i32 : i32, i32
  }
  func.func @transform_10(%arg0: i32) -> (i32, i32) {
    %c0_i32 = arith.constant 0 : i32
    %c0_i32_0 = arith.constant 0 : i32
    %c0_i32_1 = arith.constant 0 : i32
    return %c0_i32, %c0_i32_0 : i32, i32
  }
}

module attributes {stable_mosaic.version = 14 : i64} {
  func.func @_norm_matmul_attn_body(%arg0: i32, %arg1: memref<256x128xf32, #tpu.memory_space<vmem>>, %arg2: memref<256x128xf32, #tpu.memory_space<vmem>>, %arg3: memref<256x16xf32, #tpu.memory_space<vmem>>, %arg4: memref<256x16xf32, #tpu.memory_space<vmem>>, %arg5: memref<8x128xf32, #tpu.memory_space<vmem>>, %arg6: memref<1x128xf32, #tpu.memory_space<vmem>>, %arg7: memref<128x64xf32, #tpu.memory_space<vmem>>, %arg8: memref<64x16xf32, #tpu.memory_space<vmem>>, %arg9: memref<256x64xf32, #tpu.memory_space<vmem>>, %arg10: memref<256x16xf32, #tpu.memory_space<vmem>>, %arg11: memref<1x8xf32, #tpu.memory_space<vmem>>, %arg12: memref<1x8xf32, #tpu.memory_space<vmem>>) attributes {dimension_semantics = [#tpu.dimension_semantics<arbitrary>], iteration_bounds = array<i64: 40>, scalar_prefetch = 0 : i64, scratch_operands = 1 : i64, tpu.core_type = #tpu.core_type<tc>, window_params = [{transform_indices = @transform_0, window_bounds = array<i64: 256, 128>}, {transform_indices = @transform_1, window_bounds = array<i64: 256, 128>}, {transform_indices = @transform_2, window_bounds = array<i64: 256, 16>}, {transform_indices = @transform_3, window_bounds = array<i64: 256, 16>}, {pipeline_mode = #tpu.pipeline_mode<synchronous>, transform_indices = @transform_4, window_bounds = array<i64: 8, 128>}, {pipeline_mode = #tpu.pipeline_mode<synchronous>, transform_indices = @transform_5, window_bounds = array<i64: 1, 128>}, {pipeline_mode = #tpu.pipeline_mode<synchronous>, transform_indices = @transform_6, window_bounds = array<i64: 128, 64>}, {pipeline_mode = #tpu.pipeline_mode<synchronous>, transform_indices = @transform_7, window_bounds = array<i64: 64, 16>}, {transform_indices = @transform_8, window_bounds = array<i64: 256, 64>}, {transform_indices = @transform_9, window_bounds = array<i64: 256, 16>}, {pipeline_mode = #tpu.pipeline_mode<synchronous>, transform_indices = @transform_10, window_bounds = array<i64: 1, 8>}]} {
    %eq3A = arith.constant 0 : i32
    %eq3A_0 = arith.cmpi eq, %arg0, %eq3A : i32
    %convert_element_type3A = arith.extui %eq3A_0 : i1 to i32
    %cond3A = arith.constant 0 : i32
    %cond3A_1 = arith.cmpi ne, %convert_element_type3A, %cond3A : i32
    scf.if %cond3A_1 {
      %broadcast_in_dim3A_61 = arith.constant -1.000000e+30 : f32
      %broadcast_in_dim3A_62 = vector.broadcast %broadcast_in_dim3A_61 : f32 to vector<1x8xf32>
      %swap3A_63 = arith.constant 0 : index
      %swap3A_64 = arith.constant 0 : index
      %swap3A_65 = vector.load %arg12[%swap3A_63, %swap3A_64] : memref<1x8xf32, #tpu.memory_space<vmem>>, vector<1x8xf32>
      tpu.vector_store %arg12[%swap3A_63, %swap3A_64], %broadcast_in_dim3A_62 {strides = array<i32>} : memref<1x8xf32, #tpu.memory_space<vmem>>, vector<1x8xf32>,
    } else {
    }
    %get3A = arith.constant 0 : index
    %get3A_2 = arith.constant 0 : index
    %get3A_3 = vector.load %arg3[%get3A, %get3A_2] : memref<256x16xf32, #tpu.memory_space<vmem>>, vector<256x16xf32>
    %get3A_4 = arith.constant 0 : index
    %get3A_5 = arith.constant 0 : index
    %get3A_6 = vector.load %arg4[%get3A_4, %get3A_5] : memref<256x16xf32, #tpu.memory_space<vmem>>, vector<256x16xf32>
    %add3A = arith.addf %get3A_3, %get3A_6 : vector<256x16xf32>
    %slice3A = vector.extract_strided_slice %add3A {offsets = [0, 0], sizes = [256, 8], strides = [1, 1]} : vector<256x16xf32> to vector<256x8xf32>
    %add3A_7 = arith.constant 1.000000e-16 : f32
    %add3A_8 = vector.broadcast %add3A_7 : f32 to vector<256x8xf32>
    %add3A_9 = arith.addf %slice3A, %add3A_8 : vector<256x8xf32>
    %div3A = arith.constant 1.000000e+00 : f32
    %div3A_10 = vector.broadcast %div3A : f32 to vector<256x8xf32>
    %div3A_11 = arith.divf %div3A_10, %add3A_9 : vector<256x8xf32>
    %get3A_12 = arith.constant 0 : index
    %get3A_13 = arith.constant 0 : index
    %get3A_14 = vector.load %arg5[%get3A_12, %get3A_13] : memref<8x128xf32, #tpu.memory_space<vmem>>, vector<8x128xf32>
    %dot_general3A = arith.constant dense<0.000000e+00> : vector<256x128xf32>
    %dot_general3A_15 = tpu.matmul %div3A_11, %get3A_14, %dot_general3A {dimension_numbers = #tpu.dot_dimension_numbers<[1], [0], [0], [1], [0, 0, 1, 1], [], []>, transpose_lhs_hint = false} : vector<256x8xf32>, vector<8x128xf32>, vector<256x128xf32> -> vector<256x128xf32>
    %get3A_16 = arith.constant 0 : index
    %get3A_17 = arith.constant 0 : index
    %get3A_18 = vector.load %arg1[%get3A_16, %get3A_17] : memref<256x128xf32, #tpu.memory_space<vmem>>, vector<256x128xf32>
    %get3A_19 = arith.constant 0 : index
    %get3A_20 = arith.constant 0 : index
    %get3A_21 = vector.load %arg2[%get3A_19, %get3A_20] : memref<256x128xf32, #tpu.memory_space<vmem>>, vector<256x128xf32>
    %add3A_22 = arith.addf %get3A_18, %get3A_21 : vector<256x128xf32>
    %mul3A = arith.mulf %add3A_22, %dot_general3A_15 : vector<256x128xf32>
    %get3A_23 = arith.constant 0 : index
    %get3A_24 = arith.constant 0 : index
    %get3A_25 = vector.load %arg6[%get3A_23, %get3A_24] : memref<1x128xf32, #tpu.memory_space<vmem>>, vector<1x128xf32>
    %add3A_26 = vector.broadcast %get3A_25 : vector<1x128xf32> to vector<256x128xf32>
    %add3A_27 = arith.addf %mul3A, %add3A_26 : vector<256x128xf32>
    %gt3A = arith.constant 0.000000e+00 : f32
    %gt3A_28 = vector.broadcast %gt3A : f32 to vector<256x128xf32>
    %gt3A_29 = arith.cmpf ogt, %add3A_27, %gt3A_28 : vector<256x128xf32>
    %exp3A = math.exp %add3A_27 : vector<256x128xf32>
    %sub3A = arith.constant 1.000000e+00 : f32
    %sub3A_30 = vector.broadcast %sub3A : f32 to vector<256x128xf32>
    %sub3A_31 = arith.subf %exp3A, %sub3A_30 : vector<256x128xf32>
    %select_n3A = arith.select %gt3A_29, %add3A_27, %sub3A_31 : vector<256x128xi1>, vector<256x128xf32>
    %get3A_32 = arith.constant 0 : index
    %get3A_33 = arith.constant 0 : index
    %get3A_34 = vector.load %arg7[%get3A_32, %get3A_33] : memref<128x64xf32, #tpu.memory_space<vmem>>, vector<128x64xf32>
    %dot_general3A_35 = arith.constant dense<0.000000e+00> : vector<256x64xf32>
    %dot_general3A_36 = tpu.matmul %select_n3A, %get3A_34, %dot_general3A_35 {dimension_numbers = #tpu.dot_dimension_numbers<[1], [0], [0], [1], [0, 0, 1, 1], [], []>, transpose_lhs_hint = false} : vector<256x128xf32>, vector<128x64xf32>, vector<256x64xf32> -> vector<256x64xf32>
    %get3A_37 = arith.constant 0 : index
    %get3A_38 = arith.constant 0 : index
    %get3A_39 = vector.load %arg8[%get3A_37, %get3A_38] : memref<64x16xf32, #tpu.memory_space<vmem>>, vector<64x16xf32>
    %dot_general3A_40 = arith.constant dense<0.000000e+00> : vector<256x16xf32>
    %dot_general3A_41 = tpu.matmul %dot_general3A_36, %get3A_39, %dot_general3A_40 {dimension_numbers = #tpu.dot_dimension_numbers<[1], [0], [0], [1], [0, 0, 1, 1], [], []>, transpose_lhs_hint = false} : vector<256x64xf32>, vector<64x16xf32>, vector<256x16xf32> -> vector<256x16xf32>
    %swap3A = arith.constant 0 : index
    %swap3A_42 = arith.constant 0 : index
    %swap3A_43 = vector.load %arg9[%swap3A, %swap3A_42] : memref<256x64xf32, #tpu.memory_space<vmem>>, vector<256x64xf32>
    tpu.vector_store %arg9[%swap3A, %swap3A_42], %dot_general3A_36 {strides = array<i32>} : memref<256x64xf32, #tpu.memory_space<vmem>>, vector<256x64xf32>,
    %swap3A_44 = arith.constant 0 : index
    %swap3A_45 = arith.constant 0 : index
    %swap3A_46 = vector.load %arg10[%swap3A_44, %swap3A_45] : memref<256x16xf32, #tpu.memory_space<vmem>>, vector<256x16xf32>
    tpu.vector_store %arg10[%swap3A_44, %swap3A_45], %dot_general3A_41 {strides = array<i32>} : memref<256x16xf32, #tpu.memory_space<vmem>>, vector<256x16xf32>,
    %get3A_47 = arith.constant 0 : index
    %get3A_48 = arith.constant 0 : index
    %get3A_49 = vector.load %arg12[%get3A_47, %get3A_48] : memref<1x8xf32, #tpu.memory_space<vmem>>, vector<1x8xf32>
    %slice3A_50 = vector.extract_strided_slice %dot_general3A_41 {offsets = [0, 0], sizes = [256, 8], strides = [1, 1]} : vector<256x16xf32> to vector<256x8xf32>
    %reduce_max3A = arith.constant dense<0xFF800000> : vector<8xf32>
    %reduce_max3A_51 = vector.multi_reduction <maximumf>, %slice3A_50, %reduce_max3A [0] : vector<256x8xf32> to vector<8xf32>
    %broadcast_in_dim3A = vector.shape_cast %reduce_max3A_51 : vector<8xf32> to vector<1x8xf32>
    %max3A = arith.maximumf %get3A_49, %broadcast_in_dim3A : vector<1x8xf32>
    %swap3A_52 = arith.constant 0 : index
    %swap3A_53 = arith.constant 0 : index
    %swap3A_54 = vector.load %arg12[%swap3A_52, %swap3A_53] : memref<1x8xf32, #tpu.memory_space<vmem>>, vector<1x8xf32>
    tpu.vector_store %arg12[%swap3A_52, %swap3A_53], %max3A {strides = array<i32>} : memref<1x8xf32, #tpu.memory_space<vmem>>, vector<1x8xf32>,
    %get3A_55 = arith.constant 0 : index
    %get3A_56 = arith.constant 0 : index
    %get3A_57 = vector.load %arg12[%get3A_55, %get3A_56] : memref<1x8xf32, #tpu.memory_space<vmem>>, vector<1x8xf32>
    %swap3A_58 = arith.constant 0 : index
    %swap3A_59 = arith.constant 0 : index
    %swap3A_60 = vector.load %arg11[%swap3A_58, %swap3A_59] : memref<1x8xf32, #tpu.memory_space<vmem>>, vector<1x8xf32>
    tpu.vector_store %arg11[%swap3A_58, %swap3A_59], %get3A_57 {strides = array<i32>} : memref<1x8xf32, #tpu.memory_space<vmem>>, vector<1x8xf32>,
    return
  }
  func.func @transform_0(%arg0: i32) -> (i32, i32) {
    %c0_i32 = arith.constant 0 : i32
    %c0_i32_0 = arith.constant 0 : i32
    return %arg0, %c0_i32 : i32, i32
  }
  func.func @transform_1(%arg0: i32) -> (i32, i32) {
    %c0_i32 = arith.constant 0 : i32
    %c0_i32_0 = arith.constant 0 : i32
    return %arg0, %c0_i32 : i32, i32
  }
  func.func @transform_2(%arg0: i32) -> (i32, i32) {
    %c0_i32 = arith.constant 0 : i32
    %c0_i32_0 = arith.constant 0 : i32
    return %arg0, %c0_i32 : i32, i32
  }
  func.func @transform_3(%arg0: i32) -> (i32, i32) {
    %c0_i32 = arith.constant 0 : i32
    %c0_i32_0 = arith.constant 0 : i32
    return %arg0, %c0_i32 : i32, i32
  }
  func.func @transform_4(%arg0: i32) -> (i32, i32) {
    %c0_i32 = arith.constant 0 : i32
    %c0_i32_0 = arith.constant 0 : i32
    %c0_i32_1 = arith.constant 0 : i32
    return %c0_i32, %c0_i32_0 : i32, i32
  }
  func.func @transform_5(%arg0: i32) -> (i32, i32) {
    %c0_i32 = arith.constant 0 : i32
    %c0_i32_0 = arith.constant 0 : i32
    %c0_i32_1 = arith.constant 0 : i32
    return %c0_i32, %c0_i32_0 : i32, i32
  }
  func.func @transform_6(%arg0: i32) -> (i32, i32) {
    %c0_i32 = arith.constant 0 : i32
    %c0_i32_0 = arith.constant 0 : i32
    %c0_i32_1 = arith.constant 0 : i32
    return %c0_i32, %c0_i32_0 : i32, i32
  }
  func.func @transform_7(%arg0: i32) -> (i32, i32) {
    %c0_i32 = arith.constant 0 : i32
    %c0_i32_0 = arith.constant 0 : i32
    %c0_i32_1 = arith.constant 0 : i32
    return %c0_i32, %c0_i32_0 : i32, i32
  }
  func.func @transform_8(%arg0: i32) -> (i32, i32) {
    %c0_i32 = arith.constant 0 : i32
    %c0_i32_0 = arith.constant 0 : i32
    return %arg0, %c0_i32 : i32, i32
  }
  func.func @transform_9(%arg0: i32) -> (i32, i32) {
    %c0_i32 = arith.constant 0 : i32
    %c0_i32_0 = arith.constant 0 : i32
    return %arg0, %c0_i32 : i32, i32
  }
  func.func @transform_10(%arg0: i32) -> (i32, i32) {
    %c0_i32 = arith.constant 0 : i32
    %c0_i32_0 = arith.constant 0 : i32
    %c0_i32_1 = arith.constant 0 : i32
    return %c0_i32, %c0_i32_0 : i32, i32
  }
}

module attributes {stable_mosaic.version = 14 : i64} {
  func.func @_head_body(%arg0: i32, %arg1: memref<256x64xf32, #tpu.memory_space<vmem>>, %arg2: memref<256x64xf32, #tpu.memory_space<vmem>>, %arg3: memref<256x16xf32, #tpu.memory_space<vmem>>, %arg4: memref<256x16xf32, #tpu.memory_space<vmem>>, %arg5: memref<8x64xf32, #tpu.memory_space<vmem>>, %arg6: memref<1x64xf32, #tpu.memory_space<vmem>>, %arg7: memref<64x8xf32, #tpu.memory_space<vmem>>, %arg8: memref<8x8xf32, #tpu.memory_space<vmem>>, %arg9: memref<256x8xf32, #tpu.memory_space<vmem>>) attributes {dimension_semantics = [#tpu.dimension_semantics<arbitrary>], iteration_bounds = array<i64: 40>, scalar_prefetch = 0 : i64, scratch_operands = 0 : i64, tpu.core_type = #tpu.core_type<tc>, window_params = [{transform_indices = @transform_0, window_bounds = array<i64: 256, 64>}, {transform_indices = @transform_1, window_bounds = array<i64: 256, 64>}, {transform_indices = @transform_2, window_bounds = array<i64: 256, 16>}, {transform_indices = @transform_3, window_bounds = array<i64: 256, 16>}, {pipeline_mode = #tpu.pipeline_mode<synchronous>, transform_indices = @transform_4, window_bounds = array<i64: 8, 64>}, {pipeline_mode = #tpu.pipeline_mode<synchronous>, transform_indices = @transform_5, window_bounds = array<i64: 1, 64>}, {pipeline_mode = #tpu.pipeline_mode<synchronous>, transform_indices = @transform_6, window_bounds = array<i64: 64, 8>}, {pipeline_mode = #tpu.pipeline_mode<synchronous>, transform_indices = @transform_7, window_bounds = array<i64: 8, 8>}, {transform_indices = @transform_8, window_bounds = array<i64: 256, 8>}]} {
    %get3A = arith.constant 0 : index
    %get3A_0 = arith.constant 0 : index
    %get3A_1 = vector.load %arg3[%get3A, %get3A_0] : memref<256x16xf32, #tpu.memory_space<vmem>>, vector<256x16xf32>
    %get3A_2 = arith.constant 0 : index
    %get3A_3 = arith.constant 0 : index
    %get3A_4 = vector.load %arg4[%get3A_2, %get3A_3] : memref<256x16xf32, #tpu.memory_space<vmem>>, vector<256x16xf32>
    %add3A = arith.addf %get3A_1, %get3A_4 : vector<256x16xf32>
    %slice3A = vector.extract_strided_slice %add3A {offsets = [0, 0], sizes = [256, 8], strides = [1, 1]} : vector<256x16xf32> to vector<256x8xf32>
    %add3A_5 = arith.constant 1.000000e-16 : f32
    %add3A_6 = vector.broadcast %add3A_5 : f32 to vector<256x8xf32>
    %add3A_7 = arith.addf %slice3A, %add3A_6 : vector<256x8xf32>
    %div3A = arith.constant 1.000000e+00 : f32
    %div3A_8 = vector.broadcast %div3A : f32 to vector<256x8xf32>
    %div3A_9 = arith.divf %div3A_8, %add3A_7 : vector<256x8xf32>
    %get3A_10 = arith.constant 0 : index
    %get3A_11 = arith.constant 0 : index
    %get3A_12 = vector.load %arg5[%get3A_10, %get3A_11] : memref<8x64xf32, #tpu.memory_space<vmem>>, vector<8x64xf32>
    %dot_general3A = arith.constant dense<0.000000e+00> : vector<256x64xf32>
    %dot_general3A_13 = tpu.matmul %div3A_9, %get3A_12, %dot_general3A {dimension_numbers = #tpu.dot_dimension_numbers<[1], [0], [0], [1], [0, 0, 1, 1], [], []>, transpose_lhs_hint = false} : vector<256x8xf32>, vector<8x64xf32>, vector<256x64xf32> -> vector<256x64xf32>
    %get3A_14 = arith.constant 0 : index
    %get3A_15 = arith.constant 0 : index
    %get3A_16 = vector.load %arg1[%get3A_14, %get3A_15] : memref<256x64xf32, #tpu.memory_space<vmem>>, vector<256x64xf32>
    %get3A_17 = arith.constant 0 : index
    %get3A_18 = arith.constant 0 : index
    %get3A_19 = vector.load %arg2[%get3A_17, %get3A_18] : memref<256x64xf32, #tpu.memory_space<vmem>>, vector<256x64xf32>
    %add3A_20 = arith.addf %get3A_16, %get3A_19 : vector<256x64xf32>
    %mul3A = arith.mulf %add3A_20, %dot_general3A_13 : vector<256x64xf32>
    %get3A_21 = arith.constant 0 : index
    %get3A_22 = arith.constant 0 : index
    %get3A_23 = vector.load %arg6[%get3A_21, %get3A_22] : memref<1x64xf32, #tpu.memory_space<vmem>>, vector<1x64xf32>
    %add3A_24 = vector.broadcast %get3A_23 : vector<1x64xf32> to vector<256x64xf32>
    %add3A_25 = arith.addf %mul3A, %add3A_24 : vector<256x64xf32>
    %get3A_26 = arith.constant 0 : index
    %get3A_27 = arith.constant 0 : index
    %get3A_28 = vector.load %arg7[%get3A_26, %get3A_27] : memref<64x8xf32, #tpu.memory_space<vmem>>, vector<64x8xf32>
    %dot_general3A_29 = arith.constant dense<0.000000e+00> : vector<256x8xf32>
    %dot_general3A_30 = tpu.matmul %add3A_25, %get3A_28, %dot_general3A_29 {dimension_numbers = #tpu.dot_dimension_numbers<[1], [0], [0], [1], [0, 0, 1, 1], [], []>, transpose_lhs_hint = false} : vector<256x64xf32>, vector<64x8xf32>, vector<256x8xf32> -> vector<256x8xf32>
    %gt3A = arith.constant 0.000000e+00 : f32
    %gt3A_31 = vector.broadcast %gt3A : f32 to vector<256x8xf32>
    %gt3A_32 = arith.cmpf ogt, %dot_general3A_30, %gt3A_31 : vector<256x8xf32>
    %exp3A = math.exp %dot_general3A_30 : vector<256x8xf32>
    %sub3A = arith.constant 1.000000e+00 : f32
    %sub3A_33 = vector.broadcast %sub3A : f32 to vector<256x8xf32>
    %sub3A_34 = arith.subf %exp3A, %sub3A_33 : vector<256x8xf32>
    %select_n3A = arith.select %gt3A_32, %dot_general3A_30, %sub3A_34 : vector<256x8xi1>, vector<256x8xf32>
    %get3A_35 = arith.constant 0 : index
    %get3A_36 = arith.constant 0 : index
    %get3A_37 = vector.load %arg8[%get3A_35, %get3A_36] : memref<8x8xf32, #tpu.memory_space<vmem>>, vector<8x8xf32>
    %dot_general3A_38 = arith.constant dense<0.000000e+00> : vector<256x8xf32>
    %dot_general3A_39 = tpu.matmul %select_n3A, %get3A_37, %dot_general3A_38 {dimension_numbers = #tpu.dot_dimension_numbers<[1], [0], [0], [1], [0, 0, 1, 1], [], []>, transpose_lhs_hint = false} : vector<256x8xf32>, vector<8x8xf32>, vector<256x8xf32> -> vector<256x8xf32>
    %logistic3A = arith.negf %dot_general3A_39 : vector<256x8xf32>
    %logistic3A_40 = math.exp %logistic3A : vector<256x8xf32>
    %logistic3A_41 = arith.constant 1.000000e+00 : f32
    %logistic3A_42 = vector.broadcast %logistic3A_41 : f32 to vector<256x8xf32>
    %logistic3A_43 = arith.addf %logistic3A_42, %logistic3A_40 : vector<256x8xf32>
    %logistic3A_44 = arith.divf %logistic3A_42, %logistic3A_43 : vector<256x8xf32>
    %swap3A = arith.constant 0 : index
    %swap3A_45 = arith.constant 0 : index
    %swap3A_46 = vector.load %arg9[%swap3A, %swap3A_45] : memref<256x8xf32, #tpu.memory_space<vmem>>, vector<256x8xf32>
    tpu.vector_store %arg9[%swap3A, %swap3A_45], %logistic3A_44 {strides = array<i32>} : memref<256x8xf32, #tpu.memory_space<vmem>>, vector<256x8xf32>,
    return
  }
  func.func @transform_0(%arg0: i32) -> (i32, i32) {
    %c0_i32 = arith.constant 0 : i32
    %c0_i32_0 = arith.constant 0 : i32
    return %arg0, %c0_i32 : i32, i32
  }
  func.func @transform_1(%arg0: i32) -> (i32, i32) {
    %c0_i32 = arith.constant 0 : i32
    %c0_i32_0 = arith.constant 0 : i32
    return %arg0, %c0_i32 : i32, i32
  }
  func.func @transform_2(%arg0: i32) -> (i32, i32) {
    %c0_i32 = arith.constant 0 : i32
    %c0_i32_0 = arith.constant 0 : i32
    return %arg0, %c0_i32 : i32, i32
  }
  func.func @transform_3(%arg0: i32) -> (i32, i32) {
    %c0_i32 = arith.constant 0 : i32
    %c0_i32_0 = arith.constant 0 : i32
    return %arg0, %c0_i32 : i32, i32
  }
  func.func @transform_4(%arg0: i32) -> (i32, i32) {
    %c0_i32 = arith.constant 0 : i32
    %c0_i32_0 = arith.constant 0 : i32
    %c0_i32_1 = arith.constant 0 : i32
    return %c0_i32, %c0_i32_0 : i32, i32
  }
  func.func @transform_5(%arg0: i32) -> (i32, i32) {
    %c0_i32 = arith.constant 0 : i32
    %c0_i32_0 = arith.constant 0 : i32
    %c0_i32_1 = arith.constant 0 : i32
    return %c0_i32, %c0_i32_0 : i32, i32
  }
  func.func @transform_6(%arg0: i32) -> (i32, i32) {
    %c0_i32 = arith.constant 0 : i32
    %c0_i32_0 = arith.constant 0 : i32
    %c0_i32_1 = arith.constant 0 : i32
    return %c0_i32, %c0_i32_0 : i32, i32
  }
  func.func @transform_7(%arg0: i32) -> (i32, i32) {
    %c0_i32 = arith.constant 0 : i32
    %c0_i32_0 = arith.constant 0 : i32
    %c0_i32_1 = arith.constant 0 : i32
    return %c0_i32, %c0_i32_0 : i32, i32
  }
  func.func @transform_8(%arg0: i32) -> (i32, i32) {
    %c0_i32 = arith.constant 0 : i32
    %c0_i32_0 = arith.constant 0 : i32
    return %arg0, %c0_i32 : i32, i32
  }
}

</mosaic_0001>

<sc_bundles>
// kernel: kernel.12.cloned.1.call-start
scs
__scs_entry_jumppad:
0x0: {  	(pc) =	sbr.rel $0x88, $3  }
0x1: {  	(tag) =	ssettag $0x0;
	lr =	simm.s32 $0x1  }
0x2: {  	[smem:$0x3F91] =	sst lr;
	_ =	strace $0xD0000000  }
0x3: {  	_ = 	snop  }
0x4: {  	_ = 	snop  }
0x5: {  	_ = 	snop  }
0x6: {  	_ = 	snop  }
0x7: {  	_ = 	snop  }
__scs_overlays_trampoline_lowered:
0x8: {  	[smem:$0x3FA0] =	sst s0  }
0x9: {  	[smem:$0x3FA1] =	sst s1  }
0xa: {  	[smem:$0x3FA2] =	sst s2  }
0xb: {  	[smem:$0x3FA3] =	sst s3  }
0xc: {  	[smem:$0x3FA4] =	sst s4  }
0xd: {  	[smem:$0x3FA5] =	sst s5  }
0xe: {  	[smem:$0x3FA6] =	sst s6  }
0xf: {  	[smem:$0x3FA7] =	sst s7  }
0x10: {  	[smem:$0x3FA8] =	sst s8  }
0x11: {  	[smem:$0x3FA9] =	sst s9;
	s0 =	simm.s32 @!p0 $0x0  }
0x12: {  	s1 =	sld [smem:$0x3F8F];
	s0 =	simm.s32 @p0 $0x1  }
0x13: {  	[smem:$0x3FAA] =	sst s0;
	s0 =	simm.s32 @!p1 $0x0  }
0x14: {  	s2 =	sld [smem:$0x3F8E];
	s0 =	simm.s32 @p1 $0x1  }
0x15: {  	[smem:$0x3FAB] =	sst s0;
	s0 =	simm.s32 @!p2 $0x0  }
0x16: {  	s3 =	sld [smem:$0x3FDB];
	s0 =	simm.s32 @p2 $0x1  }
0x17: {  	s4 =	simm.s32 $0x1BF5;
	[smem:$0x3FAD] =	sst s0  }
0x18: {  	s0 =	sld [smem:$0x3F90];
	_ =	swait.ge [sflag:s4], $0x0  }
0x19: {  	s7 =	sld [smem:$0x3F91]  }
0x1a: {  	s8 =	sadd.s32 $0xFFFFE003, lr  }
0x1b: {  	s9 =	sadd.s32 $0xFFFFFEF7, lr;
	s5 =	simm.s32 $0xFFFFFFFF;
	p2 =	slt.u32 s8, $0xFFFFF086  }
0x1c: {  	p1 =	slt.u32 s9, $0xF7A;
	s5 =	simm.s32 @!p2 $0x0  }
0x1d: {  	s5 =	simm.s32 @p1 $0x1;
	p0 =	seq.s32 s7, s2  }
0x1e: {  	s7 =	smul.u32 @!p0 $0xF7A, s2;
	p2 =	seq.s32 @!p0 s5, $0x0  }
0x1f: {  	s9 =	smul.u32 $0xF7A, s1;
	s8 =	simm.s32 @!p0 $0x1BF5;
	p2 =	por !p2, p0  }
0x20: {  	[sflag:s8] =	ssyncset.s32 @!p0 $0xFFFFF086;
	s6 =	sadd.s32 @!p0 s3, s7;
	s7 =	simm.s32 @!p0 $0x108  }
0x21: {  	s3 =	sadd.s32 s3, s9;
	s6 =	sadd.s32 @!p0 $0x88, s6;
	s7 =	simm.s32 @p2 $0x1082  }
0x22: {  	[simem:s7], [sflag:s8] =	dma.local @!p0 [hbm:s6], $0xF7A  }
0x23: {  	s9 =	sor.u32 $0xD0000000, s2;
	s6 =	simm.s32 $0x108;
	_ =	swait.ge @!p0 [sflag:s8], $0x0  }
0x24: {  	s3 =	sadd.s32 $0x88, s3;
	s6 =	simm.s32 @!p1 $0x1082;
	[sflag:s4] =	ssyncset.s32 $0xFFFFF086  }
0x25: {  	[simem:s6], [sflag:s4] =	dma.local [hbm:s3], $0xF7A  }
0x26: {  	[smem:$0x3F91] =	sst s1;
	(tag) =	ssettag s2;
	_ =	strace s9  }
0x27: {  	s1 =	sld [smem:$0x3FA1]  }
0x28: {  	s2 =	sld [smem:$0x3FA2]  }
0x29: {  	s4 =	sld [smem:$0x3FA4]  }
0x2a: {  	p0 =	seq.s32 s5, $0x0;
	s5 =	sld [smem:$0x3FA5]  }
0x2b: {  	s6 =	sld [smem:$0x3FA6]  }
0x2c: {  	s7 =	sld [smem:$0x3FA7]  }
0x2d: {  	s3 =	simm.s32 $0x108;
	s8 =	sld [smem:$0x3FA8]  }
0x2e: {  	s3 =	simm.s32 @!p0 $0x1082;
	s9 =	sld [smem:$0x3FA9]  }
0x2f: {  	lr =	sadd.s32 s0, s3;
	s0 =	sld [smem:$0x3FA0]  }
0x30: {  	s3 =	sld [smem:$0x3FA3]  }
0x31: {  	[smem:$0x3FAC] =	sst s10  }
0x32: {  	s10 =	sld [smem:$0x3FAA];
	_ =	sdelay $0x3  }
0x33: {  	p0 =	seq.s32 s10, $0x1;
	s10 =	sld [smem:$0x3FAC];
	_ =	sdelay $0x3  }
0x34: {  	[smem:$0x3FAC] =	sst s10  }
0x35: {  	s10 =	sld [smem:$0x3FAB];
	_ =	sdelay $0x3  }
0x36: {  	p1 =	seq.s32 s10, $0x1;
	s10 =	sld [smem:$0x3FAC];
	_ =	sdelay $0x3  }
0x37: {  	[smem:$0x3FAC] =	sst s10  }
0x38: {  	s10 =	sld [smem:$0x3FAD]  }
0x39: {  	_ = 	snop;
	(pc) =	sbr.ind lr, $3  }
0x3a: {  	_ = 	snop  }
0x3b: {  	_ = 	snop  }
0x3c: {  	p2 =	seq.s32 s10, $0x1;
	s10 =	sld [smem:$0x3FAC]  }
0x3d: {  	_ =	shalt  }
0x3e: {  	_ =	shalt  }
0x3f: {  	_ =	shalt  }
0x40: {  	_ =	shalt  }
0x41: {  	_ =	shalt  }
0x42: {  	_ =	shalt  }
0x43: {  	_ =	shalt  }
0x44: {  	_ =	shalt  }
0x45: {  	_ =	shalt  }
0x46: {  	_ =	shalt  }
0x47: {  	_ =	shalt  }
0x48: {  	_ =	shalt  }
0x49: {  	_ =	shalt  }
0x4a: {  	_ =	shalt  }
0x4b: {  	_ =	shalt  }
0x4c: {  	_ =	shalt  }
0x4d: {  	_ =	shalt  }
0x4e: {  	_ =	shalt  }
0x4f: {  	_ =	shalt  }
0x50: {  	_ =	shalt  }
0x51: {  	_ =	shalt  }
0x52: {  	_ =	shalt  }
0x53: {  	_ =	shalt  }
0x54: {  	_ =	shalt  }
0x55: {  	_ =	shalt  }
0x56: {  	_ =	shalt  }
0x57: {  	_ =	shalt  }
0x58: {  	_ =	shalt  }
0x59: {  	_ =	shalt  }
0x5a: {  	_ =	shalt  }
0x5b: {  	_ =	shalt  }
0x5c: {  	_ =	shalt  }
0x5d: {  	_ =	shalt  }
0x5e: {  	_ =	shalt  }
0x5f: {  	_ =	shalt  }
0x60: {  	_ =	shalt  }
0x61: {  	_ =	shalt  }
0x62: {  	_ =	shalt  }
0x63: {  	_ =	shalt  }
0x64: {  	_ =	shalt  }
0x65: {  	_ =	shalt  }
0x66: {  	_ =	shalt  }
0x67: {  	_ =	shalt  }
0x68: {  	_ =	shalt  }
0x69: {  	_ =	shalt  }
0x6a: {  	_ =	shalt  }
0x6b: {  	_ =	shalt  }
0x6c: {  	_ =	shalt  }
0x6d: {  	_ =	shalt  }
0x6e: {  	_ =	shalt  }
0x6f: {  	_ =	shalt  }
0x70: {  	_ =	shalt  }
0x71: {  	_ =	shalt  }
0x72: {  	_ =	shalt  }
0x73: {  	_ =	shalt  }
0x74: {  	_ =	shalt  }
0x75: {  	_ =	shalt  }
0x76: {  	_ =	shalt  }
0x77: {  	_ =	shalt  }
0x78: {  	_ =	shalt  }
0x79: {  	_ =	shalt  }
0x7a: {  	_ =	shalt  }
0x7b: {  	_ =	shalt  }
0x7c: {  	_ =	shalt  }
0x7d: {  	_ =	shalt  }
0x7e: {  	_ =	shalt  }
0x7f: {  	_ =	shalt  }
0x80: {  	_ =	shalt  }
0x81: {  	_ =	shalt  }
0x82: {  	_ =	shalt  }
0x83: {  	_ =	shalt  }
0x84: {  	_ =	shalt  }
0x85: {  	_ =	shalt  }
0x86: {  	_ =	shalt  }
0x87: {  	_ =	shalt  }
.Lfunc_end0:
.L_simem_size_0:
called_computation.1_lowered:
.L_overlay_start_0:
0x88: {  	s2 =	sld [smem:$0x3FD9]  }
0x89: {  	s3 =	sld [smem:$0x3FFE];
	_ =	sdelay $0x1  }
0x8a: {  	s1 =	srdreg.scid  }
0x8b: {  	s0 =	sand.u32 $0x1, s1  }
0x8c: {  	s17 =	sshll.u32 s0, $0xA;
	s2 =	sadd.s32 s3, s2  }
0x8d: {  	s2 =	sadd.s32 s2, s17  }
0x8e: {  	[smem:$0x3FB8] =	sst s2  }
0x8f: {  	_ = 	snop  }
0x90: {  	s2 =	sld [smem:$0x3FD0];
	(tm) =	ssettm $0x1  }
0x91: {  	s18 =	sld [smem:$0x3FFB];
	_ =	sdelay $0x3  }
0x92: {  	_ =	strace s18  }
0x93: {  	s3 =	sld [smem:$0x3FFC];
	_ =	sdelay $0x3  }
0x94: {  	_ =	strace s3  }
0x95: {  	s3 =	sld [smem:$0x3FFD];
	_ =	sdelay $0x3  }
0x96: {  	_ =	strace s3  }
0x97: {  	_ =	strace $0x8FFFFFFF  }
0x98: {  	s19 =	sld [smem:$0x3FDB];
	_ =	sdelay $0x1  }
0x99: {  	s4 =	simm.s32 $_scs_section_size  }
0x9a: {  	s5 =	simm.s32 $_size__tile_overlayer_lowered;
	s6 =	simm.s32 $_tile_overlayer_lowered  }
0x9b: {  	s22 =	simm.s32 $0x1BFF;
	s21 =	sshll.u32 s6, $0x1;
	s3 =	sadd.s32 s4, s19  }
0x9c: {  	s7 =	simm.s32 $0x0;
	s20 =	sshll.u32 s5, $0x1;
	s5 =	sadd.s32 s21, s3  }
0x9d: {  	[timem:s7], [sflag:s22] =	dma.local [hbm:s5], s20  }
0x9e: {  	_ =	swait.ge [sflag:s22], s20  }
0x9f: {  	s4 =	ssub.s32 $0x0, s20;
	[sflag:s22] =	ssyncset.done $0x0  }
0xa0: {  	[sflag:s22] =	ssyncadd.s32 s4;
	_ =	sdelay $0x1  }
0xa1: {  	s23 =	simm.s32 $0x1B8B  }
0xa2: {  	_ =	swait.ge [sflag:s23], $0x1  }
0xa3: {  	[sflag:s23] =	ssyncset.done $0x0  }
0xa4: {  	s25 =	simm.s32 $0x1B8E;
	s24 =	sld [smem:$0x3FFE];
	[sflag:s23] =	ssyncadd.s32 $0xFFFFFFFF  }
0xa5: {  	s26 =	simm.s32 $execute0_lowered;
	[smem:$0x3FD2] =	sst s25  }
0xa6: {  	s5 =	sshll.u32 s26, $0x1;
	_ =	strace $0x80000049;
	[dreg:$0x1] =	wrdreg $0xFFFFFFFF  }
0xa7: {  	s28 =	simm.s32 $_size_execute0_lowered;
	s3 =	sadd.s32 s3, s5;
	[dreg:$0x0] =	wrdreg $0x0  }
0xa8: {  	s5 =	sshll.u32 s28, $0x1;
	[dreg:$0x2] =	wrdreg s3  }
0xa9: {  	[dreg:$0x3] =	wrdreg s5  }
0xaa: {  	[dreg:$0x4] =	wrdreg $0xC0  }
0xab: {  	_ =	task [dreg:s7], $0x5FFFF  }
0xac: {  	[dreg:$0x1] =	wrdreg $0xFFFFFFFF  }
0xad: {  	[dreg:$0x0] =	wrdreg $0x60  }
0xae: {  	[dreg:$0x2] =	wrdreg s24  }
0xaf: {  	[dreg:$0x3] =	wrdreg s2  }
0xb0: {  	[dreg:$0x4] =	wrdreg $0x7A100  }
0xb1: {  	[dreg:$0x5] =	wrdreg $0xA2100  }
0xb2: {  	[dreg:$0x6] =	wrdreg $0x9  }
0xb3: {  	_ =	task.clear_ibuf [dreg:s7], $0x7FFFF;
	_ =	strace $0x90000049  }
0xb4: {  	s29 =	simm.s32 $0x9;
	_ =	strace $0x8000004B  }
0xb5: {  	_ =	swait.ge [sflag:s29], $0x1  }
0xb6: {  	[sflag:s29] =	ssyncadd.s32 $0xFFFFFFFF  }
0xb7: {  	_ =	strace $0x9000004B  }
0xb8: {  	_ =	sfence  }
0xb9: {  	s30 =	sld [smem:$0x0];
	_ =	sdelay $0x2  }
0xba: {  	s31 =	sshll.u32 s1, $0xD;
	s1 =	sshrl.u32 s1, $0x2  }
0xbb: {  	s3 =	sand.u32 $0x4000, s31;
	s1 =	sadd.s32 s1, s30  }
0xbc: {  	s0 =	sor.u32 s3, s0;
	s1 =	sshll.u32 s1, $0x11  }
0xbd: {  	s0 =	sor.u32 s1, s0  }
0xbe: {  	s0 =	sadd.s32 $0x8F2B, s0  }
0xbf: {  	[sflag:s0] =	ssyncadd.remote.s32 $0x1  }
0xc0: {  	_ =	sfence.sel $0xFFFF  }
0xc1: {  	[dreg:$0x0] =	wrdreg $0xFFFFFFFF;
	(pc) =	sbr.abs _section_cstart, $3  }
0xc2: {  	[dreg:$0x1] =	wrdreg $0xFFFFFFFF  }
0xc3: {  	_ =	task.clear_ibuf [dreg:s7], $0x2FFFF;
	_ =	strace $0x9FFFFFFF  }
0xc4: {  	(tm) =	ssettm $0x7FFFFFFF  }
0xc5: {  	_ =	shalt  }
tec
execute0_lowered:
.L_overlay_start_1:
0x0: {  	(tag) =	ssettag $0x1  }
0x1: {  	s0 =	rddreg [dreg:$0x0]  }
0x2: {  	s1 =	srdreg.scid;
	s11 =	rddreg [dreg:$0x2]  }
0x3: {  	s10 =	stileid.u32;
	s12 =	rddreg [dreg:$0x3];
	s4 =	simm.s32 $0x0  }
0x4: {  	s21 =	simm.s32 $0x40;
	s1 =	sand.u32 $0x1, s1;
	s3 =	smul.u32 $0x2800, s10  }
0x5: {  	s2 =	sshll.u32 s10, $0x1;
	[smem:$0x7FF] =	sst s4;
	s23 =	smul.u32 $0x14000, s10  }
0x6: {  	s6 =	sadd.s32 $0x2C800, s0;
	s9 =	sadd.s32 $0x4800, s0;
	s26 =	sshll.u32 s10, $0x6  }
0x7: {  	s2 =	sor.u32 s1, s2;
	_ =	strace $0x8000004A;
	s5 =	smul.u32 $0x28000, s1  }
0x8: {  	s8 =	smul.u32 $0x140000, s1;
	[dreg:$0x5] =	wrdreg s9;
	s1 =	ssub.s32 $0x2, s1  }
0x9: {  	s2 =	smul.u32 $0x2A0, s2;
	s7 =	sshrl.u32 s3, $0x3;
	s24 =	sshrl.u32 s23, $0x3  }
0xa: {  	s25 =	sshrl.u32 s1, $0x1;
	s4 =	sadd.s32 s23, s12;
	s7 =	sadd.s32 s7, s0  }
0xb: {  	s9 =	sadd.s32 s24, s0;
	s5 =	sadd.s32 s3, s5;
	s7 =	sadd.s32 $0x3C000, s7  }
0xc: {  	s1 =	ssub.s32 s1, s25;
	s28 =	sadd.s32 $0x41000, s9;
	[dreg:$0x6] =	wrdreg s7  }
0xd: {  	s3 =	sadd.s32 s3, s11;
	s31 =	smax.u32 s1, $0x1;
	[dreg:$0x8] =	wrdreg s28  }
0xe: {  	s8 =	sadd.s32 s23, s8;
	s1 =	sshrl.u32 s3, $0x3;
	[dreg:$0xd] =	wrdreg s31  }
0xf: {  	v0 =	vimm.s32 $0xFEDCBA98;
	s2 =	sadd.s32 s2, s0;
	s3 =	sshrl.u32 s4, $0x3;
	[dreg:$0xe] =	wrdreg s1  }
0x10: {  	v1 =	vimm.s32 $0x76543210;
	v0 =	vunpack.c.l.s4.s8 v0;
	s5 =	sshrl.u32 s5, $0x3;
	s29 =	sadd.s32 $0x36C00, s2;
	[dreg:$0xf] =	wrdreg s3  }
0x11: {  	vm0 =	vmmov $0xff;
	v1 =	vunpack.c.l.s4.s8 v1;
	s8 =	sshrl.u32 s8, $0x3;
	s2 =	sadd.s32 $0x31800, s2;
	[dreg:$0x9] =	wrdreg s29  }
0x12: {  	v2 =	vimm.s32 $0x1;
	v3 =	vimm.s32 $0x2;
	v0 =	vunpack.c.0.s8.s32 v0;
	s5 =	sadd.s32 s5, s0;
	s7 =	sor.u32 $0x1C03, s26;
	[dreg:$0xa] =	wrdreg s2  }
0x13: {  	v4 =	vimm.s32 $0x3;
	v5 =	vimm.s32 $0x4;
	v1 =	vunpack.c.0.s8.s32 v1;
	s0 =	sadd.s32 s8, s0;
	s30 =	sadd.s32 $0x69000, s5;
	[dreg:$0x7] =	wrdreg s7  }
0x14: {  	v6 =	vimm.s32 $0x5;
	v7 =	vimm.s32 $0x6;
	s25 =	simm.s32 $0x1;
	v0 =	vand.u32 $0xF, v0;
	s0 =	sadd.s32 $0x73000, s0;
	[dreg:$0xb] =	wrdreg s30  }
0x15: {  	v8 =	vimm.s32 $0x7;
	s4 =	simm.s32 $0x0;
	v0 =	vcombine.low v0, v1;
	v1 =	vimm.s32 $0x0;
	s2 =	simm.s32 $0x3;
	[dreg:$0xc] =	wrdreg s0  }
.LBB2_1:
0x16: {  	[dreg:$0x10] =	wrdreg s4  }
0x17: {  	s0 =	rddreg [dreg:$0x6]  }
0x18: {  	[spmem:s1], [sflag:s7] =	dma.local [hbm:s0], $0x500  }
0x19: {  	_ =	swait.ge [sflag:s2], $0x500  }
0x1a: {  	[sflag:s2] =	ssyncset.done $0x0  }
0x1b: {  	s17 =	rddreg [dreg:$0x8];
	[sflag:s2] =	ssyncadd.s32 $0xFFFFFB00  }
0x1c: {  	[spmem:s3], [sflag:s7] =	dma.local [hbm:s17], $0x2800  }
0x1d: {  	_ =	swait.ge [sflag:s2], $0x2800  }
0x1e: {  	[sflag:s2] =	ssyncset.done $0x0  }
0x1f: {  	s18 =	simm.s32 $0x0;
	s19 =	rddreg [dreg:$0x9];
	[sflag:s2] =	ssyncadd.s32 $0xFFFFD800  }
0x20: {  	[tilespmem:s18], [sflag:$0x3] =	stream.linear.gather [hbm4b:s19+s18], $0x1500, $0x38;
	[tilespmem:$0x1E210] =	vst v63  }
0x21: {  	_ =	swait.ge [sflag:s2], $0x1500  }
0x22: {  	[sflag:s2] =	ssyncset.done $0x0  }
0x23: {  	s22 =	simm.s32 $0x1500;
	s20 =	rddreg [dreg:$0xa];
	[sflag:s2] =	ssyncadd.s32 $0xFFFFEB00  }
0x24: {  	[tilespmem:s22], [sflag:$0x3] =	stream.linear.gather [hbm4b:s20+s18], $0x1500, $0x38;
	[tilespmem:$0x1E210] =	vst v63  }
0x25: {  	_ =	swait.ge [sflag:s2], $0x1500  }
0x26: {  	[sflag:s2] =	ssyncset.done $0x0  }
0x27: {  	[sflag:s2] =	ssyncadd.s32 $0xFFFFEB00  }
0x28: {  	s24 =	simm.s32 $0x7A00;
	s23 =	rddreg [dreg:$0x1]  }
0x29: {  	[tilespmem:s24], [sflag:$0x3] =	stream.linear.gather [hbm4b:s23+s18], $0x10, $0x38;
	[tilespmem:$0x1E210] =	vst v63  }
0x2a: {  	_ =	swait.ge [sflag:s2], $0x10  }
0x2b: {  	[sflag:s2] =	ssyncset.done $0x0  }
0x2c: {  	[sflag:s2] =	ssyncadd.s32 $0xFFFFFFF0  }
0x2d: {  	s26 =	simm.s32 $0x2A00;
	[bflag:$0x0] =	sbarrier.arrive $0xFFFF  }
0x2e: {  	v9 =	vld [tilespmem:$0x7A00];
	[tilespmem:s26], [sflag:$0x1] =	stream.indirect.gather [hbm4b:s6+s21], $0x10, s18, s21, $0xb8  }
0x2f: {  	s28 =	simm.s32 $0x3200  }
0x30: {  	[tilespmem:s28], [sflag:$0x1] =	stream.indirect.gather [hbm4b:s6+s21], $0x10, s22, s21, $0xb8;
	[tilespmem:$0x1E210] =	vst v63  }
0x31: {  	s31 =	simm.s32 $0x3A00;
	s29 =	simm.s32 $0x0;
	s30 =	rddreg [dreg:$0x5]  }
0x32: {  	[tilespmem:s31], [sflag:$0x1] =	stream.indirect.gather [hbm4b:s30+s21], $0x80, s18, s21, $0xb8;
	[tilespmem:$0x1E210] =	vst v63  }
.LBB2_2:
0x33: {  	_ =	swait.ge [sflag:s25], $0x400  }
0x34: {  	[sflag:s25] =	ssyncset.done $0x0  }
0x35: {  	[sflag:s25] =	ssyncadd.s32 $0xFFFFFC00  }
0x36: {  	_ =	swait.ge [sflag:s25], $0x400  }
0x37: {  	[sflag:s25] =	ssyncset.done $0x0  }
0x38: {  	[sflag:s25] =	ssyncadd.s32 $0xFFFFFC00  }
0x39: {  	_ =	swait.ge [sflag:s25], $0x2000  }
0x3a: {  	p0 =	seq.s32 s29, $0x0;
	[sflag:s25] =	ssyncset.done $0x0  }
0x3b: {  	s1 =	simm.s32 @!p0 $0x2;
	[sflag:s25] =	ssyncadd.s32 $0xFFFFE000  }
0x3c: {  	_ =	swait.ge @!p0 [sflag:s1], $0x400  }
0x3d: {  	[sflag:s1] =	ssyncset.done @!p0 $0x0  }
0x3e: {  	[sflag:s1] =	ssyncadd.s32 @!p0 $0xFFFFFC00  }
0x3f: {  	p1 =	seq.s32 @!p0 s29, $0x53;
	_ =	swait.ge @!p0 [sflag:s1], $0x2000  }
0x40: {  	s0 =	sand.u32 $0x1, s29;
	p1 =	por p0, !p1;
	[sflag:s1] =	ssyncset.done @!p0 $0x0  }
0x41: {  	[sflag:s1] =	ssyncadd.s32 @!p0 $0xFFFFE000;
	s1 =	sxor.u32 @p1 $0x1, s0  }
0x42: {  	s28 =	sshll.u32 s0, $0xD;
	s3 =	sshll.u32 @p1 s29, $0x6;
	s2 =	sshll.u32 @p1 s1, $0xA  }
0x43: {  	s31 =	sshll.u32 s0, $0xA;
	s5 =	sadd.s32 @p1 $0x40, s3;
	s4 =	sor.u32 @p1 $0x2A00, s2  }
0x44: {  	[tilespmem:s4], [sflag:$0x1] =	stream.indirect.gather @p1 [hbm4b:s6+s21], $0x10, s5, s21, $0xb8;
	[tilespmem:$0x1E210] =	vst v63  }
0x45: {  	s3 =	sadd.s32 @p1 $0x1540, s3;
	s1 =	sshll.u32 @p1 s1, $0xD;
	s2 =	sor.u32 @p1 $0x3200, s2  }
0x46: {  	v10 =	vmov s31;
	[tilespmem:s2], [sflag:$0x1] =	stream.indirect.gather @p1 [hbm4b:s6+s21], $0x10, s3, s21, $0xb8;
	[tilespmem:$0x1E210] =	vst v63  }
0x47: {  	s30 =	sadd.s32 $0x3A00, s28;
	s1 =	sadd.s32 @p1 $0x3A00, s1;
	s2 =	rddreg @p1 [dreg:$0x5]  }
0x48: {  	[tilespmem:s1], [sflag:$0x1] =	stream.indirect.gather @p1 [hbm4b:s2+s21], $0x80, s5, s21, $0xb8;
	[tilespmem:$0x1E210] =	vst v63  }
0x49: {  	v11 =	vmov s30;
	s2 =	simm.s32 $0x0  }
.LBB2_3:
0x4a: {  	s0 =	sshll.u32 s2, $0x4  }
0x4b: {  	s5 =	sor.u32 $0x1, s2;
	v12 =	vld.idx.msk [tilespmem:v10+s0+$0x2A00 ss:$0x1], $0xffff  }
0x4c: {  	v13 =	vld.idx.msk [tilespmem:v10+s0+$0x3200 ss:$0x1], $0xffff;
	s1 =	sshll.u32 s5, $0x4  }
0x4d: {  	s9 =	sor.u32 $0x2, s2;
	v16 =	vld.idx.msk [tilespmem:v10+s1+$0x2A00 ss:$0x1], $0xffff  }
0x4e: {  	s8 =	sshll.u32 s9, $0x4;
	v17 =	vld.idx.msk [tilespmem:v10+s1+$0x3200 ss:$0x1], $0xffff  }
0x4f: {  	s3 =	sor.u32 $0x3, s2;
	v19 =	vld.idx.msk [tilespmem:v10+s8+$0x2A00 ss:$0x1], $0xffff  }
0x50: {  	s4 =	sshll.u32 s3, $0x4;
	v20 =	vld.idx.msk [tilespmem:v10+s8+$0x3200 ss:$0x1], $0xffff  }
0x51: {  	s7 =	sor.u32 $0x4, s2;
	v38 =	vld.idx.msk [tilespmem:v10+s4+$0x2A00 ss:$0x1], $0xffff  }
0x52: {  	s12 =	sshll.u32 s7, $0x4;
	v39 =	vld.idx.msk [tilespmem:v10+s4+$0x3200 ss:$0x1], $0xffff  }
0x53: {  	s13 =	sor.u32 $0x5, s2;
	v48 =	vld.idx.msk [tilespmem:v10+s12+$0x2A00 ss:$0x1], $0xffff  }
0x54: {  	s14 =	sshll.u32 s13, $0x4;
	v50 =	vld.idx.msk [tilespmem:v10+s12+$0x3200 ss:$0x1], $0xffff  }
0x55: {  	v52 =	vld.idx.msk [tilespmem:v10+s14+$0x2A00 ss:$0x1], $0xffff;
	v14 =	vperm.xlane v12, v0  }
0x56: {  	v53 =	vld.idx.msk [tilespmem:v10+s14+$0x3200 ss:$0x1], $0xffff;
	v15 =	vperm.xlane v13, v0;
	v33 =	vperm.xlane v16, v0  }
0x57: {  	v18 =	vperm.xlane v17, v0;
	v21 =	vperm.xlane v19, v0  }
0x58: {  	v22 =	vperm.xlane v20, v0;
	v44 =	vperm.xlane v38, v0  }
0x59: {  	v45 =	vperm.xlane v39, v0;
	v57 =	vperm.xlane v48, v0  }
0x5a: {  	v58 =	vperm.xlane v50, v0;
	v12 =	vsel vm0, v12, v14;
	v13 =	vsel vm0, v15, v13  }
0x5b: {  	v60 =	vperm.xlane v52, v0;
	v61 =	vperm.xlane v53, v0;
	v12 =	vadd.f32 v13, v12  }
0x5c: {  	v13 =	vadd.f32 v13, v9;
	v15 =	vsel vm0, v16, v33;
	v35 =	vsel vm0, v18, v17  }
0x5d: {  	v42 =	vsel vm0, v19, v21;
	v43 =	vsel vm0, v22, v20;
	v16 =	vsel vm0, v38, v44  }
0x5e: {  	v59 =	vsel vm0, v48, v57;
	v25 =	vsel vm0, v61, v53;
	v36 =	vadd.f32 v35, v15  }
0x5f: {  	v37 =	vadd.f32 v35, v9;
	v47 =	vadd.f32 v43, v9;
	v32 =	vmul.f32 $2.000000030e-01, v12  }
0x60: {  	vm1 =	vge.f32 v12, $0.0e+00;
	v34 =	vmul.f32 $2.000000030e-01, v13;
	v40 =	vmul.f32 $2.000000030e-01, v36  }
0x61: {  	v41 =	vmul.f32 $2.000000030e-01, v37;
	v12 =	vsel vm1, v12, v32;
	vm1 =	vge.f32 v13, $0.0e+00  }
0x62: {  	vm2 =	vge.f32 v37, $0.0e+00;
	v13 =	vsel vm1, v13, v34;
	vm1 =	vge.f32 v36, $0.0e+00  }
0x63: {  	v17 =	vadd.f32 v25, v9;
	v15 =	vsel vm2, v37, v41;
	v14 =	vsel vm1, v36, v40  }
0x64: {  	v24 =	vsel vm0, v52, v60;
	v14 =	vsub.f32 v14, v15;
	v15 =	vadd.f32 v43, v42  }
0x65: {  	v51 =	vmul.f32 $2.000000030e-01, v47;
	v12 =	vsub.f32 v12, v13;
	v13 =	vsel vm0, v45, v39  }
0x66: {  	v16 =	vadd.f32 v13, v16;
	v13 =	vadd.f32 v13, v9;
	v49 =	vmul.f32 $2.000000030e-01, v15  }
0x67: {  	v12 =	vmul.f32 $1.442695020e+00, v12;
	v46 =	vmul.f32 $1.442695020e+00, v14;
	vm1 =	vge.f32 v15, $0.0e+00  }
0x68: {  	v55 =	vmul.f32 $2.000000030e-01, v16;
	v15 =	vsel vm1, v15, v49;
	vm1 =	vge.f32 v47, $0.0e+00  }
0x69: {  	(erf) = vpow2.f32 v12;
	v54 =	vsel vm1, v47, v51;
	vm1 =	vge.f32 v16, $0.0e+00  }
0x6a: {  	v56 =	vmul.f32 $2.000000030e-01, v13;
	v14 =	vsel vm1, v16, v55;
	v16 =	vsel vm0, v58, v50  }
0x6b: {  	vm1 =	vge.f32 v13, $0.0e+00;
	v12 =	vsub.f32 v15, v54;
	v62 =	vadd.f32 v16, v59  }
0x6c: {  	(erf) = vpow2.f32 v46;
	v13 =	vsel vm1, v13, v56;
	v63 =	vadd.f32 v16, v9  }
0x6d: {  	v16 =	vadd.f32 v25, v24;
	v12 =	vmul.f32 $1.442695020e+00, v12;
	v27 =	vmul.f32 $2.000000030e-01, v62  }
0x6e: {  	s19 =	sor.u32 $0x6, s2;
	v13 =	vsub.f32 v14, v13;
	vm1 =	vge.f32 v62, $0.0e+00;
	v28 =	vmul.f32 $2.000000030e-01, v63  }
0x6f: {  	s11 =	sshll.u32 s19, $0x4;
	(erf) = vpow2.f32 v12;
	v14 =	vsel vm1, v62, v27;
	vm1 =	vge.f32 v63, $0.0e+00  }
0x70: {  	v35 =	vld.idx.msk [tilespmem:v10+s11+$0x3200 ss:$0x1], $0xffff;
	v29 =	vmul.f32 $2.000000030e-01, v16;
	v26 =	vmul.f32 $1.442695020e+00, v13;
	v15 =	vsel vm1, v63, v28  }
0x71: {  	s26 =	sor.u32 $0x7, s2;
	v30 =	vmul.f32 $2.000000030e-01, v17;
	v34 =	vld.idx.msk [tilespmem:v10+s11+$0x2A00 ss:$0x1], $0xffff;
	vm1 =	vge.f32 v16, $0.0e+00;
	v14 =	vsub.f32 v14, v15  }
0x72: {  	s10 =	sshll.u32 s2, $0x7;
	s28 =	sshll.u32 s26, $0x4;
	v13 =	vpop (erf);
	(erf) = vpow2.f32 v26;
	v32 =	vsel vm1, v16, v29;
	vm1 =	vge.f32 v17, $0.0e+00  }
0x73: {  	v44 =	vld.idx.msk [tilespmem:v10+s28+$0x3200 ss:$0x1], $0xffff;
	[tilespmem:v10+s0+$0x2A00 ss:$0x1] =	vst.idx.msk $0xffff, v13;
	s0 =	sand.u32 $0x3FFFFF80, s10;
	v33 =	vsel vm1, v17, v30;
	v14 =	vmul.f32 $1.442695020e+00, v14  }
0x74: {  	v31 =	vld.idx.msk [tilespmem:v11+s0+$0x0 ss:$0x1], $0xffff;
	v12 =	vsub.f32 v32, v33  }
0x75: {  	s5 =	sshll.u32 s5, $0x7;
	v39 =	vperm.xlane v35, v0;
	v17 =	vpop (erf);
	(erf) = vpow2.f32 v14  }
0x76: {  	v38 =	vperm.xlane v34, v0;
	[tilespmem:v10+s1+$0x2A00 ss:$0x1] =	vst.idx.msk $0xffff, v17;
	s1 =	sand.u32 $0x3FFFFF80, s5;
	v12 =	vmul.f32 $1.442695020e+00, v12  }
0x77: {  	v18 =	vsel vm0, v39, v35;
	v36 =	vperm.xlane v13, v1;
	v42 =	vperm.xlane v13, v2;
	v40 =	vld.idx.msk [tilespmem:v11+s1+$0x0 ss:$0x1], $0xffff  }
0x78: {  	s24 =	sshll.u32 s9, $0x7;
	v29 =	vperm.xlane v44, v0;
	(erf) = vpow2.f32 v12;
	v15 =	vpop (erf);
	v12 =	vsel vm0, v34, v38  }
0x79: {  	s20 =	sand.u32 $0x3FFFFF80, s24;
	v26 =	vld.idx.msk [tilespmem:v10+s28+$0x2A00 ss:$0x1], $0xffff;
	v37 =	vmul.f32 v31, v36;
	[tilespmem:v10+s8+$0x2A00 ss:$0x1] =	vst.idx.msk $0xffff, v15;
	v12 =	vadd.f32 v18, v12  }
0x7a: {  	v24 =	vperm.xlane v17, v1;
	v47 =	vperm.xlane v17, v2;
	v18 =	vadd.f32 v18, v9;
	v41 =	vld.idx.msk [tilespmem:v11+s20+$0x0 ss:$0x1], $0xffff  }
0x7b: {  	s3 =	sshll.u32 s3, $0x7;
	v33 =	vperm.xlane v13, v3;
	[tilespmem:v11+s0+$0x0 ss:$0x1] =	vst.idx.msk $0xffff, v37;
	v16 =	vpop (erf);
	v23 =	vmul.f32 $2.000000030e-01, v12  }
0x7c: {  	s22 =	sand.u32 $0x3FFFFF80, s3;
	v45 =	vmul.f32 v40, v24;
	v14 =	vld.idx.msk [tilespmem:v11+s0+$0x10 ss:$0x1], $0xffff;
	[tilespmem:v10+s4+$0x2A00 ss:$0x1] =	vst.idx.msk $0xffff, v16;
	vm1 =	vge.f32 v12, $0.0e+00;
	v25 =	vmul.f32 $2.000000030e-01, v18  }
0x7d: {  	v46 =	vperm.xlane v15, v1;
	v43 =	vld.idx.msk [tilespmem:v11+s22+$0x0 ss:$0x1], $0xffff;
	v12 =	vsel vm1, v12, v23;
	vm1 =	vge.f32 v18, $0.0e+00  }
0x7e: {  	s7 =	sshll.u32 s7, $0x7;
	v28 =	vperm.xlane v26, v0;
	[tilespmem:v11+s1+$0x0 ss:$0x1] =	vst.idx.msk $0xffff, v45;
	v25 =	vsel vm1, v18, v25;
	v19 =	vpop (erf)  }
0x7f: {  	s23 =	sand.u32 $0x3FFFFF80, s7;
	v50 =	vld.idx.msk [tilespmem:v11+s1+$0x10 ss:$0x1], $0xffff;
	v12 =	vsub.f32 v12, v25;
	v20 =	vmul.f32 v41, v46;
	[tilespmem:v10+s12+$0x2A00 ss:$0x1] =	vst.idx.msk $0xffff, v19  }
0x80: {  	v52 =	vsel vm0, v29, v44;
	v35 =	vperm.xlane v17, v3;
	v27 =	vperm.xlane v16, v1;
	v48 =	vld.idx.msk [tilespmem:v11+s23+$0x0 ss:$0x1], $0xffff  }
0x81: {  	v51 =	vsel vm0, v26, v28;
	s8 =	sshll.u32 s13, $0x7;
	v14 =	vmul.f32 v14, v42;
	v18 =	vpop (erf);
	v12 =	vmul.f32 $1.442695020e+00, v12;
	[tilespmem:v11+s20+$0x0 ss:$0x1] =	vst.idx.msk $0xffff, v20  }
0x82: {  	v58 =	vperm.xlane v15, v2;
	s24 =	sand.u32 $0x3FFFFF80, s8;
	v22 =	vmul.f32 v43, v27;
	[tilespmem:v10+s14+$0x2A00 ss:$0x1] =	vst.idx.msk $0xffff, v18;
	v53 =	vld.idx.msk [tilespmem:v11+s20+$0x10 ss:$0x1], $0xffff  }
0x83: {  	v30 =	vperm.xlane v19, v1;
	[tilespmem:v11+s0+$0x10 ss:$0x1] =	vst.idx.msk $0xffff, v14;
	v49 =	vld.idx.msk [tilespmem:v11+s24+$0x0 ss:$0x1], $0xffff;
	(erf) = vpow2.f32 v12  }
0x84: {  	v56 =	vmul.f32 v50, v47;
	[tilespmem:v11+s22+$0x0 ss:$0x1] =	vst.idx.msk $0xffff, v22;
	v12 =	vadd.f32 v52, v51;
	v63 =	vld.idx.msk [tilespmem:v11+s0+$0x20 ss:$0x1], $0xffff  }
0x85: {  	v61 =	vperm.xlane v16, v2;
	v20 =	vadd.f32 v52, v9;
	v55 =	vld.idx.msk [tilespmem:v11+s22+$0x10 ss:$0x1], $0xffff;
	v54 =	vmul.f32 v48, v30  }
0x86: {  	v31 =	vperm.xlane v18, v1;
	[tilespmem:v11+s1+$0x10 ss:$0x1] =	vst.idx.msk $0xffff, v56;
	v57 =	vmul.f32 $2.000000030e-01, v12  }
0x87: {  	v60 =	vmul.f32 $2.000000030e-01, v20;
	vm1 =	vge.f32 v12, $0.0e+00;
	v24 =	vld.idx.msk [tilespmem:v11+s1+$0x20 ss:$0x1], $0xffff;
	v21 =	vmul.f32 v53, v58;
	[tilespmem:v11+s23+$0x0 ss:$0x1] =	vst.idx.msk $0xffff, v54  }
0x88: {  	v12 =	vsel vm1, v12, v57;
	vm1 =	vge.f32 v20, $0.0e+00;
	v23 =	vmul.f32 v49, v31;
	v59 =	vld.idx.msk [tilespmem:v11+s23+$0x10 ss:$0x1], $0xffff  }
0x89: {  	v20 =	vsel vm1, v20, v60;
	v37 =	vmul.f32 v63, v33;
	[tilespmem:v11+s20+$0x10 ss:$0x1] =	vst.idx.msk $0xffff, v21  }
0x8a: {  	v14 =	vmul.f32 v55, v61;
	v20 =	vsub.f32 v12, v20;
	[tilespmem:v11+s24+$0x0 ss:$0x1] =	vst.idx.msk $0xffff, v23;
	v31 =	vld.idx.msk [tilespmem:v11+s20+$0x20 ss:$0x1], $0xffff  }
0x8b: {  	v29 =	vperm.xlane v19, v2;
	[tilespmem:v11+s0+$0x20 ss:$0x1] =	vst.idx.msk $0xffff, v37;
	v62 =	vld.idx.msk [tilespmem:v11+s24+$0x10 ss:$0x1], $0xffff  }
0x8c: {  	s9 =	sshll.u32 s19, $0x7;
	v40 =	vmul.f32 v24, v35;
	[tilespmem:v11+s22+$0x10 ss:$0x1] =	vst.idx.msk $0xffff, v14;
	v20 =	vmul.f32 $1.442695020e+00, v20;
	v45 =	vld.idx.msk [tilespmem:v11+s0+$0x30 ss:$0x1], $0xffff;
	v12 =	vpop (erf)  }
0x8d: {  	v38 =	vperm.xlane v15, v3;
	s8 =	sand.u32 $0x3FFFFF80, s9;
	v34 =	vld.idx.msk [tilespmem:v11+s22+$0x20 ss:$0x1], $0xffff;
	[tilespmem:v10+s11+$0x2A00 ss:$0x1] =	vst.idx.msk $0xffff, v12;
	v32 =	vmul.f32 v59, v29  }
0x8e: {  	v30 =	vperm.xlane v18, v2;
	[tilespmem:v11+s1+$0x20 ss:$0x1] =	vst.idx.msk $0xffff, v40;
	(erf) = vpow2.f32 v20;
	v36 =	vld.idx.msk [tilespmem:v11+s8+$0x0 ss:$0x1], $0xffff  }
0x8f: {  	v52 =	vperm.xlane v13, v4;
	v48 =	vld.idx.msk [tilespmem:v11+s1+$0x30 ss:$0x1], $0xffff;
	v43 =	vmul.f32 v31, v38;
	[tilespmem:v11+s23+$0x10 ss:$0x1] =	vst.idx.msk $0xffff, v32  }
0x90: {  	v41 =	vperm.xlane v16, v3;
	v21 =	vmul.f32 v62, v30;
	v39 =	vld.idx.msk [tilespmem:v11+s23+$0x20 ss:$0x1], $0xffff  }
0x91: {  	v44 =	vperm.xlane v12, v1;
	v23 =	vmul.f32 v45, v52;
	[tilespmem:v11+s20+$0x20 ss:$0x1] =	vst.idx.msk $0xffff, v43  }
0x92: {  	v54 =	vperm.xlane v17, v4;
	v46 =	vmul.f32 v34, v41;
	[tilespmem:v11+s24+$0x10 ss:$0x1] =	vst.idx.msk $0xffff, v21;
	v50 =	vld.idx.msk [tilespmem:v11+s20+$0x30 ss:$0x1], $0xffff  }
0x93: {  	v47 =	vperm.xlane v19, v3;
	[tilespmem:v11+s0+$0x30 ss:$0x1] =	vst.idx.msk $0xffff, v23;
	v42 =	vld.idx.msk [tilespmem:v11+s24+$0x20 ss:$0x1], $0xffff;
	v14 =	vmul.f32 v36, v44  }
0x94: {  	v58 =	vmul.f32 v48, v54;
	[tilespmem:v11+s22+$0x20 ss:$0x1] =	vst.idx.msk $0xffff, v46;
	v63 =	vld.idx.msk [tilespmem:v11+s0+$0x40 ss:$0x1], $0xffff  }
0x95: {  	v56 =	vperm.xlane v15, v4;
	v53 =	vld.idx.msk [tilespmem:v11+s22+$0x30 ss:$0x1], $0xffff;
	[tilespmem:v11+s8+$0x0 ss:$0x1] =	vst.idx.msk $0xffff, v14;
	v51 =	vmul.f32 v39, v47  }
0x96: {  	v49 =	vperm.xlane v18, v3;
	[tilespmem:v11+s1+$0x30 ss:$0x1] =	vst.idx.msk $0xffff, v58;
	v55 =	vld.idx.msk [tilespmem:v11+s8+$0x10 ss:$0x1], $0xffff  }
0x97: {  	v39 =	vperm.xlane v13, v5;
	v14 =	vpop (erf);
	v22 =	vmul.f32 v50, v56;
	[tilespmem:v11+s23+$0x20 ss:$0x1] =	vst.idx.msk $0xffff, v51  }
0x98: {  	s3 =	sshll.u32 s26, $0x7;
	v59 =	vperm.xlane v16, v4;
	v34 =	vld.idx.msk [tilespmem:v11+s1+$0x40 ss:$0x1], $0xffff;
	v20 =	vmul.f32 v42, v49;
	[tilespmem:v10+s28+$0x2A00 ss:$0x1] =	vst.idx.msk $0xffff, v14  }
0x99: {  	s19 =	sand.u32 $0x3FFFFF80, s3;
	v61 =	vperm.xlane v12, v2;
	v43 =	vmul.f32 v63, v39;
	v57 =	vld.idx.msk [tilespmem:v11+s23+$0x30 ss:$0x1], $0xffff;
	[tilespmem:v11+s20+$0x30 ss:$0x1] =	vst.idx.msk $0xffff, v22  }
0x9a: {  	v62 =	vld.idx.msk [tilespmem:v11+s19+$0x0 ss:$0x1], $0xffff;
	v32 =	vmul.f32 v53, v59;
	[tilespmem:v11+s24+$0x20 ss:$0x1] =	vst.idx.msk $0xffff, v20  }
0x9b: {  	v41 =	vperm.xlane v17, v5;
	v36 =	vld.idx.msk [tilespmem:v11+s20+$0x40 ss:$0x1], $0xffff;
	[tilespmem:v11+s0+$0x40 ss:$0x1] =	vst.idx.msk $0xffff, v43;
	v21 =	vmul.f32 v55, v61  }
0x9c: {  	v33 =	vperm.xlane v19, v4;
	v60 =	vld.idx.msk [tilespmem:v11+s24+$0x30 ss:$0x1], $0xffff;
	[tilespmem:v11+s22+$0x30 ss:$0x1] =	vst.idx.msk $0xffff, v32  }
0x9d: {  	v38 =	vperm.xlane v14, v1;
	v50 =	vld.idx.msk [tilespmem:v11+s0+$0x50 ss:$0x1], $0xffff;
	[tilespmem:v11+s8+$0x10 ss:$0x1] =	vst.idx.msk $0xffff, v21;
	v21 =	vmul.f32 v34, v41  }
0x9e: {  	v44 =	vperm.xlane v15, v5;
	v40 =	vld.idx.msk [tilespmem:v11+s22+$0x40 ss:$0x1], $0xffff;
	v37 =	vmul.f32 v57, v33  }
0x9f: {  	v35 =	vperm.xlane v18, v4;
	v42 =	vld.idx.msk [tilespmem:v11+s8+$0x20 ss:$0x1], $0xffff;
	v24 =	vmul.f32 v62, v38;
	[tilespmem:v11+s1+$0x40 ss:$0x1] =	vst.idx.msk $0xffff, v21  }
0xa0: {  	v58 =	vperm.xlane v13, v6;
	v23 =	vmul.f32 v36, v44;
	[tilespmem:v11+s23+$0x30 ss:$0x1] =	vst.idx.msk $0xffff, v37  }
0xa1: {  	v46 =	vperm.xlane v16, v5;
	v22 =	vmul.f32 v60, v35;
	[tilespmem:v11+s19+$0x0 ss:$0x1] =	vst.idx.msk $0xffff, v24;
	v53 =	vld.idx.msk [tilespmem:v11+s1+$0x50 ss:$0x1], $0xffff  }
0xa2: {  	v48 =	vperm.xlane v12, v3;
	v62 =	vmul.f32 v50, v58;
	v45 =	vld.idx.msk [tilespmem:v11+s23+$0x40 ss:$0x1], $0xffff;
	[tilespmem:v11+s20+$0x40 ss:$0x1] =	vst.idx.msk $0xffff, v23  }
0xa3: {  	v49 =	vld.idx.msk [tilespmem:v11+s19+$0x10 ss:$0x1], $0xffff;
	v51 =	vmul.f32 v40, v46;
	[tilespmem:v11+s24+$0x30 ss:$0x1] =	vst.idx.msk $0xffff, v22  }
0xa4: {  	v60 =	vperm.xlane v17, v6;
	v55 =	vld.idx.msk [tilespmem:v11+s20+$0x50 ss:$0x1], $0xffff;
	[tilespmem:v11+s0+$0x50 ss:$0x1] =	vst.idx.msk $0xffff, v62;
	v20 =	vmul.f32 v42, v48  }
0xa5: {  	v52 =	vperm.xlane v19, v5;
	v54 =	vperm.xlane v18, v5;
	v47 =	vld.idx.msk [tilespmem:v11+s24+$0x40 ss:$0x1], $0xffff;
	[tilespmem:v11+s22+$0x40 ss:$0x1] =	vst.idx.msk $0xffff, v51  }
0xa6: {  	v57 =	vperm.xlane v14, v2;
	v38 =	vld.idx.msk [tilespmem:v11+s0+$0x60 ss:$0x1], $0xffff;
	[tilespmem:v11+s8+$0x20 ss:$0x1] =	vst.idx.msk $0xffff, v20;
	v20 =	vmul.f32 v53, v60  }
0xa7: {  	v63 =	vperm.xlane v15, v6;
	v59 =	vld.idx.msk [tilespmem:v11+s22+$0x50 ss:$0x1], $0xffff;
	v56 =	vmul.f32 v45, v52  }
0xa8: {  	v33 =	vperm.xlane v16, v6;
	v61 =	vld.idx.msk [tilespmem:v11+s8+$0x30 ss:$0x1], $0xffff;
	v22 =	vmul.f32 v49, v57;
	[tilespmem:v11+s1+$0x50 ss:$0x1] =	vst.idx.msk $0xffff, v20  }
0xa9: {  	v46 =	vperm.xlane v13, v7;
	v35 =	vmul.f32 v55, v63;
	[tilespmem:v11+s23+$0x40 ss:$0x1] =	vst.idx.msk $0xffff, v56;
	v41 =	vld.idx.msk [tilespmem:v11+s1+$0x60 ss:$0x1], $0xffff  }
0xaa: {  	v36 =	vperm.xlane v12, v4;
	v23 =	vmul.f32 v47, v54;
	[tilespmem:v11+s19+$0x10 ss:$0x1] =	vst.idx.msk $0xffff, v22;
	v32 =	vld.idx.msk [tilespmem:v11+s23+$0x50 ss:$0x1], $0xffff  }
0xab: {  	v40 =	vperm.xlane v19, v6;
	v50 =	vmul.f32 v38, v46;
	v37 =	vld.idx.msk [tilespmem:v11+s19+$0x20 ss:$0x1], $0xffff;
	[tilespmem:v11+s20+$0x50 ss:$0x1] =	vst.idx.msk $0xffff, v35  }
0xac: {  	v13 =	vperm.xlane v13, v8;
	v62 =	vperm.xlane v18, v7;
	[tilespmem:v11+s24+$0x40 ss:$0x1] =	vst.idx.msk $0xffff, v23;
	v43 =	vld.idx.msk [tilespmem:v11+s20+$0x60 ss:$0x1], $0xffff  }
0xad: {  	s10 =	sor.u32 $0x8, s2;
	v42 =	vperm.xlane v18, v6;
	v39 =	vmul.f32 v59, v33;
	[tilespmem:v11+s0+$0x60 ss:$0x1] =	vst.idx.msk $0xffff, v50;
	v34 =	vld.idx.msk [tilespmem:v11+s24+$0x50 ss:$0x1], $0xffff  }
0xae: {  	s11 =	sshll.u32 s10, $0x4;
	v48 =	vperm.xlane v17, v7;
	v51 =	vperm.xlane v15, v7;
	v58 =	vld.idx.msk [tilespmem:v11+s0+$0x70 ss:$0x1], $0xffff  }
0xaf: {  	v17 =	vperm.xlane v17, v8;
	v21 =	vmul.f32 v61, v36;
	[tilespmem:v11+s22+$0x50 ss:$0x1] =	vst.idx.msk $0xffff, v39;
	v39 =	vld.idx.msk [tilespmem:v10+s11+$0x2A00 ss:$0x1], $0xffff  }
0xb0: {  	v15 =	vperm.xlane v15, v8;
	v18 =	vperm.xlane v18, v8;
	v47 =	vld.idx.msk [tilespmem:v11+s22+$0x60 ss:$0x1], $0xffff  }
0xb1: {  	s12 =	sor.u32 $0x9, s2;
	v45 =	vperm.xlane v14, v3;
	[tilespmem:v11+s8+$0x30 ss:$0x1] =	vst.idx.msk $0xffff, v21;
	v21 =	vmul.f32 v41, v48;
	v41 =	vld.idx.msk [tilespmem:v10+s11+$0x3200 ss:$0x1], $0xffff  }
0xb2: {  	s13 =	sshll.u32 s12, $0x4;
	v53 =	vperm.xlane v16, v7;
	v60 =	vperm.xlane v19, v7;
	v49 =	vld.idx.msk [tilespmem:v11+s8+$0x40 ss:$0x1], $0xffff  }
0xb3: {  	v44 =	vmul.f32 v32, v40;
	v23 =	vmul.f32 v37, v45;
	v45 =	vld.idx.msk [tilespmem:v10+s13+$0x3200 ss:$0x1], $0xffff  }
0xb4: {  	v19 =	vperm.xlane v19, v8;
	v55 =	vmul.f32 v43, v51;
	[tilespmem:v11+s1+$0x60 ss:$0x1] =	vst.idx.msk $0xffff, v21;
	v43 =	vld.idx.msk [tilespmem:v10+s13+$0x2A00 ss:$0x1], $0xffff  }
0xb5: {  	v56 =	vperm.xlane v12, v5;
	v50 =	vperm.xlane v12, v7;
	[tilespmem:v11+s23+$0x50 ss:$0x1] =	vst.idx.msk $0xffff, v44;
	v61 =	vld.idx.msk [tilespmem:v11+s1+$0x70 ss:$0x1], $0xffff  }
0xb6: {  	s14 =	sor.u32 $0xA, s2;
	v32 =	vperm.xlane v14, v4;
	v37 =	vperm.xlane v12, v6;
	[tilespmem:v11+s19+$0x20 ss:$0x1] =	vst.idx.msk $0xffff, v23;
	v52 =	vld.idx.msk [tilespmem:v11+s23+$0x60 ss:$0x1], $0xffff  }
0xb7: {  	s15 =	sshll.u32 s14, $0x4;
	v12 =	vperm.xlane v12, v8;
	v22 =	vmul.f32 v34, v42;
	v57 =	vld.idx.msk [tilespmem:v11+s19+$0x30 ss:$0x1], $0xffff  }
0xb8: {  	v42 =	vperm.xlane v16, v8;
	v59 =	vmul.f32 v47, v53;
	[tilespmem:v11+s20+$0x60 ss:$0x1] =	vst.idx.msk $0xffff, v55;
	v55 =	vld.idx.msk [tilespmem:v10+s15+$0x2A00 ss:$0x1], $0xffff  }
0xb9: {  	v44 =	vperm.xlane v14, v5;
	v48 =	vperm.xlane v39, v0;
	[tilespmem:v11+s24+$0x50 ss:$0x1] =	vst.idx.msk $0xffff, v22;
	v63 =	vld.idx.msk [tilespmem:v11+s20+$0x70 ss:$0x1], $0xffff  }
0xba: {  	s9 =	sor.u32 $0xD, s2;
	v54 =	vld.idx.msk [tilespmem:v11+s24+$0x60 ss:$0x1], $0xffff;
	v20 =	vmul.f32 v49, v56;
	[tilespmem:v11+s22+$0x60 ss:$0x1] =	vst.idx.msk $0xffff, v59;
	v49 =	vperm.xlane v41, v0  }
0xbb: {  	s28 =	sshll.u32 s9, $0x4;
	v53 =	vperm.xlane v45, v0;
	v56 =	vperm.xlane v14, v6;
	v33 =	vld.idx.msk [tilespmem:v11+s22+$0x70 ss:$0x1], $0xffff  }
0xbc: {  	s5 =	sor.u32 $0xC, s2;
	[tilespmem:v11+s8+$0x40 ss:$0x1] =	vst.idx.msk $0xffff, v20;
	v20 =	vmul.f32 v58, v13;
	v21 =	vsel vm0, v49, v41;
	v49 =	vld.idx.msk [tilespmem:v10+s28+$0x3200 ss:$0x1], $0xffff  }
0xbd: {  	s16 =	sor.u32 $0xB, s2;
	s26 =	sshll.u32 s5, $0x4;
	v51 =	vsel vm0, v39, v48;
	v13 =	vmul.f32 v61, v17;
	v31 =	vmul.f32 v52, v60;
	v34 =	vld.idx.msk [tilespmem:v11+s8+$0x50 ss:$0x1], $0xffff  }
0xbe: {  	s18 =	sshll.u32 s16, $0x4;
	v35 =	vmul.f32 v57, v32;
	v52 =	vperm.xlane v43, v0;
	v22 =	vadd.f32 v21, v51;
	v32 =	vld.idx.msk [tilespmem:v10+s26+$0x3200 ss:$0x1], $0xffff  }
0xbf: {  	v25 =	vsel vm0, v53, v45;
	v21 =	vadd.f32 v21, v9;
	v16 =	vmul.f32 v63, v15;
	v63 =	vld.idx.msk [tilespmem:v10+s18+$0x3200 ss:$0x1], $0xffff  }
0xc0: {  	v23 =	vmul.f32 v54, v62;
	[tilespmem:v11+s23+$0x60 ss:$0x1] =	vst.idx.msk $0xffff, v31;
	v24 =	vsel vm0, v43, v52;
	v57 =	vmul.f32 $2.000000030e-01, v22  }
0xc1: {  	[tilespmem:v11+s19+$0x30 ss:$0x1] =	vst.idx.msk $0xffff, v35;
	vm1 =	vge.f32 v22, $0.0e+00;
	v59 =	vmul.f32 $2.000000030e-01, v21;
	v62 =	vld.idx.msk [tilespmem:v10+s18+$0x2A00 ss:$0x1], $0xffff;
	v35 =	vperm.xlane v55, v0  }
0xc2: {  	v36 =	vld.idx.msk [tilespmem:v11+s23+$0x70 ss:$0x1], $0xffff;
	v17 =	vmul.f32 v33, v42;
	v24 =	vadd.f32 v25, v24;
	v25 =	vadd.f32 v25, v9  }
0xc3: {  	v38 =	vld.idx.msk [tilespmem:v11+s19+$0x40 ss:$0x1], $0xffff;
	v22 =	vsel vm1, v22, v57;
	vm1 =	vge.f32 v21, $0.0e+00;
	v57 =	vperm.xlane v49, v0  }
0xc4: {  	v58 =	vld.idx.msk [tilespmem:v10+s15+$0x3200 ss:$0x1], $0xffff;
	v39 =	vsel vm0, v55, v35;
	v40 =	vmul.f32 v34, v37;
	v60 =	vmul.f32 $2.000000030e-01, v24  }
0xc5: {  	[tilespmem:v11+s24+$0x60 ss:$0x1] =	vst.idx.msk $0xffff, v23;
	v21 =	vsel vm1, v21, v59;
	vm1 =	vge.f32 v24, $0.0e+00;
	v61 =	vmul.f32 $2.000000030e-01, v25  }
0xc6: {  	s17 =	sor.u32 $0xE, s2;
	v23 =	vld.idx.msk [tilespmem:v11+s24+$0x70 ss:$0x1], $0xffff;
	v53 =	vperm.xlane v32, v0;
	v21 =	vsub.f32 v22, v21;
	v43 =	vperm.xlane v63, v0  }
0xc7: {  	s4 =	sshll.u32 s17, $0x4;
	[tilespmem:v11+s8+$0x50 ss:$0x1] =	vst.idx.msk $0xffff, v40;
	v24 =	vsel vm1, v24, v60;
	vm1 =	vge.f32 v25, $0.0e+00;
	v42 =	vperm.xlane v62, v0  }
0xc8: {  	v55 =	vld.idx.msk [tilespmem:v10+s4+$0x2A00 ss:$0x1], $0xffff;
	v29 =	vsel vm0, v53, v32;
	v15 =	vmul.f32 v36, v19;
	v47 =	vmul.f32 v38, v44  }
0xc9: {  	s3 =	sor.u32 $0xF, s2;
	v46 =	vld.idx.msk [tilespmem:v11+s8+$0x60 ss:$0x1], $0xffff;
	v25 =	vsel vm1, v25, v61;
	v36 =	vperm.xlane v58, v0;
	v38 =	vperm.xlane v14, v7  }
0xca: {  	s7 =	sshll.u32 s3, $0x4;
	v21 =	vmul.f32 $1.442695020e+00, v21;
	v44 =	vld.idx.msk [tilespmem:v10+s26+$0x2A00 ss:$0x1], $0xffff;
	v27 =	vsel vm0, v43, v63;
	v60 =	vadd.f32 v29, v9  }
0xcb: {  	v61 =	vld.idx.msk [tilespmem:v10+s7+$0x2A00 ss:$0x1], $0xffff;
	v37 =	vsub.f32 v24, v25;
	v28 =	vsel vm0, v62, v42;
	v18 =	vmul.f32 v23, v18  }
0xcc: {  	v63 =	vld.idx.msk [tilespmem:v10+s7+$0x3200 ss:$0x1], $0xffff;
	v40 =	vsel vm0, v36, v58;
	(erf) = vpow2.f32 v21;
	v36 =	vmul.f32 $2.000000030e-01, v60  }
0xcd: {  	[tilespmem:v11+s19+$0x40 ss:$0x1] =	vst.idx.msk $0xffff, v47;
	v22 =	vmul.f32 $1.442695020e+00, v37;
	v24 =	vadd.f32 v40, v39;
	v25 =	vadd.f32 v40, v9  }
0xce: {  	v51 =	vadd.f32 v27, v9;
	v54 =	vld.idx.msk [tilespmem:v11+s19+$0x50 ss:$0x1], $0xffff;
	v37 =	vperm.xlane v55, v0;
	v19 =	vmul.f32 v46, v50  }
0xcf: {  	vm1 =	vge.f32 v24, $0.0e+00;
	v45 =	vmul.f32 $2.000000030e-01, v24;
	v33 =	vmul.f32 $2.000000030e-01, v25  }
0xd0: {  	v47 =	vld.idx.msk [tilespmem:v10+s28+$0x2A00 ss:$0x1], $0xffff;
	v46 =	vadd.f32 v27, v28;
	(erf) = vpow2.f32 v22;
	v52 =	vperm.xlane v44, v0  }
0xd1: {  	v39 =	vperm.xlane v61, v0;
	v40 =	vperm.xlane v63, v0;
	v21 =	vsel vm1, v24, v45  }
0xd2: {  	vm1 =	vge.f32 v25, $0.0e+00;
	v50 =	vmul.f32 $2.000000030e-01, v46;
	v27 =	vsel vm0, v44, v52  }
0xd3: {  	v26 =	vsel vm0, v61, v39;
	v31 =	vsel vm0, v40, v63;
	v23 =	vmul.f32 v54, v56  }
0xd4: {  	v58 =	vld.idx.msk [tilespmem:v10+s4+$0x3200 ss:$0x1], $0xffff;
	v48 =	vsel vm1, v25, v33;
	vm1 =	vge.f32 v46, $0.0e+00;
	v27 =	vadd.f32 v29, v27  }
0xd5: {  	v54 =	vmul.f32 $2.000000030e-01, v51;
	v56 =	vperm.xlane v47, v0;
	v25 =	vsel vm0, v57, v49;
	[tilespmem:v11+s19+$0x50 ss:$0x1] =	vst.idx.msk $0xffff, v23  }
0xd6: {  	v29 =	vsel vm0, v55, v37;
	v26 =	vadd.f32 v31, v26;
	v21 =	vsub.f32 v21, v48;
	v41 =	vld.idx.msk [tilespmem:v11+s19+$0x60 ss:$0x1], $0xffff  }
0xd7: {  	v22 =	vsel vm1, v46, v50;
	vm1 =	vge.f32 v51, $0.0e+00;
	v46 =	vadd.f32 v31, v9  }
0xd8: {  	v59 =	vsel vm1, v51, v54;
	v62 =	vmul.f32 $2.000000030e-01, v27;
	v28 =	vsel vm0, v47, v56  }
0xd9: {  	vm1 =	vge.f32 v27, $0.0e+00;
	v44 =	vmul.f32 $2.000000030e-01, v26;
	v21 =	vmul.f32 $1.442695020e+00, v21  }
0xda: {  	v28 =	vadd.f32 v25, v28;
	v25 =	vadd.f32 v25, v9;
	v27 =	vsel vm1, v27, v62  }
0xdb: {  	vm1 =	vge.f32 v60, $0.0e+00;
	v23 =	vmul.f32 v41, v38;
	v38 =	vperm.xlane v58, v0  }
0xdc: {  	v49 =	vmul.f32 $2.000000030e-01, v46;
	(erf) = vpow2.f32 v21;
	v24 =	vsel vm1, v60, v36  }
0xdd: {  	v34 =	vmul.f32 $2.000000030e-01, v28;
	v21 =	vsub.f32 v22, v59;
	v32 =	vsel vm0, v38, v58  }
0xde: {  	vm1 =	vge.f32 v28, $0.0e+00;
	v48 =	vsub.f32 v27, v24;
	v29 =	vadd.f32 v32, v29  }
0xdf: {  	v28 =	vsel vm1, v28, v34;
	v41 =	vmul.f32 $2.000000030e-01, v25;
	v32 =	vadd.f32 v32, v9  }
0xe0: {  	vm1 =	vge.f32 v25, $0.0e+00;
	v21 =	vmul.f32 $1.442695020e+00, v21;
	v42 =	vmul.f32 $2.000000030e-01, v29  }
0xe1: {  	[tilespmem:v11+s8+$0x60 ss:$0x1] =	vst.idx.msk $0xffff, v19;
	v25 =	vsel vm1, v25, v41;
	vm1 =	vge.f32 v29, $0.0e+00;
	v43 =	vmul.f32 $2.000000030e-01, v32  }
0xe2: {  	v19 =	vmul.f32 $1.442695020e+00, v48;
	[tilespmem:v11+s19+$0x60 ss:$0x1] =	vst.idx.msk $0xffff, v23;
	v29 =	vsel vm1, v29, v42;
	vm1 =	vge.f32 v32, $0.0e+00  }
0xe3: {  	v25 =	vsub.f32 v28, v25;
	v51 =	vld.idx.msk [tilespmem:v11+s19+$0x70 ss:$0x1], $0xffff;
	v45 =	vsel vm1, v32, v43;
	vm1 =	vge.f32 v26, $0.0e+00  }
0xe4: {  	v50 =	vld.idx.msk [tilespmem:v11+s8+$0x70 ss:$0x1], $0xffff;
	(erf) = vpow2.f32 v21;
	v47 =	vsel vm1, v26, v44;
	vm1 =	vge.f32 v46, $0.0e+00  }
0xe5: {  	[tilespmem:v11+s0+$0x70 ss:$0x1] =	vst.idx.msk $0xffff, v20;
	v52 =	vmul.f32 $1.442695020e+00, v25;
	v20 =	vsub.f32 v29, v45;
	v24 =	vsel vm1, v46, v49  }
0xe6: {  	[tilespmem:v11+s1+$0x70 ss:$0x1] =	vst.idx.msk $0xffff, v13;
	v14 =	vperm.xlane v14, v8;
	(erf) = vpow2.f32 v19;
	v53 =	vsub.f32 v47, v24  }
0xe7: {  	[tilespmem:v11+s20+$0x70 ss:$0x1] =	vst.idx.msk $0xffff, v16;
	(erf) = vpow2.f32 v52;
	v54 =	vmul.f32 $1.442695020e+00, v20  }
0xe8: {  	[tilespmem:v11+s22+$0x70 ss:$0x1] =	vst.idx.msk $0xffff, v17;
	v14 =	vmul.f32 v51, v14;
	v55 =	vmul.f32 $1.442695020e+00, v53  }
0xe9: {  	[tilespmem:v11+s23+$0x70 ss:$0x1] =	vst.idx.msk $0xffff, v15;
	v12 =	vmul.f32 v50, v12;
	(erf) = vpow2.f32 v54  }
0xea: {  	[tilespmem:v11+s24+$0x70 ss:$0x1] =	vst.idx.msk $0xffff, v18;
	(erf) = vpow2.f32 v55  }
0xeb: {  	[tilespmem:v11+s8+$0x70 ss:$0x1] =	vst.idx.msk $0xffff, v12  }
0xec: {  	s10 =	sshll.u32 s10, $0x7;
	[tilespmem:v11+s19+$0x70 ss:$0x1] =	vst.idx.msk $0xffff, v14;
	v14 =	vpop (erf)  }
0xed: {  	s0 =	sand.u32 $0x3FFFFF80, s10;
	[tilespmem:v10+s11+$0x2A00 ss:$0x1] =	vst.idx.msk $0xffff, v14;
	v12 =	vpop (erf);
	s11 =	sshll.u32 s12, $0x7  }
0xee: {  	s12 =	sshll.u32 s14, $0x7;
	[tilespmem:v10+s13+$0x2A00 ss:$0x1] =	vst.idx.msk $0xffff, v12;
	v13 =	vpop (erf);
	v56 =	vld.idx.msk [tilespmem:v11+s0+$0x0 ss:$0x1], $0xffff;
	s1 =	sand.u32 $0x3FFFFF80, s11  }
0xef: {  	s8 =	sand.u32 $0x3FFFFF80, s12;
	s13 =	sshll.u32 s16, $0x7;
	[tilespmem:v10+s15+$0x2A00 ss:$0x1] =	vst.idx.msk $0xffff, v13;
	v15 =	vpop (erf);
	v57 =	vld.idx.msk [tilespmem:v11+s1+$0x0 ss:$0x1], $0xffff  }
0xf0: {  	s5 =	sshll.u32 s5, $0x7;
	s14 =	sand.u32 $0x3FFFFF80, s13;
	[tilespmem:v10+s18+$0x2A00 ss:$0x1] =	vst.idx.msk $0xffff, v15;
	v16 =	vpop (erf);
	v58 =	vld.idx.msk [tilespmem:v11+s8+$0x0 ss:$0x1], $0xffff  }
0xf1: {  	v59 =	vperm.xlane v14, v1;
	s16 =	sshll.u32 s9, $0x7;
	s15 =	sand.u32 $0x3FFFFF80, s5;
	[tilespmem:v10+s26+$0x2A00 ss:$0x1] =	vst.idx.msk $0xffff, v16;
	v17 =	vpop (erf);
	v60 =	vld.idx.msk [tilespmem:v11+s14+$0x0 ss:$0x1], $0xffff  }
0xf2: {  	s23 =	sshll.u32 s17, $0x7;
	v61 =	vperm.xlane v12, v1;
	s18 =	sand.u32 $0x3FFFFF80, s16;
	[tilespmem:v10+s28+$0x2A00 ss:$0x1] =	vst.idx.msk $0xffff, v17;
	v62 =	vld.idx.msk [tilespmem:v11+s15+$0x0 ss:$0x1], $0xffff;
	v18 =	vpop (erf)  }
0xf3: {  	s3 =	sshll.u32 s3, $0x7;
	s24 =	sand.u32 $0x3FFFFF80, s23;
	v63 =	vperm.xlane v13, v1;
	v22 =	vmul.f32 v56, v59;
	v32 =	vld.idx.msk [tilespmem:v11+s18+$0x0 ss:$0x1], $0xffff;
	[tilespmem:v10+s4+$0x2A00 ss:$0x1] =	vst.idx.msk $0xffff, v18;
	v19 =	vpop (erf)  }
0xf4: {  	v33 =	vperm.xlane v15, v1;
	s26 =	sand.u32 $0x3FFFFF80, s3;
	v20 =	vmul.f32 v57, v61;
	v34 =	vld.idx.msk [tilespmem:v11+s24+$0x0 ss:$0x1], $0xffff;
	[tilespmem:v10+s7+$0x2A00 ss:$0x1] =	vst.idx.msk $0xffff, v19  }
0xf5: {  	v35 =	vperm.xlane v16, v1;
	[tilespmem:v11+s0+$0x0 ss:$0x1] =	vst.idx.msk $0xffff, v22;
	v21 =	vmul.f32 v58, v63;
	v36 =	vld.idx.msk [tilespmem:v11+s26+$0x0 ss:$0x1], $0xffff  }
0xf6: {  	v38 =	vperm.xlane v17, v1;
	[tilespmem:v11+s1+$0x0 ss:$0x1] =	vst.idx.msk $0xffff, v20;
	v37 =	vld.idx.msk [tilespmem:v11+s0+$0x10 ss:$0x1], $0xffff;
	v23 =	vmul.f32 v60, v33  }
0xf7: {  	[tilespmem:v11+s8+$0x0 ss:$0x1] =	vst.idx.msk $0xffff, v21;
	v39 =	vld.idx.msk [tilespmem:v11+s1+$0x10 ss:$0x1], $0xffff;
	v22 =	vmul.f32 v62, v35;
	v40 =	vperm.xlane v18, v1  }
0xf8: {  	[tilespmem:v11+s14+$0x0 ss:$0x1] =	vst.idx.msk $0xffff, v23;
	v41 =	vld.idx.msk [tilespmem:v11+s8+$0x10 ss:$0x1], $0xffff;
	v24 =	vmul.f32 v32, v38;
	v42 =	vperm.xlane v19, v1  }
0xf9: {  	v43 =	vperm.xlane v14, v2;
	[tilespmem:v11+s15+$0x0 ss:$0x1] =	vst.idx.msk $0xffff, v22;
	v44 =	vld.idx.msk [tilespmem:v11+s14+$0x10 ss:$0x1], $0xffff;
	v25 =	vmul.f32 v34, v40  }
0xfa: {  	v45 =	vperm.xlane v12, v2;
	[tilespmem:v11+s18+$0x0 ss:$0x1] =	vst.idx.msk $0xffff, v24;
	v46 =	vld.idx.msk [tilespmem:v11+s15+$0x10 ss:$0x1], $0xffff;
	v26 =	vmul.f32 v36, v42  }
0xfb: {  	v47 =	vperm.xlane v13, v2;
	v20 =	vmul.f32 v37, v43;
	v48 =	vld.idx.msk [tilespmem:v11+s18+$0x10 ss:$0x1], $0xffff;
	[tilespmem:v11+s24+$0x0 ss:$0x1] =	vst.idx.msk $0xffff, v25  }
0xfc: {  	v49 =	vperm.xlane v15, v2;
	v21 =	vmul.f32 v39, v45;
	v50 =	vld.idx.msk [tilespmem:v11+s24+$0x10 ss:$0x1], $0xffff;
	[tilespmem:v11+s26+$0x0 ss:$0x1] =	vst.idx.msk $0xffff, v26  }
0xfd: {  	v52 =	vperm.xlane v16, v2;
	[tilespmem:v11+s0+$0x10 ss:$0x1] =	vst.idx.msk $0xffff, v20;
	v51 =	vmul.f32 v41, v47;
	v53 =	vld.idx.msk [tilespmem:v11+s26+$0x10 ss:$0x1], $0xffff  }
0xfe: {  	v55 =	vperm.xlane v17, v2;
	[tilespmem:v11+s1+$0x10 ss:$0x1] =	vst.idx.msk $0xffff, v21;
	v54 =	vld.idx.msk [tilespmem:v11+s0+$0x20 ss:$0x1], $0xffff;
	v24 =	vmul.f32 v44, v49  }
0xff: {  	v57 =	vperm.xlane v18, v2;
	[tilespmem:v11+s8+$0x10 ss:$0x1] =	vst.idx.msk $0xffff, v51;
	v56 =	vld.idx.msk [tilespmem:v11+s1+$0x20 ss:$0x1], $0xffff;
	v22 =	vmul.f32 v46, v52  }
0x100: {  	v59 =	vperm.xlane v19, v2;
	[tilespmem:v11+s14+$0x10 ss:$0x1] =	vst.idx.msk $0xffff, v24;
	v58 =	vld.idx.msk [tilespmem:v11+s8+$0x20 ss:$0x1], $0xffff;
	v25 =	vmul.f32 v48, v55  }
0x101: {  	v60 =	vperm.xlane v14, v3;
	[tilespmem:v11+s15+$0x10 ss:$0x1] =	vst.idx.msk $0xffff, v22;
	v61 =	vld.idx.msk [tilespmem:v11+s14+$0x20 ss:$0x1], $0xffff;
	v26 =	vmul.f32 v50, v57  }
0x102: {  	v62 =	vperm.xlane v12, v3;
	[tilespmem:v11+s18+$0x10 ss:$0x1] =	vst.idx.msk $0xffff, v25;
	v63 =	vld.idx.msk [tilespmem:v11+s15+$0x20 ss:$0x1], $0xffff;
	v23 =	vmul.f32 v53, v59  }
0x103: {  	v32 =	vperm.xlane v13, v3;
	v21 =	vmul.f32 v54, v60;
	v33 =	vld.idx.msk [tilespmem:v11+s18+$0x20 ss:$0x1], $0xffff;
	[tilespmem:v11+s24+$0x10 ss:$0x1] =	vst.idx.msk $0xffff, v26  }
0x104: {  	v34 =	vperm.xlane v15, v3;
	v20 =	vmul.f32 v56, v62;
	v35 =	vld.idx.msk [tilespmem:v11+s24+$0x20 ss:$0x1], $0xffff;
	[tilespmem:v11+s26+$0x10 ss:$0x1] =	vst.idx.msk $0xffff, v23  }
0x105: {  	v37 =	vperm.xlane v16, v3;
	[tilespmem:v11+s0+$0x20 ss:$0x1] =	vst.idx.msk $0xffff, v21;
	v36 =	vmul.f32 v58, v32;
	v38 =	vld.idx.msk [tilespmem:v11+s26+$0x20 ss:$0x1], $0xffff  }
0x106: {  	v40 =	vperm.xlane v17, v3;
	[tilespmem:v11+s1+$0x20 ss:$0x1] =	vst.idx.msk $0xffff, v20;
	v39 =	vld.idx.msk [tilespmem:v11+s0+$0x30 ss:$0x1], $0xffff;
	v25 =	vmul.f32 v61, v34  }
0x107: {  	v42 =	vperm.xlane v18, v3;
	[tilespmem:v11+s8+$0x20 ss:$0x1] =	vst.idx.msk $0xffff, v36;
	v41 =	vld.idx.msk [tilespmem:v11+s1+$0x30 ss:$0x1], $0xffff;
	v22 =	vmul.f32 v63, v37  }
0x108: {  	v44 =	vperm.xlane v19, v3;
	[tilespmem:v11+s14+$0x20 ss:$0x1] =	vst.idx.msk $0xffff, v25;
	v43 =	vld.idx.msk [tilespmem:v11+s8+$0x30 ss:$0x1], $0xffff;
	v26 =	vmul.f32 v33, v40  }
0x109: {  	v45 =	vperm.xlane v14, v4;
	[tilespmem:v11+s15+$0x20 ss:$0x1] =	vst.idx.msk $0xffff, v22;
	v46 =	vld.idx.msk [tilespmem:v11+s14+$0x30 ss:$0x1], $0xffff;
	v23 =	vmul.f32 v35, v42  }
0x10a: {  	v47 =	vperm.xlane v12, v4;
	[tilespmem:v11+s18+$0x20 ss:$0x1] =	vst.idx.msk $0xffff, v26;
	v48 =	vld.idx.msk [tilespmem:v11+s15+$0x30 ss:$0x1], $0xffff;
	v24 =	vmul.f32 v38, v44  }
0x10b: {  	v49 =	vperm.xlane v13, v4;
	v20 =	vmul.f32 v39, v45;
	v50 =	vld.idx.msk [tilespmem:v11+s18+$0x30 ss:$0x1], $0xffff;
	[tilespmem:v11+s24+$0x20 ss:$0x1] =	vst.idx.msk $0xffff, v23  }
0x10c: {  	v51 =	vperm.xlane v15, v4;
	v21 =	vmul.f32 v41, v47;
	v52 =	vld.idx.msk [tilespmem:v11+s24+$0x30 ss:$0x1], $0xffff;
	[tilespmem:v11+s26+$0x20 ss:$0x1] =	vst.idx.msk $0xffff, v24  }
0x10d: {  	v54 =	vperm.xlane v16, v4;
	[tilespmem:v11+s0+$0x30 ss:$0x1] =	vst.idx.msk $0xffff, v20;
	v53 =	vmul.f32 v43, v49;
	v55 =	vld.idx.msk [tilespmem:v11+s26+$0x30 ss:$0x1], $0xffff  }
0x10e: {  	v57 =	vperm.xlane v17, v4;
	[tilespmem:v11+s1+$0x30 ss:$0x1] =	vst.idx.msk $0xffff, v21;
	v56 =	vld.idx.msk [tilespmem:v11+s0+$0x40 ss:$0x1], $0xffff;
	v26 =	vmul.f32 v46, v51  }
0x10f: {  	v59 =	vperm.xlane v18, v4;
	[tilespmem:v11+s8+$0x30 ss:$0x1] =	vst.idx.msk $0xffff, v53;
	v58 =	vld.idx.msk [tilespmem:v11+s1+$0x40 ss:$0x1], $0xffff;
	v22 =	vmul.f32 v48, v54  }
0x110: {  	v61 =	vperm.xlane v19, v4;
	[tilespmem:v11+s14+$0x30 ss:$0x1] =	vst.idx.msk $0xffff, v26;
	v60 =	vld.idx.msk [tilespmem:v11+s8+$0x40 ss:$0x1], $0xffff;
	v23 =	vmul.f32 v50, v57  }
0x111: {  	v62 =	vperm.xlane v14, v5;
	[tilespmem:v11+s15+$0x30 ss:$0x1] =	vst.idx.msk $0xffff, v22;
	v63 =	vld.idx.msk [tilespmem:v11+s14+$0x40 ss:$0x1], $0xffff;
	v24 =	vmul.f32 v52, v59  }
0x112: {  	v32 =	vperm.xlane v12, v5;
	[tilespmem:v11+s18+$0x30 ss:$0x1] =	vst.idx.msk $0xffff, v23;
	v33 =	vld.idx.msk [tilespmem:v11+s15+$0x40 ss:$0x1], $0xffff;
	v25 =	vmul.f32 v55, v61  }
0x113: {  	v34 =	vperm.xlane v13, v5;
	v21 =	vmul.f32 v56, v62;
	v35 =	vld.idx.msk [tilespmem:v11+s18+$0x40 ss:$0x1], $0xffff;
	[tilespmem:v11+s24+$0x30 ss:$0x1] =	vst.idx.msk $0xffff, v24  }
0x114: {  	v36 =	vperm.xlane v15, v5;
	v20 =	vmul.f32 v58, v32;
	v37 =	vld.idx.msk [tilespmem:v11+s24+$0x40 ss:$0x1], $0xffff;
	[tilespmem:v11+s26+$0x30 ss:$0x1] =	vst.idx.msk $0xffff, v25  }
0x115: {  	v39 =	vperm.xlane v16, v5;
	[tilespmem:v11+s0+$0x40 ss:$0x1] =	vst.idx.msk $0xffff, v21;
	v38 =	vmul.f32 v60, v34;
	v40 =	vld.idx.msk [tilespmem:v11+s26+$0x40 ss:$0x1], $0xffff  }
0x116: {  	v42 =	vperm.xlane v17, v5;
	[tilespmem:v11+s1+$0x40 ss:$0x1] =	vst.idx.msk $0xffff, v20;
	v41 =	vld.idx.msk [tilespmem:v11+s0+$0x50 ss:$0x1], $0xffff;
	v23 =	vmul.f32 v63, v36  }
0x117: {  	v44 =	vperm.xlane v18, v5;
	[tilespmem:v11+s8+$0x40 ss:$0x1] =	vst.idx.msk $0xffff, v38;
	v43 =	vld.idx.msk [tilespmem:v11+s1+$0x50 ss:$0x1], $0xffff;
	v22 =	vmul.f32 v33, v39  }
0x118: {  	v46 =	vperm.xlane v19, v5;
	[tilespmem:v11+s14+$0x40 ss:$0x1] =	vst.idx.msk $0xffff, v23;
	v45 =	vld.idx.msk [tilespmem:v11+s8+$0x50 ss:$0x1], $0xffff;
	v24 =	vmul.f32 v35, v42  }
0x119: {  	v47 =	vperm.xlane v14, v6;
	[tilespmem:v11+s15+$0x40 ss:$0x1] =	vst.idx.msk $0xffff, v22;
	v48 =	vld.idx.msk [tilespmem:v11+s14+$0x50 ss:$0x1], $0xffff;
	v25 =	vmul.f32 v37, v44  }
0x11a: {  	v49 =	vperm.xlane v12, v6;
	[tilespmem:v11+s18+$0x40 ss:$0x1] =	vst.idx.msk $0xffff, v24;
	v50 =	vld.idx.msk [tilespmem:v11+s15+$0x50 ss:$0x1], $0xffff;
	v26 =	vmul.f32 v40, v46  }
0x11b: {  	v51 =	vperm.xlane v13, v6;
	v20 =	vmul.f32 v41, v47;
	v52 =	vld.idx.msk [tilespmem:v11+s18+$0x50 ss:$0x1], $0xffff;
	[tilespmem:v11+s24+$0x40 ss:$0x1] =	vst.idx.msk $0xffff, v25  }
0x11c: {  	v53 =	vperm.xlane v15, v6;
	v21 =	vmul.f32 v43, v49;
	v54 =	vld.idx.msk [tilespmem:v11+s24+$0x50 ss:$0x1], $0xffff;
	[tilespmem:v11+s26+$0x40 ss:$0x1] =	vst.idx.msk $0xffff, v26  }
0x11d: {  	v56 =	vperm.xlane v16, v6;
	[tilespmem:v11+s0+$0x50 ss:$0x1] =	vst.idx.msk $0xffff, v20;
	v55 =	vmul.f32 v45, v51;
	v57 =	vld.idx.msk [tilespmem:v11+s26+$0x50 ss:$0x1], $0xffff  }
0x11e: {  	v59 =	vperm.xlane v17, v6;
	[tilespmem:v11+s1+$0x50 ss:$0x1] =	vst.idx.msk $0xffff, v21;
	v58 =	vld.idx.msk [tilespmem:v11+s0+$0x60 ss:$0x1], $0xffff;
	v24 =	vmul.f32 v48, v53  }
0x11f: {  	v61 =	vperm.xlane v18, v6;
	[tilespmem:v11+s8+$0x50 ss:$0x1] =	vst.idx.msk $0xffff, v55;
	v60 =	vld.idx.msk [tilespmem:v11+s1+$0x60 ss:$0x1], $0xffff;
	v22 =	vmul.f32 v50, v56  }
0x120: {  	v63 =	vperm.xlane v19, v6;
	[tilespmem:v11+s14+$0x50 ss:$0x1] =	vst.idx.msk $0xffff, v24;
	v62 =	vld.idx.msk [tilespmem:v11+s8+$0x60 ss:$0x1], $0xffff;
	v25 =	vmul.f32 v52, v59  }
0x121: {  	v32 =	vperm.xlane v14, v7;
	[tilespmem:v11+s15+$0x50 ss:$0x1] =	vst.idx.msk $0xffff, v22;
	v33 =	vld.idx.msk [tilespmem:v11+s14+$0x60 ss:$0x1], $0xffff;
	v26 =	vmul.f32 v54, v61  }
0x122: {  	v34 =	vperm.xlane v12, v7;
	[tilespmem:v11+s18+$0x50 ss:$0x1] =	vst.idx.msk $0xffff, v25;
	v35 =	vld.idx.msk [tilespmem:v11+s15+$0x60 ss:$0x1], $0xffff;
	v23 =	vmul.f32 v57, v63  }
0x123: {  	v36 =	vperm.xlane v13, v7;
	v21 =	vmul.f32 v58, v32;
	v37 =	vld.idx.msk [tilespmem:v11+s18+$0x60 ss:$0x1], $0xffff;
	[tilespmem:v11+s24+$0x50 ss:$0x1] =	vst.idx.msk $0xffff, v26  }
0x124: {  	v38 =	vperm.xlane v15, v7;
	v20 =	vmul.f32 v60, v34;
	v39 =	vld.idx.msk [tilespmem:v11+s24+$0x60 ss:$0x1], $0xffff;
	[tilespmem:v11+s26+$0x50 ss:$0x1] =	vst.idx.msk $0xffff, v23  }
0x125: {  	v41 =	vperm.xlane v16, v7;
	[tilespmem:v11+s0+$0x60 ss:$0x1] =	vst.idx.msk $0xffff, v21;
	v40 =	vmul.f32 v62, v36;
	v42 =	vld.idx.msk [tilespmem:v11+s26+$0x60 ss:$0x1], $0xffff  }
0x126: {  	v44 =	vperm.xlane v17, v7;
	[tilespmem:v11+s1+$0x60 ss:$0x1] =	vst.idx.msk $0xffff, v20;
	v43 =	vld.idx.msk [tilespmem:v11+s0+$0x70 ss:$0x1], $0xffff;
	v25 =	vmul.f32 v33, v38  }
0x127: {  	v46 =	vperm.xlane v18, v7;
	[tilespmem:v11+s8+$0x60 ss:$0x1] =	vst.idx.msk $0xffff, v40;
	v45 =	vld.idx.msk [tilespmem:v11+s1+$0x70 ss:$0x1], $0xffff;
	v22 =	vmul.f32 v35, v41  }
0x128: {  	v48 =	vperm.xlane v19, v7;
	[tilespmem:v11+s14+$0x60 ss:$0x1] =	vst.idx.msk $0xffff, v25;
	v47 =	vld.idx.msk [tilespmem:v11+s8+$0x70 ss:$0x1], $0xffff;
	v26 =	vmul.f32 v37, v44  }
0x129: {  	v14 =	vperm.xlane v14, v8;
	[tilespmem:v11+s15+$0x60 ss:$0x1] =	vst.idx.msk $0xffff, v22;
	v50 =	vld.idx.msk [tilespmem:v11+s14+$0x70 ss:$0x1], $0xffff;
	v49 =	vmul.f32 v39, v46  }
0x12a: {  	v12 =	vperm.xlane v12, v8;
	[tilespmem:v11+s18+$0x60 ss:$0x1] =	vst.idx.msk $0xffff, v26;
	v51 =	vld.idx.msk [tilespmem:v11+s15+$0x70 ss:$0x1], $0xffff;
	v24 =	vmul.f32 v42, v48  }
0x12b: {  	v13 =	vperm.xlane v13, v8;
	v14 =	vmul.f32 v43, v14;
	v52 =	vld.idx.msk [tilespmem:v11+s18+$0x70 ss:$0x1], $0xffff;
	[tilespmem:v11+s24+$0x60 ss:$0x1] =	vst.idx.msk $0xffff, v49  }
0x12c: {  	v15 =	vperm.xlane v15, v8;
	v12 =	vmul.f32 v45, v12;
	v53 =	vld.idx.msk [tilespmem:v11+s24+$0x70 ss:$0x1], $0xffff;
	[tilespmem:v11+s26+$0x60 ss:$0x1] =	vst.idx.msk $0xffff, v24  }
0x12d: {  	v54 =	vperm.xlane v16, v8;
	[tilespmem:v11+s0+$0x70 ss:$0x1] =	vst.idx.msk $0xffff, v14;
	v13 =	vmul.f32 v47, v13;
	v55 =	vld.idx.msk [tilespmem:v11+s26+$0x70 ss:$0x1], $0xffff  }
0x12e: {  	v57 =	vperm.xlane v17, v8;
	[tilespmem:v11+s1+$0x70 ss:$0x1] =	vst.idx.msk $0xffff, v12;
	v56 =	vmul.f32 v50, v15  }
0x12f: {  	p0 =	slt.u32 s2, $0x30;
	v59 =	vperm.xlane v18, v8;
	[tilespmem:v11+s8+$0x70 ss:$0x1] =	vst.idx.msk $0xffff, v13;
	v58 =	vmul.f32 v51, v54  }
.Ltmp0:
0x130: {  	v61 =	vperm.xlane v19, v8;
	[tilespmem:v11+s14+$0x70 ss:$0x1] =	vst.idx.msk $0xffff, v56;
	v60 =	vmul.f32 v52, v57;
	(pc) =	sbr.rel @p0 .LBB2_3-.Ltmp0, $4  }
0x131: {  	[tilespmem:v11+s15+$0x70 ss:$0x1] =	vst.idx.msk $0xffff, v58;
	v62 =	vmul.f32 v53, v59  }
0x132: {  	[tilespmem:v11+s18+$0x70 ss:$0x1] =	vst.idx.msk $0xffff, v60;
	v63 =	vmul.f32 v55, v61  }
0x133: {  	s28 =	sadd.s32 $0x10, s2;
	[tilespmem:v11+s24+$0x70 ss:$0x1] =	vst.idx.msk $0xffff, v62  }
0x134: {  	s2 =	smov.u32 s28;
	[tilespmem:v11+s26+$0x70 ss:$0x1] =	vst.idx.msk $0xffff, v63  }
0x135: {  	s0 =	sshll.u32 s29, $0x6;
	s29 =	sadd.s32 $0x1, s29  }
0x136: {  	p0 =	sne.s32 s29, $0x54  }
.Ltmp1:
0x137: {  	s0 =	sand.u32 $0x3FFFFFC0, s0;
	(pc) =	sbr.rel @p0 .LBB2_2-.Ltmp1, $4  }
0x138: {  	s1 =	sor.u32 $0x2A00, s31;
	s2 =	rddreg [dreg:$0x2];
	s0 =	sadd.s32 $0x1500, s0  }
0x139: {  	[spmem:s2] =	stream.indirect.scatter.add.f32 [tilespmem:s1], [sflag:$0x2], $0x10, s0, s21, $0xb8;
	[tilespmem:$0x1E210] =	vst v63  }
0x13a: {  	s31 =	rddreg [dreg:$0x3]  }
0x13b: {  	[spmem:s31] =	stream.indirect.scatter.add.f32 [tilespmem:s30], [sflag:$0x2], $0x80, s0, s21, $0xb8;
	[tilespmem:$0x1E210] =	vst v63  }
0x13c: {  	s0 =	simm.s32 $0x2  }
0x13d: {  	_ =	swait.ge [sflag:s0], $0x400  }
0x13e: {  	[sflag:s0] =	ssyncset.done $0x0  }
0x13f: {  	[sflag:s0] =	ssyncadd.s32 $0xFFFFFC00  }
0x140: {  	_ =	swait.ge [sflag:s0], $0x2000  }
0x141: {  	[sflag:s0] =	ssyncset.done $0x0  }
0x142: {  	[sflag:s0] =	ssyncadd.s32 $0xFFFFE000  }
0x143: {  	[bflag:$0x0] =	sbarrier.arrive $0xFFFF  }
0x144: {  	s7 =	rddreg [dreg:$0x7]  }
0x145: {  	s29 =	rddreg [dreg:$0xb]  }
0x146: {  	s2 =	simm.s32 $0x3;
	s1 =	rddreg [dreg:$0xe]  }
0x147: {  	[hbm:s29], [sflag:s7] =	dma.local [spmem:s1], $0x500  }
0x148: {  	_ =	swait.ge [sflag:s2], $0x500  }
0x149: {  	[sflag:s2] =	ssyncset.done $0x0;
	s30 =	rddreg [dreg:$0xc]  }
0x14a: {  	s3 =	rddreg [dreg:$0xf];
	[sflag:s2] =	ssyncadd.s32 $0xFFFFFB00  }
0x14b: {  	[hbm:s30], [sflag:s7] =	dma.local [spmem:s3], $0x2800  }
0x14c: {  	_ =	swait.ge [sflag:s2], $0x2800  }
0x14d: {  	s4 =	rddreg [dreg:$0x10]  }
0x14e: {  	s31 =	rddreg [dreg:$0xd];
	s4 =	sadd.s32 $0x1, s4  }
0x14f: {  	p0 =	sne.s32 s4, s31  }
.Ltmp2:
0x150: {  	_ = 	snop;
	(pc) =	sbr.rel @p0 .LBB2_1-.Ltmp2, $3  }
0x151: {  	_ =	sdelay $0x1  }
0x152: {  	[sflag:s2] =	ssyncset.done $0x0  }
0x153: {  	[sflag:s2] =	ssyncadd.s32 $0xFFFFD800  }
0x154: {  	_ =	sfence.sel $0x180000  }
0x155: {  	[bflag:$0x0] =	sbarrier.arrive $0xFFFF  }
0x156: {  	_ =	strace $0x9000004A  }
0x157: {  	s0 =	stileid.u32;
	[bflag:$0x2] =	sbarrier.arrive $0xFFFF  }
0x158: {  	p0 =	sne.s32 s0, $0x0;
	s0 =	rddreg [dreg:$0x4]  }
0x159: {  	s0 =	sadd.s32 @!p0 $0x100000, s0  }
0x15a: {  	[sflag:s0] =	ssyncadd.tile.s32 @!p0 $0x1;
	_ =	shalt  }
.Lfunc_end2:
_tile_overlayer_lowered:
.L_overlay_start_2:
0x15b: {  	(tag) =	ssettag $0x2  }
0x15c: {  	s0 =	rddreg [dreg:$0x0];
	s2 =	stileid.u32  }
0x15d: {  	s1 =	rddreg [dreg:$0x1];
	p0 =	sne.s32 s2, $0x0  }
0x15e: {  	s3 =	rddreg [dreg:$0x2];
	[bflag:$0x3] =	sbarrier.arrive $0xFFFF;
	s2 =	simm.s32 @!p0 $0x1C03  }
0x15f: {  	[timem:s3], [sflag:s2] =	dma.local @!p0 [hbm:s0], s1  }
0x160: {  	s0 =	simm.s32 @!p0 $0x3  }
0x161: {  	_ =	swait.ge @!p0 [sflag:s0], s1  }
0x162: {  	s1 =	ssub.s32 @!p0 $0x0, s1;
	[sflag:s0] =	ssyncset.done @!p0 $0x0  }
0x163: {  	[sflag:s0] =	ssyncadd.s32 @!p0 s1  }
0x164: {  	[bflag:$0x3] =	sbarrier.arrive $0xFFFF  }
0x165: {  	_ =	shalt  }

// kernel: kernel.15.cloned.1.call-start
scs
__scs_entry_jumppad:
0x0: {  	(pc) =	sbr.rel $0x88, $3  }
0x1: {  	(tag) =	ssettag $0x0;
	lr =	simm.s32 $0x1  }
0x2: {  	[smem:$0x3F91] =	sst lr;
	_ =	strace $0xD0000000  }
0x3: {  	_ = 	snop  }
0x4: {  	_ = 	snop  }
0x5: {  	_ = 	snop  }
0x6: {  	_ = 	snop  }
0x7: {  	_ = 	snop  }
__scs_overlays_trampoline_lowered:
0x8: {  	[smem:$0x3FA0] =	sst s0  }
0x9: {  	[smem:$0x3FA1] =	sst s1  }
0xa: {  	[smem:$0x3FA2] =	sst s2  }
0xb: {  	[smem:$0x3FA3] =	sst s3  }
0xc: {  	[smem:$0x3FA4] =	sst s4  }
0xd: {  	[smem:$0x3FA5] =	sst s5  }
0xe: {  	[smem:$0x3FA6] =	sst s6  }
0xf: {  	[smem:$0x3FA7] =	sst s7  }
0x10: {  	[smem:$0x3FA8] =	sst s8  }
0x11: {  	[smem:$0x3FA9] =	sst s9;
	s0 =	simm.s32 @!p0 $0x0  }
0x12: {  	s1 =	sld [smem:$0x3F8F];
	s0 =	simm.s32 @p0 $0x1  }
0x13: {  	[smem:$0x3FAA] =	sst s0;
	s0 =	simm.s32 @!p1 $0x0  }
0x14: {  	s2 =	sld [smem:$0x3F8E];
	s0 =	simm.s32 @p1 $0x1  }
0x15: {  	[smem:$0x3FAB] =	sst s0;
	s0 =	simm.s32 @!p2 $0x0  }
0x16: {  	s3 =	sld [smem:$0x3FDB];
	s0 =	simm.s32 @p2 $0x1  }
0x17: {  	s4 =	simm.s32 $0x1BF5;
	[smem:$0x3FAD] =	sst s0  }
0x18: {  	s0 =	sld [smem:$0x3F90];
	_ =	swait.ge [sflag:s4], $0x0  }
0x19: {  	s7 =	sld [smem:$0x3F91]  }
0x1a: {  	s8 =	sadd.s32 $0xFFFFE003, lr  }
0x1b: {  	s9 =	sadd.s32 $0xFFFFFEF7, lr;
	s5 =	simm.s32 $0xFFFFFFFF;
	p2 =	slt.u32 s8, $0xFFFFF086  }
0x1c: {  	p1 =	slt.u32 s9, $0xF7A;
	s5 =	simm.s32 @!p2 $0x0  }
0x1d: {  	s5 =	simm.s32 @p1 $0x1;
	p0 =	seq.s32 s7, s2  }
0x1e: {  	s7 =	smul.u32 @!p0 $0xF7A, s2;
	p2 =	seq.s32 @!p0 s5, $0x0  }
0x1f: {  	s9 =	smul.u32 $0xF7A, s1;
	s8 =	simm.s32 @!p0 $0x1BF5;
	p2 =	por !p2, p0  }
0x20: {  	[sflag:s8] =	ssyncset.s32 @!p0 $0xFFFFF086;
	s6 =	sadd.s32 @!p0 s3, s7;
	s7 =	simm.s32 @!p0 $0x108  }
0x21: {  	s3 =	sadd.s32 s3, s9;
	s6 =	sadd.s32 @!p0 $0x88, s6;
	s7 =	simm.s32 @p2 $0x1082  }
0x22: {  	[simem:s7], [sflag:s8] =	dma.local @!p0 [hbm:s6], $0xF7A  }
0x23: {  	s9 =	sor.u32 $0xD0000000, s2;
	s6 =	simm.s32 $0x108;
	_ =	swait.ge @!p0 [sflag:s8], $0x0  }
0x24: {  	s3 =	sadd.s32 $0x88, s3;
	s6 =	simm.s32 @!p1 $0x1082;
	[sflag:s4] =	ssyncset.s32 $0xFFFFF086  }
0x25: {  	[simem:s6], [sflag:s4] =	dma.local [hbm:s3], $0xF7A  }
0x26: {  	[smem:$0x3F91] =	sst s1;
	(tag) =	ssettag s2;
	_ =	strace s9  }
0x27: {  	s1 =	sld [smem:$0x3FA1]  }
0x28: {  	s2 =	sld [smem:$0x3FA2]  }
0x29: {  	s4 =	sld [smem:$0x3FA4]  }
0x2a: {  	p0 =	seq.s32 s5, $0x0;
	s5 =	sld [smem:$0x3FA5]  }
0x2b: {  	s6 =	sld [smem:$0x3FA6]  }
0x2c: {  	s7 =	sld [smem:$0x3FA7]  }
0x2d: {  	s3 =	simm.s32 $0x108;
	s8 =	sld [smem:$0x3FA8]  }
0x2e: {  	s3 =	simm.s32 @!p0 $0x1082;
	s9 =	sld [smem:$0x3FA9]  }
0x2f: {  	lr =	sadd.s32 s0, s3;
	s0 =	sld [smem:$0x3FA0]  }
0x30: {  	s3 =	sld [smem:$0x3FA3]  }
0x31: {  	[smem:$0x3FAC] =	sst s10  }
0x32: {  	s10 =	sld [smem:$0x3FAA];
	_ =	sdelay $0x3  }
0x33: {  	p0 =	seq.s32 s10, $0x1;
	s10 =	sld [smem:$0x3FAC];
	_ =	sdelay $0x3  }
0x34: {  	[smem:$0x3FAC] =	sst s10  }
0x35: {  	s10 =	sld [smem:$0x3FAB];
	_ =	sdelay $0x3  }
0x36: {  	p1 =	seq.s32 s10, $0x1;
	s10 =	sld [smem:$0x3FAC];
	_ =	sdelay $0x3  }
0x37: {  	[smem:$0x3FAC] =	sst s10  }
0x38: {  	s10 =	sld [smem:$0x3FAD]  }
0x39: {  	_ = 	snop;
	(pc) =	sbr.ind lr, $3  }
0x3a: {  	_ = 	snop  }
0x3b: {  	_ = 	snop  }
0x3c: {  	p2 =	seq.s32 s10, $0x1;
	s10 =	sld [smem:$0x3FAC]  }
0x3d: {  	_ =	shalt  }
0x3e: {  	_ =	shalt  }
0x3f: {  	_ =	shalt  }
0x40: {  	_ =	shalt  }
0x41: {  	_ =	shalt  }
0x42: {  	_ =	shalt  }
0x43: {  	_ =	shalt  }
0x44: {  	_ =	shalt  }
0x45: {  	_ =	shalt  }
0x46: {  	_ =	shalt  }
0x47: {  	_ =	shalt  }
0x48: {  	_ =	shalt  }
0x49: {  	_ =	shalt  }
0x4a: {  	_ =	shalt  }
0x4b: {  	_ =	shalt  }
0x4c: {  	_ =	shalt  }
0x4d: {  	_ =	shalt  }
0x4e: {  	_ =	shalt  }
0x4f: {  	_ =	shalt  }
0x50: {  	_ =	shalt  }
0x51: {  	_ =	shalt  }
0x52: {  	_ =	shalt  }
0x53: {  	_ =	shalt  }
0x54: {  	_ =	shalt  }
0x55: {  	_ =	shalt  }
0x56: {  	_ =	shalt  }
0x57: {  	_ =	shalt  }
0x58: {  	_ =	shalt  }
0x59: {  	_ =	shalt  }
0x5a: {  	_ =	shalt  }
0x5b: {  	_ =	shalt  }
0x5c: {  	_ =	shalt  }
0x5d: {  	_ =	shalt  }
0x5e: {  	_ =	shalt  }
0x5f: {  	_ =	shalt  }
0x60: {  	_ =	shalt  }
0x61: {  	_ =	shalt  }
0x62: {  	_ =	shalt  }
0x63: {  	_ =	shalt  }
0x64: {  	_ =	shalt  }
0x65: {  	_ =	shalt  }
0x66: {  	_ =	shalt  }
0x67: {  	_ =	shalt  }
0x68: {  	_ =	shalt  }
0x69: {  	_ =	shalt  }
0x6a: {  	_ =	shalt  }
0x6b: {  	_ =	shalt  }
0x6c: {  	_ =	shalt  }
0x6d: {  	_ =	shalt  }
0x6e: {  	_ =	shalt  }
0x6f: {  	_ =	shalt  }
0x70: {  	_ =	shalt  }
0x71: {  	_ =	shalt  }
0x72: {  	_ =	shalt  }
0x73: {  	_ =	shalt  }
0x74: {  	_ =	shalt  }
0x75: {  	_ =	shalt  }
0x76: {  	_ =	shalt  }
0x77: {  	_ =	shalt  }
0x78: {  	_ =	shalt  }
0x79: {  	_ =	shalt  }
0x7a: {  	_ =	shalt  }
0x7b: {  	_ =	shalt  }
0x7c: {  	_ =	shalt  }
0x7d: {  	_ =	shalt  }
0x7e: {  	_ =	shalt  }
0x7f: {  	_ =	shalt  }
0x80: {  	_ =	shalt  }
0x81: {  	_ =	shalt  }
0x82: {  	_ =	shalt  }
0x83: {  	_ =	shalt  }
0x84: {  	_ =	shalt  }
0x85: {  	_ =	shalt  }
0x86: {  	_ =	shalt  }
0x87: {  	_ =	shalt  }
.Lfunc_end0:
.L_simem_size_0:
called_computation.2_lowered:
.L_overlay_start_0:
0x88: {  	s2 =	sld [smem:$0x3FD9]  }
0x89: {  	s3 =	sld [smem:$0x3FFE];
	_ =	sdelay $0x1  }
0x8a: {  	s1 =	srdreg.scid  }
0x8b: {  	s0 =	sand.u32 $0x1, s1  }
0x8c: {  	s17 =	sshll.u32 s0, $0xA;
	s2 =	sadd.s32 s3, s2  }
0x8d: {  	s2 =	sadd.s32 s2, s17  }
0x8e: {  	[smem:$0x3FB8] =	sst s2  }
0x8f: {  	_ = 	snop  }
0x90: {  	s2 =	sld [smem:$0x3FD0];
	(tm) =	ssettm $0x1  }
0x91: {  	s18 =	sld [smem:$0x3FFB];
	_ =	sdelay $0x3  }
0x92: {  	_ =	strace s18  }
0x93: {  	s3 =	sld [smem:$0x3FFC];
	_ =	sdelay $0x3  }
0x94: {  	_ =	strace s3  }
0x95: {  	s3 =	sld [smem:$0x3FFD];
	_ =	sdelay $0x3  }
0x96: {  	_ =	strace s3  }
0x97: {  	_ =	strace $0x8FFFFFFF  }
0x98: {  	s19 =	sld [smem:$0x3FDB];
	_ =	sdelay $0x1  }
0x99: {  	s4 =	simm.s32 $_scs_section_size  }
0x9a: {  	s5 =	simm.s32 $_size__tile_overlayer_lowered;
	s6 =	simm.s32 $_tile_overlayer_lowered  }
0x9b: {  	s22 =	simm.s32 $0x1BFF;
	s21 =	sshll.u32 s6, $0x1;
	s3 =	sadd.s32 s4, s19  }
0x9c: {  	s7 =	simm.s32 $0x0;
	s20 =	sshll.u32 s5, $0x1;
	s5 =	sadd.s32 s21, s3  }
0x9d: {  	[timem:s7], [sflag:s22] =	dma.local [hbm:s5], s20  }
0x9e: {  	_ =	swait.ge [sflag:s22], s20  }
0x9f: {  	s4 =	ssub.s32 $0x0, s20;
	[sflag:s22] =	ssyncset.done $0x0  }
0xa0: {  	[sflag:s22] =	ssyncadd.s32 s4;
	_ =	sdelay $0x1  }
0xa1: {  	s23 =	simm.s32 $0x1B8B  }
0xa2: {  	_ =	swait.ge [sflag:s23], $0x1  }
0xa3: {  	[sflag:s23] =	ssyncset.done $0x0  }
0xa4: {  	s25 =	simm.s32 $0x1B8E;
	s24 =	sld [smem:$0x3FFE];
	[sflag:s23] =	ssyncadd.s32 $0xFFFFFFFF  }
0xa5: {  	s26 =	simm.s32 $execute0_lowered;
	[smem:$0x3FD2] =	sst s25  }
0xa6: {  	s5 =	sshll.u32 s26, $0x1;
	_ =	strace $0x8000004C;
	[dreg:$0x1] =	wrdreg $0xFFFFFFFF  }
0xa7: {  	s28 =	simm.s32 $_size_execute0_lowered;
	s3 =	sadd.s32 s3, s5;
	[dreg:$0x0] =	wrdreg $0x0  }
0xa8: {  	s5 =	sshll.u32 s28, $0x1;
	[dreg:$0x2] =	wrdreg s3  }
0xa9: {  	[dreg:$0x3] =	wrdreg s5  }
0xaa: {  	[dreg:$0x4] =	wrdreg $0xC0  }
0xab: {  	_ =	task [dreg:s7], $0x5FFFF  }
0xac: {  	[dreg:$0x1] =	wrdreg $0xFFFFFFFF  }
0xad: {  	[dreg:$0x0] =	wrdreg $0x60  }
0xae: {  	[dreg:$0x2] =	wrdreg s24  }
0xaf: {  	[dreg:$0x3] =	wrdreg s2  }
0xb0: {  	[dreg:$0x4] =	wrdreg $0x5A100  }
0xb1: {  	[dreg:$0x5] =	wrdreg $0x82100  }
0xb2: {  	[dreg:$0x6] =	wrdreg $0x9  }
0xb3: {  	_ =	task.clear_ibuf [dreg:s7], $0x7FFFF;
	_ =	strace $0x9000004C  }
0xb4: {  	s29 =	simm.s32 $0x9;
	_ =	strace $0x8000004E  }
0xb5: {  	_ =	swait.ge [sflag:s29], $0x1  }
0xb6: {  	[sflag:s29] =	ssyncadd.s32 $0xFFFFFFFF  }
0xb7: {  	_ =	strace $0x9000004E  }
0xb8: {  	_ =	sfence  }
0xb9: {  	s30 =	sld [smem:$0x0];
	_ =	sdelay $0x2  }
0xba: {  	s31 =	sshll.u32 s1, $0xD;
	s1 =	sshrl.u32 s1, $0x2  }
0xbb: {  	s3 =	sand.u32 $0x4000, s31;
	s1 =	sadd.s32 s1, s30  }
0xbc: {  	s0 =	sor.u32 s3, s0;
	s1 =	sshll.u32 s1, $0x11  }
0xbd: {  	s0 =	sor.u32 s1, s0  }
0xbe: {  	s0 =	sadd.s32 $0x8F2B, s0  }
0xbf: {  	[sflag:s0] =	ssyncadd.remote.s32 $0x1  }
0xc0: {  	_ =	sfence.sel $0xFFFF  }
0xc1: {  	[dreg:$0x0] =	wrdreg $0xFFFFFFFF;
	(pc) =	sbr.abs _section_cstart, $3  }
0xc2: {  	[dreg:$0x1] =	wrdreg $0xFFFFFFFF  }
0xc3: {  	_ =	task.clear_ibuf [dreg:s7], $0x2FFFF;
	_ =	strace $0x9FFFFFFF  }
0xc4: {  	(tm) =	ssettm $0x7FFFFFFF  }
0xc5: {  	_ =	shalt  }
tec
execute0_lowered:
.L_overlay_start_1:
0x0: {  	(tag) =	ssettag $0x1  }
0x1: {  	s0 =	rddreg [dreg:$0x0]  }
0x2: {  	s1 =	srdreg.scid;
	s3 =	rddreg [dreg:$0x2]  }
0x3: {  	s15 =	stileid.u32;
	s4 =	rddreg [dreg:$0x3];
	s5 =	simm.s32 $0x0  }
0x4: {  	s17 =	simm.s32 $0x3;
	s19 =	simm.s32 $0x1500;
	s21 =	simm.s32 $0x40  }
0x5: {  	s22 =	simm.s32 $0x2A00;
	s23 =	simm.s32 $0x3200;
	s24 =	simm.s32 $0x3A00  }
0x6: {  	s25 =	simm.s32 $0x1;
	s26 =	simm.s32 $0x2;
	s28 =	simm.s32 $0x0  }
0x7: {  	s1 =	sand.u32 $0x1, s1;
	s2 =	sshll.u32 s15, $0x1;
	s8 =	smul.u32 $0x2800, s15  }
0x8: {  	[smem:$0x7FF] =	sst s5;
	s10 =	smul.u32 $0xA000, s15;
	s6 =	sadd.s32 $0x18800, s0  }
0x9: {  	s7 =	sadd.s32 $0x4800, s0;
	s31 =	sshll.u32 s15, $0x6;
	s9 =	smul.u32 $0x28000, s1  }
0xa: {  	s2 =	sor.u32 s1, s2;
	_ =	strace $0x8000004D;
	s12 =	smul.u32 $0xA0000, s1  }
0xb: {  	v0 =	vimm.s32 $0xFEDCBA98;
	s1 =	ssub.s32 $0x2, s1;
	s2 =	smul.u32 $0x2A0, s2;
	s11 =	sshrl.u32 s8, $0x3  }
0xc: {  	v1 =	vimm.s32 $0x76543210;
	v0 =	vunpack.c.l.s4.s8 v0;
	s13 =	sshrl.u32 s10, $0x3;
	s30 =	sshrl.u32 s1, $0x1;
	s16 =	sadd.s32 s8, s3  }
0xd: {  	v2 =	vlaneseq.u32;
	v1 =	vunpack.c.l.s4.s8 v1;
	s18 =	sadd.s32 s10, s4;
	s11 =	sadd.s32 s11, s0;
	s13 =	sadd.s32 s13, s0  }
0xe: {  	v54 =	vshrl.u32 v2, $0x3;
	v0 =	vunpack.c.0.s8.s32 v0;
	s9 =	sadd.s32 s8, s9;
	s12 =	sadd.s32 s10, s12;
	s1 =	ssub.s32 s1, s30  }
0xf: {  	v3 =	vor.u32 $0x4, v54;
	[tilespmem:$0x1FFE0] =	vst v54;
	v1 =	vunpack.c.0.s8.s32 v1;
	s16 =	sshrl.u32 s16, $0x3;
	s18 =	sshrl.u32 s18, $0x3;
	s2 =	sadd.s32 s2, s0  }
0x10: {  	vm2 =	vmmov $0xff;
	v4 =	vor.u32 $0x6, v54;
	[tilespmem:$0x1FFC0] =	vst v3;
	s9 =	sshrl.u32 s9, $0x3;
	s12 =	sshrl.u32 s12, $0x3;
	s8 =	sadd.s32 $0x3C000, s11;
	v0 =	vand.u32 $0xF, v0  }
0x11: {  	v58 =	vor.u32 $0x2, v54;
	[tilespmem:$0x1FFD0] =	vst v4;
	s10 =	sadd.s32 $0x1D800, s13;
	s15 =	smax.u32 s1, $0x1;
	s14 =	sadd.s32 s9, s0;
	v52 =	vcombine.low v0, v1;
	v0 =	vimm.s32 $0x0  }
0x12: {  	[tilespmem:$0x1FFF0] =	vst v58;
	s0 =	sadd.s32 s12, s0;
	s9 =	sor.u32 $0x1C03, s31;
	s11 =	sadd.s32 $0x36C00, s2;
	v0 =	vsel vm2, $0xFFFFFFFF, v0  }
0x13: {  	s12 =	sadd.s32 $0x31800, s2;
	s13 =	sadd.s32 $0x41000, s14;
	s14 =	sadd.s32 $0x4B000, s0;
	[tilespmem:$0x1FFB0] =	vst v0  }
.LBB2_1:
0x14: {  	[spmem:s16], [sflag:s9] =	dma.local [hbm:s8], $0x500  }
0x15: {  	_ =	swait.ge [sflag:s17], $0x500  }
0x16: {  	[sflag:s17] =	ssyncset.done $0x0  }
0x17: {  	[sflag:s17] =	ssyncadd.s32 $0xFFFFFB00  }
0x18: {  	[spmem:s18], [sflag:s9] =	dma.local [hbm:s10], $0x1400  }
0x19: {  	_ =	swait.ge [sflag:s17], $0x1400  }
0x1a: {  	[sflag:s17] =	ssyncset.done $0x0  }
0x1b: {  	[sflag:s17] =	ssyncadd.s32 $0xFFFFEC00  }
0x1c: {  	[tilespmem:s5], [sflag:$0x3] =	stream.linear.gather [hbm4b:s11+s5], $0x1500, $0x38;
	[tilespmem:$0x12210] =	vst v63  }
0x1d: {  	_ =	swait.ge [sflag:s17], $0x1500  }
0x1e: {  	[sflag:s17] =	ssyncset.done $0x0  }
0x1f: {  	[sflag:s17] =	ssyncadd.s32 $0xFFFFEB00  }
0x20: {  	[tilespmem:s19], [sflag:$0x3] =	stream.linear.gather [hbm4b:s12+s5], $0x1500, $0x38;
	[tilespmem:$0x12210] =	vst v63  }
0x21: {  	_ =	swait.ge [sflag:s17], $0x1500  }
0x22: {  	[sflag:s17] =	ssyncset.done $0x0  }
0x23: {  	[sflag:s17] =	ssyncadd.s32 $0xFFFFEB00  }
0x24: {  	s1 =	simm.s32 $0x5A00;
	s0 =	rddreg [dreg:$0x1]  }
0x25: {  	[tilespmem:s1], [sflag:$0x3] =	stream.linear.gather [hbm4b:s0+s5], $0x10, $0x38;
	[tilespmem:$0x12210] =	vst v63  }
0x26: {  	_ =	swait.ge [sflag:s17], $0x10  }
0x27: {  	[sflag:s17] =	ssyncset.done $0x0  }
0x28: {  	[sflag:s17] =	ssyncadd.s32 $0xFFFFFFF0  }
0x29: {  	[bflag:$0x0] =	sbarrier.arrive $0xFFFF  }
0x2a: {  	v5 =	vld [tilespmem:$0x5A00];
	[tilespmem:s22], [sflag:$0x1] =	stream.indirect.gather [hbm4b:s6+s21], $0x10, s5, s21, $0xb8  }
0x2b: {  	_ = 	snop  }
0x2c: {  	[tilespmem:s23], [sflag:$0x1] =	stream.indirect.gather [hbm4b:s6+s21], $0x10, s19, s21, $0xb8;
	[tilespmem:$0x12210] =	vst v63  }
0x2d: {  	_ = 	snop  }
0x2e: {  	[tilespmem:s24], [sflag:$0x1] =	stream.indirect.gather [hbm4b:s7+s21], $0x40, s5, s21, $0xb8;
	[tilespmem:$0x12210] =	vst v63  }
0x2f: {  	p0 =	por $0x0, $0x0;
	s29 =	simm.s32 $0x0;
	[tilespmem:$0x1FFA0] =	vst v5  }
.LBB2_2:
0x30: {  	_ =	swait.ge [sflag:s25], $0x400  }
0x31: {  	[sflag:s25] =	ssyncset.done $0x0  }
0x32: {  	[sflag:s25] =	ssyncadd.s32 $0xFFFFFC00  }
0x33: {  	_ =	swait.ge [sflag:s25], $0x400  }
0x34: {  	[sflag:s25] =	ssyncset.done $0x0  }
0x35: {  	[sflag:s25] =	ssyncadd.s32 $0xFFFFFC00  }
0x36: {  	_ =	swait.ge [sflag:s25], $0x1000  }
0x37: {  	p1 =	seq.s32 s29, $0x0;
	[sflag:s25] =	ssyncset.done $0x0  }
0x38: {  	s1 =	simm.s32 @!p1 $0x2;
	[sflag:s25] =	ssyncadd.s32 $0xFFFFF000  }
0x39: {  	_ =	swait.ge @!p1 [sflag:s1], $0x400  }
0x3a: {  	[sflag:s1] =	ssyncset.done @!p1 $0x0  }
0x3b: {  	[sflag:s1] =	ssyncadd.s32 @!p1 $0xFFFFFC00  }
0x3c: {  	p2 =	seq.s32 @!p1 s29, $0x53;
	_ =	swait.ge @!p1 [sflag:s1], $0x1000  }
0x3d: {  	s0 =	sand.u32 $0x1, s29;
	p2 =	por p1, !p2;
	[sflag:s1] =	ssyncset.done @!p1 $0x0  }
0x3e: {  	[sflag:s1] =	ssyncadd.s32 @!p1 $0xFFFFF000;
	s1 =	sxor.u32 @p2 $0x1, s0  }
0x3f: {  	s20 =	sshll.u32 @p2 s29, $0x6;
	s2 =	sshll.u32 @p2 s1, $0xA  }
0x40: {  	s31 =	sadd.s32 @p2 $0x40, s20;
	s30 =	sor.u32 @p2 $0x2A00, s2  }
0x41: {  	[tilespmem:s30], [sflag:$0x1] =	stream.indirect.gather @p2 [hbm4b:s6+s21], $0x10, s31, s21, $0xb8;
	[tilespmem:$0x12210] =	vst v63  }
0x42: {  	s20 =	sadd.s32 @p2 $0x1540, s20;
	s1 =	sshll.u32 @p2 s1, $0xC;
	s2 =	sor.u32 @p2 $0x3200, s2  }
0x43: {  	[tilespmem:s2], [sflag:$0x1] =	stream.indirect.gather @p2 [hbm4b:s6+s21], $0x10, s20, s21, $0xb8;
	[tilespmem:$0x12210] =	vst v63  }
0x44: {  	s1 =	sadd.s32 @p2 $0x3A00, s1  }
0x45: {  	[tilespmem:s1], [sflag:$0x1] =	stream.indirect.gather @p2 [hbm4b:s7+s21], $0x40, s31, s21, $0xb8;
	[tilespmem:$0x12210] =	vst v63  }
0x46: {  	s1 =	simm.s32 $0x1  }
0x47: {  	s1 =	simm.s32 @!p0 $0x0  }
0x48: {  	s2 =	sshll.u32 s1, $0xA  }
0x49: {  	s20 =	sor.u32 $0x2A80, s2  }
0x4a: {  	s30 =	sor.u32 $0x3280, s2;
	v1 =	vld [tilespmem:s20+$0x70]  }
0x4b: {  	v2 =	vld [tilespmem:s30+$0x70]  }
0x4c: {  	v6 =	vld [tilespmem:s30+$0xFFFFFF80]  }
0x4d: {  	v8 =	vld [tilespmem:s30+$0xFFFFFF90]  }
0x4e: {  	v10 =	vld [tilespmem:s30+$0xFFFFFFA0]  }
0x4f: {  	v13 =	vld [tilespmem:s20+$0xFFFFFFB0]  }
0x50: {  	v30 =	vld [tilespmem:s20+$0x40]  }
0x51: {  	v32 =	vld [tilespmem:s20+$0x50]  }
0x52: {  	v33 =	vld [tilespmem:s30+$0x50]  }
0x53: {  	v34 =	vld [tilespmem:s20+$0x60]  }
0x54: {  	v36 =	vld [tilespmem:s30+$0x60];
	v11 =	vperm.xlane v1, v52  }
0x55: {  	v37 =	vld [tilespmem:s20+$0xFFFFFF80];
	v12 =	vperm.xlane v2, v52;
	v14 =	vperm.xlane v6, v52  }
0x56: {  	v7 =	vld [tilespmem:s20+$0xFFFFFF90];
	v16 =	vperm.xlane v8, v52;
	v20 =	vperm.xlane v10, v52  }
0x57: {  	v17 =	vld [tilespmem:s20+$0xFFFFFFD0];
	v21 =	vperm.xlane v13, v52;
	v35 =	vperm.xlane v30, v52  }
0x58: {  	v38 =	vperm.xlane v32, v52;
	v39 =	vperm.xlane v33, v52  }
0x59: {  	v61 =	vperm.xlane v34, v52;
	v62 =	vperm.xlane v36, v52  }
0x5a: {  	v63 =	vperm.xlane v37, v52;
	v1 =	vsel vm2, v1, v11;
	v2 =	vsel vm2, v12, v2  }
0x5b: {  	v9 =	vld [tilespmem:s20+$0xFFFFFFA0];
	v11 =	vperm.xlane v7, v52;
	v6 =	vsel vm2, v14, v6;
	v8 =	vsel vm2, v16, v8  }
0x5c: {  	v10 =	vsel vm2, v20, v10;
	v13 =	vsel vm2, v13, v21;
	v21 =	vperm.xlane v17, v52  }
0x5d: {  	v30 =	vsel vm2, v30, v35;
	v60 =	vsel vm2, v39, v33;
	v33 =	vsel vm2, v34, v61  }
0x5e: {  	v12 =	vld [tilespmem:s20+$0xFFFFFFC0];
	v42 =	vsel vm2, v62, v36;
	v1 =	vadd.f32 v2, v1;
	v2 =	vadd.f32 v2, v5  }
0x5f: {  	v15 =	vld [tilespmem:s30+$0xFFFFFFB0];
	v43 =	vsel vm2, v37, v63;
	v33 =	vadd.f32 v42, v33;
	v34 =	vadd.f32 v42, v5  }
0x60: {  	v14 =	vld [tilespmem:s30+$0xFFFFFFC0];
	v7 =	vsel vm2, v7, v11;
	v11 =	vperm.xlane v9, v52;
	v18 =	vmul.f32 $2.000000030e-01, v1  }
0x61: {  	v19 =	vld [tilespmem:s30+$0xFFFFFFD0];
	v16 =	vmul.f32 $2.000000030e-01, v2;
	vm0 =	vge.f32 v1, $0.0e+00;
	v26 =	vadd.f32 v8, v7  }
0x62: {  	v8 =	vadd.f32 v8, v5;
	v1 =	vsel vm0, v1, v18;
	vm0 =	vge.f32 v2, $0.0e+00  }
0x63: {  	v23 =	vperm.xlane v12, v52;
	v45 =	vmul.f32 $2.000000030e-01, v26;
	v2 =	vsel vm0, v2, v16  }
0x64: {  	v18 =	vld [tilespmem:s20+$0xFFFFFFE0];
	v47 =	vmul.f32 $2.000000030e-01, v8;
	v16 =	vperm.xlane v15, v52;
	v1 =	vsub.f32 v1, v2  }
0x65: {  	v2 =	vsel vm2, v9, v11;
	v11 =	vperm.xlane v14, v52;
	v12 =	vsel vm2, v12, v23  }
0x66: {  	v22 =	vld [tilespmem:s30+$0xFFFFFFE0];
	v23 =	vperm.xlane v19, v52;
	v15 =	vsel vm2, v16, v15;
	v2 =	vadd.f32 v10, v2  }
0x67: {  	v10 =	vadd.f32 v10, v5;
	v1 =	vmul.f32 $1.442695020e+00, v1;
	v11 =	vsel vm2, v11, v14  }
0x68: {  	v19 =	vsel vm2, v23, v19;
	v23 =	vadd.f32 v6, v5;
	v13 =	vadd.f32 v15, v13  }
0x69: {  	v9 =	vld [tilespmem:s20+$0xFFFFFFF0];
	v15 =	vadd.f32 v15, v5;
	v6 =	vadd.f32 v6, v43;
	v24 =	vperm.xlane v18, v52  }
0x6a: {  	v12 =	vadd.f32 v11, v12;
	v48 =	vmul.f32 $2.000000030e-01, v2;
	v49 =	vmul.f32 $2.000000030e-01, v10  }
0x6b: {  	v20 =	vld [tilespmem:s30+$0xFFFFFFF0];
	(erf) = vpow2.f32 v1;
	v1 =	vsel vm2, v17, v21;
	v21 =	vperm.xlane v22, v52  }
0x6c: {  	v16 =	vld [tilespmem:s20+$0x0];
	v11 =	vadd.f32 v11, v5;
	v44 =	vmul.f32 $2.000000030e-01, v23;
	v46 =	vmul.f32 $2.000000030e-01, v6  }
0x6d: {  	vm0 =	vge.f32 v6, $0.0e+00;
	v50 =	vmul.f32 $2.000000030e-01, v13;
	v51 =	vmul.f32 $2.000000030e-01, v15  }
0x6e: {  	v18 =	vsel vm2, v18, v24;
	v24 =	vperm.xlane v9, v52;
	v1 =	vadd.f32 v19, v1  }
0x6f: {  	v14 =	vld [tilespmem:s30+$0x0];
	v19 =	vadd.f32 v19, v5;
	v53 =	vmul.f32 $2.000000030e-01, v12;
	v55 =	vmul.f32 $2.000000030e-01, v11  }
0x70: {  	v21 =	vsel vm2, v21, v22;
	v22 =	vperm.xlane v20, v52;
	v6 =	vsel vm0, v6, v46  }
0x71: {  	v17 =	vld [tilespmem:s20+$0x10];
	vm0 =	vge.f32 v23, $0.0e+00;
	v9 =	vsel vm2, v9, v24;
	v24 =	vperm.xlane v16, v52  }
0x72: {  	v18 =	vadd.f32 v21, v18;
	v21 =	vadd.f32 v21, v5;
	v23 =	vsel vm0, v23, v44  }
0x73: {  	v25 =	vld [tilespmem:s30+$0x10];
	vm0 =	vge.f32 v26, $0.0e+00;
	v56 =	vmul.f32 $2.000000030e-01, v1;
	v57 =	vmul.f32 $2.000000030e-01, v19  }
0x74: {  	v20 =	vsel vm2, v22, v20;
	v22 =	vperm.xlane v14, v52;
	v26 =	vsel vm0, v26, v45  }
0x75: {  	v7 =	vld [tilespmem:s20+$0x20];
	vm0 =	vge.f32 v8, $0.0e+00;
	v6 =	vsub.f32 v6, v23;
	v16 =	vsel vm2, v16, v24  }
0x76: {  	v24 =	vperm.xlane v17, v52;
	v9 =	vadd.f32 v20, v9;
	v20 =	vadd.f32 v20, v5  }
0x77: {  	v8 =	vsel vm0, v8, v47;
	vm0 =	vge.f32 v2, $0.0e+00;
	v59 =	vmul.f32 $2.000000030e-01, v18  }
0x78: {  	v27 =	vld [tilespmem:s30+$0x20];
	v14 =	vsel vm2, v22, v14;
	v22 =	vperm.xlane v25, v52;
	v2 =	vsel vm0, v2, v48  }
0x79: {  	vm0 =	vge.f32 v10, $0.0e+00;
	v8 =	vsub.f32 v26, v8;
	v6 =	vmul.f32 $1.442695020e+00, v6  }
0x7a: {  	v28 =	vld [tilespmem:s20+$0x30];
	v17 =	vsel vm2, v17, v24;
	v24 =	vperm.xlane v7, v52;
	v16 =	vadd.f32 v14, v16  }
0x7b: {  	v14 =	vadd.f32 v14, v5;
	v10 =	vsel vm0, v10, v49;
	vm0 =	vge.f32 v13, $0.0e+00  }
0x7c: {  	v61 =	vmul.f32 $2.000000030e-01, v9;
	v62 =	vmul.f32 $2.000000030e-01, v20;
	v22 =	vsel vm2, v22, v25  }
0x7d: {  	v29 =	vld [tilespmem:s30+$0x30];
	v25 =	vperm.xlane v27, v52;
	v13 =	vsel vm0, v13, v50;
	vm0 =	vge.f32 v15, $0.0e+00  }
0x7e: {  	v2 =	vsub.f32 v2, v10;
	v8 =	vmul.f32 $1.442695020e+00, v8;
	(erf) = vpow2.f32 v6  }
0x7f: {  	v24 =	vsel vm2, v7, v24;
	v7 =	vperm.xlane v28, v52;
	v17 =	vadd.f32 v22, v17  }
0x80: {  	v22 =	vadd.f32 v22, v5;
	v15 =	vsel vm0, v15, v51;
	vm0 =	vge.f32 v12, $0.0e+00  }
0x81: {  	v63 =	vmul.f32 $2.000000030e-01, v16;
	v40 =	vmul.f32 $2.000000030e-01, v14;
	v25 =	vsel vm2, v25, v27  }
0x82: {  	v31 =	vld [tilespmem:s30+$0x40];
	v27 =	vperm.xlane v29, v52;
	v12 =	vsel vm0, v12, v53;
	vm0 =	vge.f32 v11, $0.0e+00  }
0x83: {  	v53 =	vmul.f32 $2.000000030e-01, v33;
	v10 =	vsub.f32 v13, v15;
	v2 =	vmul.f32 $1.442695020e+00, v2  }
0x84: {  	(erf) = vpow2.f32 v8;
	v28 =	vsel vm2, v28, v7;
	v24 =	vadd.f32 v25, v24  }
0x85: {  	v25 =	vadd.f32 v25, v5;
	v11 =	vsel vm0, v11, v55;
	v41 =	vmul.f32 $2.000000030e-01, v17  }
0x86: {  	vm0 =	vge.f32 v1, $0.0e+00;
	v42 =	vmul.f32 $2.000000030e-01, v22;
	v55 =	vmul.f32 $2.000000030e-01, v34  }
0x87: {  	v27 =	vsel vm2, v27, v29;
	v29 =	vperm.xlane v31, v52;
	v1 =	vsel vm0, v1, v56  }
0x88: {  	vm0 =	vge.f32 v19, $0.0e+00;
	v11 =	vsub.f32 v12, v11;
	v10 =	vmul.f32 $1.442695020e+00, v10  }
0x89: {  	s1 =	sshll.u32 s1, $0xC;
	(erf) = vpow2.f32 v2;
	v7 =	vpop (erf);
	v28 =	vadd.f32 v27, v28;
	v27 =	vadd.f32 v27, v5  }
0x8a: {  	s31 =	sadd.s32 $0x3C00, s1;
	v19 =	vsel vm0, v19, v57;
	v43 =	vmul.f32 $2.000000030e-01, v24;
	v44 =	vmul.f32 $2.000000030e-01, v25;
	[tilespmem:s20+$0x70] =	vst v7  }
0x8b: {  	vm0 =	vge.f32 v18, $0.0e+00;
	v35 =	vperm.xlane v7, v4;
	v0 =	vperm.xlane v7, v54;
	v49 =	vld [tilespmem:s31+$0x1F0]  }
0x8c: {  	v29 =	vsel vm2, v29, v31;
	v31 =	vsel vm2, v32, v38;
	v32 =	vadd.f32 v60, v5  }
0x8d: {  	v18 =	vsel vm0, v18, v59;
	v1 =	vsub.f32 v1, v19;
	v11 =	vmul.f32 $1.442695020e+00, v11;
	[tilespmem:$0x1FE80] =	vst v0  }
0x8e: {  	(erf) = vpow2.f32 v10;
	v31 =	vadd.f32 v60, v31;
	v60 =	vmul.f32 $2.000000030e-01, v21;
	v0 =	vld [tilespmem:s31+$0x1C0]  }
0x8f: {  	v30 =	vadd.f32 v29, v30;
	v45 =	vmul.f32 $2.000000030e-01, v28;
	v46 =	vmul.f32 $2.000000030e-01, v27  }
0x90: {  	v29 =	vadd.f32 v29, v5;
	v51 =	vmul.f32 $2.000000030e-01, v32;
	v56 =	vmul.f32 v49, v35  }
0x91: {  	vm0 =	vge.f32 v21, $0.0e+00;
	v1 =	vmul.f32 $1.442695020e+00, v1;
	(erf) = vpow2.f32 v11  }
0x92: {  	v21 =	vsel vm0, v21, v60;
	v47 =	vmul.f32 $2.000000030e-01, v30;
	v48 =	vmul.f32 $2.000000030e-01, v29;
	[tilespmem:s31+$0x1F0] =	vst v56  }
0x93: {  	vm0 =	vge.f32 v9, $0.0e+00;
	v50 =	vmul.f32 $2.000000030e-01, v31;
	[tilespmem:$0x1FE90] =	vst v0;
	v0 =	vperm.xlane v7, v58  }
0x94: {  	v9 =	vsel vm0, v9, v61;
	vm0 =	vge.f32 v20, $0.0e+00;
	v12 =	vsub.f32 v18, v21  }
0x95: {  	(erf) = vpow2.f32 v1;
	v20 =	vsel vm0, v20, v62;
	vm0 =	vge.f32 v16, $0.0e+00;
	[tilespmem:$0x1FEA0] =	vst v0  }
0x96: {  	v16 =	vsel vm0, v16, v63;
	vm0 =	vge.f32 v14, $0.0e+00;
	v9 =	vsub.f32 v9, v20;
	v0 =	vld [tilespmem:s31+$0x1D0]  }
0x97: {  	v12 =	vmul.f32 $1.442695020e+00, v12;
	v14 =	vsel vm0, v14, v40;
	vm0 =	vge.f32 v17, $0.0e+00  }
0x98: {  	v17 =	vsel vm0, v17, v41;
	vm0 =	vge.f32 v22, $0.0e+00;
	v13 =	vsub.f32 v16, v14  }
0x99: {  	v9 =	vmul.f32 $1.442695020e+00, v9;
	v22 =	vsel vm0, v22, v42;
	vm0 =	vge.f32 v24, $0.0e+00  }
0x9a: {  	(erf) = vpow2.f32 v12;
	v24 =	vsel vm0, v24, v43;
	vm0 =	vge.f32 v25, $0.0e+00  }
0x9b: {  	v14 =	vsub.f32 v17, v22;
	v13 =	vmul.f32 $1.442695020e+00, v13;
	[tilespmem:$0x1FEB0] =	vst v0;
	v0 =	vperm.xlane v7, v3  }
0x9c: {  	(erf) = vpow2.f32 v9;
	v25 =	vsel vm0, v25, v44;
	vm0 =	vge.f32 v28, $0.0e+00  }
0x9d: {  	v28 =	vsel vm0, v28, v45;
	vm0 =	vge.f32 v27, $0.0e+00;
	v6 =	vsub.f32 v24, v25;
	[tilespmem:$0x1FEC0] =	vst v0  }
0x9e: {  	v14 =	vmul.f32 $1.442695020e+00, v14;
	v27 =	vsel vm0, v27, v46;
	vm0 =	vge.f32 v30, $0.0e+00;
	v0 =	vld [tilespmem:s31+$0x1E0]  }
0x9f: {  	(erf) = vpow2.f32 v13;
	v30 =	vsel vm0, v30, v47;
	vm0 =	vge.f32 v29, $0.0e+00  }
0xa0: {  	v8 =	vsub.f32 v28, v27;
	v29 =	vsel vm0, v29, v48;
	vm0 =	vge.f32 v31, $0.0e+00  }
0xa1: {  	v6 =	vmul.f32 $1.442695020e+00, v6;
	v31 =	vsel vm0, v31, v50;
	vm0 =	vge.f32 v32, $0.0e+00  }
0xa2: {  	v2 =	vsub.f32 v30, v29;
	v32 =	vsel vm0, v32, v51;
	vm0 =	vge.f32 v33, $0.0e+00  }
0xa3: {  	v8 =	vmul.f32 $1.442695020e+00, v8;
	v7 =	vpop (erf);
	v33 =	vsel vm0, v33, v53;
	vm0 =	vge.f32 v34, $0.0e+00;
	[tilespmem:$0x1FED0] =	vst v0  }
0xa4: {  	(erf) = vpow2.f32 v14;
	v10 =	vsub.f32 v31, v32;
	v23 =	vsel vm0, v34, v55;
	[tilespmem:s20+$0xFFFFFF80] =	vst v7  }
0xa5: {  	v2 =	vmul.f32 $1.442695020e+00, v2;
	(erf) = vpow2.f32 v6;
	v11 =	vsub.f32 v33, v23;
	v6 =	vld [tilespmem:s31+$0xFFFFFE00]  }
0xa6: {  	(erf) = vpow2.f32 v8;
	v1 =	vmul.f32 $1.442695020e+00, v10;
	v12 =	vld [tilespmem:s31+$0xFFFFFE10]  }
0xa7: {  	v8 =	vpop (erf);
	(erf) = vpow2.f32 v2;
	v10 =	vmul.f32 $1.442695020e+00, v11;
	v14 =	vld [tilespmem:s31+$0xFFFFFE20]  }
0xa8: {  	(erf) = vpow2.f32 v1;
	[tilespmem:s20+$0xFFFFFF90] =	vst v8;
	v1 =	vld [tilespmem:s31+$0xFFFFFE30]  }
0xa9: {  	v2 =	vpop (erf);
	(erf) = vpow2.f32 v10;
	v10 =	vld [tilespmem:s31+$0xFFFFFE40]  }
0xaa: {  	v18 =	vld [tilespmem:s31+$0xFFFFFE50]  }
0xab: {  	v21 =	vld [tilespmem:s31+$0xFFFFFE60]  }
0xac: {  	[tilespmem:s20+$0xFFFFFFA0] =	vst v2;
	v24 =	vld [tilespmem:s31+$0xFFFFFE70]  }
0xad: {  	v20 =	vpop (erf);
	v27 =	vld [tilespmem:s31+$0xFFFFFE80]  }
0xae: {  	v9 =	vperm.xlane v7, v54;
	v26 =	vpop (erf);
	v30 =	vld [tilespmem:s31+$0xFFFFFE90]  }
0xaf: {  	v25 =	vperm.xlane v20, v54;
	v28 =	vperm.xlane v20, v58;
	v57 =	vpop (erf);
	v59 =	vld [tilespmem:s31+$0xFFFFFEA0]  }
0xb0: {  	v29 =	vperm.xlane v20, v3;
	v31 =	vperm.xlane v20, v4;
	[tilespmem:s20+$0xFFFFFFB0] =	vst v20;
	v61 =	vpop (erf);
	v20 =	vld [tilespmem:s31+$0xFFFFFEB0]  }
0xb1: {  	v11 =	vperm.xlane v7, v58;
	v32 =	vperm.xlane v26, v54;
	v40 =	vld [tilespmem:s31+$0xFFFFFEC0];
	v46 =	vpop (erf)  }
0xb2: {  	v60 =	vperm.xlane v26, v58;
	v43 =	vld [tilespmem:s31+$0xFFFFFED0];
	v50 =	vperm.xlane v46, v54  }
0xb3: {  	v36 =	vperm.xlane v26, v3;
	[tilespmem:s20+$0xFFFFFFC0] =	vst v26;
	v47 =	vld [tilespmem:s31+$0xFFFFFEE0];
	v51 =	vperm.xlane v46, v58  }
0xb4: {  	v37 =	vperm.xlane v26, v4;
	v26 =	vld [tilespmem:s31+$0xFFFFFEF0];
	v62 =	vperm.xlane v46, v3;
	[tilespmem:$0x1FEE0] =	vst v50  }
0xb5: {  	v50 =	vld [tilespmem:s31+$0xFFFFFF00];
	[tilespmem:$0x1FEF0] =	vst v51;
	v11 =	vmul.f32 v12, v11;
	v12 =	vperm.xlane v46, v4  }
0xb6: {  	[tilespmem:$0x1FF00] =	vst v62  }
0xb7: {  	v6 =	vmul.f32 v6, v9;
	v9 =	vld [tilespmem:s31+$0xFFFFFF10];
	[tilespmem:$0x1FF10] =	vst v12  }
0xb8: {  	[tilespmem:s20+$0xFFFFFFD0] =	vst v57  }
0xb9: {  	[tilespmem:s20+$0xFFFFFFE0] =	vst v61  }
0xba: {  	v13 =	vperm.xlane v7, v3;
	v63 =	vpop (erf);
	[tilespmem:s20+$0xFFFFFFF0] =	vst v46  }
0xbb: {  	v15 =	vperm.xlane v8, v54;
	v39 =	vmul.f32 v40, v25;
	v25 =	vpop (erf);
	[tilespmem:s20+$0x0] =	vst v63  }
0xbc: {  	v16 =	vperm.xlane v8, v58;
	v7 =	vperm.xlane v7, v4;
	[tilespmem:s20+$0x10] =	vst v25  }
0xbd: {  	v17 =	vperm.xlane v8, v3;
	v13 =	vmul.f32 v14, v13;
	[tilespmem:s31+$0xFFFFFE00] =	vst v6  }
0xbe: {  	v19 =	vperm.xlane v2, v54;
	v1 =	vmul.f32 v1, v7;
	[tilespmem:s31+$0xFFFFFE10] =	vst v11  }
0xbf: {  	v22 =	vperm.xlane v2, v58;
	v10 =	vmul.f32 v10, v15;
	[tilespmem:s31+$0xFFFFFE20] =	vst v13  }
0xc0: {  	v8 =	vperm.xlane v8, v4;
	v16 =	vmul.f32 v18, v16;
	[tilespmem:s31+$0xFFFFFE30] =	vst v1  }
0xc1: {  	v23 =	vperm.xlane v2, v3;
	v5 =	vmul.f32 v21, v17;
	[tilespmem:s31+$0xFFFFFE40] =	vst v10;
	v21 =	vld [tilespmem:s31+$0xFFFFFF50]  }
0xc2: {  	v8 =	vmul.f32 v24, v8;
	v24 =	vmul.f32 v27, v19;
	[tilespmem:s31+$0xFFFFFE50] =	vst v16;
	v19 =	vld [tilespmem:s31+$0xFFFFFF60]  }
0xc3: {  	v2 =	vperm.xlane v2, v4;
	v41 =	vperm.xlane v57, v58;
	[tilespmem:s31+$0xFFFFFE60] =	vst v5;
	v33 =	vld [tilespmem:s31+$0xFFFFFFA0]  }
0xc4: {  	v27 =	vmul.f32 v30, v22;
	v31 =	vmul.f32 v26, v31;
	[tilespmem:s31+$0xFFFFFE70] =	vst v8;
	v26 =	vld [tilespmem:s31+$0xFFFFFFB0]  }
0xc5: {  	v42 =	vperm.xlane v57, v3;
	v49 =	vperm.xlane v61, v3;
	[tilespmem:s31+$0xFFFFFE80] =	vst v24  }
0xc6: {  	v0 =	vperm.xlane v61, v4;
	v30 =	vmul.f32 v59, v23;
	[tilespmem:s31+$0xFFFFFE90] =	vst v27;
	v22 =	vld [tilespmem:s31+$0xFFFFFF70];
	v13 =	vpop (erf)  }
0xc7: {  	v2 =	vmul.f32 v20, v2;
	v20 =	vld [tilespmem:s31+$0xFFFFFF80];
	[tilespmem:s20+$0x20] =	vst v13;
	v40 =	vmul.f32 v19, v42;
	v19 =	vpop (erf)  }
0xc8: {  	v59 =	vmul.f32 v50, v32;
	v6 =	vld [tilespmem:s31+$0xFFFFFFC0];
	v50 =	vmul.f32 v21, v41;
	[tilespmem:s20+$0x30] =	vst v19  }
0xc9: {  	v41 =	vmul.f32 v33, v49;
	v49 =	vmul.f32 v26, v0;
	v0 =	vld [tilespmem:$0x1FEE0];
	_ =	sdelay $0x1  }
0xca: {  	v44 =	vperm.xlane v57, v4;
	v14 =	vld [tilespmem:s31+$0xFFFFFF20]  }
0xcb: {  	v45 =	vperm.xlane v61, v54;
	v7 =	vld [tilespmem:s31+$0xFFFFFF30]  }
0xcc: {  	v60 =	vmul.f32 v9, v60;
	v9 =	vld [tilespmem:s31+$0xFFFFFFD0];
	v46 =	vmul.f32 v22, v44;
	[tilespmem:s31+$0xFFFFFEA0] =	vst v30  }
0xcd: {  	v44 =	vmul.f32 v20, v45;
	v45 =	vmul.f32 v6, v0;
	v0 =	vld [tilespmem:$0x1FEF0]  }
0xce: {  	v18 =	vld [tilespmem:s31+$0xFFFFFF40]  }
0xcf: {  	v23 =	vld [tilespmem:s31+$0xFFFFFF90]  }
0xd0: {  	v1 =	vld [tilespmem:s31+$0xFFFFFFF0]  }
0xd1: {  	v14 =	vmul.f32 v14, v36;
	v36 =	vld [tilespmem:s31+$0xFFFFFFE0];
	[tilespmem:s31+$0xFFFFFEB0] =	vst v2  }
0xd2: {  	v29 =	vmul.f32 v47, v29;
	v47 =	vmul.f32 v9, v0;
	v0 =	vld [tilespmem:$0x1FF00]  }
0xd3: {  	v10 =	vld [tilespmem:s31+$0x10]  }
0xd4: {  	v35 =	vld [tilespmem:s31+$0x20]  }
0xd5: {  	v38 =	vperm.xlane v57, v54;
	v15 =	vld [tilespmem:s31+$0x40];
	v27 =	vpop (erf)  }
0xd6: {  	v48 =	vperm.xlane v61, v58;
	v53 =	vperm.xlane v63, v54;
	v8 =	vld [tilespmem:s31+$0x50];
	[tilespmem:s20+$0x40] =	vst v27  }
0xd7: {  	v34 =	vperm.xlane v63, v3;
	v42 =	vmul.f32 v36, v0;
	v0 =	vld [tilespmem:$0x1FF10]  }
0xd8: {  	v55 =	vperm.xlane v63, v4;
	v17 =	vperm.xlane v63, v58;
	v16 =	vld [tilespmem:s31+$0x70]  }
0xd9: {  	v28 =	vmul.f32 v43, v28;
	v63 =	vmul.f32 v7, v37;
	v7 =	vld [tilespmem:s31+$0x0]  }
0xda: {  	v61 =	vperm.xlane v25, v4;
	v62 =	vperm.xlane v13, v54;
	v5 =	vld [tilespmem:s31+$0x90]  }
0xdb: {  	v12 =	vperm.xlane v13, v58;
	v51 =	vmul.f32 v18, v38;
	v33 =	vld [tilespmem:s31+$0x60]  }
0xdc: {  	v21 =	vmov v4;
	v18 =	vld [tilespmem:s31+$0xA0];
	v43 =	vmul.f32 v1, v0;
	v0 =	vperm.xlane v27, v3  }
0xdd: {  	v4 =	vperm.xlane v13, v3;
	v22 =	vperm.xlane v13, v21;
	v13 =	vld [tilespmem:s31+$0x30];
	[tilespmem:s31+$0xFFFFFEC0] =	vst v39  }
0xde: {  	v30 =	vld [tilespmem:s31+$0x80];
	v37 =	vmul.f32 v7, v53;
	v7 =	vpop (erf);
	[tilespmem:$0x1FF20] =	vst v0  }
0xdf: {  	[tilespmem:s20+$0x50] =	vst v7  }
0xe0: {  	v0 =	vperm.xlane v7, v58;
	v2 =	vld [tilespmem:s31+$0xB0];
	[tilespmem:s31+$0xFFFFFED0] =	vst v28  }
0xe1: {  	v6 =	vld [tilespmem:s31+$0xC0];
	[tilespmem:s31+$0xFFFFFEE0] =	vst v29  }
0xe2: {  	v56 =	vperm.xlane v25, v54;
	v9 =	vld [tilespmem:s31+$0xD0];
	[tilespmem:$0x1FF30] =	vst v0;
	v0 =	vperm.xlane v7, v3  }
0xe3: {  	v57 =	vperm.xlane v25, v58;
	v11 =	vperm.xlane v25, v3;
	[tilespmem:s31+$0xFFFFFEF0] =	vst v31  }
0xe4: {  	v48 =	vmul.f32 v23, v48;
	v1 =	vld [tilespmem:s31+$0xE0];
	[tilespmem:$0x1FF40] =	vst v0;
	v0 =	vperm.xlane v7, v21  }
0xe5: {  	v34 =	vmul.f32 v35, v34;
	v38 =	vmul.f32 v13, v55;
	v13 =	vpop (erf);
	[tilespmem:s31+$0xFFFFFF00] =	vst v59  }
0xe6: {  	v39 =	vmul.f32 v10, v17;
	v10 =	vld [tilespmem:s31+$0xF0];
	[tilespmem:$0x1FF50] =	vst v0;
	v0 =	vperm.xlane v13, v54  }
0xe7: {  	v32 =	vmul.f32 v15, v56;
	v35 =	vmul.f32 v8, v57;
	[tilespmem:s31+$0xFFFFFF10] =	vst v60  }
0xe8: {  	v28 =	vperm.xlane v7, v54;
	v7 =	vld [tilespmem:s31+$0x100];
	[tilespmem:$0x1FF60] =	vst v0;
	v0 =	vperm.xlane v13, v58  }
0xe9: {  	v25 =	vperm.xlane v19, v54;
	v20 =	vperm.xlane v19, v58;
	[tilespmem:s31+$0xFFFFFF20] =	vst v14  }
0xea: {  	v23 =	vperm.xlane v19, v3;
	v8 =	vld [tilespmem:s31+$0x110];
	[tilespmem:$0x1FF70] =	vst v0;
	v0 =	vperm.xlane v13, v3  }
0xeb: {  	v19 =	vperm.xlane v19, v21;
	v24 =	vperm.xlane v27, v54;
	[tilespmem:s31+$0xFFFFFF30] =	vst v63  }
0xec: {  	v33 =	vmul.f32 v33, v11;
	v11 =	vld [tilespmem:s31+$0x120];
	[tilespmem:$0x1FF80] =	vst v0;
	v0 =	vperm.xlane v13, v21  }
0xed: {  	v26 =	vperm.xlane v27, v58;
	v30 =	vmul.f32 v30, v62;
	[tilespmem:s20+$0x60] =	vst v13  }
0xee: {  	s2 =	sshll.u32 s0, $0xC;
	v36 =	vmul.f32 v16, v61;
	v31 =	vmul.f32 v5, v12;
	v12 =	vld [tilespmem:s31+$0x130];
	[tilespmem:$0x1FF90] =	vst v0  }
0xef: {  	s1 =	simm.s32 $0x0;
	s0 =	smov.u32 s31;
	v27 =	vperm.xlane v27, v21;
	v29 =	vmul.f32 v18, v4;
	s20 =	sadd.s32 $0x100, s20;
	v13 =	vld [tilespmem:s31+$0x140]  }
.LBB2_3:
0xf0: {  	v14 =	vld [tilespmem:s20+$0x70]  }
0xf1: {  	v3 =	vld [tilespmem:$0x1FF20]  }
0xf2: {  	v5 =	vld [tilespmem:$0x1FE90]  }
0xf3: {  	v16 =	vld [tilespmem:s20+$0xFFFFFFB0]  }
0xf4: {  	s30 =	sadd.s32 $0x100, s30;
	v17 =	vld [tilespmem:$0x1FEC0];
	[tilespmem:s31+$0x40] =	vst v32  }
0xf5: {  	[tilespmem:s31+$0x50] =	vst v35;
	v18 =	vld [tilespmem:s30+$0xFFFFFFB0]  }
0xf6: {  	[tilespmem:s31+$0x60] =	vst v33;
	v62 =	vmul.f32 v6, v25;
	v6 =	vld [tilespmem:$0x1FE80]  }
0xf7: {  	[tilespmem:s31+$0x80] =	vst v30;
	v33 =	vld [tilespmem:s20+$0x10]  }
0xf8: {  	v55 =	vld [tilespmem:s20+$0x20]  }
0xf9: {  	v53 =	vmul.f32 v2, v22;
	v2 =	vld [tilespmem:s30+$0x70]  }
0xfa: {  	[tilespmem:s31+$0xFFFFFF40] =	vst v51;
	v24 =	vmul.f32 v7, v24;
	v7 =	vld [tilespmem:$0x1FEA0]  }
0xfb: {  	[tilespmem:s31+$0xFFFFFF50] =	vst v50;
	v5 =	vmul.f32 v5, v6;
	v6 =	vld [tilespmem:$0x1FEB0]  }
0xfc: {  	[tilespmem:s31+$0xFFFFFF60] =	vst v40;
	v63 =	vmul.f32 v1, v23;
	v1 =	vld [tilespmem:s30+$0xFFFFFF80]  }
0xfd: {  	[tilespmem:s31+$0xFFFFFFC0] =	vst v45;
	v40 =	vmul.f32 v10, v19;
	v10 =	vld [tilespmem:s30+$0xFFFFFF90]  }
0xfe: {  	[tilespmem:s31+$0xFFFFFFE0] =	vst v42;
	v0 =	vmul.f32 v9, v20;
	v9 =	vld [tilespmem:s20+$0xFFFFFF90];
	v23 =	vmul.f32 v8, v26  }
0xff: {  	[tilespmem:s31+$0xFFFFFFF0] =	vst v43;
	v19 =	vld [tilespmem:$0x1FFA0];
	v22 =	vmul.f32 v11, v3;
	v3 =	vmul.f32 v13, v28  }
0x100: {  	[tilespmem:s31+$0xFFFFFFD0] =	vst v47;
	v13 =	vperm.xlane v2, v52;
	v8 =	vmul.f32 v6, v7;
	v6 =	vld [tilespmem:$0x1FED0]  }
0x101: {  	[tilespmem:s31+$0x70] =	vst v36;
	v47 =	vld [tilespmem:s30+$0xFFFFFFF0];
	v7 =	vperm.xlane v14, v52  }
0x102: {  	[tilespmem:s31+$0xFFFFFF70] =	vst v46;
	v54 =	vld [tilespmem:s30+$0x10];
	v2 =	vsel vm2, v13, v2;
	v13 =	vperm.xlane v10, v52  }
0x103: {  	[tilespmem:s31+$0xFFFFFF80] =	vst v44;
	v4 =	vmul.f32 v12, v27;
	v12 =	vld [tilespmem:s30+$0xFFFFFFA0];
	v45 =	vperm.xlane v16, v52;
	v7 =	vsel vm2, v14, v7  }
0x104: {  	[tilespmem:s31+$0xFFFFFF90] =	vst v48;
	v11 =	vld [tilespmem:s20+$0xFFFFFFA0];
	v15 =	vperm.xlane v1, v52;
	v10 =	vsel vm2, v13, v10;
	v25 =	vadd.f32 v2, v7  }
0x105: {  	[tilespmem:s31+$0xFFFFFFA0] =	vst v41;
	v13 =	vld [tilespmem:s20+$0xFFFFFFD0];
	v2 =	vadd.f32 v2, v19;
	v6 =	vmul.f32 v6, v17;
	v17 =	vperm.xlane v9, v52  }
0x106: {  	[tilespmem:s31+$0xFFFFFFB0] =	vst v49;
	v60 =	vperm.xlane v55, v52;
	v30 =	vperm.xlane v47, v52;
	v14 =	vld [tilespmem:s20+$0xFFFFFFC0];
	v7 =	vsel vm2, v15, v1  }
0x107: {  	v41 =	vld [tilespmem:s20+$0xFFFFFFE0];
	v26 =	vmul.f32 $2.000000030e-01, v2;
	v1 =	vsel vm2, v9, v17;
	v17 =	vmul.f32 $2.000000030e-01, v25  }
0x108: {  	v27 =	vperm.xlane v12, v52;
	v15 =	vld [tilespmem:s30+$0xFFFFFFC0];
	vm0 =	vge.f32 v25, $0.0e+00;
	vm1 =	vge.f32 v2, $0.0e+00  }
0x109: {  	[tilespmem:s31+$0x0] =	vst v37;
	v28 =	vld [tilespmem:s30+$0xFFFFFFD0];
	v59 =	vperm.xlane v54, v52;
	v2 =	vsel vm1, v2, v26;
	v17 =	vsel vm0, v25, v17  }
0x10a: {  	[tilespmem:s31+$0x10] =	vst v39;
	v46 =	vld [tilespmem:s30+$0xFFFFFFE0];
	v12 =	vsel vm2, v27, v12;
	v27 =	vperm.xlane v13, v52;
	v2 =	vsub.f32 v17, v2  }
0x10b: {  	[tilespmem:s31+$0x20] =	vst v34;
	v9 =	vperm.xlane v11, v52;
	v26 =	vperm.xlane v14, v52;
	v17 =	vld [tilespmem:s20+$0xFFFFFFF0]  }
0x10c: {  	[tilespmem:s31+$0x30] =	vst v38;
	v16 =	vsel vm2, v16, v45;
	v25 =	vperm.xlane v18, v52;
	v2 =	vmul.f32 $1.442695020e+00, v2  }
0x10d: {  	v48 =	vld [tilespmem:s20+$0x0];
	v20 =	vadd.f32 v10, v1;
	v11 =	vsel vm2, v11, v9;
	v9 =	vperm.xlane v15, v52  }
0x10e: {  	v49 =	vld [tilespmem:s30+$0x0];
	v25 =	vsel vm2, v25, v18;
	v18 =	vperm.xlane v28, v52;
	(erf) = vpow2.f32 v2  }
0x10f: {  	v14 =	vsel vm2, v14, v26;
	v26 =	vperm.xlane v41, v52;
	v2 =	vsel vm2, v13, v27  }
0x110: {  	[tilespmem:s31+$0x90] =	vst v31;
	v58 =	vld [tilespmem:s30+$0x30];
	v13 =	vsel vm2, v18, v28;
	v27 =	vperm.xlane v46, v52;
	v28 =	vperm.xlane v17, v52  }
0x111: {  	v56 =	vld [tilespmem:s30+$0x20];
	[tilespmem:s31+$0xA0] =	vst v29;
	v15 =	vsel vm2, v9, v15;
	v36 =	vsel vm2, v41, v26;
	v26 =	vadd.f32 v10, v19  }
0x112: {  	v57 =	vld [tilespmem:s20+$0x30];
	[tilespmem:s31+$0xB0] =	vst v53;
	v1 =	vsel vm2, v27, v46;
	v10 =	vsel vm2, v17, v28;
	v17 =	vperm.xlane v48, v52  }
0x113: {  	v61 =	vld [tilespmem:s30+$0x40];
	[tilespmem:s31+$0xC0] =	vst v62;
	v27 =	vadd.f32 v12, v11;
	v11 =	vsel vm2, v30, v47;
	v30 =	vperm.xlane v49, v52  }
0x114: {  	[tilespmem:s31+$0xD0] =	vst v0;
	v28 =	vadd.f32 v12, v19;
	v12 =	vsel vm2, v48, v17;
	v17 =	vperm.xlane v33, v52  }
0x115: {  	[tilespmem:s31+$0xE0] =	vst v63;
	v63 =	vld [tilespmem:s20+$0x50];
	v29 =	vadd.f32 v25, v16;
	v16 =	vsel vm2, v30, v49;
	v30 =	vadd.f32 v25, v19  }
0x116: {  	[tilespmem:s31+$0xF0] =	vst v40;
	v0 =	vld [tilespmem:$0x1FFD0];
	v25 =	vsel vm2, v33, v17;
	v33 =	vadd.f32 v13, v2;
	v2 =	vperm.xlane v58, v52  }
0x117: {  	v62 =	vperm.xlane v56, v52;
	v31 =	vadd.f32 v15, v14;
	v14 =	vsel vm2, v59, v54;
	v54 =	vld [tilespmem:s30+$0x50];
	[tilespmem:s0+$0x140] =	vst v3;
	v49 =	vpop (erf)  }
0x118: {  	s31 =	sadd.s32 $0x400, s31;
	v3 =	vld [tilespmem:s0+$0x160];
	v42 =	vsel vm2, v2, v58;
	v2 =	vperm.xlane v61, v52;
	[tilespmem:s20+$0x70] =	vst v49  }
0x119: {  	v32 =	vadd.f32 v15, v19;
	v15 =	vsel vm2, v55, v60;
	v55 =	vsel vm2, v62, v56;
	v56 =	vld [tilespmem:s31+$0x1F0]  }
0x11a: {  	v44 =	vsel vm2, v2, v61;
	v2 =	vld [tilespmem:s0+$0x150];
	_ =	sdelay $0x1  }
0x11b: {  	v43 =	vld [tilespmem:s20+$0x40];
	[tilespmem:s0+$0x110] =	vst v23  }
0x11c: {  	[tilespmem:$0x1FC60] =	vst v3;
	v23 =	vperm.xlane v49, v0  }
0x11d: {  	v3 =	vld [tilespmem:s0+$0x1A0];
	[tilespmem:s0+$0x1C0] =	vst v5  }
0x11e: {  	[tilespmem:$0x1FC50] =	vst v2;
	v2 =	vmul.f32 v56, v23  }
0x11f: {  	[tilespmem:s0+$0x1D0] =	vst v8  }
0x120: {  	[tilespmem:s31+$0x1F0] =	vst v2  }
0x121: {  	[tilespmem:s0+$0x1E0] =	vst v6  }
0x122: {  	[tilespmem:$0x1FCA0] =	vst v3;
	v3 =	vld [tilespmem:s31+$0x1C0];
	_ =	sdelay $0x4  }
0x123: {  	[tilespmem:$0x1FE90] =	vst v3;
	v3 =	vld [tilespmem:s31+$0x1D0];
	_ =	sdelay $0x4  }
0x124: {  	[tilespmem:$0x1FEB0] =	vst v3;
	v3 =	vld [tilespmem:s31+$0x1E0];
	_ =	sdelay $0x2  }
0x125: {  	v21 =	vadd.f32 v7, v19;
	_ =	sdelay $0x1  }
0x126: {  	vm0 =	vge.f32 v21, $0.0e+00;
	[tilespmem:$0x1FED0] =	vst v3;
	v3 =	vimm.s32 $0x0  }
0x127: {  	v3 =	vsel vm0, $0xFFFFFFFF, v3  }
0x128: {  	vm0 =	vge.f32 v20, $0.0e+00;
	[tilespmem:$0x1FB70] =	vst v3;
	v3 =	vimm.s32 $0x0  }
0x129: {  	v3 =	vsel vm0, $0xFFFFFFFF, v3  }
0x12a: {  	vm0 =	vge.f32 v26, $0.0e+00;
	[tilespmem:$0x1FB80] =	vst v3;
	v3 =	vimm.s32 $0x0  }
0x12b: {  	v35 =	vadd.f32 v1, v36;
	v36 =	vadd.f32 v1, v19;
	v3 =	vsel vm0, $0xFFFFFFFF, v3  }
0x12c: {  	v1 =	vperm.xlane v54, v52;
	vm0 =	vge.f32 v27, $0.0e+00;
	[tilespmem:$0x1FB90] =	vst v3;
	v3 =	vimm.s32 $0x0  }
0x12d: {  	v59 =	vld [tilespmem:s20+$0xFFFFFF80];
	v38 =	vadd.f32 v11, v19;
	v37 =	vadd.f32 v11, v10;
	v3 =	vsel vm0, $0xFFFFFFFF, v3  }
0x12e: {  	v11 =	vsel vm2, v1, v54;
	v1 =	vld [tilespmem:s0+$0x170];
	vm0 =	vge.f32 v28, $0.0e+00;
	[tilespmem:$0x1FBA0] =	vst v3;
	v3 =	vimm.s32 $0x0  }
0x12f: {  	[tilespmem:s0+$0x100] =	vst v24;
	v24 =	vperm.xlane v43, v52;
	v3 =	vsel vm0, $0xFFFFFFFF, v3  }
0x130: {  	v53 =	vperm.xlane v57, v52;
	vm0 =	vge.f32 v29, $0.0e+00;
	[tilespmem:$0x1FBB0] =	vst v3;
	v3 =	vimm.s32 $0x0  }
0x131: {  	v43 =	vsel vm2, v43, v24;
	v39 =	vadd.f32 v16, v12;
	v3 =	vsel vm0, $0xFFFFFFFF, v3  }
0x132: {  	v12 =	vperm.xlane v59, v52;
	v58 =	vld [tilespmem:s30+$0x60];
	vm0 =	vge.f32 v30, $0.0e+00;
	[tilespmem:$0x1FBC0] =	vst v3;
	v3 =	vimm.s32 $0x0  }
0x133: {  	v34 =	vadd.f32 v13, v19;
	v13 =	vsel vm2, v57, v53;
	v57 =	vld [tilespmem:s20+$0x60];
	[tilespmem:$0x1FC70] =	vst v1;
	v3 =	vsel vm0, $0xFFFFFFFF, v3  }
0x134: {  	v12 =	vsel vm2, v59, v12;
	v1 =	vld [tilespmem:s0+$0x180];
	vm0 =	vge.f32 v31, $0.0e+00;
	[tilespmem:$0x1FBD0] =	vst v3;
	v3 =	vimm.s32 $0x0  }
0x135: {  	[tilespmem:s0+$0x130] =	vst v4;
	v40 =	vadd.f32 v16, v19;
	v7 =	vadd.f32 v7, v12;
	v3 =	vsel vm0, $0xFFFFFFFF, v3  }
0x136: {  	v13 =	vadd.f32 v42, v13;
	v2 =	vld [tilespmem:s0+$0x190];
	vm0 =	vge.f32 v32, $0.0e+00;
	[tilespmem:$0x1FBE0] =	vst v3;
	v3 =	vimm.s32 $0x0  }
0x137: {  	[tilespmem:s0+$0x120] =	vst v22;
	v5 =	vimm.s32 $0x0;
	v8 =	vperm.xlane v58, v52;
	v3 =	vsel vm0, $0xFFFFFFFF, v3  }
0x138: {  	v23 =	vperm.xlane v57, v52;
	vm0 =	vge.f32 v33, $0.0e+00;
	[tilespmem:$0x1FBF0] =	vst v3;
	v3 =	vimm.s32 $0x0  }
0x139: {  	[tilespmem:$0x1FC80] =	vst v1;
	v1 =	vadd.f32 v14, v25;
	v8 =	vsel vm2, v8, v58;
	v3 =	vsel vm0, $0xFFFFFFFF, v3  }
0x13a: {  	v16 =	vsel vm2, v57, v23;
	vm0 =	vge.f32 v34, $0.0e+00;
	[tilespmem:$0x1FC00] =	vst v3;
	v3 =	vimm.s32 $0x0  }
0x13b: {  	v6 =	vadd.f32 v55, v15;
	[tilespmem:$0x1FC90] =	vst v2;
	v3 =	vsel vm0, $0xFFFFFFFF, v3;
	vm0 =	vge.f32 v35, $0.0e+00  }
0x13c: {  	v15 =	vadd.f32 v42, v19;
	v42 =	vadd.f32 v44, v43;
	[tilespmem:$0x1FC10] =	vst v3;
	v5 =	vsel vm0, $0xFFFFFFFF, v5  }
0x13d: {  	v43 =	vadd.f32 v44, v19;
	v44 =	vmul.f32 $2.000000030e-01, v7;
	v16 =	vadd.f32 v8, v16;
	[tilespmem:$0x1FC20] =	vst v5  }
0x13e: {  	v25 =	vld [tilespmem:s0+$0x1B0];
	v8 =	vadd.f32 v8, v19;
	vm0 =	vge.f32 v38, $0.0e+00;
	[tilespmem:$0x1FB60] =	vst v0;
	v0 =	vimm.s32 $0x0  }
0x13f: {  	vm13 =	vge.f32 v7, $0.0e+00;
	v0 =	vsel vm0, $0xFFFFFFFF, v0  }
0x140: {  	v7 =	vsel vm13, v7, v44;
	v44 =	vimm.s32 $0x0;
	vm0 =	vge.f32 v8, $0.0e+00;
	[tilespmem:$0x1FC30] =	vst v0  }
0x141: {  	v44 =	vsel vm0, $0xFFFFFFFF, v44;
	v0 =	vld [tilespmem:$0x1FB60]  }
0x142: {  	[tilespmem:$0x1FC40] =	vst v44;
	v44 =	vld [tilespmem:$0x1FB70];
	_ =	sdelay $0x1  }
0x143: {  	v22 =	vperm.xlane v63, v52;
	_ =	sdelay $0x1  }
0x144: {  	v10 =	vsel vm2, v63, v22;
	v22 =	vmul.f32 $2.000000030e-01, v21  }
0x145: {  	vm0 =	vnez.u8 v44  }
0x146: {  	v22 =	vsel vm0, v21, v22;
	v21 =	vld [tilespmem:$0x1FB80];
	_ =	sdelay $0x3  }
0x147: {  	v41 =	vmul.f32 $2.000000030e-01, v20  }
0x148: {  	vm0 =	vnez.u8 v21  }
0x149: {  	v21 =	vsel vm0, v20, v41;
	v20 =	vld [tilespmem:$0x1FB90];
	_ =	sdelay $0x4  }
0x14a: {  	vm0 =	vnez.u8 v20;
	v20 =	vld [tilespmem:$0x1FBA0];
	_ =	sdelay $0x2  }
0x14b: {  	v45 =	vmul.f32 $2.000000030e-01, v26;
	_ =	sdelay $0x1  }
0x14c: {  	v26 =	vsel vm0, v26, v45;
	vm0 =	vnez.u8 v20;
	v20 =	vld [tilespmem:$0x1FBB0];
	_ =	sdelay $0x2  }
0x14d: {  	v46 =	vmul.f32 $2.000000030e-01, v27;
	_ =	sdelay $0x1  }
0x14e: {  	v27 =	vsel vm0, v27, v46;
	vm0 =	vnez.u8 v20;
	v20 =	vld [tilespmem:$0x1FBC0];
	_ =	sdelay $0x2  }
0x14f: {  	v47 =	vmul.f32 $2.000000030e-01, v28;
	_ =	sdelay $0x1  }
0x150: {  	v28 =	vsel vm0, v28, v47;
	vm0 =	vnez.u8 v20;
	v20 =	vld [tilespmem:$0x1FBD0];
	_ =	sdelay $0x2  }
0x151: {  	v48 =	vmul.f32 $2.000000030e-01, v29;
	_ =	sdelay $0x1  }
0x152: {  	v29 =	vsel vm0, v29, v48;
	vm0 =	vnez.u8 v20;
	v20 =	vld [tilespmem:$0x1FBE0];
	_ =	sdelay $0x2  }
0x153: {  	v24 =	vmul.f32 $2.000000030e-01, v30;
	_ =	sdelay $0x1  }
0x154: {  	v30 =	vsel vm0, v30, v24;
	vm0 =	vnez.u8 v20;
	v20 =	vld [tilespmem:$0x1FBF0];
	_ =	sdelay $0x2  }
0x155: {  	v50 =	vmul.f32 $2.000000030e-01, v31;
	_ =	sdelay $0x1  }
0x156: {  	v31 =	vsel vm0, v31, v50;
	vm0 =	vnez.u8 v20;
	v20 =	vld [tilespmem:$0x1FC00];
	_ =	sdelay $0x2  }
0x157: {  	v51 =	vmul.f32 $2.000000030e-01, v32;
	_ =	sdelay $0x1  }
0x158: {  	v32 =	vsel vm0, v32, v51;
	vm0 =	vnez.u8 v20;
	v20 =	vld [tilespmem:$0x1FC10];
	_ =	sdelay $0x2  }
0x159: {  	v23 =	vmul.f32 $2.000000030e-01, v33  }
0x15a: {  	v54 =	vmul.f32 $2.000000030e-01, v35;
	v10 =	vadd.f32 v11, v10;
	v53 =	vmul.f32 $2.000000030e-01, v34  }
0x15b: {  	v60 =	vmul.f32 $2.000000030e-01, v1;
	v33 =	vsel vm0, v33, v23;
	vm0 =	vnez.u8 v20;
	v20 =	vld [tilespmem:$0x1FC20]  }
0x15c: {  	vm11 =	vge.f32 v10, $0.0e+00;
	vm3 =	vge.f32 v1, $0.0e+00;
	v57 =	vmul.f32 $2.000000030e-01, v38  }
0x15d: {  	v1 =	vsel vm3, v1, v60;
	v62 =	vmul.f32 $2.000000030e-01, v6;
	v18 =	vmul.f32 $2.000000030e-01, v15  }
0x15e: {  	vm5 =	vge.f32 v6, $0.0e+00;
	vm8 =	vge.f32 v15, $0.0e+00;
	v2 =	vadd.f32 v14, v19  }
0x15f: {  	v14 =	vadd.f32 v55, v19;
	v6 =	vsel vm5, v6, v62;
	v3 =	vmul.f32 $2.000000030e-01, v10  }
0x160: {  	v61 =	vmul.f32 $2.000000030e-01, v2;
	v34 =	vsel vm0, v34, v53;
	vm0 =	vnez.u8 v20;
	v20 =	vld [tilespmem:$0x1FC30]  }
0x161: {  	v63 =	vmul.f32 $2.000000030e-01, v14;
	vm4 =	vge.f32 v2, $0.0e+00;
	v3 =	vsel vm11, v10, v3;
	v10 =	vld [tilespmem:$0x1FC40]  }
0x162: {  	v15 =	vsel vm8, v15, v18;
	vm6 =	vge.f32 v14, $0.0e+00;
	v2 =	vsel vm4, v2, v61  }
0x163: {  	v14 =	vsel vm6, v14, v63;
	v1 =	vsub.f32 v1, v2;
	v53 =	vld [tilespmem:$0x1FFF0];
	v18 =	vsub.f32 v33, v34  }
0x164: {  	v9 =	vmul.f32 $2.000000030e-01, v8;
	v2 =	vsub.f32 v6, v14;
	v7 =	vsub.f32 v7, v22  }
0x165: {  	v14 =	vmul.f32 $1.442695020e+00, v18;
	v18 =	vld [tilespmem:$0x1FFC0];
	v35 =	vsel vm0, v35, v54;
	vm0 =	vnez.u8 v20  }
0x166: {  	v7 =	vmul.f32 $1.442695020e+00, v7;
	v38 =	vsel vm0, v38, v57;
	vm0 =	vnez.u8 v10  }
0x167: {  	v8 =	vsel vm0, v8, v9;
	v9 =	vsub.f32 v21, v26;
	v26 =	vld [tilespmem:$0x1FFE0]  }
0x168: {  	v11 =	vadd.f32 v11, v19;
	(erf) = vpow2.f32 v7;
	v7 =	vperm.xlane v49, v53;
	_ =	sdelay $0x1  }
0x169: {  	v4 =	vmul.f32 $2.000000030e-01, v11;
	[tilespmem:$0x1FEA0] =	vst v7;
	v7 =	vperm.xlane v49, v18  }
0x16a: {  	vm12 =	vge.f32 v11, $0.0e+00;
	v9 =	vmul.f32 $1.442695020e+00, v9  }
0x16b: {  	v4 =	vsel vm12, v11, v4;
	[tilespmem:$0x1FEC0] =	vst v7;
	v7 =	vld [tilespmem:$0x1FF30];
	v11 =	vperm.xlane v49, v26  }
0x16c: {  	v5 =	vmul.f32 $2.000000030e-01, v16;
	v10 =	vsub.f32 v27, v28;
	(erf) = vpow2.f32 v9;
	v9 =	vld [tilespmem:$0x1FC50]  }
0x16d: {  	vm13 =	vge.f32 v16, $0.0e+00;
	v55 =	vmul.f32 $2.000000030e-01, v36;
	[tilespmem:$0x1FE80] =	vst v11;
	v11 =	vsub.f32 v29, v30  }
0x16e: {  	v5 =	vsel vm13, v16, v5;
	v16 =	vsub.f32 v31, v32;
	v10 =	vmul.f32 $1.442695020e+00, v10  }
0x16f: {  	v19 =	vmul.f32 $2.000000030e-01, v13;
	v11 =	vmul.f32 $1.442695020e+00, v11  }
0x170: {  	v6 =	vmul.f32 $1.442695020e+00, v16;
	(erf) = vpow2.f32 v10  }
0x171: {  	vm14 =	vge.f32 v36, $0.0e+00;
	v7 =	vmul.f32 v9, v7;
	v9 =	vld [tilespmem:$0x1FC60];
	(erf) = vpow2.f32 v11  }
0x172: {  	vm7 =	vge.f32 v13, $0.0e+00;
	v36 =	vsel vm14, v36, v55;
	(erf) = vpow2.f32 v6;
	v6 =	vld [tilespmem:$0x1FF40]  }
0x173: {  	v13 =	vsel vm7, v13, v19;
	v19 =	vsub.f32 v35, v36;
	_ =	sdelay $0x1  }
0x174: {  	v3 =	vsub.f32 v3, v4;
	v4 =	vsub.f32 v5, v8;
	v5 =	vmul.f32 $1.442695020e+00, v19  }
0x175: {  	[tilespmem:s0+$0x150] =	vst v7;
	v7 =	vld [tilespmem:$0x1FF50];
	(erf) = vpow2.f32 v14  }
0x176: {  	(erf) = vpow2.f32 v5;
	v5 =	vld [tilespmem:$0x1FF60];
	v6 =	vmul.f32 v9, v6  }
0x177: {  	v9 =	vld [tilespmem:$0x1FC70]  }
0x178: {  	[tilespmem:s0+$0x160] =	vst v6;
	v6 =	vld [tilespmem:$0x1FC80];
	_ =	sdelay $0x3  }
0x179: {  	v56 =	vmul.f32 $2.000000030e-01, v37;
	v7 =	vmul.f32 v9, v7  }
0x17a: {  	vm15 =	vge.f32 v37, $0.0e+00;
	v5 =	vmul.f32 v6, v5;
	v6 =	vld [tilespmem:$0x1FF70]  }
0x17b: {  	v37 =	vsel vm15, v37, v56;
	[tilespmem:s0+$0x170] =	vst v7;
	v7 =	vld [tilespmem:$0x1FC90]  }
0x17c: {  	v21 =	vsub.f32 v37, v38  }
0x17d: {  	v58 =	vmul.f32 $2.000000030e-01, v39  }
0x17e: {  	v59 =	vmul.f32 $2.000000030e-01, v40;
	vm1 =	vge.f32 v39, $0.0e+00;
	v8 =	vmul.f32 $1.442695020e+00, v21  }
0x17f: {  	vm2 =	vge.f32 v40, $0.0e+00;
	v39 =	vsel vm1, v39, v58;
	[tilespmem:s0+$0x180] =	vst v5;
	v5 =	vld [tilespmem:$0x1FF80]  }
0x180: {  	v40 =	vsel vm2, v40, v59;
	(erf) = vpow2.f32 v8;
	v8 =	vmul.f32 v7, v6;
	v7 =	vld [tilespmem:$0x1FCA0]  }
0x181: {  	v22 =	vsub.f32 v39, v40;
	_ =	sdelay $0x1  }
0x182: {  	v13 =	vsub.f32 v13, v15;
	v15 =	vmul.f32 $1.442695020e+00, v22  }
0x183: {  	v1 =	vmul.f32 $1.442695020e+00, v1;
	v2 =	vmul.f32 $1.442695020e+00, v2  }
0x184: {  	(erf) = vpow2.f32 v15;
	v5 =	vmul.f32 v7, v5;
	v7 =	vpop (erf)  }
0x185: {  	(erf) = vpow2.f32 v1;
	[tilespmem:s20+$0xFFFFFF80] =	vst v7  }
0x186: {  	v6 =	vpop (erf);
	(erf) = vpow2.f32 v2;
	v2 =	vld [tilespmem:s31+$0xFFFFFE00];
	_ =	sdelay $0x4  }
0x187: {  	[tilespmem:$0x1FCB0] =	vst v2;
	v2 =	vperm.xlane v7, v53;
	_ =	sdelay $0x1  }
0x188: {  	[tilespmem:$0x1FCC0] =	vst v2;
	v2 =	vld [tilespmem:s31+$0xFFFFFE10];
	_ =	sdelay $0x3  }
0x189: {  	v12 =	vmul.f32 $2.000000030e-01, v42;
	v17 =	vmul.f32 $2.000000030e-01, v43  }
0x18a: {  	vm9 =	vge.f32 v42, $0.0e+00;
	vm10 =	vge.f32 v43, $0.0e+00;
	[tilespmem:$0x1FCD0] =	vst v2;
	v2 =	vperm.xlane v7, v18  }
0x18b: {  	v12 =	vsel vm9, v42, v12;
	v17 =	vsel vm10, v43, v17  }
0x18c: {  	v12 =	vsub.f32 v12, v17;
	[tilespmem:$0x1FCE0] =	vst v2;
	v2 =	vld [tilespmem:s31+$0xFFFFFE20]  }
0x18d: {  	v13 =	vmul.f32 $1.442695020e+00, v13  }
0x18e: {  	v12 =	vmul.f32 $1.442695020e+00, v12;
	v3 =	vmul.f32 $1.442695020e+00, v3  }
0x18f: {  	v4 =	vmul.f32 $1.442695020e+00, v4;
	[tilespmem:s0+$0x190] =	vst v8;
	v8 =	vpop (erf);
	(erf) = vpow2.f32 v13  }
0x190: {  	v54 =	vperm.xlane v7, v26;
	v9 =	vpop (erf);
	(erf) = vpow2.f32 v12  }
0x191: {  	v20 =	vld [tilespmem:$0x1FFB0];
	[tilespmem:$0x1FCF0] =	vst v2;
	v2 =	vperm.xlane v7, v0;
	v7 =	vpop (erf);
	(erf) = vpow2.f32 v3  }
0x192: {  	v3 =	vpop (erf);
	(erf) = vpow2.f32 v4  }
0x193: {  	[tilespmem:$0x1FD00] =	vst v2;
	v2 =	vld [tilespmem:s31+$0xFFFFFE30];
	v4 =	vpop (erf)  }
0x194: {  	v15 =	vpop (erf)  }
0x195: {  	v19 =	vpop (erf)  }
0x196: {  	vm2 =	vnez.u8 v20;
	v20 =	vpop (erf)  }
0x197: {  	v1 =	vld [tilespmem:$0x1FF90];
	v21 =	vpop (erf)  }
0x198: {  	[tilespmem:$0x1FD10] =	vst v2;
	v2 =	vperm.xlane v6, v26;
	v23 =	vpop (erf)  }
0x199: {  	[tilespmem:s20+$0xFFFFFF90] =	vst v6;
	v27 =	vpop (erf)  }
0x19a: {  	[tilespmem:$0x1FD20] =	vst v2;
	v2 =	vld [tilespmem:s31+$0xFFFFFE40];
	v22 =	vpop (erf)  }
0x19b: {  	[tilespmem:s20+$0xFFFFFFE0] =	vst v4;
	v24 =	vpop (erf)  }
0x19c: {  	v1 =	vmul.f32 v25, v1;
	[tilespmem:s20+$0x60] =	vst v24  }
0x19d: {  	[tilespmem:s0+$0x1A0] =	vst v5  }
0x19e: {  	[tilespmem:s0+$0x1B0] =	vst v1;
	v1 =	vperm.xlane v19, v53  }
0x19f: {  	v5 =	vperm.xlane v22, v53;
	[tilespmem:$0x1FD30] =	vst v2  }
0x1a0: {  	v2 =	vperm.xlane v6, v53;
	[tilespmem:$0x1FDC0] =	vst v1  }
0x1a1: {  	v1 =	vperm.xlane v19, v18;
	[tilespmem:$0x1FF30] =	vst v5  }
0x1a2: {  	v5 =	vperm.xlane v22, v18;
	[tilespmem:$0x1FD40] =	vst v2  }
0x1a3: {  	[tilespmem:$0x1FDD0] =	vst v1;
	v1 =	vperm.xlane v19, v0  }
0x1a4: {  	v2 =	vperm.xlane v6, v18;
	[tilespmem:$0x1FF40] =	vst v5  }
0x1a5: {  	[tilespmem:$0x1FDE0] =	vst v1;
	v1 =	vperm.xlane v20, v26  }
0x1a6: {  	v5 =	vperm.xlane v22, v0;
	[tilespmem:$0x1FD50] =	vst v2  }
0x1a7: {  	[tilespmem:$0x1FDF0] =	vst v1;
	v1 =	vperm.xlane v20, v53  }
0x1a8: {  	v2 =	vperm.xlane v6, v0;
	[tilespmem:$0x1FF50] =	vst v5  }
0x1a9: {  	v45 =	vperm.xlane v9, v18;
	[tilespmem:$0x1FE00] =	vst v1;
	v1 =	vperm.xlane v20, v18  }
0x1aa: {  	v49 =	vperm.xlane v9, v0;
	v5 =	vperm.xlane v24, v26;
	[tilespmem:$0x1FD60] =	vst v2  }
0x1ab: {  	v44 =	vperm.xlane v7, v18;
	[tilespmem:$0x1FE10] =	vst v1;
	v1 =	vperm.xlane v20, v0  }
0x1ac: {  	v43 =	vperm.xlane v7, v0;
	v2 =	vperm.xlane v8, v26;
	[tilespmem:$0x1FF60] =	vst v5  }
0x1ad: {  	v48 =	vperm.xlane v3, v18;
	[tilespmem:$0x1FE20] =	vst v1;
	v1 =	vperm.xlane v21, v26  }
0x1ae: {  	v37 =	vperm.xlane v3, v0;
	v5 =	vperm.xlane v24, v53;
	[tilespmem:$0x1FD70] =	vst v2  }
0x1af: {  	v36 =	vperm.xlane v4, v26;
	[tilespmem:$0x1FE40] =	vst v1;
	v1 =	vperm.xlane v21, v53  }
0x1b0: {  	v41 =	vperm.xlane v4, v53;
	v2 =	vperm.xlane v8, v53;
	[tilespmem:$0x1FF70] =	vst v5  }
0x1b1: {  	v33 =	vperm.xlane v4, v18;
	[tilespmem:$0x1FE50] =	vst v1;
	v1 =	vperm.xlane v21, v18  }
0x1b2: {  	v34 =	vperm.xlane v4, v0;
	v5 =	vperm.xlane v24, v18;
	[tilespmem:$0x1FD80] =	vst v2  }
0x1b3: {  	v32 =	vperm.xlane v15, v18;
	[tilespmem:$0x1FE70] =	vst v1;
	v1 =	vperm.xlane v23, v26  }
0x1b4: {  	v38 =	vperm.xlane v15, v0;
	v2 =	vperm.xlane v8, v18;
	[tilespmem:$0x1FF80] =	vst v5;
	v5 =	vld [tilespmem:$0x1FCB0]  }
0x1b5: {  	v29 =	vperm.xlane v21, v0;
	[tilespmem:$0x1FE30] =	vst v1;
	v1 =	vperm.xlane v23, v0  }
0x1b6: {  	v14 =	vperm.xlane v27, v53;
	v4 =	vperm.xlane v27, v18;
	[tilespmem:$0x1FD90] =	vst v2  }
0x1b7: {  	v2 =	vperm.xlane v8, v0;
	[tilespmem:$0x1FE60] =	vst v1;
	v1 =	vperm.xlane v27, v26  }
0x1b8: {  	[tilespmem:s20+$0x40] =	vst v27;
	v27 =	vperm.xlane v27, v0;
	v0 =	vperm.xlane v24, v0  }
0x1b9: {  	v30 =	vperm.xlane v23, v18;
	v18 =	vmul.f32 v5, v54;
	v5 =	vld [tilespmem:$0x1FCD0]  }
0x1ba: {  	[tilespmem:$0x1FF90] =	vst v0;
	v0 =	vld [tilespmem:$0x1FCC0];
	_ =	sdelay $0x4  }
0x1bb: {  	v24 =	vmul.f32 v5, v0;
	v0 =	vld [tilespmem:$0x1FCE0]  }
0x1bc: {  	v5 =	vld [tilespmem:$0x1FCF0];
	_ =	sdelay $0x2  }
0x1bd: {  	v46 =	vperm.xlane v9, v53;
	v51 =	vperm.xlane v7, v53  }
0x1be: {  	v40 =	vperm.xlane v3, v53;
	v47 =	vperm.xlane v15, v53  }
0x1bf: {  	v31 =	vperm.xlane v23, v53;
	v53 =	vmul.f32 v5, v0;
	v0 =	vld [tilespmem:$0x1FD00]  }
0x1c0: {  	v5 =	vld [tilespmem:$0x1FD10];
	_ =	sdelay $0x4  }
0x1c1: {  	[tilespmem:s31+$0xFFFFFE00] =	vst v18;
	v18 =	vmul.f32 v5, v0;
	v0 =	vld [tilespmem:$0x1FD20]  }
0x1c2: {  	v5 =	vld [tilespmem:$0x1FD30];
	_ =	sdelay $0x3  }
0x1c3: {  	v58 =	vld [tilespmem:s31+$0xFFFFFE50]  }
0x1c4: {  	[tilespmem:s20+$0x10] =	vst v20;
	v20 =	vmul.f32 v5, v0;
	v0 =	vld [tilespmem:$0x1FD40];
	_ =	sdelay $0x3  }
0x1c5: {  	v13 =	vld [tilespmem:s31+$0xFFFFFE60]  }
0x1c6: {  	[tilespmem:s31+$0xFFFFFE10] =	vst v24;
	v24 =	vmul.f32 v58, v0;
	v0 =	vld [tilespmem:$0x1FD50];
	_ =	sdelay $0x3  }
0x1c7: {  	v12 =	vld [tilespmem:s31+$0xFFFFFE70]  }
0x1c8: {  	v13 =	vmul.f32 v13, v0;
	v0 =	vld [tilespmem:$0x1FD60];
	_ =	sdelay $0x2  }
0x1c9: {  	[tilespmem:s20+$0xFFFFFFA0] =	vst v8  }
0x1ca: {  	v11 =	vld [tilespmem:s31+$0xFFFFFE80]  }
0x1cb: {  	v12 =	vmul.f32 v12, v0;
	v0 =	vld [tilespmem:$0x1FD70];
	_ =	sdelay $0x3  }
0x1cc: {  	v10 =	vld [tilespmem:s31+$0xFFFFFE90]  }
0x1cd: {  	v11 =	vmul.f32 v11, v0;
	v0 =	vld [tilespmem:$0x1FD80];
	_ =	sdelay $0x2  }
0x1ce: {  	[tilespmem:s20+$0xFFFFFFB0] =	vst v9  }
0x1cf: {  	[tilespmem:$0x1FDA0] =	vst v2;
	v2 =	vperm.xlane v9, v26;
	v9 =	vld [tilespmem:s31+$0xFFFFFEA0]  }
0x1d0: {  	v10 =	vmul.f32 v10, v0;
	v0 =	vld [tilespmem:$0x1FD90];
	_ =	sdelay $0x3  }
0x1d1: {  	v8 =	vld [tilespmem:s31+$0xFFFFFEB0]  }
0x1d2: {  	v9 =	vmul.f32 v9, v0;
	v0 =	vld [tilespmem:$0x1FDA0];
	_ =	sdelay $0x2  }
0x1d3: {  	[tilespmem:s20+$0xFFFFFFC0] =	vst v7  }
0x1d4: {  	v50 =	vperm.xlane v7, v26;
	v7 =	vld [tilespmem:s31+$0xFFFFFEC0];
	[tilespmem:$0x1FDB0] =	vst v2  }
0x1d5: {  	v8 =	vmul.f32 v8, v0;
	v0 =	vld [tilespmem:$0x1FDB0]  }
0x1d6: {  	v25 =	vld [tilespmem:s31+$0xFFFFFED0];
	[tilespmem:s20+$0xFFFFFFD0] =	vst v3  }
0x1d7: {  	v61 =	vld [tilespmem:s31+$0xFFFFFF70];
	[tilespmem:s20+$0x0] =	vst v19  }
0x1d8: {  	v54 =	vld [tilespmem:s31+$0x0]  }
0x1d9: {  	[tilespmem:s20+$0x20] =	vst v21;
	v21 =	vld [tilespmem:s31+$0x10]  }
0x1da: {  	v7 =	vmul.f32 v7, v0;
	v0 =	vld [tilespmem:$0x1FDC0];
	_ =	sdelay $0x1  }
0x1db: {  	v42 =	vperm.xlane v3, v26;
	v3 =	vld [tilespmem:s31+$0xFFFFFEF0]  }
0x1dc: {  	v17 =	vld [tilespmem:s31+$0xFFFFFFB0];
	v39 =	vperm.xlane v19, v26  }
0x1dd: {  	v58 =	vld [tilespmem:s31+$0x20];
	[tilespmem:s31+$0xFFFFFE50] =	vst v24;
	v24 =	vmul.f32 v25, v46;
	v46 =	vmul.f32 v61, v37  }
0x1de: {  	v37 =	vmul.f32 v54, v39;
	v39 =	vmul.f32 v21, v0;
	v0 =	vld [tilespmem:$0x1FDD0]  }
0x1df: {  	v55 =	vld [tilespmem:s31+$0xFFFFFF10]  }
0x1e0: {  	v57 =	vld [tilespmem:s31+$0xFFFFFF30];
	[tilespmem:s20+$0xFFFFFFF0] =	vst v15  }
0x1e1: {  	v35 =	vperm.xlane v15, v26;
	v28 =	vperm.xlane v22, v26;
	v26 =	vld [tilespmem:s31+$0xFFFFFFF0]  }
0x1e2: {  	v3 =	vmul.f32 v3, v49;
	[tilespmem:s31+$0xFFFFFE20] =	vst v53;
	v53 =	vld [tilespmem:s31+$0x30]  }
0x1e3: {  	v49 =	vmul.f32 v17, v34;
	v34 =	vmul.f32 v58, v0;
	v0 =	vld [tilespmem:$0x1FDE0]  }
0x1e4: {  	v59 =	vld [tilespmem:s31+$0xFFFFFF50]  }
0x1e5: {  	v19 =	vld [tilespmem:s31+$0xFFFFFF40]  }
0x1e6: {  	[tilespmem:s20+$0x50] =	vst v22;
	v22 =	vld [tilespmem:s31+$0xFFFFFFE0]  }
0x1e7: {  	v57 =	vmul.f32 v57, v43;
	[tilespmem:s31+$0xFFFFFE30] =	vst v18;
	v18 =	vld [tilespmem:s31+$0x40]  }
0x1e8: {  	v43 =	vmul.f32 v26, v38;
	v38 =	vmul.f32 v53, v0;
	v0 =	vld [tilespmem:$0x1FDF0]  }
0x1e9: {  	v60 =	vld [tilespmem:s31+$0xFFFFFF60]  }
0x1ea: {  	[tilespmem:$0x1FF20] =	vst v4;
	v4 =	vld [tilespmem:s31+$0xFFFFFFC0]  }
0x1eb: {  	v6 =	vld [tilespmem:s31+$0xFFFFFEE0];
	[tilespmem:s31+$0xFFFFFE40] =	vst v20  }
0x1ec: {  	v20 =	vld [tilespmem:s31+$0x50];
	[tilespmem:s31+$0xFFFFFE70] =	vst v12;
	v12 =	vmul.f32 v55, v51;
	v51 =	vmul.f32 v19, v42  }
0x1ed: {  	v42 =	vmul.f32 v22, v32;
	v32 =	vmul.f32 v18, v0;
	v0 =	vld [tilespmem:$0x1FE00]  }
0x1ee: {  	v63 =	vld [tilespmem:s31+$0xFFFFFF90]  }
0x1ef: {  	v15 =	vld [tilespmem:s31+$0xFFFFFFA0]  }
0x1f0: {  	v2 =	vld [tilespmem:s31+$0xFFFFFF00]  }
0x1f1: {  	[tilespmem:s20+$0x30] =	vst v23;
	v23 =	vld [tilespmem:s31+$0x60];
	v5 =	vmul.f32 v6, v45  }
0x1f2: {  	v45 =	vmul.f32 v4, v35;
	v35 =	vmul.f32 v20, v0;
	v0 =	vld [tilespmem:$0x1FE10];
	_ =	sdelay $0x1  }
0x1f3: {  	v56 =	vld [tilespmem:s31+$0xFFFFFF20]  }
0x1f4: {  	v62 =	vld [tilespmem:s31+$0xFFFFFF80];
	[tilespmem:s31+$0xFFFFFE60] =	vst v13;
	v13 =	vmul.f32 v2, v50;
	v50 =	vmul.f32 v59, v40  }
0x1f5: {  	v25 =	vld [tilespmem:s31+$0x70];
	v40 =	vmul.f32 v60, v48;
	v48 =	vmul.f32 v63, v41  }
0x1f6: {  	v41 =	vmul.f32 v15, v33;
	v33 =	vmul.f32 v23, v0;
	v0 =	vld [tilespmem:$0x1FE20];
	_ =	sdelay $0x1  }
0x1f7: {  	v16 =	vld [tilespmem:s31+$0xFFFFFFD0]  }
0x1f8: {  	v6 =	vld [tilespmem:s31+$0xC0]  }
0x1f9: {  	v55 =	vmul.f32 v56, v44;
	v56 =	vld [tilespmem:s31+$0x80]  }
0x1fa: {  	v44 =	vmul.f32 v62, v36;
	v36 =	vmul.f32 v25, v0;
	v0 =	vld [tilespmem:$0x1FE40]  }
0x1fb: {  	[tilespmem:s31+$0xFFFFFED0] =	vst v24;
	v24 =	vmov v1;
	v1 =	vld [tilespmem:s31+$0xE0]  }
0x1fc: {  	v60 =	vld [tilespmem:s31+$0xA0]  }
0x1fd: {  	v2 =	vld [tilespmem:s31+$0xB0]  }
0x1fe: {  	v19 =	vld [tilespmem:s31+$0x90]  }
0x1ff: {  	[tilespmem:s31+$0xFFFFFEF0] =	vst v3;
	v23 =	vmov v30;
	v30 =	vmul.f32 v56, v0;
	v0 =	vld [tilespmem:$0x1FE50]  }
0x200: {  	[tilespmem:s31+$0xFFFFFF00] =	vst v13;
	v13 =	vld [tilespmem:s31+$0x140]  }
0x201: {  	[tilespmem:s31+$0xFFFFFF10] =	vst v12;
	v12 =	vld [tilespmem:s31+$0x130]  }
0x202: {  	[tilespmem:s31+$0xFFFFFE80] =	vst v11;
	v11 =	vld [tilespmem:s31+$0x120]  }
0x203: {  	s1 =	sadd.s32 $0x10, s1;
	[tilespmem:s31+$0xFFFFFE90] =	vst v10;
	v10 =	vld [tilespmem:s31+$0xF0]  }
0x204: {  	p1 =	slt.u32 s1, $0x30;
	[tilespmem:s31+$0xFFFFFF30] =	vst v57;
	v20 =	vmov v31;
	v31 =	vmul.f32 v19, v0;
	v0 =	vld [tilespmem:$0x1FE70]  }
.Ltmp0:
0x205: {  	[tilespmem:s31+$0xFFFFFEA0] =	vst v9;
	v9 =	vld [tilespmem:s31+$0xD0];
	(pc) =	sbr.rel @p1 .LBB2_3-.Ltmp0, $4  }
0x206: {  	[tilespmem:s31+$0xFFFFFEB0] =	vst v8;
	v8 =	vld [tilespmem:s31+$0x110]  }
0x207: {  	[tilespmem:s31+$0xFFFFFEC0] =	vst v7;
	v7 =	vld [tilespmem:s31+$0x100]  }
0x208: {  	[tilespmem:s31+$0xFFFFFEE0] =	vst v5;
	v25 =	vld [tilespmem:$0x1FE30]  }
0x209: {  	v47 =	vmul.f32 v16, v47;
	s20 =	sadd.s32 $0x100, s20;
	s0 =	smov.u32 s31;
	v26 =	vmovc v14;
	v22 =	vmov v29;
	[tilespmem:s31+$0xFFFFFF20] =	vst v55;
	v19 =	vld [tilespmem:$0x1FE60];
	v29 =	vmul.f32 v60, v0  }
0x20a: {  	[tilespmem:s31+$0xFFFFFF40] =	vst v51  }
0x20b: {  	[tilespmem:s31+$0xFFFFFF50] =	vst v50  }
0x20c: {  	[tilespmem:s31+$0xFFFFFF60] =	vst v40  }
0x20d: {  	[tilespmem:s31+$0xFFFFFF70] =	vst v46  }
0x20e: {  	[tilespmem:s31+$0xFFFFFF80] =	vst v44  }
0x20f: {  	[tilespmem:s31+$0xFFFFFF90] =	vst v48  }
0x210: {  	[tilespmem:s31+$0xFFFFFFA0] =	vst v41  }
0x211: {  	[tilespmem:s31+$0xFFFFFFB0] =	vst v49  }
0x212: {  	[tilespmem:s31+$0xFFFFFFC0] =	vst v45  }
0x213: {  	[tilespmem:s31+$0xFFFFFFE0] =	vst v42  }
0x214: {  	[tilespmem:s31+$0xFFFFFFF0] =	vst v43  }
0x215: {  	[tilespmem:s31+$0x0] =	vst v37  }
0x216: {  	[tilespmem:s31+$0x10] =	vst v39  }
0x217: {  	[tilespmem:s31+$0x20] =	vst v34  }
0x218: {  	[tilespmem:s31+$0x30] =	vst v38  }
0x219: {  	[tilespmem:s31+$0x40] =	vst v32  }
0x21a: {  	[tilespmem:s31+$0x50] =	vst v35  }
0x21b: {  	[tilespmem:s31+$0x60] =	vst v33  }
0x21c: {  	[tilespmem:s31+$0x70] =	vst v36  }
0x21d: {  	[tilespmem:s31+$0x80] =	vst v30  }
0x21e: {  	[tilespmem:s31+$0x90] =	vst v31  }
0x21f: {  	v2 =	vmul.f32 v2, v22;
	[tilespmem:s31+$0xFFFFFFD0] =	vst v47  }
0x220: {  	v4 =	vmul.f32 v9, v20;
	[tilespmem:s31+$0xA0] =	vst v29  }
0x221: {  	v1 =	vmul.f32 v1, v23;
	[tilespmem:s31+$0xB0] =	vst v2  }
0x222: {  	[tilespmem:s31+$0xD0] =	vst v4;
	v3 =	vmul.f32 v6, v25  }
0x223: {  	[tilespmem:s31+$0xE0] =	vst v1;
	v2 =	vmul.f32 v10, v19  }
0x224: {  	[tilespmem:s31+$0xC0] =	vst v3;
	v3 =	vmul.f32 v13, v28  }
0x225: {  	[tilespmem:s31+$0xF0] =	vst v2  }
0x226: {  	[tilespmem:s0+$0x140] =	vst v3  }
0x227: {  	v1 =	vmul.f32 v7, v24;
	v0 =	vld [tilespmem:$0x1FF20]  }
0x228: {  	v2 =	vmul.f32 v8, v26  }
0x229: {  	[tilespmem:s0+$0x100] =	vst v1  }
0x22a: {  	[tilespmem:s0+$0x110] =	vst v2  }
0x22b: {  	v5 =	vld [tilespmem:$0x1FE80]  }
0x22c: {  	v3 =	vmul.f32 v11, v0;
	v0 =	vld [tilespmem:$0x1FE90];
	_ =	sdelay $0x2  }
0x22d: {  	[tilespmem:s0+$0x120] =	vst v3  }
0x22e: {  	v6 =	vld [tilespmem:$0x1FEA0]  }
0x22f: {  	v5 =	vmul.f32 v0, v5;
	v0 =	vld [tilespmem:$0x1FEB0]  }
0x230: {  	v4 =	vmul.f32 v12, v27;
	_ =	sdelay $0x1  }
0x231: {  	[tilespmem:s0+$0x130] =	vst v4  }
0x232: {  	v7 =	vld [tilespmem:$0x1FEC0]  }
0x233: {  	v6 =	vmul.f32 v0, v6;
	v0 =	vld [tilespmem:$0x1FED0];
	_ =	sdelay $0x2  }
0x234: {  	[tilespmem:s0+$0x1C0] =	vst v5  }
0x235: {  	v1 =	vld [tilespmem:s0+$0x150];
	[tilespmem:s0+$0x1D0] =	vst v6  }
0x236: {  	v7 =	vmul.f32 v0, v7;
	v0 =	vld [tilespmem:$0x1FF30];
	_ =	sdelay $0x3  }
0x237: {  	v2 =	vld [tilespmem:s0+$0x160];
	[tilespmem:s0+$0x1E0] =	vst v7  }
0x238: {  	v1 =	vmul.f32 v1, v0;
	v0 =	vld [tilespmem:$0x1FF40];
	_ =	sdelay $0x3  }
0x239: {  	v3 =	vld [tilespmem:s0+$0x170];
	[tilespmem:s0+$0x150] =	vst v1  }
0x23a: {  	v2 =	vmul.f32 v2, v0;
	v0 =	vld [tilespmem:$0x1FF50];
	_ =	sdelay $0x3  }
0x23b: {  	v4 =	vld [tilespmem:s0+$0x180];
	[tilespmem:s0+$0x160] =	vst v2  }
0x23c: {  	v1 =	vmul.f32 v3, v0;
	v0 =	vld [tilespmem:$0x1FF60];
	_ =	sdelay $0x3  }
0x23d: {  	v5 =	vld [tilespmem:s0+$0x190];
	[tilespmem:s0+$0x170] =	vst v1  }
0x23e: {  	v2 =	vmul.f32 v4, v0;
	v0 =	vld [tilespmem:$0x1FF70];
	_ =	sdelay $0x3  }
0x23f: {  	v6 =	vld [tilespmem:s0+$0x1A0];
	[tilespmem:s0+$0x180] =	vst v2  }
0x240: {  	v1 =	vmul.f32 v5, v0;
	v0 =	vld [tilespmem:$0x1FF80];
	_ =	sdelay $0x3  }
0x241: {  	v7 =	vld [tilespmem:s0+$0x1B0];
	[tilespmem:s0+$0x190] =	vst v1  }
0x242: {  	v2 =	vmul.f32 v6, v0;
	v0 =	vld [tilespmem:$0x1FF90];
	_ =	sdelay $0x4  }
0x243: {  	v1 =	vmul.f32 v7, v0  }
0x244: {  	s1 =	sshll.u32 s29, $0x6;
	s29 =	sadd.s32 $0x1, s29;
	[tilespmem:s0+$0x1A0] =	vst v2  }
0x245: {  	p1 =	sne.s32 s29, $0x54;
	[tilespmem:s0+$0x1B0] =	vst v1  }
.Ltmp1:
0x246: {  	s20 =	sshrl.u32 s2, $0x2;
	s1 =	sand.u32 $0x3FFFFFC0, s1;
	v54 =	vld [tilespmem:$0x1FFE0];
	(pc) =	sbr.rel @p1 .LBB2_2-.Ltmp1, $4  }
0x247: {  	s30 =	sadd.s32 $0x2A00, s20;
	s1 =	sadd.s32 $0x1500, s1;
	v58 =	vld [tilespmem:$0x1FFF0]  }
0x248: {  	[spmem:s3] =	stream.indirect.scatter.add.f32 [tilespmem:s30], [sflag:$0x2], $0x10, s1, s21, $0xb8;
	v3 =	vld [tilespmem:$0x1FFC0]  }
0x249: {  	p0 =	por !p0, !p0;
	s31 =	sadd.s32 $0x3A00, s2;
	v4 =	vld [tilespmem:$0x1FFD0]  }
0x24a: {  	v5 =	vld [tilespmem:$0x1FFA0];
	[spmem:s4] =	stream.indirect.scatter.add.f32 [tilespmem:s31], [sflag:$0x2], $0x40, s1, s21, $0xb8  }
0x24b: {  	_ =	swait.ge [sflag:s26], $0x400  }
0x24c: {  	[sflag:s26] =	ssyncset.done $0x0  }
0x24d: {  	[sflag:s26] =	ssyncadd.s32 $0xFFFFFC00  }
0x24e: {  	_ =	swait.ge [sflag:s26], $0x1000  }
0x24f: {  	[sflag:s26] =	ssyncset.done $0x0  }
0x250: {  	[sflag:s26] =	ssyncadd.s32 $0xFFFFF000  }
0x251: {  	[bflag:$0x0] =	sbarrier.arrive $0xFFFF  }
0x252: {  	[hbm:s13], [sflag:s9] =	dma.local [spmem:s16], $0x500  }
0x253: {  	s28 =	sadd.s32 $0x1, s28;
	_ =	swait.ge [sflag:s17], $0x500  }
0x254: {  	p0 =	sne.s32 s28, s15;
	[sflag:s17] =	ssyncset.done $0x0  }
.Ltmp2:
0x255: {  	[sflag:s17] =	ssyncadd.s32 $0xFFFFFB00;
	(pc) =	sbr.rel @p0 .LBB2_1-.Ltmp2, $4  }
0x256: {  	[hbm:s14], [sflag:s9] =	dma.local [spmem:s18], $0x1400  }
0x257: {  	_ =	swait.ge [sflag:s17], $0x1400  }
0x258: {  	[sflag:s17] =	ssyncset.done $0x0  }
0x259: {  	[sflag:s17] =	ssyncadd.s32 $0xFFFFEC00  }
0x25a: {  	_ =	sfence.sel $0x180000  }
0x25b: {  	[bflag:$0x0] =	sbarrier.arrive $0xFFFF  }
0x25c: {  	_ =	strace $0x9000004D  }
0x25d: {  	s0 =	stileid.u32;
	[bflag:$0x2] =	sbarrier.arrive $0xFFFF  }
0x25e: {  	p0 =	sne.s32 s0, $0x0;
	s0 =	rddreg [dreg:$0x4]  }
0x25f: {  	s0 =	sadd.s32 @!p0 $0x100000, s0  }
0x260: {  	[sflag:s0] =	ssyncadd.tile.s32 @!p0 $0x1;
	_ =	shalt  }
.Lfunc_end2:
_tile_overlayer_lowered:
.L_overlay_start_2:
0x261: {  	(tag) =	ssettag $0x2  }
0x262: {  	s0 =	rddreg [dreg:$0x0];
	s2 =	stileid.u32  }
0x263: {  	s1 =	rddreg [dreg:$0x1];
	p0 =	sne.s32 s2, $0x0  }
0x264: {  	s3 =	rddreg [dreg:$0x2];
	[bflag:$0x3] =	sbarrier.arrive $0xFFFF;
	s2 =	simm.s32 @!p0 $0x1C03  }
0x265: {  	[timem:s3], [sflag:s2] =	dma.local @!p0 [hbm:s0], s1  }
0x266: {  	s0 =	simm.s32 @!p0 $0x3  }
0x267: {  	_ =	swait.ge @!p0 [sflag:s0], s1  }
0x268: {  	s1 =	ssub.s32 @!p0 $0x0, s1;
	[sflag:s0] =	ssyncset.done @!p0 $0x0  }
0x269: {  	[sflag:s0] =	ssyncadd.s32 @!p0 s1  }
0x26a: {  	[bflag:$0x3] =	sbarrier.arrive $0xFFFF  }
0x26b: {  	_ =	shalt  }

// kernel: kernel.9.cloned.1.call-start
scs
__scs_entry_jumppad:
0x0: {  	(pc) =	sbr.rel $0x88, $3  }
0x1: {  	(tag) =	ssettag $0x0;
	lr =	simm.s32 $0x1  }
0x2: {  	[smem:$0x3F91] =	sst lr;
	_ =	strace $0xD0000000  }
0x3: {  	_ = 	snop  }
0x4: {  	_ = 	snop  }
0x5: {  	_ = 	snop  }
0x6: {  	_ = 	snop  }
0x7: {  	_ = 	snop  }
__scs_overlays_trampoline_lowered:
0x8: {  	[smem:$0x3FA0] =	sst s0  }
0x9: {  	[smem:$0x3FA1] =	sst s1  }
0xa: {  	[smem:$0x3FA2] =	sst s2  }
0xb: {  	[smem:$0x3FA3] =	sst s3  }
0xc: {  	[smem:$0x3FA4] =	sst s4  }
0xd: {  	[smem:$0x3FA5] =	sst s5  }
0xe: {  	[smem:$0x3FA6] =	sst s6  }
0xf: {  	[smem:$0x3FA7] =	sst s7  }
0x10: {  	[smem:$0x3FA8] =	sst s8  }
0x11: {  	[smem:$0x3FA9] =	sst s9;
	s0 =	simm.s32 @!p0 $0x0  }
0x12: {  	s1 =	sld [smem:$0x3F8F];
	s0 =	simm.s32 @p0 $0x1  }
0x13: {  	[smem:$0x3FAA] =	sst s0;
	s0 =	simm.s32 @!p1 $0x0  }
0x14: {  	s2 =	sld [smem:$0x3F8E];
	s0 =	simm.s32 @p1 $0x1  }
0x15: {  	[smem:$0x3FAB] =	sst s0;
	s0 =	simm.s32 @!p2 $0x0  }
0x16: {  	s3 =	sld [smem:$0x3FDB];
	s0 =	simm.s32 @p2 $0x1  }
0x17: {  	s4 =	simm.s32 $0x1BF5;
	[smem:$0x3FAD] =	sst s0  }
0x18: {  	s0 =	sld [smem:$0x3F90];
	_ =	swait.ge [sflag:s4], $0x0  }
0x19: {  	s7 =	sld [smem:$0x3F91]  }
0x1a: {  	s8 =	sadd.s32 $0xFFFFE003, lr  }
0x1b: {  	s9 =	sadd.s32 $0xFFFFFEF7, lr;
	s5 =	simm.s32 $0xFFFFFFFF;
	p2 =	slt.u32 s8, $0xFFFFF086  }
0x1c: {  	p1 =	slt.u32 s9, $0xF7A;
	s5 =	simm.s32 @!p2 $0x0  }
0x1d: {  	s5 =	simm.s32 @p1 $0x1;
	p0 =	seq.s32 s7, s2  }
0x1e: {  	s7 =	smul.u32 @!p0 $0xF7A, s2;
	p2 =	seq.s32 @!p0 s5, $0x0  }
0x1f: {  	s9 =	smul.u32 $0xF7A, s1;
	s8 =	simm.s32 @!p0 $0x1BF5;
	p2 =	por !p2, p0  }
0x20: {  	[sflag:s8] =	ssyncset.s32 @!p0 $0xFFFFF086;
	s6 =	sadd.s32 @!p0 s3, s7;
	s7 =	simm.s32 @!p0 $0x108  }
0x21: {  	s3 =	sadd.s32 s3, s9;
	s6 =	sadd.s32 @!p0 $0x88, s6;
	s7 =	simm.s32 @p2 $0x1082  }
0x22: {  	[simem:s7], [sflag:s8] =	dma.local @!p0 [hbm:s6], $0xF7A  }
0x23: {  	s9 =	sor.u32 $0xD0000000, s2;
	s6 =	simm.s32 $0x108;
	_ =	swait.ge @!p0 [sflag:s8], $0x0  }
0x24: {  	s3 =	sadd.s32 $0x88, s3;
	s6 =	simm.s32 @!p1 $0x1082;
	[sflag:s4] =	ssyncset.s32 $0xFFFFF086  }
0x25: {  	[simem:s6], [sflag:s4] =	dma.local [hbm:s3], $0xF7A  }
0x26: {  	[smem:$0x3F91] =	sst s1;
	(tag) =	ssettag s2;
	_ =	strace s9  }
0x27: {  	s1 =	sld [smem:$0x3FA1]  }
0x28: {  	s2 =	sld [smem:$0x3FA2]  }
0x29: {  	s4 =	sld [smem:$0x3FA4]  }
0x2a: {  	p0 =	seq.s32 s5, $0x0;
	s5 =	sld [smem:$0x3FA5]  }
0x2b: {  	s6 =	sld [smem:$0x3FA6]  }
0x2c: {  	s7 =	sld [smem:$0x3FA7]  }
0x2d: {  	s3 =	simm.s32 $0x108;
	s8 =	sld [smem:$0x3FA8]  }
0x2e: {  	s3 =	simm.s32 @!p0 $0x1082;
	s9 =	sld [smem:$0x3FA9]  }
0x2f: {  	lr =	sadd.s32 s0, s3;
	s0 =	sld [smem:$0x3FA0]  }
0x30: {  	s3 =	sld [smem:$0x3FA3]  }
0x31: {  	[smem:$0x3FAC] =	sst s10  }
0x32: {  	s10 =	sld [smem:$0x3FAA];
	_ =	sdelay $0x3  }
0x33: {  	p0 =	seq.s32 s10, $0x1;
	s10 =	sld [smem:$0x3FAC];
	_ =	sdelay $0x3  }
0x34: {  	[smem:$0x3FAC] =	sst s10  }
0x35: {  	s10 =	sld [smem:$0x3FAB];
	_ =	sdelay $0x3  }
0x36: {  	p1 =	seq.s32 s10, $0x1;
	s10 =	sld [smem:$0x3FAC];
	_ =	sdelay $0x3  }
0x37: {  	[smem:$0x3FAC] =	sst s10  }
0x38: {  	s10 =	sld [smem:$0x3FAD]  }
0x39: {  	_ = 	snop;
	(pc) =	sbr.ind lr, $3  }
0x3a: {  	_ = 	snop  }
0x3b: {  	_ = 	snop  }
0x3c: {  	p2 =	seq.s32 s10, $0x1;
	s10 =	sld [smem:$0x3FAC]  }
0x3d: {  	_ =	shalt  }
0x3e: {  	_ =	shalt  }
0x3f: {  	_ =	shalt  }
0x40: {  	_ =	shalt  }
0x41: {  	_ =	shalt  }
0x42: {  	_ =	shalt  }
0x43: {  	_ =	shalt  }
0x44: {  	_ =	shalt  }
0x45: {  	_ =	shalt  }
0x46: {  	_ =	shalt  }
0x47: {  	_ =	shalt  }
0x48: {  	_ =	shalt  }
0x49: {  	_ =	shalt  }
0x4a: {  	_ =	shalt  }
0x4b: {  	_ =	shalt  }
0x4c: {  	_ =	shalt  }
0x4d: {  	_ =	shalt  }
0x4e: {  	_ =	shalt  }
0x4f: {  	_ =	shalt  }
0x50: {  	_ =	shalt  }
0x51: {  	_ =	shalt  }
0x52: {  	_ =	shalt  }
0x53: {  	_ =	shalt  }
0x54: {  	_ =	shalt  }
0x55: {  	_ =	shalt  }
0x56: {  	_ =	shalt  }
0x57: {  	_ =	shalt  }
0x58: {  	_ =	shalt  }
0x59: {  	_ =	shalt  }
0x5a: {  	_ =	shalt  }
0x5b: {  	_ =	shalt  }
0x5c: {  	_ =	shalt  }
0x5d: {  	_ =	shalt  }
0x5e: {  	_ =	shalt  }
0x5f: {  	_ =	shalt  }
0x60: {  	_ =	shalt  }
0x61: {  	_ =	shalt  }
0x62: {  	_ =	shalt  }
0x63: {  	_ =	shalt  }
0x64: {  	_ =	shalt  }
0x65: {  	_ =	shalt  }
0x66: {  	_ =	shalt  }
0x67: {  	_ =	shalt  }
0x68: {  	_ =	shalt  }
0x69: {  	_ =	shalt  }
0x6a: {  	_ =	shalt  }
0x6b: {  	_ =	shalt  }
0x6c: {  	_ =	shalt  }
0x6d: {  	_ =	shalt  }
0x6e: {  	_ =	shalt  }
0x6f: {  	_ =	shalt  }
0x70: {  	_ =	shalt  }
0x71: {  	_ =	shalt  }
0x72: {  	_ =	shalt  }
0x73: {  	_ =	shalt  }
0x74: {  	_ =	shalt  }
0x75: {  	_ =	shalt  }
0x76: {  	_ =	shalt  }
0x77: {  	_ =	shalt  }
0x78: {  	_ =	shalt  }
0x79: {  	_ =	shalt  }
0x7a: {  	_ =	shalt  }
0x7b: {  	_ =	shalt  }
0x7c: {  	_ =	shalt  }
0x7d: {  	_ =	shalt  }
0x7e: {  	_ =	shalt  }
0x7f: {  	_ =	shalt  }
0x80: {  	_ =	shalt  }
0x81: {  	_ =	shalt  }
0x82: {  	_ =	shalt  }
0x83: {  	_ =	shalt  }
0x84: {  	_ =	shalt  }
0x85: {  	_ =	shalt  }
0x86: {  	_ =	shalt  }
0x87: {  	_ =	shalt  }
.Lfunc_end0:
.L_simem_size_0:
called_computation_lowered:
.L_overlay_start_0:
0x88: {  	s2 =	sld [smem:$0x3FD9]  }
0x89: {  	s3 =	sld [smem:$0x3FFE];
	_ =	sdelay $0x1  }
0x8a: {  	s1 =	srdreg.scid  }
0x8b: {  	s0 =	sand.u32 $0x1, s1  }
0x8c: {  	s17 =	sshll.u32 s0, $0xA;
	s2 =	sadd.s32 s3, s2  }
0x8d: {  	s2 =	sadd.s32 s2, s17  }
0x8e: {  	[smem:$0x3FB8] =	sst s2  }
0x8f: {  	_ = 	snop  }
0x90: {  	s2 =	sld [smem:$0x3FD0];
	(tm) =	ssettm $0x1  }
0x91: {  	s18 =	sld [smem:$0x3FFB];
	_ =	sdelay $0x3  }
0x92: {  	_ =	strace s18  }
0x93: {  	s3 =	sld [smem:$0x3FFC];
	_ =	sdelay $0x3  }
0x94: {  	_ =	strace s3  }
0x95: {  	s3 =	sld [smem:$0x3FFD];
	_ =	sdelay $0x3  }
0x96: {  	_ =	strace s3  }
0x97: {  	_ =	strace $0x8FFFFFFF  }
0x98: {  	s19 =	sld [smem:$0x3FDB];
	_ =	sdelay $0x1  }
0x99: {  	s4 =	simm.s32 $_scs_section_size  }
0x9a: {  	s5 =	simm.s32 $_size__tile_overlayer_lowered;
	s6 =	simm.s32 $_tile_overlayer_lowered  }
0x9b: {  	s22 =	simm.s32 $0x1BFF;
	s21 =	sshll.u32 s6, $0x1;
	s3 =	sadd.s32 s4, s19  }
0x9c: {  	s7 =	simm.s32 $0x0;
	s20 =	sshll.u32 s5, $0x1;
	s5 =	sadd.s32 s21, s3  }
0x9d: {  	[timem:s7], [sflag:s22] =	dma.local [hbm:s5], s20  }
0x9e: {  	_ =	swait.ge [sflag:s22], s20  }
0x9f: {  	s4 =	ssub.s32 $0x0, s20;
	[sflag:s22] =	ssyncset.done $0x0  }
0xa0: {  	[sflag:s22] =	ssyncadd.s32 s4;
	_ =	sdelay $0x1  }
0xa1: {  	s23 =	simm.s32 $0x1B8B  }
0xa2: {  	_ =	swait.ge [sflag:s23], $0x1  }
0xa3: {  	[sflag:s23] =	ssyncset.done $0x0  }
0xa4: {  	s25 =	simm.s32 $0x1B8E;
	s24 =	sld [smem:$0x3FFE];
	[sflag:s23] =	ssyncadd.s32 $0xFFFFFFFF  }
0xa5: {  	s26 =	simm.s32 $execute0_lowered;
	[smem:$0x3FD2] =	sst s25  }
0xa6: {  	s5 =	sshll.u32 s26, $0x1;
	_ =	strace $0x80000046;
	[dreg:$0x1] =	wrdreg $0xFFFFFFFF  }
0xa7: {  	s28 =	simm.s32 $_size_execute0_lowered;
	s3 =	sadd.s32 s3, s5;
	[dreg:$0x0] =	wrdreg $0x0  }
0xa8: {  	s5 =	sshll.u32 s28, $0x1;
	[dreg:$0x2] =	wrdreg s3  }
0xa9: {  	[dreg:$0x3] =	wrdreg s5  }
0xaa: {  	[dreg:$0x4] =	wrdreg $0xC0  }
0xab: {  	_ =	task [dreg:s7], $0x5FFFF  }
0xac: {  	[dreg:$0x1] =	wrdreg $0xFFFFFFFF  }
0xad: {  	[dreg:$0x0] =	wrdreg $0x60  }
0xae: {  	[dreg:$0x2] =	wrdreg s24  }
0xaf: {  	[dreg:$0x3] =	wrdreg s2  }
0xb0: {  	[dreg:$0x4] =	wrdreg $0x7A100  }
0xb1: {  	[dreg:$0x5] =	wrdreg $0xA2100  }
0xb2: {  	[dreg:$0x6] =	wrdreg $0x9  }
0xb3: {  	_ =	task.clear_ibuf [dreg:s7], $0x7FFFF;
	_ =	strace $0x90000046  }
0xb4: {  	s29 =	simm.s32 $0x9;
	_ =	strace $0x80000048  }
0xb5: {  	_ =	swait.ge [sflag:s29], $0x1  }
0xb6: {  	[sflag:s29] =	ssyncadd.s32 $0xFFFFFFFF  }
0xb7: {  	_ =	strace $0x90000048  }
0xb8: {  	_ =	sfence  }
0xb9: {  	s30 =	sld [smem:$0x0];
	_ =	sdelay $0x2  }
0xba: {  	s31 =	sshll.u32 s1, $0xD;
	s1 =	sshrl.u32 s1, $0x2  }
0xbb: {  	s3 =	sand.u32 $0x4000, s31;
	s1 =	sadd.s32 s1, s30  }
0xbc: {  	s0 =	sor.u32 s3, s0;
	s1 =	sshll.u32 s1, $0x11  }
0xbd: {  	s0 =	sor.u32 s1, s0  }
0xbe: {  	s0 =	sadd.s32 $0x8F2B, s0  }
0xbf: {  	[sflag:s0] =	ssyncadd.remote.s32 $0x1  }
0xc0: {  	_ =	sfence.sel $0xFFFF  }
0xc1: {  	[dreg:$0x0] =	wrdreg $0xFFFFFFFF;
	(pc) =	sbr.abs _section_cstart, $3  }
0xc2: {  	[dreg:$0x1] =	wrdreg $0xFFFFFFFF  }
0xc3: {  	_ =	task.clear_ibuf [dreg:s7], $0x2FFFF;
	_ =	strace $0x9FFFFFFF  }
0xc4: {  	(tm) =	ssettm $0x7FFFFFFF  }
0xc5: {  	_ =	shalt  }
tec
execute0_lowered:
.L_overlay_start_1:
0x0: {  	(tag) =	ssettag $0x1  }
0x1: {  	s0 =	rddreg [dreg:$0x0]  }
0x2: {  	s1 =	srdreg.scid;
	s11 =	rddreg [dreg:$0x2]  }
0x3: {  	s10 =	stileid.u32;
	s12 =	rddreg [dreg:$0x3];
	s4 =	simm.s32 $0x0  }
0x4: {  	s21 =	simm.s32 $0x40;
	s1 =	sand.u32 $0x1, s1;
	s3 =	smul.u32 $0x2800, s10  }
0x5: {  	s2 =	sshll.u32 s10, $0x1;
	[smem:$0x7FF] =	sst s4;
	s23 =	smul.u32 $0x14000, s10  }
0x6: {  	s6 =	sadd.s32 $0x2C800, s0;
	s9 =	sadd.s32 $0x4800, s0;
	s26 =	sshll.u32 s10, $0x6  }
0x7: {  	s2 =	sor.u32 s1, s2;
	_ =	strace $0x80000047;
	s5 =	smul.u32 $0x28000, s1  }
0x8: {  	s8 =	smul.u32 $0x140000, s1;
	[dreg:$0x5] =	wrdreg s9;
	s1 =	ssub.s32 $0x2, s1  }
0x9: {  	s2 =	smul.u32 $0x2A0, s2;
	s7 =	sshrl.u32 s3, $0x3;
	s24 =	sshrl.u32 s23, $0x3  }
0xa: {  	s25 =	sshrl.u32 s1, $0x1;
	s4 =	sadd.s32 s23, s12;
	s7 =	sadd.s32 s7, s0  }
0xb: {  	s9 =	sadd.s32 s24, s0;
	s5 =	sadd.s32 s3, s5;
	s7 =	sadd.s32 $0x3C000, s7  }
0xc: {  	s1 =	ssub.s32 s1, s25;
	s28 =	sadd.s32 $0x41000, s9;
	[dreg:$0x6] =	wrdreg s7  }
0xd: {  	s3 =	sadd.s32 s3, s11;
	s31 =	smax.u32 s1, $0x1;
	[dreg:$0x8] =	wrdreg s28  }
0xe: {  	s8 =	sadd.s32 s23, s8;
	s1 =	sshrl.u32 s3, $0x3;
	[dreg:$0xd] =	wrdreg s31  }
0xf: {  	v0 =	vimm.s32 $0xFEDCBA98;
	s2 =	sadd.s32 s2, s0;
	s3 =	sshrl.u32 s4, $0x3;
	[dreg:$0xe] =	wrdreg s1  }
0x10: {  	v1 =	vimm.s32 $0x76543210;
	v0 =	vunpack.c.l.s4.s8 v0;
	s5 =	sshrl.u32 s5, $0x3;
	s29 =	sadd.s32 $0x36C00, s2;
	[dreg:$0xf] =	wrdreg s3  }
0x11: {  	vm0 =	vmmov $0xff;
	v1 =	vunpack.c.l.s4.s8 v1;
	s8 =	sshrl.u32 s8, $0x3;
	s2 =	sadd.s32 $0x31800, s2;
	[dreg:$0x9] =	wrdreg s29  }
0x12: {  	v2 =	vimm.s32 $0x1;
	v3 =	vimm.s32 $0x2;
	v0 =	vunpack.c.0.s8.s32 v0;
	s5 =	sadd.s32 s5, s0;
	s7 =	sor.u32 $0x1C03, s26;
	[dreg:$0xa] =	wrdreg s2  }
0x13: {  	v4 =	vimm.s32 $0x3;
	v5 =	vimm.s32 $0x4;
	v1 =	vunpack.c.0.s8.s32 v1;
	s0 =	sadd.s32 s8, s0;
	s30 =	sadd.s32 $0x69000, s5;
	[dreg:$0x7] =	wrdreg s7  }
0x14: {  	v6 =	vimm.s32 $0x5;
	v7 =	vimm.s32 $0x6;
	s25 =	simm.s32 $0x1;
	v0 =	vand.u32 $0xF, v0;
	s0 =	sadd.s32 $0x73000, s0;
	[dreg:$0xb] =	wrdreg s30  }
0x15: {  	v8 =	vimm.s32 $0x7;
	s4 =	simm.s32 $0x0;
	v0 =	vcombine.low v0, v1;
	v1 =	vimm.s32 $0x0;
	s2 =	simm.s32 $0x3;
	[dreg:$0xc] =	wrdreg s0  }
.LBB2_1:
0x16: {  	[dreg:$0x10] =	wrdreg s4  }
0x17: {  	s0 =	rddreg [dreg:$0x6]  }
0x18: {  	[spmem:s1], [sflag:s7] =	dma.local [hbm:s0], $0x500  }
0x19: {  	_ =	swait.ge [sflag:s2], $0x500  }
0x1a: {  	[sflag:s2] =	ssyncset.done $0x0  }
0x1b: {  	s17 =	rddreg [dreg:$0x8];
	[sflag:s2] =	ssyncadd.s32 $0xFFFFFB00  }
0x1c: {  	[spmem:s3], [sflag:s7] =	dma.local [hbm:s17], $0x2800  }
0x1d: {  	_ =	swait.ge [sflag:s2], $0x2800  }
0x1e: {  	[sflag:s2] =	ssyncset.done $0x0  }
0x1f: {  	s18 =	simm.s32 $0x0;
	s19 =	rddreg [dreg:$0x9];
	[sflag:s2] =	ssyncadd.s32 $0xFFFFD800  }
0x20: {  	[tilespmem:s18], [sflag:$0x3] =	stream.linear.gather [hbm4b:s19+s18], $0x1500, $0x38;
	[tilespmem:$0x1E210] =	vst v63  }
0x21: {  	_ =	swait.ge [sflag:s2], $0x1500  }
0x22: {  	[sflag:s2] =	ssyncset.done $0x0  }
0x23: {  	s22 =	simm.s32 $0x1500;
	s20 =	rddreg [dreg:$0xa];
	[sflag:s2] =	ssyncadd.s32 $0xFFFFEB00  }
0x24: {  	[tilespmem:s22], [sflag:$0x3] =	stream.linear.gather [hbm4b:s20+s18], $0x1500, $0x38;
	[tilespmem:$0x1E210] =	vst v63  }
0x25: {  	_ =	swait.ge [sflag:s2], $0x1500  }
0x26: {  	[sflag:s2] =	ssyncset.done $0x0  }
0x27: {  	[sflag:s2] =	ssyncadd.s32 $0xFFFFEB00  }
0x28: {  	s24 =	simm.s32 $0x7A00;
	s23 =	rddreg [dreg:$0x1]  }
0x29: {  	[tilespmem:s24], [sflag:$0x3] =	stream.linear.gather [hbm4b:s23+s18], $0x10, $0x38;
	[tilespmem:$0x1E210] =	vst v63  }
0x2a: {  	_ =	swait.ge [sflag:s2], $0x10  }
0x2b: {  	[sflag:s2] =	ssyncset.done $0x0  }
0x2c: {  	[sflag:s2] =	ssyncadd.s32 $0xFFFFFFF0  }
0x2d: {  	s26 =	simm.s32 $0x2A00;
	[bflag:$0x0] =	sbarrier.arrive $0xFFFF  }
0x2e: {  	v9 =	vld [tilespmem:$0x7A00];
	[tilespmem:s26], [sflag:$0x1] =	stream.indirect.gather [hbm4b:s6+s21], $0x10, s18, s21, $0xb8  }
0x2f: {  	s28 =	simm.s32 $0x3200  }
0x30: {  	[tilespmem:s28], [sflag:$0x1] =	stream.indirect.gather [hbm4b:s6+s21], $0x10, s22, s21, $0xb8;
	[tilespmem:$0x1E210] =	vst v63  }
0x31: {  	s31 =	simm.s32 $0x3A00;
	s29 =	simm.s32 $0x0;
	s30 =	rddreg [dreg:$0x5]  }
0x32: {  	[tilespmem:s31], [sflag:$0x1] =	stream.indirect.gather [hbm4b:s30+s21], $0x80, s18, s21, $0xb8;
	[tilespmem:$0x1E210] =	vst v63  }
.LBB2_2:
0x33: {  	_ =	swait.ge [sflag:s25], $0x400  }
0x34: {  	[sflag:s25] =	ssyncset.done $0x0  }
0x35: {  	[sflag:s25] =	ssyncadd.s32 $0xFFFFFC00  }
0x36: {  	_ =	swait.ge [sflag:s25], $0x400  }
0x37: {  	[sflag:s25] =	ssyncset.done $0x0  }
0x38: {  	[sflag:s25] =	ssyncadd.s32 $0xFFFFFC00  }
0x39: {  	_ =	swait.ge [sflag:s25], $0x2000  }
0x3a: {  	p0 =	seq.s32 s29, $0x0;
	[sflag:s25] =	ssyncset.done $0x0  }
0x3b: {  	s1 =	simm.s32 @!p0 $0x2;
	[sflag:s25] =	ssyncadd.s32 $0xFFFFE000  }
0x3c: {  	_ =	swait.ge @!p0 [sflag:s1], $0x400  }
0x3d: {  	[sflag:s1] =	ssyncset.done @!p0 $0x0  }
0x3e: {  	[sflag:s1] =	ssyncadd.s32 @!p0 $0xFFFFFC00  }
0x3f: {  	p1 =	seq.s32 @!p0 s29, $0x53;
	_ =	swait.ge @!p0 [sflag:s1], $0x2000  }
0x40: {  	s0 =	sand.u32 $0x1, s29;
	p1 =	por p0, !p1;
	[sflag:s1] =	ssyncset.done @!p0 $0x0  }
0x41: {  	[sflag:s1] =	ssyncadd.s32 @!p0 $0xFFFFE000;
	s1 =	sxor.u32 @p1 $0x1, s0  }
0x42: {  	s28 =	sshll.u32 s0, $0xD;
	s3 =	sshll.u32 @p1 s29, $0x6;
	s2 =	sshll.u32 @p1 s1, $0xA  }
0x43: {  	s31 =	sshll.u32 s0, $0xA;
	s5 =	sadd.s32 @p1 $0x40, s3;
	s4 =	sor.u32 @p1 $0x2A00, s2  }
0x44: {  	[tilespmem:s4], [sflag:$0x1] =	stream.indirect.gather @p1 [hbm4b:s6+s21], $0x10, s5, s21, $0xb8;
	[tilespmem:$0x1E210] =	vst v63  }
0x45: {  	s3 =	sadd.s32 @p1 $0x1540, s3;
	s1 =	sshll.u32 @p1 s1, $0xD;
	s2 =	sor.u32 @p1 $0x3200, s2  }
0x46: {  	v10 =	vmov s31;
	[tilespmem:s2], [sflag:$0x1] =	stream.indirect.gather @p1 [hbm4b:s6+s21], $0x10, s3, s21, $0xb8;
	[tilespmem:$0x1E210] =	vst v63  }
0x47: {  	s30 =	sadd.s32 $0x3A00, s28;
	s1 =	sadd.s32 @p1 $0x3A00, s1;
	s2 =	rddreg @p1 [dreg:$0x5]  }
0x48: {  	[tilespmem:s1], [sflag:$0x1] =	stream.indirect.gather @p1 [hbm4b:s2+s21], $0x80, s5, s21, $0xb8;
	[tilespmem:$0x1E210] =	vst v63  }
0x49: {  	v11 =	vmov s30;
	s2 =	simm.s32 $0x0  }
.LBB2_3:
0x4a: {  	s0 =	sshll.u32 s2, $0x4  }
0x4b: {  	s5 =	sor.u32 $0x1, s2;
	v12 =	vld.idx.msk [tilespmem:v10+s0+$0x2A00 ss:$0x1], $0xffff  }
0x4c: {  	v13 =	vld.idx.msk [tilespmem:v10+s0+$0x3200 ss:$0x1], $0xffff;
	s1 =	sshll.u32 s5, $0x4  }
0x4d: {  	s9 =	sor.u32 $0x2, s2;
	v16 =	vld.idx.msk [tilespmem:v10+s1+$0x2A00 ss:$0x1], $0xffff  }
0x4e: {  	s8 =	sshll.u32 s9, $0x4;
	v17 =	vld.idx.msk [tilespmem:v10+s1+$0x3200 ss:$0x1], $0xffff  }
0x4f: {  	s3 =	sor.u32 $0x3, s2;
	v19 =	vld.idx.msk [tilespmem:v10+s8+$0x2A00 ss:$0x1], $0xffff  }
0x50: {  	s4 =	sshll.u32 s3, $0x4;
	v20 =	vld.idx.msk [tilespmem:v10+s8+$0x3200 ss:$0x1], $0xffff  }
0x51: {  	s7 =	sor.u32 $0x4, s2;
	v38 =	vld.idx.msk [tilespmem:v10+s4+$0x2A00 ss:$0x1], $0xffff  }
0x52: {  	s12 =	sshll.u32 s7, $0x4;
	v39 =	vld.idx.msk [tilespmem:v10+s4+$0x3200 ss:$0x1], $0xffff  }
0x53: {  	s13 =	sor.u32 $0x5, s2;
	v48 =	vld.idx.msk [tilespmem:v10+s12+$0x2A00 ss:$0x1], $0xffff  }
0x54: {  	s14 =	sshll.u32 s13, $0x4;
	v50 =	vld.idx.msk [tilespmem:v10+s12+$0x3200 ss:$0x1], $0xffff  }
0x55: {  	v52 =	vld.idx.msk [tilespmem:v10+s14+$0x2A00 ss:$0x1], $0xffff;
	v14 =	vperm.xlane v12, v0  }
0x56: {  	v53 =	vld.idx.msk [tilespmem:v10+s14+$0x3200 ss:$0x1], $0xffff;
	v15 =	vperm.xlane v13, v0;
	v33 =	vperm.xlane v16, v0  }
0x57: {  	v18 =	vperm.xlane v17, v0;
	v21 =	vperm.xlane v19, v0  }
0x58: {  	v22 =	vperm.xlane v20, v0;
	v44 =	vperm.xlane v38, v0  }
0x59: {  	v45 =	vperm.xlane v39, v0;
	v57 =	vperm.xlane v48, v0  }
0x5a: {  	v58 =	vperm.xlane v50, v0;
	v12 =	vsel vm0, v12, v14;
	v13 =	vsel vm0, v15, v13  }
0x5b: {  	v60 =	vperm.xlane v52, v0;
	v61 =	vperm.xlane v53, v0;
	v12 =	vadd.f32 v13, v12  }
0x5c: {  	v13 =	vadd.f32 v13, v9;
	v15 =	vsel vm0, v16, v33;
	v35 =	vsel vm0, v18, v17  }
0x5d: {  	v42 =	vsel vm0, v19, v21;
	v43 =	vsel vm0, v22, v20;
	v16 =	vsel vm0, v38, v44  }
0x5e: {  	v59 =	vsel vm0, v48, v57;
	v25 =	vsel vm0, v61, v53;
	v36 =	vadd.f32 v35, v15  }
0x5f: {  	v37 =	vadd.f32 v35, v9;
	v47 =	vadd.f32 v43, v9;
	v32 =	vmul.f32 $2.000000030e-01, v12  }
0x60: {  	vm1 =	vge.f32 v12, $0.0e+00;
	v34 =	vmul.f32 $2.000000030e-01, v13;
	v40 =	vmul.f32 $2.000000030e-01, v36  }
0x61: {  	v41 =	vmul.f32 $2.000000030e-01, v37;
	v12 =	vsel vm1, v12, v32;
	vm1 =	vge.f32 v13, $0.0e+00  }
0x62: {  	vm2 =	vge.f32 v37, $0.0e+00;
	v13 =	vsel vm1, v13, v34;
	vm1 =	vge.f32 v36, $0.0e+00  }
0x63: {  	v17 =	vadd.f32 v25, v9;
	v15 =	vsel vm2, v37, v41;
	v14 =	vsel vm1, v36, v40  }
0x64: {  	v24 =	vsel vm0, v52, v60;
	v14 =	vsub.f32 v14, v15;
	v15 =	vadd.f32 v43, v42  }
0x65: {  	v51 =	vmul.f32 $2.000000030e-01, v47;
	v12 =	vsub.f32 v12, v13;
	v13 =	vsel vm0, v45, v39  }
0x66: {  	v16 =	vadd.f32 v13, v16;
	v13 =	vadd.f32 v13, v9;
	v49 =	vmul.f32 $2.000000030e-01, v15  }
0x67: {  	v12 =	vmul.f32 $1.442695020e+00, v12;
	v46 =	vmul.f32 $1.442695020e+00, v14;
	vm1 =	vge.f32 v15, $0.0e+00  }
0x68: {  	v55 =	vmul.f32 $2.000000030e-01, v16;
	v15 =	vsel vm1, v15, v49;
	vm1 =	vge.f32 v47, $0.0e+00  }
0x69: {  	(erf) = vpow2.f32 v12;
	v54 =	vsel vm1, v47, v51;
	vm1 =	vge.f32 v16, $0.0e+00  }
0x6a: {  	v56 =	vmul.f32 $2.000000030e-01, v13;
	v14 =	vsel vm1, v16, v55;
	v16 =	vsel vm0, v58, v50  }
0x6b: {  	vm1 =	vge.f32 v13, $0.0e+00;
	v12 =	vsub.f32 v15, v54;
	v62 =	vadd.f32 v16, v59  }
0x6c: {  	(erf) = vpow2.f32 v46;
	v13 =	vsel vm1, v13, v56;
	v63 =	vadd.f32 v16, v9  }
0x6d: {  	v16 =	vadd.f32 v25, v24;
	v12 =	vmul.f32 $1.442695020e+00, v12;
	v27 =	vmul.f32 $2.000000030e-01, v62  }
0x6e: {  	s19 =	sor.u32 $0x6, s2;
	v13 =	vsub.f32 v14, v13;
	vm1 =	vge.f32 v62, $0.0e+00;
	v28 =	vmul.f32 $2.000000030e-01, v63  }
0x6f: {  	s11 =	sshll.u32 s19, $0x4;
	(erf) = vpow2.f32 v12;
	v14 =	vsel vm1, v62, v27;
	vm1 =	vge.f32 v63, $0.0e+00  }
0x70: {  	v35 =	vld.idx.msk [tilespmem:v10+s11+$0x3200 ss:$0x1], $0xffff;
	v29 =	vmul.f32 $2.000000030e-01, v16;
	v26 =	vmul.f32 $1.442695020e+00, v13;
	v15 =	vsel vm1, v63, v28  }
0x71: {  	s26 =	sor.u32 $0x7, s2;
	v30 =	vmul.f32 $2.000000030e-01, v17;
	v34 =	vld.idx.msk [tilespmem:v10+s11+$0x2A00 ss:$0x1], $0xffff;
	vm1 =	vge.f32 v16, $0.0e+00;
	v14 =	vsub.f32 v14, v15  }
0x72: {  	s10 =	sshll.u32 s2, $0x7;
	s28 =	sshll.u32 s26, $0x4;
	v13 =	vpop (erf);
	(erf) = vpow2.f32 v26;
	v32 =	vsel vm1, v16, v29;
	vm1 =	vge.f32 v17, $0.0e+00  }
0x73: {  	v44 =	vld.idx.msk [tilespmem:v10+s28+$0x3200 ss:$0x1], $0xffff;
	[tilespmem:v10+s0+$0x2A00 ss:$0x1] =	vst.idx.msk $0xffff, v13;
	s0 =	sand.u32 $0x3FFFFF80, s10;
	v33 =	vsel vm1, v17, v30;
	v14 =	vmul.f32 $1.442695020e+00, v14  }
0x74: {  	v31 =	vld.idx.msk [tilespmem:v11+s0+$0x0 ss:$0x1], $0xffff;
	v12 =	vsub.f32 v32, v33  }
0x75: {  	s5 =	sshll.u32 s5, $0x7;
	v39 =	vperm.xlane v35, v0;
	v17 =	vpop (erf);
	(erf) = vpow2.f32 v14  }
0x76: {  	v38 =	vperm.xlane v34, v0;
	[tilespmem:v10+s1+$0x2A00 ss:$0x1] =	vst.idx.msk $0xffff, v17;
	s1 =	sand.u32 $0x3FFFFF80, s5;
	v12 =	vmul.f32 $1.442695020e+00, v12  }
0x77: {  	v18 =	vsel vm0, v39, v35;
	v36 =	vperm.xlane v13, v1;
	v42 =	vperm.xlane v13, v2;
	v40 =	vld.idx.msk [tilespmem:v11+s1+$0x0 ss:$0x1], $0xffff  }
0x78: {  	s24 =	sshll.u32 s9, $0x7;
	v29 =	vperm.xlane v44, v0;
	(erf) = vpow2.f32 v12;
	v15 =	vpop (erf);
	v12 =	vsel vm0, v34, v38  }
0x79: {  	s20 =	sand.u32 $0x3FFFFF80, s24;
	v26 =	vld.idx.msk [tilespmem:v10+s28+$0x2A00 ss:$0x1], $0xffff;
	v37 =	vmul.f32 v31, v36;
	[tilespmem:v10+s8+$0x2A00 ss:$0x1] =	vst.idx.msk $0xffff, v15;
	v12 =	vadd.f32 v18, v12  }
0x7a: {  	v24 =	vperm.xlane v17, v1;
	v47 =	vperm.xlane v17, v2;
	v18 =	vadd.f32 v18, v9;
	v41 =	vld.idx.msk [tilespmem:v11+s20+$0x0 ss:$0x1], $0xffff  }
0x7b: {  	s3 =	sshll.u32 s3, $0x7;
	v33 =	vperm.xlane v13, v3;
	[tilespmem:v11+s0+$0x0 ss:$0x1] =	vst.idx.msk $0xffff, v37;
	v16 =	vpop (erf);
	v23 =	vmul.f32 $2.000000030e-01, v12  }
0x7c: {  	s22 =	sand.u32 $0x3FFFFF80, s3;
	v45 =	vmul.f32 v40, v24;
	v14 =	vld.idx.msk [tilespmem:v11+s0+$0x10 ss:$0x1], $0xffff;
	[tilespmem:v10+s4+$0x2A00 ss:$0x1] =	vst.idx.msk $0xffff, v16;
	vm1 =	vge.f32 v12, $0.0e+00;
	v25 =	vmul.f32 $2.000000030e-01, v18  }
0x7d: {  	v46 =	vperm.xlane v15, v1;
	v43 =	vld.idx.msk [tilespmem:v11+s22+$0x0 ss:$0x1], $0xffff;
	v12 =	vsel vm1, v12, v23;
	vm1 =	vge.f32 v18, $0.0e+00  }
0x7e: {  	s7 =	sshll.u32 s7, $0x7;
	v28 =	vperm.xlane v26, v0;
	[tilespmem:v11+s1+$0x0 ss:$0x1] =	vst.idx.msk $0xffff, v45;
	v25 =	vsel vm1, v18, v25;
	v19 =	vpop (erf)  }
0x7f: {  	s23 =	sand.u32 $0x3FFFFF80, s7;
	v50 =	vld.idx.msk [tilespmem:v11+s1+$0x10 ss:$0x1], $0xffff;
	v12 =	vsub.f32 v12, v25;
	v20 =	vmul.f32 v41, v46;
	[tilespmem:v10+s12+$0x2A00 ss:$0x1] =	vst.idx.msk $0xffff, v19  }
0x80: {  	v52 =	vsel vm0, v29, v44;
	v35 =	vperm.xlane v17, v3;
	v27 =	vperm.xlane v16, v1;
	v48 =	vld.idx.msk [tilespmem:v11+s23+$0x0 ss:$0x1], $0xffff  }
0x81: {  	v51 =	vsel vm0, v26, v28;
	s8 =	sshll.u32 s13, $0x7;
	v14 =	vmul.f32 v14, v42;
	v18 =	vpop (erf);
	v12 =	vmul.f32 $1.442695020e+00, v12;
	[tilespmem:v11+s20+$0x0 ss:$0x1] =	vst.idx.msk $0xffff, v20  }
0x82: {  	v58 =	vperm.xlane v15, v2;
	s24 =	sand.u32 $0x3FFFFF80, s8;
	v22 =	vmul.f32 v43, v27;
	[tilespmem:v10+s14+$0x2A00 ss:$0x1] =	vst.idx.msk $0xffff, v18;
	v53 =	vld.idx.msk [tilespmem:v11+s20+$0x10 ss:$0x1], $0xffff  }
0x83: {  	v30 =	vperm.xlane v19, v1;
	[tilespmem:v11+s0+$0x10 ss:$0x1] =	vst.idx.msk $0xffff, v14;
	v49 =	vld.idx.msk [tilespmem:v11+s24+$0x0 ss:$0x1], $0xffff;
	(erf) = vpow2.f32 v12  }
0x84: {  	v56 =	vmul.f32 v50, v47;
	[tilespmem:v11+s22+$0x0 ss:$0x1] =	vst.idx.msk $0xffff, v22;
	v12 =	vadd.f32 v52, v51;
	v63 =	vld.idx.msk [tilespmem:v11+s0+$0x20 ss:$0x1], $0xffff  }
0x85: {  	v61 =	vperm.xlane v16, v2;
	v20 =	vadd.f32 v52, v9;
	v55 =	vld.idx.msk [tilespmem:v11+s22+$0x10 ss:$0x1], $0xffff;
	v54 =	vmul.f32 v48, v30  }
0x86: {  	v31 =	vperm.xlane v18, v1;
	[tilespmem:v11+s1+$0x10 ss:$0x1] =	vst.idx.msk $0xffff, v56;
	v57 =	vmul.f32 $2.000000030e-01, v12  }
0x87: {  	v60 =	vmul.f32 $2.000000030e-01, v20;
	vm1 =	vge.f32 v12, $0.0e+00;
	v24 =	vld.idx.msk [tilespmem:v11+s1+$0x20 ss:$0x1], $0xffff;
	v21 =	vmul.f32 v53, v58;
	[tilespmem:v11+s23+$0x0 ss:$0x1] =	vst.idx.msk $0xffff, v54  }
0x88: {  	v12 =	vsel vm1, v12, v57;
	vm1 =	vge.f32 v20, $0.0e+00;
	v23 =	vmul.f32 v49, v31;
	v59 =	vld.idx.msk [tilespmem:v11+s23+$0x10 ss:$0x1], $0xffff  }
0x89: {  	v20 =	vsel vm1, v20, v60;
	v37 =	vmul.f32 v63, v33;
	[tilespmem:v11+s20+$0x10 ss:$0x1] =	vst.idx.msk $0xffff, v21  }
0x8a: {  	v14 =	vmul.f32 v55, v61;
	v20 =	vsub.f32 v12, v20;
	[tilespmem:v11+s24+$0x0 ss:$0x1] =	vst.idx.msk $0xffff, v23;
	v31 =	vld.idx.msk [tilespmem:v11+s20+$0x20 ss:$0x1], $0xffff  }
0x8b: {  	v29 =	vperm.xlane v19, v2;
	[tilespmem:v11+s0+$0x20 ss:$0x1] =	vst.idx.msk $0xffff, v37;
	v62 =	vld.idx.msk [tilespmem:v11+s24+$0x10 ss:$0x1], $0xffff  }
0x8c: {  	s9 =	sshll.u32 s19, $0x7;
	v40 =	vmul.f32 v24, v35;
	[tilespmem:v11+s22+$0x10 ss:$0x1] =	vst.idx.msk $0xffff, v14;
	v20 =	vmul.f32 $1.442695020e+00, v20;
	v45 =	vld.idx.msk [tilespmem:v11+s0+$0x30 ss:$0x1], $0xffff;
	v12 =	vpop (erf)  }
0x8d: {  	v38 =	vperm.xlane v15, v3;
	s8 =	sand.u32 $0x3FFFFF80, s9;
	v34 =	vld.idx.msk [tilespmem:v11+s22+$0x20 ss:$0x1], $0xffff;
	[tilespmem:v10+s11+$0x2A00 ss:$0x1] =	vst.idx.msk $0xffff, v12;
	v32 =	vmul.f32 v59, v29  }
0x8e: {  	v30 =	vperm.xlane v18, v2;
	[tilespmem:v11+s1+$0x20 ss:$0x1] =	vst.idx.msk $0xffff, v40;
	(erf) = vpow2.f32 v20;
	v36 =	vld.idx.msk [tilespmem:v11+s8+$0x0 ss:$0x1], $0xffff  }
0x8f: {  	v52 =	vperm.xlane v13, v4;
	v48 =	vld.idx.msk [tilespmem:v11+s1+$0x30 ss:$0x1], $0xffff;
	v43 =	vmul.f32 v31, v38;
	[tilespmem:v11+s23+$0x10 ss:$0x1] =	vst.idx.msk $0xffff, v32  }
0x90: {  	v41 =	vperm.xlane v16, v3;
	v21 =	vmul.f32 v62, v30;
	v39 =	vld.idx.msk [tilespmem:v11+s23+$0x20 ss:$0x1], $0xffff  }
0x91: {  	v44 =	vperm.xlane v12, v1;
	v23 =	vmul.f32 v45, v52;
	[tilespmem:v11+s20+$0x20 ss:$0x1] =	vst.idx.msk $0xffff, v43  }
0x92: {  	v54 =	vperm.xlane v17, v4;
	v46 =	vmul.f32 v34, v41;
	[tilespmem:v11+s24+$0x10 ss:$0x1] =	vst.idx.msk $0xffff, v21;
	v50 =	vld.idx.msk [tilespmem:v11+s20+$0x30 ss:$0x1], $0xffff  }
0x93: {  	v47 =	vperm.xlane v19, v3;
	[tilespmem:v11+s0+$0x30 ss:$0x1] =	vst.idx.msk $0xffff, v23;
	v42 =	vld.idx.msk [tilespmem:v11+s24+$0x20 ss:$0x1], $0xffff;
	v14 =	vmul.f32 v36, v44  }
0x94: {  	v58 =	vmul.f32 v48, v54;
	[tilespmem:v11+s22+$0x20 ss:$0x1] =	vst.idx.msk $0xffff, v46;
	v63 =	vld.idx.msk [tilespmem:v11+s0+$0x40 ss:$0x1], $0xffff  }
0x95: {  	v56 =	vperm.xlane v15, v4;
	v53 =	vld.idx.msk [tilespmem:v11+s22+$0x30 ss:$0x1], $0xffff;
	[tilespmem:v11+s8+$0x0 ss:$0x1] =	vst.idx.msk $0xffff, v14;
	v51 =	vmul.f32 v39, v47  }
0x96: {  	v49 =	vperm.xlane v18, v3;
	[tilespmem:v11+s1+$0x30 ss:$0x1] =	vst.idx.msk $0xffff, v58;
	v55 =	vld.idx.msk [tilespmem:v11+s8+$0x10 ss:$0x1], $0xffff  }
0x97: {  	v39 =	vperm.xlane v13, v5;
	v14 =	vpop (erf);
	v22 =	vmul.f32 v50, v56;
	[tilespmem:v11+s23+$0x20 ss:$0x1] =	vst.idx.msk $0xffff, v51  }
0x98: {  	s3 =	sshll.u32 s26, $0x7;
	v59 =	vperm.xlane v16, v4;
	v34 =	vld.idx.msk [tilespmem:v11+s1+$0x40 ss:$0x1], $0xffff;
	v20 =	vmul.f32 v42, v49;
	[tilespmem:v10+s28+$0x2A00 ss:$0x1] =	vst.idx.msk $0xffff, v14  }
0x99: {  	s19 =	sand.u32 $0x3FFFFF80, s3;
	v61 =	vperm.xlane v12, v2;
	v43 =	vmul.f32 v63, v39;
	v57 =	vld.idx.msk [tilespmem:v11+s23+$0x30 ss:$0x1], $0xffff;
	[tilespmem:v11+s20+$0x30 ss:$0x1] =	vst.idx.msk $0xffff, v22  }
0x9a: {  	v62 =	vld.idx.msk [tilespmem:v11+s19+$0x0 ss:$0x1], $0xffff;
	v32 =	vmul.f32 v53, v59;
	[tilespmem:v11+s24+$0x20 ss:$0x1] =	vst.idx.msk $0xffff, v20  }
0x9b: {  	v41 =	vperm.xlane v17, v5;
	v36 =	vld.idx.msk [tilespmem:v11+s20+$0x40 ss:$0x1], $0xffff;
	[tilespmem:v11+s0+$0x40 ss:$0x1] =	vst.idx.msk $0xffff, v43;
	v21 =	vmul.f32 v55, v61  }
0x9c: {  	v33 =	vperm.xlane v19, v4;
	v60 =	vld.idx.msk [tilespmem:v11+s24+$0x30 ss:$0x1], $0xffff;
	[tilespmem:v11+s22+$0x30 ss:$0x1] =	vst.idx.msk $0xffff, v32  }
0x9d: {  	v38 =	vperm.xlane v14, v1;
	v50 =	vld.idx.msk [tilespmem:v11+s0+$0x50 ss:$0x1], $0xffff;
	[tilespmem:v11+s8+$0x10 ss:$0x1] =	vst.idx.msk $0xffff, v21;
	v21 =	vmul.f32 v34, v41  }
0x9e: {  	v44 =	vperm.xlane v15, v5;
	v40 =	vld.idx.msk [tilespmem:v11+s22+$0x40 ss:$0x1], $0xffff;
	v37 =	vmul.f32 v57, v33  }
0x9f: {  	v35 =	vperm.xlane v18, v4;
	v42 =	vld.idx.msk [tilespmem:v11+s8+$0x20 ss:$0x1], $0xffff;
	v24 =	vmul.f32 v62, v38;
	[tilespmem:v11+s1+$0x40 ss:$0x1] =	vst.idx.msk $0xffff, v21  }
0xa0: {  	v58 =	vperm.xlane v13, v6;
	v23 =	vmul.f32 v36, v44;
	[tilespmem:v11+s23+$0x30 ss:$0x1] =	vst.idx.msk $0xffff, v37  }
0xa1: {  	v46 =	vperm.xlane v16, v5;
	v22 =	vmul.f32 v60, v35;
	[tilespmem:v11+s19+$0x0 ss:$0x1] =	vst.idx.msk $0xffff, v24;
	v53 =	vld.idx.msk [tilespmem:v11+s1+$0x50 ss:$0x1], $0xffff  }
0xa2: {  	v48 =	vperm.xlane v12, v3;
	v62 =	vmul.f32 v50, v58;
	v45 =	vld.idx.msk [tilespmem:v11+s23+$0x40 ss:$0x1], $0xffff;
	[tilespmem:v11+s20+$0x40 ss:$0x1] =	vst.idx.msk $0xffff, v23  }
0xa3: {  	v49 =	vld.idx.msk [tilespmem:v11+s19+$0x10 ss:$0x1], $0xffff;
	v51 =	vmul.f32 v40, v46;
	[tilespmem:v11+s24+$0x30 ss:$0x1] =	vst.idx.msk $0xffff, v22  }
0xa4: {  	v60 =	vperm.xlane v17, v6;
	v55 =	vld.idx.msk [tilespmem:v11+s20+$0x50 ss:$0x1], $0xffff;
	[tilespmem:v11+s0+$0x50 ss:$0x1] =	vst.idx.msk $0xffff, v62;
	v20 =	vmul.f32 v42, v48  }
0xa5: {  	v52 =	vperm.xlane v19, v5;
	v54 =	vperm.xlane v18, v5;
	v47 =	vld.idx.msk [tilespmem:v11+s24+$0x40 ss:$0x1], $0xffff;
	[tilespmem:v11+s22+$0x40 ss:$0x1] =	vst.idx.msk $0xffff, v51  }
0xa6: {  	v57 =	vperm.xlane v14, v2;
	v38 =	vld.idx.msk [tilespmem:v11+s0+$0x60 ss:$0x1], $0xffff;
	[tilespmem:v11+s8+$0x20 ss:$0x1] =	vst.idx.msk $0xffff, v20;
	v20 =	vmul.f32 v53, v60  }
0xa7: {  	v63 =	vperm.xlane v15, v6;
	v59 =	vld.idx.msk [tilespmem:v11+s22+$0x50 ss:$0x1], $0xffff;
	v56 =	vmul.f32 v45, v52  }
0xa8: {  	v33 =	vperm.xlane v16, v6;
	v61 =	vld.idx.msk [tilespmem:v11+s8+$0x30 ss:$0x1], $0xffff;
	v22 =	vmul.f32 v49, v57;
	[tilespmem:v11+s1+$0x50 ss:$0x1] =	vst.idx.msk $0xffff, v20  }
0xa9: {  	v46 =	vperm.xlane v13, v7;
	v35 =	vmul.f32 v55, v63;
	[tilespmem:v11+s23+$0x40 ss:$0x1] =	vst.idx.msk $0xffff, v56;
	v41 =	vld.idx.msk [tilespmem:v11+s1+$0x60 ss:$0x1], $0xffff  }
0xaa: {  	v36 =	vperm.xlane v12, v4;
	v23 =	vmul.f32 v47, v54;
	[tilespmem:v11+s19+$0x10 ss:$0x1] =	vst.idx.msk $0xffff, v22;
	v32 =	vld.idx.msk [tilespmem:v11+s23+$0x50 ss:$0x1], $0xffff  }
0xab: {  	v40 =	vperm.xlane v19, v6;
	v50 =	vmul.f32 v38, v46;
	v37 =	vld.idx.msk [tilespmem:v11+s19+$0x20 ss:$0x1], $0xffff;
	[tilespmem:v11+s20+$0x50 ss:$0x1] =	vst.idx.msk $0xffff, v35  }
0xac: {  	v13 =	vperm.xlane v13, v8;
	v62 =	vperm.xlane v18, v7;
	[tilespmem:v11+s24+$0x40 ss:$0x1] =	vst.idx.msk $0xffff, v23;
	v43 =	vld.idx.msk [tilespmem:v11+s20+$0x60 ss:$0x1], $0xffff  }
0xad: {  	s10 =	sor.u32 $0x8, s2;
	v42 =	vperm.xlane v18, v6;
	v39 =	vmul.f32 v59, v33;
	[tilespmem:v11+s0+$0x60 ss:$0x1] =	vst.idx.msk $0xffff, v50;
	v34 =	vld.idx.msk [tilespmem:v11+s24+$0x50 ss:$0x1], $0xffff  }
0xae: {  	s11 =	sshll.u32 s10, $0x4;
	v48 =	vperm.xlane v17, v7;
	v51 =	vperm.xlane v15, v7;
	v58 =	vld.idx.msk [tilespmem:v11+s0+$0x70 ss:$0x1], $0xffff  }
0xaf: {  	v17 =	vperm.xlane v17, v8;
	v21 =	vmul.f32 v61, v36;
	[tilespmem:v11+s22+$0x50 ss:$0x1] =	vst.idx.msk $0xffff, v39;
	v39 =	vld.idx.msk [tilespmem:v10+s11+$0x2A00 ss:$0x1], $0xffff  }
0xb0: {  	v15 =	vperm.xlane v15, v8;
	v18 =	vperm.xlane v18, v8;
	v47 =	vld.idx.msk [tilespmem:v11+s22+$0x60 ss:$0x1], $0xffff  }
0xb1: {  	s12 =	sor.u32 $0x9, s2;
	v45 =	vperm.xlane v14, v3;
	[tilespmem:v11+s8+$0x30 ss:$0x1] =	vst.idx.msk $0xffff, v21;
	v21 =	vmul.f32 v41, v48;
	v41 =	vld.idx.msk [tilespmem:v10+s11+$0x3200 ss:$0x1], $0xffff  }
0xb2: {  	s13 =	sshll.u32 s12, $0x4;
	v53 =	vperm.xlane v16, v7;
	v60 =	vperm.xlane v19, v7;
	v49 =	vld.idx.msk [tilespmem:v11+s8+$0x40 ss:$0x1], $0xffff  }
0xb3: {  	v44 =	vmul.f32 v32, v40;
	v23 =	vmul.f32 v37, v45;
	v45 =	vld.idx.msk [tilespmem:v10+s13+$0x3200 ss:$0x1], $0xffff  }
0xb4: {  	v19 =	vperm.xlane v19, v8;
	v55 =	vmul.f32 v43, v51;
	[tilespmem:v11+s1+$0x60 ss:$0x1] =	vst.idx.msk $0xffff, v21;
	v43 =	vld.idx.msk [tilespmem:v10+s13+$0x2A00 ss:$0x1], $0xffff  }
0xb5: {  	v56 =	vperm.xlane v12, v5;
	v50 =	vperm.xlane v12, v7;
	[tilespmem:v11+s23+$0x50 ss:$0x1] =	vst.idx.msk $0xffff, v44;
	v61 =	vld.idx.msk [tilespmem:v11+s1+$0x70 ss:$0x1], $0xffff  }
0xb6: {  	s14 =	sor.u32 $0xA, s2;
	v32 =	vperm.xlane v14, v4;
	v37 =	vperm.xlane v12, v6;
	[tilespmem:v11+s19+$0x20 ss:$0x1] =	vst.idx.msk $0xffff, v23;
	v52 =	vld.idx.msk [tilespmem:v11+s23+$0x60 ss:$0x1], $0xffff  }
0xb7: {  	s15 =	sshll.u32 s14, $0x4;
	v12 =	vperm.xlane v12, v8;
	v22 =	vmul.f32 v34, v42;
	v57 =	vld.idx.msk [tilespmem:v11+s19+$0x30 ss:$0x1], $0xffff  }
0xb8: {  	v42 =	vperm.xlane v16, v8;
	v59 =	vmul.f32 v47, v53;
	[tilespmem:v11+s20+$0x60 ss:$0x1] =	vst.idx.msk $0xffff, v55;
	v55 =	vld.idx.msk [tilespmem:v10+s15+$0x2A00 ss:$0x1], $0xffff  }
0xb9: {  	v44 =	vperm.xlane v14, v5;
	v48 =	vperm.xlane v39, v0;
	[tilespmem:v11+s24+$0x50 ss:$0x1] =	vst.idx.msk $0xffff, v22;
	v63 =	vld.idx.msk [tilespmem:v11+s20+$0x70 ss:$0x1], $0xffff  }
0xba: {  	s9 =	sor.u32 $0xD, s2;
	v54 =	vld.idx.msk [tilespmem:v11+s24+$0x60 ss:$0x1], $0xffff;
	v20 =	vmul.f32 v49, v56;
	[tilespmem:v11+s22+$0x60 ss:$0x1] =	vst.idx.msk $0xffff, v59;
	v49 =	vperm.xlane v41, v0  }
0xbb: {  	s28 =	sshll.u32 s9, $0x4;
	v53 =	vperm.xlane v45, v0;
	v56 =	vperm.xlane v14, v6;
	v33 =	vld.idx.msk [tilespmem:v11+s22+$0x70 ss:$0x1], $0xffff  }
0xbc: {  	s5 =	sor.u32 $0xC, s2;
	[tilespmem:v11+s8+$0x40 ss:$0x1] =	vst.idx.msk $0xffff, v20;
	v20 =	vmul.f32 v58, v13;
	v21 =	vsel vm0, v49, v41;
	v49 =	vld.idx.msk [tilespmem:v10+s28+$0x3200 ss:$0x1], $0xffff  }
0xbd: {  	s16 =	sor.u32 $0xB, s2;
	s26 =	sshll.u32 s5, $0x4;
	v51 =	vsel vm0, v39, v48;
	v13 =	vmul.f32 v61, v17;
	v31 =	vmul.f32 v52, v60;
	v34 =	vld.idx.msk [tilespmem:v11+s8+$0x50 ss:$0x1], $0xffff  }
0xbe: {  	s18 =	sshll.u32 s16, $0x4;
	v35 =	vmul.f32 v57, v32;
	v52 =	vperm.xlane v43, v0;
	v22 =	vadd.f32 v21, v51;
	v32 =	vld.idx.msk [tilespmem:v10+s26+$0x3200 ss:$0x1], $0xffff  }
0xbf: {  	v25 =	vsel vm0, v53, v45;
	v21 =	vadd.f32 v21, v9;
	v16 =	vmul.f32 v63, v15;
	v63 =	vld.idx.msk [tilespmem:v10+s18+$0x3200 ss:$0x1], $0xffff  }
0xc0: {  	v23 =	vmul.f32 v54, v62;
	[tilespmem:v11+s23+$0x60 ss:$0x1] =	vst.idx.msk $0xffff, v31;
	v24 =	vsel vm0, v43, v52;
	v57 =	vmul.f32 $2.000000030e-01, v22  }
0xc1: {  	[tilespmem:v11+s19+$0x30 ss:$0x1] =	vst.idx.msk $0xffff, v35;
	vm1 =	vge.f32 v22, $0.0e+00;
	v59 =	vmul.f32 $2.000000030e-01, v21;
	v62 =	vld.idx.msk [tilespmem:v10+s18+$0x2A00 ss:$0x1], $0xffff;
	v35 =	vperm.xlane v55, v0  }
0xc2: {  	v36 =	vld.idx.msk [tilespmem:v11+s23+$0x70 ss:$0x1], $0xffff;
	v17 =	vmul.f32 v33, v42;
	v24 =	vadd.f32 v25, v24;
	v25 =	vadd.f32 v25, v9  }
0xc3: {  	v38 =	vld.idx.msk [tilespmem:v11+s19+$0x40 ss:$0x1], $0xffff;
	v22 =	vsel vm1, v22, v57;
	vm1 =	vge.f32 v21, $0.0e+00;
	v57 =	vperm.xlane v49, v0  }
0xc4: {  	v58 =	vld.idx.msk [tilespmem:v10+s15+$0x3200 ss:$0x1], $0xffff;
	v39 =	vsel vm0, v55, v35;
	v40 =	vmul.f32 v34, v37;
	v60 =	vmul.f32 $2.000000030e-01, v24  }
0xc5: {  	[tilespmem:v11+s24+$0x60 ss:$0x1] =	vst.idx.msk $0xffff, v23;
	v21 =	vsel vm1, v21, v59;
	vm1 =	vge.f32 v24, $0.0e+00;
	v61 =	vmul.f32 $2.000000030e-01, v25  }
0xc6: {  	s17 =	sor.u32 $0xE, s2;
	v23 =	vld.idx.msk [tilespmem:v11+s24+$0x70 ss:$0x1], $0xffff;
	v53 =	vperm.xlane v32, v0;
	v21 =	vsub.f32 v22, v21;
	v43 =	vperm.xlane v63, v0  }
0xc7: {  	s4 =	sshll.u32 s17, $0x4;
	[tilespmem:v11+s8+$0x50 ss:$0x1] =	vst.idx.msk $0xffff, v40;
	v24 =	vsel vm1, v24, v60;
	vm1 =	vge.f32 v25, $0.0e+00;
	v42 =	vperm.xlane v62, v0  }
0xc8: {  	v55 =	vld.idx.msk [tilespmem:v10+s4+$0x2A00 ss:$0x1], $0xffff;
	v29 =	vsel vm0, v53, v32;
	v15 =	vmul.f32 v36, v19;
	v47 =	vmul.f32 v38, v44  }
0xc9: {  	s3 =	sor.u32 $0xF, s2;
	v46 =	vld.idx.msk [tilespmem:v11+s8+$0x60 ss:$0x1], $0xffff;
	v25 =	vsel vm1, v25, v61;
	v36 =	vperm.xlane v58, v0;
	v38 =	vperm.xlane v14, v7  }
0xca: {  	s7 =	sshll.u32 s3, $0x4;
	v21 =	vmul.f32 $1.442695020e+00, v21;
	v44 =	vld.idx.msk [tilespmem:v10+s26+$0x2A00 ss:$0x1], $0xffff;
	v27 =	vsel vm0, v43, v63;
	v60 =	vadd.f32 v29, v9  }
0xcb: {  	v61 =	vld.idx.msk [tilespmem:v10+s7+$0x2A00 ss:$0x1], $0xffff;
	v37 =	vsub.f32 v24, v25;
	v28 =	vsel vm0, v62, v42;
	v18 =	vmul.f32 v23, v18  }
0xcc: {  	v63 =	vld.idx.msk [tilespmem:v10+s7+$0x3200 ss:$0x1], $0xffff;
	v40 =	vsel vm0, v36, v58;
	(erf) = vpow2.f32 v21;
	v36 =	vmul.f32 $2.000000030e-01, v60  }
0xcd: {  	[tilespmem:v11+s19+$0x40 ss:$0x1] =	vst.idx.msk $0xffff, v47;
	v22 =	vmul.f32 $1.442695020e+00, v37;
	v24 =	vadd.f32 v40, v39;
	v25 =	vadd.f32 v40, v9  }
0xce: {  	v51 =	vadd.f32 v27, v9;
	v54 =	vld.idx.msk [tilespmem:v11+s19+$0x50 ss:$0x1], $0xffff;
	v37 =	vperm.xlane v55, v0;
	v19 =	vmul.f32 v46, v50  }
0xcf: {  	vm1 =	vge.f32 v24, $0.0e+00;
	v45 =	vmul.f32 $2.000000030e-01, v24;
	v33 =	vmul.f32 $2.000000030e-01, v25  }
0xd0: {  	v47 =	vld.idx.msk [tilespmem:v10+s28+$0x2A00 ss:$0x1], $0xffff;
	v46 =	vadd.f32 v27, v28;
	(erf) = vpow2.f32 v22;
	v52 =	vperm.xlane v44, v0  }
0xd1: {  	v39 =	vperm.xlane v61, v0;
	v40 =	vperm.xlane v63, v0;
	v21 =	vsel vm1, v24, v45  }
0xd2: {  	vm1 =	vge.f32 v25, $0.0e+00;
	v50 =	vmul.f32 $2.000000030e-01, v46;
	v27 =	vsel vm0, v44, v52  }
0xd3: {  	v26 =	vsel vm0, v61, v39;
	v31 =	vsel vm0, v40, v63;
	v23 =	vmul.f32 v54, v56  }
0xd4: {  	v58 =	vld.idx.msk [tilespmem:v10+s4+$0x3200 ss:$0x1], $0xffff;
	v48 =	vsel vm1, v25, v33;
	vm1 =	vge.f32 v46, $0.0e+00;
	v27 =	vadd.f32 v29, v27  }
0xd5: {  	v54 =	vmul.f32 $2.000000030e-01, v51;
	v56 =	vperm.xlane v47, v0;
	v25 =	vsel vm0, v57, v49;
	[tilespmem:v11+s19+$0x50 ss:$0x1] =	vst.idx.msk $0xffff, v23  }
0xd6: {  	v29 =	vsel vm0, v55, v37;
	v26 =	vadd.f32 v31, v26;
	v21 =	vsub.f32 v21, v48;
	v41 =	vld.idx.msk [tilespmem:v11+s19+$0x60 ss:$0x1], $0xffff  }
0xd7: {  	v22 =	vsel vm1, v46, v50;
	vm1 =	vge.f32 v51, $0.0e+00;
	v46 =	vadd.f32 v31, v9  }
0xd8: {  	v59 =	vsel vm1, v51, v54;
	v62 =	vmul.f32 $2.000000030e-01, v27;
	v28 =	vsel vm0, v47, v56  }
0xd9: {  	vm1 =	vge.f32 v27, $0.0e+00;
	v44 =	vmul.f32 $2.000000030e-01, v26;
	v21 =	vmul.f32 $1.442695020e+00, v21  }
0xda: {  	v28 =	vadd.f32 v25, v28;
	v25 =	vadd.f32 v25, v9;
	v27 =	vsel vm1, v27, v62  }
0xdb: {  	vm1 =	vge.f32 v60, $0.0e+00;
	v23 =	vmul.f32 v41, v38;
	v38 =	vperm.xlane v58, v0  }
0xdc: {  	v49 =	vmul.f32 $2.000000030e-01, v46;
	(erf) = vpow2.f32 v21;
	v24 =	vsel vm1, v60, v36  }
0xdd: {  	v34 =	vmul.f32 $2.000000030e-01, v28;
	v21 =	vsub.f32 v22, v59;
	v32 =	vsel vm0, v38, v58  }
0xde: {  	vm1 =	vge.f32 v28, $0.0e+00;
	v48 =	vsub.f32 v27, v24;
	v29 =	vadd.f32 v32, v29  }
0xdf: {  	v28 =	vsel vm1, v28, v34;
	v41 =	vmul.f32 $2.000000030e-01, v25;
	v32 =	vadd.f32 v32, v9  }
0xe0: {  	vm1 =	vge.f32 v25, $0.0e+00;
	v21 =	vmul.f32 $1.442695020e+00, v21;
	v42 =	vmul.f32 $2.000000030e-01, v29  }
0xe1: {  	[tilespmem:v11+s8+$0x60 ss:$0x1] =	vst.idx.msk $0xffff, v19;
	v25 =	vsel vm1, v25, v41;
	vm1 =	vge.f32 v29, $0.0e+00;
	v43 =	vmul.f32 $2.000000030e-01, v32  }
0xe2: {  	v19 =	vmul.f32 $1.442695020e+00, v48;
	[tilespmem:v11+s19+$0x60 ss:$0x1] =	vst.idx.msk $0xffff, v23;
	v29 =	vsel vm1, v29, v42;
	vm1 =	vge.f32 v32, $0.0e+00  }
0xe3: {  	v25 =	vsub.f32 v28, v25;
	v51 =	vld.idx.msk [tilespmem:v11+s19+$0x70 ss:$0x1], $0xffff;
	v45 =	vsel vm1, v32, v43;
	vm1 =	vge.f32 v26, $0.0e+00  }
0xe4: {  	v50 =	vld.idx.msk [tilespmem:v11+s8+$0x70 ss:$0x1], $0xffff;
	(erf) = vpow2.f32 v21;
	v47 =	vsel vm1, v26, v44;
	vm1 =	vge.f32 v46, $0.0e+00  }
0xe5: {  	[tilespmem:v11+s0+$0x70 ss:$0x1] =	vst.idx.msk $0xffff, v20;
	v52 =	vmul.f32 $1.442695020e+00, v25;
	v20 =	vsub.f32 v29, v45;
	v24 =	vsel vm1, v46, v49  }
0xe6: {  	[tilespmem:v11+s1+$0x70 ss:$0x1] =	vst.idx.msk $0xffff, v13;
	v14 =	vperm.xlane v14, v8;
	(erf) = vpow2.f32 v19;
	v53 =	vsub.f32 v47, v24  }
0xe7: {  	[tilespmem:v11+s20+$0x70 ss:$0x1] =	vst.idx.msk $0xffff, v16;
	(erf) = vpow2.f32 v52;
	v54 =	vmul.f32 $1.442695020e+00, v20  }
0xe8: {  	[tilespmem:v11+s22+$0x70 ss:$0x1] =	vst.idx.msk $0xffff, v17;
	v14 =	vmul.f32 v51, v14;
	v55 =	vmul.f32 $1.442695020e+00, v53  }
0xe9: {  	[tilespmem:v11+s23+$0x70 ss:$0x1] =	vst.idx.msk $0xffff, v15;
	v12 =	vmul.f32 v50, v12;
	(erf) = vpow2.f32 v54  }
0xea: {  	[tilespmem:v11+s24+$0x70 ss:$0x1] =	vst.idx.msk $0xffff, v18;
	(erf) = vpow2.f32 v55  }
0xeb: {  	[tilespmem:v11+s8+$0x70 ss:$0x1] =	vst.idx.msk $0xffff, v12  }
0xec: {  	s10 =	sshll.u32 s10, $0x7;
	[tilespmem:v11+s19+$0x70 ss:$0x1] =	vst.idx.msk $0xffff, v14;
	v14 =	vpop (erf)  }
0xed: {  	s0 =	sand.u32 $0x3FFFFF80, s10;
	[tilespmem:v10+s11+$0x2A00 ss:$0x1] =	vst.idx.msk $0xffff, v14;
	v12 =	vpop (erf);
	s11 =	sshll.u32 s12, $0x7  }
0xee: {  	s12 =	sshll.u32 s14, $0x7;
	[tilespmem:v10+s13+$0x2A00 ss:$0x1] =	vst.idx.msk $0xffff, v12;
	v13 =	vpop (erf);
	v56 =	vld.idx.msk [tilespmem:v11+s0+$0x0 ss:$0x1], $0xffff;
	s1 =	sand.u32 $0x3FFFFF80, s11  }
0xef: {  	s8 =	sand.u32 $0x3FFFFF80, s12;
	s13 =	sshll.u32 s16, $0x7;
	[tilespmem:v10+s15+$0x2A00 ss:$0x1] =	vst.idx.msk $0xffff, v13;
	v15 =	vpop (erf);
	v57 =	vld.idx.msk [tilespmem:v11+s1+$0x0 ss:$0x1], $0xffff  }
0xf0: {  	s5 =	sshll.u32 s5, $0x7;
	s14 =	sand.u32 $0x3FFFFF80, s13;
	[tilespmem:v10+s18+$0x2A00 ss:$0x1] =	vst.idx.msk $0xffff, v15;
	v16 =	vpop (erf);
	v58 =	vld.idx.msk [tilespmem:v11+s8+$0x0 ss:$0x1], $0xffff  }
0xf1: {  	v59 =	vperm.xlane v14, v1;
	s16 =	sshll.u32 s9, $0x7;
	s15 =	sand.u32 $0x3FFFFF80, s5;
	[tilespmem:v10+s26+$0x2A00 ss:$0x1] =	vst.idx.msk $0xffff, v16;
	v17 =	vpop (erf);
	v60 =	vld.idx.msk [tilespmem:v11+s14+$0x0 ss:$0x1], $0xffff  }
0xf2: {  	s23 =	sshll.u32 s17, $0x7;
	v61 =	vperm.xlane v12, v1;
	s18 =	sand.u32 $0x3FFFFF80, s16;
	[tilespmem:v10+s28+$0x2A00 ss:$0x1] =	vst.idx.msk $0xffff, v17;
	v62 =	vld.idx.msk [tilespmem:v11+s15+$0x0 ss:$0x1], $0xffff;
	v18 =	vpop (erf)  }
0xf3: {  	s3 =	sshll.u32 s3, $0x7;
	s24 =	sand.u32 $0x3FFFFF80, s23;
	v63 =	vperm.xlane v13, v1;
	v22 =	vmul.f32 v56, v59;
	v32 =	vld.idx.msk [tilespmem:v11+s18+$0x0 ss:$0x1], $0xffff;
	[tilespmem:v10+s4+$0x2A00 ss:$0x1] =	vst.idx.msk $0xffff, v18;
	v19 =	vpop (erf)  }
0xf4: {  	v33 =	vperm.xlane v15, v1;
	s26 =	sand.u32 $0x3FFFFF80, s3;
	v20 =	vmul.f32 v57, v61;
	v34 =	vld.idx.msk [tilespmem:v11+s24+$0x0 ss:$0x1], $0xffff;
	[tilespmem:v10+s7+$0x2A00 ss:$0x1] =	vst.idx.msk $0xffff, v19  }
0xf5: {  	v35 =	vperm.xlane v16, v1;
	[tilespmem:v11+s0+$0x0 ss:$0x1] =	vst.idx.msk $0xffff, v22;
	v21 =	vmul.f32 v58, v63;
	v36 =	vld.idx.msk [tilespmem:v11+s26+$0x0 ss:$0x1], $0xffff  }
0xf6: {  	v38 =	vperm.xlane v17, v1;
	[tilespmem:v11+s1+$0x0 ss:$0x1] =	vst.idx.msk $0xffff, v20;
	v37 =	vld.idx.msk [tilespmem:v11+s0+$0x10 ss:$0x1], $0xffff;
	v23 =	vmul.f32 v60, v33  }
0xf7: {  	[tilespmem:v11+s8+$0x0 ss:$0x1] =	vst.idx.msk $0xffff, v21;
	v39 =	vld.idx.msk [tilespmem:v11+s1+$0x10 ss:$0x1], $0xffff;
	v22 =	vmul.f32 v62, v35;
	v40 =	vperm.xlane v18, v1  }
0xf8: {  	[tilespmem:v11+s14+$0x0 ss:$0x1] =	vst.idx.msk $0xffff, v23;
	v41 =	vld.idx.msk [tilespmem:v11+s8+$0x10 ss:$0x1], $0xffff;
	v24 =	vmul.f32 v32, v38;
	v42 =	vperm.xlane v19, v1  }
0xf9: {  	v43 =	vperm.xlane v14, v2;
	[tilespmem:v11+s15+$0x0 ss:$0x1] =	vst.idx.msk $0xffff, v22;
	v44 =	vld.idx.msk [tilespmem:v11+s14+$0x10 ss:$0x1], $0xffff;
	v25 =	vmul.f32 v34, v40  }
0xfa: {  	v45 =	vperm.xlane v12, v2;
	[tilespmem:v11+s18+$0x0 ss:$0x1] =	vst.idx.msk $0xffff, v24;
	v46 =	vld.idx.msk [tilespmem:v11+s15+$0x10 ss:$0x1], $0xffff;
	v26 =	vmul.f32 v36, v42  }
0xfb: {  	v47 =	vperm.xlane v13, v2;
	v20 =	vmul.f32 v37, v43;
	v48 =	vld.idx.msk [tilespmem:v11+s18+$0x10 ss:$0x1], $0xffff;
	[tilespmem:v11+s24+$0x0 ss:$0x1] =	vst.idx.msk $0xffff, v25  }
0xfc: {  	v49 =	vperm.xlane v15, v2;
	v21 =	vmul.f32 v39, v45;
	v50 =	vld.idx.msk [tilespmem:v11+s24+$0x10 ss:$0x1], $0xffff;
	[tilespmem:v11+s26+$0x0 ss:$0x1] =	vst.idx.msk $0xffff, v26  }
0xfd: {  	v52 =	vperm.xlane v16, v2;
	[tilespmem:v11+s0+$0x10 ss:$0x1] =	vst.idx.msk $0xffff, v20;
	v51 =	vmul.f32 v41, v47;
	v53 =	vld.idx.msk [tilespmem:v11+s26+$0x10 ss:$0x1], $0xffff  }
0xfe: {  	v55 =	vperm.xlane v17, v2;
	[tilespmem:v11+s1+$0x10 ss:$0x1] =	vst.idx.msk $0xffff, v21;
	v54 =	vld.idx.msk [tilespmem:v11+s0+$0x20 ss:$0x1], $0xffff;
	v24 =	vmul.f32 v44, v49  }
0xff: {  	v57 =	vperm.xlane v18, v2;
	[tilespmem:v11+s8+$0x10 ss:$0x1] =	vst.idx.msk $0xffff, v51;
	v56 =	vld.idx.msk [tilespmem:v11+s1+$0x20 ss:$0x1], $0xffff;
	v22 =	vmul.f32 v46, v52  }
0x100: {  	v59 =	vperm.xlane v19, v2;
	[tilespmem:v11+s14+$0x10 ss:$0x1] =	vst.idx.msk $0xffff, v24;
	v58 =	vld.idx.msk [tilespmem:v11+s8+$0x20 ss:$0x1], $0xffff;
	v25 =	vmul.f32 v48, v55  }
0x101: {  	v60 =	vperm.xlane v14, v3;
	[tilespmem:v11+s15+$0x10 ss:$0x1] =	vst.idx.msk $0xffff, v22;
	v61 =	vld.idx.msk [tilespmem:v11+s14+$0x20 ss:$0x1], $0xffff;
	v26 =	vmul.f32 v50, v57  }
0x102: {  	v62 =	vperm.xlane v12, v3;
	[tilespmem:v11+s18+$0x10 ss:$0x1] =	vst.idx.msk $0xffff, v25;
	v63 =	vld.idx.msk [tilespmem:v11+s15+$0x20 ss:$0x1], $0xffff;
	v23 =	vmul.f32 v53, v59  }
0x103: {  	v32 =	vperm.xlane v13, v3;
	v21 =	vmul.f32 v54, v60;
	v33 =	vld.idx.msk [tilespmem:v11+s18+$0x20 ss:$0x1], $0xffff;
	[tilespmem:v11+s24+$0x10 ss:$0x1] =	vst.idx.msk $0xffff, v26  }
0x104: {  	v34 =	vperm.xlane v15, v3;
	v20 =	vmul.f32 v56, v62;
	v35 =	vld.idx.msk [tilespmem:v11+s24+$0x20 ss:$0x1], $0xffff;
	[tilespmem:v11+s26+$0x10 ss:$0x1] =	vst.idx.msk $0xffff, v23  }
0x105: {  	v37 =	vperm.xlane v16, v3;
	[tilespmem:v11+s0+$0x20 ss:$0x1] =	vst.idx.msk $0xffff, v21;
	v36 =	vmul.f32 v58, v32;
	v38 =	vld.idx.msk [tilespmem:v11+s26+$0x20 ss:$0x1], $0xffff  }
0x106: {  	v40 =	vperm.xlane v17, v3;
	[tilespmem:v11+s1+$0x20 ss:$0x1] =	vst.idx.msk $0xffff, v20;
	v39 =	vld.idx.msk [tilespmem:v11+s0+$0x30 ss:$0x1], $0xffff;
	v25 =	vmul.f32 v61, v34  }
0x107: {  	v42 =	vperm.xlane v18, v3;
	[tilespmem:v11+s8+$0x20 ss:$0x1] =	vst.idx.msk $0xffff, v36;
	v41 =	vld.idx.msk [tilespmem:v11+s1+$0x30 ss:$0x1], $0xffff;
	v22 =	vmul.f32 v63, v37  }
0x108: {  	v44 =	vperm.xlane v19, v3;
	[tilespmem:v11+s14+$0x20 ss:$0x1] =	vst.idx.msk $0xffff, v25;
	v43 =	vld.idx.msk [tilespmem:v11+s8+$0x30 ss:$0x1], $0xffff;
	v26 =	vmul.f32 v33, v40  }
0x109: {  	v45 =	vperm.xlane v14, v4;
	[tilespmem:v11+s15+$0x20 ss:$0x1] =	vst.idx.msk $0xffff, v22;
	v46 =	vld.idx.msk [tilespmem:v11+s14+$0x30 ss:$0x1], $0xffff;
	v23 =	vmul.f32 v35, v42  }
0x10a: {  	v47 =	vperm.xlane v12, v4;
	[tilespmem:v11+s18+$0x20 ss:$0x1] =	vst.idx.msk $0xffff, v26;
	v48 =	vld.idx.msk [tilespmem:v11+s15+$0x30 ss:$0x1], $0xffff;
	v24 =	vmul.f32 v38, v44  }
0x10b: {  	v49 =	vperm.xlane v13, v4;
	v20 =	vmul.f32 v39, v45;
	v50 =	vld.idx.msk [tilespmem:v11+s18+$0x30 ss:$0x1], $0xffff;
	[tilespmem:v11+s24+$0x20 ss:$0x1] =	vst.idx.msk $0xffff, v23  }
0x10c: {  	v51 =	vperm.xlane v15, v4;
	v21 =	vmul.f32 v41, v47;
	v52 =	vld.idx.msk [tilespmem:v11+s24+$0x30 ss:$0x1], $0xffff;
	[tilespmem:v11+s26+$0x20 ss:$0x1] =	vst.idx.msk $0xffff, v24  }
0x10d: {  	v54 =	vperm.xlane v16, v4;
	[tilespmem:v11+s0+$0x30 ss:$0x1] =	vst.idx.msk $0xffff, v20;
	v53 =	vmul.f32 v43, v49;
	v55 =	vld.idx.msk [tilespmem:v11+s26+$0x30 ss:$0x1], $0xffff  }
0x10e: {  	v57 =	vperm.xlane v17, v4;
	[tilespmem:v11+s1+$0x30 ss:$0x1] =	vst.idx.msk $0xffff, v21;
	v56 =	vld.idx.msk [tilespmem:v11+s0+$0x40 ss:$0x1], $0xffff;
	v26 =	vmul.f32 v46, v51  }
0x10f: {  	v59 =	vperm.xlane v18, v4;
	[tilespmem:v11+s8+$0x30 ss:$0x1] =	vst.idx.msk $0xffff, v53;
	v58 =	vld.idx.msk [tilespmem:v11+s1+$0x40 ss:$0x1], $0xffff;
	v22 =	vmul.f32 v48, v54  }
0x110: {  	v61 =	vperm.xlane v19, v4;
	[tilespmem:v11+s14+$0x30 ss:$0x1] =	vst.idx.msk $0xffff, v26;
	v60 =	vld.idx.msk [tilespmem:v11+s8+$0x40 ss:$0x1], $0xffff;
	v23 =	vmul.f32 v50, v57  }
0x111: {  	v62 =	vperm.xlane v14, v5;
	[tilespmem:v11+s15+$0x30 ss:$0x1] =	vst.idx.msk $0xffff, v22;
	v63 =	vld.idx.msk [tilespmem:v11+s14+$0x40 ss:$0x1], $0xffff;
	v24 =	vmul.f32 v52, v59  }
0x112: {  	v32 =	vperm.xlane v12, v5;
	[tilespmem:v11+s18+$0x30 ss:$0x1] =	vst.idx.msk $0xffff, v23;
	v33 =	vld.idx.msk [tilespmem:v11+s15+$0x40 ss:$0x1], $0xffff;
	v25 =	vmul.f32 v55, v61  }
0x113: {  	v34 =	vperm.xlane v13, v5;
	v21 =	vmul.f32 v56, v62;
	v35 =	vld.idx.msk [tilespmem:v11+s18+$0x40 ss:$0x1], $0xffff;
	[tilespmem:v11+s24+$0x30 ss:$0x1] =	vst.idx.msk $0xffff, v24  }
0x114: {  	v36 =	vperm.xlane v15, v5;
	v20 =	vmul.f32 v58, v32;
	v37 =	vld.idx.msk [tilespmem:v11+s24+$0x40 ss:$0x1], $0xffff;
	[tilespmem:v11+s26+$0x30 ss:$0x1] =	vst.idx.msk $0xffff, v25  }
0x115: {  	v39 =	vperm.xlane v16, v5;
	[tilespmem:v11+s0+$0x40 ss:$0x1] =	vst.idx.msk $0xffff, v21;
	v38 =	vmul.f32 v60, v34;
	v40 =	vld.idx.msk [tilespmem:v11+s26+$0x40 ss:$0x1], $0xffff  }
0x116: {  	v42 =	vperm.xlane v17, v5;
	[tilespmem:v11+s1+$0x40 ss:$0x1] =	vst.idx.msk $0xffff, v20;
	v41 =	vld.idx.msk [tilespmem:v11+s0+$0x50 ss:$0x1], $0xffff;
	v23 =	vmul.f32 v63, v36  }
0x117: {  	v44 =	vperm.xlane v18, v5;
	[tilespmem:v11+s8+$0x40 ss:$0x1] =	vst.idx.msk $0xffff, v38;
	v43 =	vld.idx.msk [tilespmem:v11+s1+$0x50 ss:$0x1], $0xffff;
	v22 =	vmul.f32 v33, v39  }
0x118: {  	v46 =	vperm.xlane v19, v5;
	[tilespmem:v11+s14+$0x40 ss:$0x1] =	vst.idx.msk $0xffff, v23;
	v45 =	vld.idx.msk [tilespmem:v11+s8+$0x50 ss:$0x1], $0xffff;
	v24 =	vmul.f32 v35, v42  }
0x119: {  	v47 =	vperm.xlane v14, v6;
	[tilespmem:v11+s15+$0x40 ss:$0x1] =	vst.idx.msk $0xffff, v22;
	v48 =	vld.idx.msk [tilespmem:v11+s14+$0x50 ss:$0x1], $0xffff;
	v25 =	vmul.f32 v37, v44  }
0x11a: {  	v49 =	vperm.xlane v12, v6;
	[tilespmem:v11+s18+$0x40 ss:$0x1] =	vst.idx.msk $0xffff, v24;
	v50 =	vld.idx.msk [tilespmem:v11+s15+$0x50 ss:$0x1], $0xffff;
	v26 =	vmul.f32 v40, v46  }
0x11b: {  	v51 =	vperm.xlane v13, v6;
	v20 =	vmul.f32 v41, v47;
	v52 =	vld.idx.msk [tilespmem:v11+s18+$0x50 ss:$0x1], $0xffff;
	[tilespmem:v11+s24+$0x40 ss:$0x1] =	vst.idx.msk $0xffff, v25  }
0x11c: {  	v53 =	vperm.xlane v15, v6;
	v21 =	vmul.f32 v43, v49;
	v54 =	vld.idx.msk [tilespmem:v11+s24+$0x50 ss:$0x1], $0xffff;
	[tilespmem:v11+s26+$0x40 ss:$0x1] =	vst.idx.msk $0xffff, v26  }
0x11d: {  	v56 =	vperm.xlane v16, v6;
	[tilespmem:v11+s0+$0x50 ss:$0x1] =	vst.idx.msk $0xffff, v20;
	v55 =	vmul.f32 v45, v51;
	v57 =	vld.idx.msk [tilespmem:v11+s26+$0x50 ss:$0x1], $0xffff  }
0x11e: {  	v59 =	vperm.xlane v17, v6;
	[tilespmem:v11+s1+$0x50 ss:$0x1] =	vst.idx.msk $0xffff, v21;
	v58 =	vld.idx.msk [tilespmem:v11+s0+$0x60 ss:$0x1], $0xffff;
	v24 =	vmul.f32 v48, v53  }
0x11f: {  	v61 =	vperm.xlane v18, v6;
	[tilespmem:v11+s8+$0x50 ss:$0x1] =	vst.idx.msk $0xffff, v55;
	v60 =	vld.idx.msk [tilespmem:v11+s1+$0x60 ss:$0x1], $0xffff;
	v22 =	vmul.f32 v50, v56  }
0x120: {  	v63 =	vperm.xlane v19, v6;
	[tilespmem:v11+s14+$0x50 ss:$0x1] =	vst.idx.msk $0xffff, v24;
	v62 =	vld.idx.msk [tilespmem:v11+s8+$0x60 ss:$0x1], $0xffff;
	v25 =	vmul.f32 v52, v59  }
0x121: {  	v32 =	vperm.xlane v14, v7;
	[tilespmem:v11+s15+$0x50 ss:$0x1] =	vst.idx.msk $0xffff, v22;
	v33 =	vld.idx.msk [tilespmem:v11+s14+$0x60 ss:$0x1], $0xffff;
	v26 =	vmul.f32 v54, v61  }
0x122: {  	v34 =	vperm.xlane v12, v7;
	[tilespmem:v11+s18+$0x50 ss:$0x1] =	vst.idx.msk $0xffff, v25;
	v35 =	vld.idx.msk [tilespmem:v11+s15+$0x60 ss:$0x1], $0xffff;
	v23 =	vmul.f32 v57, v63  }
0x123: {  	v36 =	vperm.xlane v13, v7;
	v21 =	vmul.f32 v58, v32;
	v37 =	vld.idx.msk [tilespmem:v11+s18+$0x60 ss:$0x1], $0xffff;
	[tilespmem:v11+s24+$0x50 ss:$0x1] =	vst.idx.msk $0xffff, v26  }
0x124: {  	v38 =	vperm.xlane v15, v7;
	v20 =	vmul.f32 v60, v34;
	v39 =	vld.idx.msk [tilespmem:v11+s24+$0x60 ss:$0x1], $0xffff;
	[tilespmem:v11+s26+$0x50 ss:$0x1] =	vst.idx.msk $0xffff, v23  }
0x125: {  	v41 =	vperm.xlane v16, v7;
	[tilespmem:v11+s0+$0x60 ss:$0x1] =	vst.idx.msk $0xffff, v21;
	v40 =	vmul.f32 v62, v36;
	v42 =	vld.idx.msk [tilespmem:v11+s26+$0x60 ss:$0x1], $0xffff  }
0x126: {  	v44 =	vperm.xlane v17, v7;
	[tilespmem:v11+s1+$0x60 ss:$0x1] =	vst.idx.msk $0xffff, v20;
	v43 =	vld.idx.msk [tilespmem:v11+s0+$0x70 ss:$0x1], $0xffff;
	v25 =	vmul.f32 v33, v38  }
0x127: {  	v46 =	vperm.xlane v18, v7;
	[tilespmem:v11+s8+$0x60 ss:$0x1] =	vst.idx.msk $0xffff, v40;
	v45 =	vld.idx.msk [tilespmem:v11+s1+$0x70 ss:$0x1], $0xffff;
	v22 =	vmul.f32 v35, v41  }
0x128: {  	v48 =	vperm.xlane v19, v7;
	[tilespmem:v11+s14+$0x60 ss:$0x1] =	vst.idx.msk $0xffff, v25;
	v47 =	vld.idx.msk [tilespmem:v11+s8+$0x70 ss:$0x1], $0xffff;
	v26 =	vmul.f32 v37, v44  }
0x129: {  	v14 =	vperm.xlane v14, v8;
	[tilespmem:v11+s15+$0x60 ss:$0x1] =	vst.idx.msk $0xffff, v22;
	v50 =	vld.idx.msk [tilespmem:v11+s14+$0x70 ss:$0x1], $0xffff;
	v49 =	vmul.f32 v39, v46  }
0x12a: {  	v12 =	vperm.xlane v12, v8;
	[tilespmem:v11+s18+$0x60 ss:$0x1] =	vst.idx.msk $0xffff, v26;
	v51 =	vld.idx.msk [tilespmem:v11+s15+$0x70 ss:$0x1], $0xffff;
	v24 =	vmul.f32 v42, v48  }
0x12b: {  	v13 =	vperm.xlane v13, v8;
	v14 =	vmul.f32 v43, v14;
	v52 =	vld.idx.msk [tilespmem:v11+s18+$0x70 ss:$0x1], $0xffff;
	[tilespmem:v11+s24+$0x60 ss:$0x1] =	vst.idx.msk $0xffff, v49  }
0x12c: {  	v15 =	vperm.xlane v15, v8;
	v12 =	vmul.f32 v45, v12;
	v53 =	vld.idx.msk [tilespmem:v11+s24+$0x70 ss:$0x1], $0xffff;
	[tilespmem:v11+s26+$0x60 ss:$0x1] =	vst.idx.msk $0xffff, v24  }
0x12d: {  	v54 =	vperm.xlane v16, v8;
	[tilespmem:v11+s0+$0x70 ss:$0x1] =	vst.idx.msk $0xffff, v14;
	v13 =	vmul.f32 v47, v13;
	v55 =	vld.idx.msk [tilespmem:v11+s26+$0x70 ss:$0x1], $0xffff  }
0x12e: {  	v57 =	vperm.xlane v17, v8;
	[tilespmem:v11+s1+$0x70 ss:$0x1] =	vst.idx.msk $0xffff, v12;
	v56 =	vmul.f32 v50, v15  }
0x12f: {  	p0 =	slt.u32 s2, $0x30;
	v59 =	vperm.xlane v18, v8;
	[tilespmem:v11+s8+$0x70 ss:$0x1] =	vst.idx.msk $0xffff, v13;
	v58 =	vmul.f32 v51, v54  }
.Ltmp0:
0x130: {  	v61 =	vperm.xlane v19, v8;
	[tilespmem:v11+s14+$0x70 ss:$0x1] =	vst.idx.msk $0xffff, v56;
	v60 =	vmul.f32 v52, v57;
	(pc) =	sbr.rel @p0 .LBB2_3-.Ltmp0, $4  }
0x131: {  	[tilespmem:v11+s15+$0x70 ss:$0x1] =	vst.idx.msk $0xffff, v58;
	v62 =	vmul.f32 v53, v59  }
0x132: {  	[tilespmem:v11+s18+$0x70 ss:$0x1] =	vst.idx.msk $0xffff, v60;
	v63 =	vmul.f32 v55, v61  }
0x133: {  	s28 =	sadd.s32 $0x10, s2;
	[tilespmem:v11+s24+$0x70 ss:$0x1] =	vst.idx.msk $0xffff, v62  }
0x134: {  	s2 =	smov.u32 s28;
	[tilespmem:v11+s26+$0x70 ss:$0x1] =	vst.idx.msk $0xffff, v63  }
0x135: {  	s0 =	sshll.u32 s29, $0x6;
	s29 =	sadd.s32 $0x1, s29  }
0x136: {  	p0 =	sne.s32 s29, $0x54  }
.Ltmp1:
0x137: {  	s0 =	sand.u32 $0x3FFFFFC0, s0;
	(pc) =	sbr.rel @p0 .LBB2_2-.Ltmp1, $4  }
0x138: {  	s1 =	sor.u32 $0x2A00, s31;
	s2 =	rddreg [dreg:$0x2];
	s0 =	sadd.s32 $0x1500, s0  }
0x139: {  	[spmem:s2] =	stream.indirect.scatter.add.f32 [tilespmem:s1], [sflag:$0x2], $0x10, s0, s21, $0xb8;
	[tilespmem:$0x1E210] =	vst v63  }
0x13a: {  	s31 =	rddreg [dreg:$0x3]  }
0x13b: {  	[spmem:s31] =	stream.indirect.scatter.add.f32 [tilespmem:s30], [sflag:$0x2], $0x80, s0, s21, $0xb8;
	[tilespmem:$0x1E210] =	vst v63  }
0x13c: {  	s0 =	simm.s32 $0x2  }
0x13d: {  	_ =	swait.ge [sflag:s0], $0x400  }
0x13e: {  	[sflag:s0] =	ssyncset.done $0x0  }
0x13f: {  	[sflag:s0] =	ssyncadd.s32 $0xFFFFFC00  }
0x140: {  	_ =	swait.ge [sflag:s0], $0x2000  }
0x141: {  	[sflag:s0] =	ssyncset.done $0x0  }
0x142: {  	[sflag:s0] =	ssyncadd.s32 $0xFFFFE000  }
0x143: {  	[bflag:$0x0] =	sbarrier.arrive $0xFFFF  }
0x144: {  	s7 =	rddreg [dreg:$0x7]  }
0x145: {  	s29 =	rddreg [dreg:$0xb]  }
0x146: {  	s2 =	simm.s32 $0x3;
	s1 =	rddreg [dreg:$0xe]  }
0x147: {  	[hbm:s29], [sflag:s7] =	dma.local [spmem:s1], $0x500  }
0x148: {  	_ =	swait.ge [sflag:s2], $0x500  }
0x149: {  	[sflag:s2] =	ssyncset.done $0x0;
	s30 =	rddreg [dreg:$0xc]  }
0x14a: {  	s3 =	rddreg [dreg:$0xf];
	[sflag:s2] =	ssyncadd.s32 $0xFFFFFB00  }
0x14b: {  	[hbm:s30], [sflag:s7] =	dma.local [spmem:s3], $0x2800  }
0x14c: {  	_ =	swait.ge [sflag:s2], $0x2800  }
0x14d: {  	s4 =	rddreg [dreg:$0x10]  }
0x14e: {  	s31 =	rddreg [dreg:$0xd];
	s4 =	sadd.s32 $0x1, s4  }
0x14f: {  	p0 =	sne.s32 s4, s31  }
.Ltmp2:
0x150: {  	_ = 	snop;
	(pc) =	sbr.rel @p0 .LBB2_1-.Ltmp2, $3  }
0x151: {  	_ =	sdelay $0x1  }
0x152: {  	[sflag:s2] =	ssyncset.done $0x0  }
0x153: {  	[sflag:s2] =	ssyncadd.s32 $0xFFFFD800  }
0x154: {  	_ =	sfence.sel $0x180000  }
0x155: {  	[bflag:$0x0] =	sbarrier.arrive $0xFFFF  }
0x156: {  	_ =	strace $0x90000047  }
0x157: {  	s0 =	stileid.u32;
	[bflag:$0x2] =	sbarrier.arrive $0xFFFF  }
0x158: {  	p0 =	sne.s32 s0, $0x0;
	s0 =	rddreg [dreg:$0x4]  }
0x159: {  	s0 =	sadd.s32 @!p0 $0x100000, s0  }
0x15a: {  	[sflag:s0] =	ssyncadd.tile.s32 @!p0 $0x1;
	_ =	shalt  }
.Lfunc_end2:
_tile_overlayer_lowered:
.L_overlay_start_2:
0x15b: {  	(tag) =	ssettag $0x2  }
0x15c: {  	s0 =	rddreg [dreg:$0x0];
	s2 =	stileid.u32  }
0x15d: {  	s1 =	rddreg [dreg:$0x1];
	p0 =	sne.s32 s2, $0x0  }
0x15e: {  	s3 =	rddreg [dreg:$0x2];
	[bflag:$0x3] =	sbarrier.arrive $0xFFFF;
	s2 =	simm.s32 @!p0 $0x1C03  }
0x15f: {  	[timem:s3], [sflag:s2] =	dma.local @!p0 [hbm:s0], s1  }
0x160: {  	s0 =	simm.s32 @!p0 $0x3  }
0x161: {  	_ =	swait.ge @!p0 [sflag:s0], s1  }
0x162: {  	s1 =	ssub.s32 @!p0 $0x0, s1;
	[sflag:s0] =	ssyncset.done @!p0 $0x0  }
0x163: {  	[sflag:s0] =	ssyncadd.s32 @!p0 s1  }
0x164: {  	[bflag:$0x3] =	sbarrier.arrive $0xFFFF  }
0x165: {  	_ =	shalt  }

</sc_bundles>
